<compile_context>
chip_gen: v7x
topology: tpu7x:2x2x1
jax: 0.10.2.dev20260603
libtpu: 0.0.44.dev20260713+nightly
codegen_flags: <defaults>
</compile_context>

<pallas_src>
import functools

import jax
import jax.numpy as jnp
from jax import lax
from jax.experimental import pallas as pl
from jax.experimental.pallas import tpu as pltpu
from jax.experimental.pallas import tpu_sc as plsc

N = 50000
E = 1600000
FX = 16
FM = 4
NC, NS, L = 2, 16, 16
NW = NC * NS
NCHUNK = NW // FM
EPT = E // NCHUNK
CB = 2000
NSTEP = EPT // CB


def _mm(a, b):
  return jnp.matmul(a, b)


def _sc_aggregate_body(xa0, xa1, xa2, xa3, sd, ec0, ec1, ec2, ec3, part,
                       xa_col, agg_col, s_buf0, s_buf1, e_buf0, e_buf1, sems):
  s_bufs = (s_buf0, s_buf1)
  e_bufs = (e_buf0, e_buf1)
  xas = (xa0, xa1, xa2, xa3)
  ecs = (ec0, ec1, ec2, ec3)
  wid = lax.axis_index("s") * NC + lax.axis_index("c")
  f = wid // NCHUNK
  ch = wid % NCHUNK
  base = ch * EPT

  for ff in range(FM):
    @pl.when(f == ff)
    def _():
      pltpu.sync_copy(xas[ff], xa_col)

  zero = jnp.zeros((L,), jnp.float32)

  @pl.loop(0, N // L, unroll=8)
  def _(i):
    agg_col[pl.ds(i * L, L)] = zero

  def start(j, b):
    off = base + j * CB
    pltpu.make_async_copy(sd.at[pl.ds(off, CB)], s_bufs[b],
                          sems.at[b]).start()
    for ff in range(FM):
      @pl.when(f == ff)
      def _():
        pltpu.make_async_copy(ecs[ff].at[pl.ds(off, CB)], e_bufs[b],
                              sems.at[b]).start()

  def wait(j, b):
    off = base + j * CB
    pltpu.make_async_copy(sd.at[pl.ds(off, CB)], s_bufs[b], sems.at[b]).wait()
    pltpu.make_async_copy(ec0.at[pl.ds(off, CB)], e_bufs[b],
                          sems.at[b]).wait()

  def process(b):
    sb = s_bufs[b]
    eb = e_bufs[b]

    def edge_vec(i):
      o = i * L
      sdv = sb[pl.ds(o, L)]
      si = sdv & 0xFFFF
      di = lax.shift_right_logical(sdv, 16)
      v = plsc.load_gather(xa_col, [si]) + eb[pl.ds(o, L)]
      return di, v

    def scatter_pass():
      @plsc.parallel_loop(0, CB // L, unroll=8)
      def _(i):
        di, v = edge_vec(i)
        cur = plsc.load_gather(agg_col, [di])
        plsc.store_scatter(agg_col, [di], v, mask=v > cur)

    def verify_pass():
      @plsc.parallel_loop(0, CB // L, unroll=8,
                          carry=jnp.zeros((L,), jnp.bool_))
      def viol(i, acc):
        di, v = edge_vec(i)
        cur = plsc.load_gather(agg_col, [di])
        return acc | (v > cur)

      return jnp.any(viol)

    def redo(_):
      scatter_pass()
      return verify_pass()

    scatter_pass()
    lax.while_loop(lambda go: go, redo, verify_pass())

  start(0, 0)

  @pl.loop(0, NSTEP, step=2)
  def _(jj):
    for b in (0, 1):
      j = jj + b

      @pl.when(j + 1 < NSTEP)
      def _():
        start(j + 1, 1 - b)

      wait(j, b)
      process(b)

  pltpu.sync_copy(agg_col, part.at[pl.ds(wid * N, N)])


_sc_aggregate = functools.partial(
    pl.kernel,
    out_type=jax.ShapeDtypeStruct((NW * N,), jnp.float32),
    mesh=plsc.VectorSubcoreMesh(core_axis_name="c", subcore_axis_name="s"),
    compiler_params=pltpu.CompilerParams(needs_layout_passes=False),
    scratch_types=[
        pltpu.VMEM((N,), jnp.float32),
        pltpu.VMEM((N,), jnp.float32),
        pltpu.VMEM((CB,), jnp.int32),
        pltpu.VMEM((CB,), jnp.int32),
        pltpu.VMEM((CB,), jnp.float32),
        pltpu.VMEM((CB,), jnp.float32),
        pltpu.SemaphoreType.DMA((2,)),
    ],
)(_sc_aggregate_body)


_PE = 81920
_GP = -(-E // _PE)
_PN = 3072
_GN = -(-N // _PN)
_BN = 1024


def _prep_body(eaT_ref, sr_ref, dr_ref, w1e_ref, b_ref,
               ec0_ref, ec1_ref, ec2_ref, ec3_ref, sd_ref):
  ecm = _mm(w1e_ref[...], eaT_ref[...]) + b_ref[...]
  ec_refs = (ec0_ref, ec1_ref, ec2_ref, ec3_ref)
  for f in range(FM):
    ec_refs[f][...] = ecm[f]
  sd_ref[...] = sr_ref[...] | lax.shift_left(dr_ref[...], 16)


_prep_call = pl.pallas_call(
    _prep_body,
    grid=(_GP,),
    in_specs=[
        pl.BlockSpec((8, _PE), lambda i: (0, i)),
        pl.BlockSpec((_PE,), lambda i: (i,)),
        pl.BlockSpec((_PE,), lambda i: (i,)),
        pl.BlockSpec((FM, 8), lambda i: (0, 0)),
        pl.BlockSpec((FM, 1), lambda i: (0, 0)),
    ],
    out_specs=[
        pl.BlockSpec((_PE,), lambda i: (i,)),
        pl.BlockSpec((_PE,), lambda i: (i,)),
        pl.BlockSpec((_PE,), lambda i: (i,)),
        pl.BlockSpec((_PE,), lambda i: (i,)),
        pl.BlockSpec((_PE,), lambda i: (i,)),
    ],
    out_shape=[
        jax.ShapeDtypeStruct((E,), jnp.float32),
        jax.ShapeDtypeStruct((E,), jnp.float32),
        jax.ShapeDtypeStruct((E,), jnp.float32),
        jax.ShapeDtypeStruct((E,), jnp.float32),
        jax.ShapeDtypeStruct((E,), jnp.int32),
    ],
)


def _nprep_body(xT_ref, w1_ref, xa0_ref, xa1_ref, xa2_ref, xa3_ref):
  xab = _mm(w1_ref[...], xT_ref[...])
  xa_refs = (xa0_ref, xa1_ref, xa2_ref, xa3_ref)
  for f in range(FM):
    xa_refs[f][...] = xab[f]


_nprep_call = pl.pallas_call(
    _nprep_body,
    grid=(_GN,),
    in_specs=[
        pl.BlockSpec((FX, _PN), lambda i: (0, i)),
        pl.BlockSpec((FM, FX), lambda i: (0, 0)),
    ],
    out_specs=[
        pl.BlockSpec((_PN,), lambda i: (i,)),
        pl.BlockSpec((_PN,), lambda i: (i,)),
        pl.BlockSpec((_PN,), lambda i: (i,)),
        pl.BlockSpec((_PN,), lambda i: (i,)),
    ],
    out_shape=[
        jax.ShapeDtypeStruct((N,), jnp.float32),
        jax.ShapeDtypeStruct((N,), jnp.float32),
        jax.ShapeDtypeStruct((N,), jnp.float32),
        jax.ShapeDtypeStruct((N,), jnp.float32),
    ],
)


def _combine(part_ref, xT_ref, w2ax_ref, w2aa_ref, b2a_ref, w2b_ref, b2b_ref):
  p = part_ref[...]
  aggr = p[:, 0, :]
  for k in range(1, NCHUNK):
    aggr = jnp.maximum(aggr, p[:, k, :])
  xT = xT_ref[...]
  h = _mm(w2ax_ref[...], xT) + _mm(w2aa_ref[...], aggr) + b2a_ref[...]
  h = jnp.maximum(h, 0.0)
  comb = _mm(w2b_ref[...], h) + b2b_ref[...]
  nor = jnp.sqrt(jnp.sum(comb * comb, axis=0, keepdims=True))
  comb = comb / jnp.maximum(1.0, nor)
  return comb, xT[0:8, :]


def _update_body(part_ref, xT_ref, w2ax_ref, w2aa_ref, b2a_ref, w2b_ref,
                 b2b_ref, w1c_ref, w1x_ref, xn_ref,
                 xa0_ref, xa1_ref, xa2_ref, xa3_ref):
  comb, x8 = _combine(part_ref, xT_ref, w2ax_ref, w2aa_ref, b2a_ref,
                      w2b_ref, b2b_ref)
  xn_ref[0:8, :] = comb
  xn_ref[8:16, :] = x8
  xan = _mm(w1c_ref[...], comb) + _mm(w1x_ref[...], x8)
  xa_refs = (xa0_ref, xa1_ref, xa2_ref, xa3_ref)
  for f in range(FM):
    xa_refs[f][...] = xan[f]


_mid_specs = [
    pl.BlockSpec((FM, NCHUNK, _BN), lambda i: (0, 0, i)),
    pl.BlockSpec((FX, _BN), lambda i: (0, i)),
    pl.BlockSpec((FM, FX), lambda i: (0, 0)),
    pl.BlockSpec((FM, FM), lambda i: (0, 0)),
    pl.BlockSpec((FM, 1), lambda i: (0, 0)),
    pl.BlockSpec((8, FM), lambda i: (0, 0)),
    pl.BlockSpec((8, 1), lambda i: (0, 0)),
]

_update_call = pl.pallas_call(
    _update_body,
    grid=(pl.cdiv(N, _BN),),
    in_specs=_mid_specs + [
        pl.BlockSpec((FM, 8), lambda i: (0, 0)),
        pl.BlockSpec((FM, 8), lambda i: (0, 0)),
    ],
    out_specs=[
        pl.BlockSpec((FX, _BN), lambda i: (0, i)),
        pl.BlockSpec((_BN,), lambda i: (i,)),
        pl.BlockSpec((_BN,), lambda i: (i,)),
        pl.BlockSpec((_BN,), lambda i: (i,)),
        pl.BlockSpec((_BN,), lambda i: (i,)),
    ],
    out_shape=[
        jax.ShapeDtypeStruct((FX, N), jnp.float32),
        jax.ShapeDtypeStruct((N,), jnp.float32),
        jax.ShapeDtypeStruct((N,), jnp.float32),
        jax.ShapeDtypeStruct((N,), jnp.float32),
        jax.ShapeDtypeStruct((N,), jnp.float32),
    ],
)


def _final_body(part_ref, xT_ref, w2ax_ref, w2aa_ref, b2a_ref, w2b_ref,
                b2b_ref, xn_ref):
  comb, x8 = _combine(part_ref, xT_ref, w2ax_ref, w2aa_ref, b2a_ref,
                      w2b_ref, b2b_ref)
  xn_ref[0:8, :] = comb
  xn_ref[8:16, :] = x8


_final_call = pl.pallas_call(
    _final_body,
    grid=(pl.cdiv(N, _BN),),
    in_specs=_mid_specs,
    out_specs=pl.BlockSpec((FX, _BN), lambda i: (0, i)),
    out_shape=jax.ShapeDtypeStruct((FX, N), jnp.float32),
)


def kernel(x, edge_index, edge_attr, W1, b1, W2a, b2a, W2b, b2b):
  eaT = jnp.transpose(edge_attr)
  xT = jnp.transpose(x)
  src = edge_index[0]
  dst = edge_index[1]

  w1eT = jnp.transpose(W1[FX:])
  w1xT = jnp.transpose(W1[:FX])

  ec0, ec1, ec2, ec3, sd = _prep_call(eaT, src, dst, w1eT,
                                      b1.reshape(FM, 1))
  xas = _nprep_call(xT, w1xT)

  w2ax = jnp.transpose(W2a[:FX])
  w2aa = jnp.transpose(W2a[FX:])
  w2b = jnp.transpose(W2b)
  b2a_c = b2a.reshape(FM, 1)
  b2b_c = b2b.reshape(8, 1)
  w1c = w1xT[:, 0:8]
  w1x = w1xT[:, 8:16]

  for _ in range(2):
    part = _sc_aggregate(*xas, sd, ec0, ec1, ec2, ec3)
    xT, *xas = _update_call(part.reshape(FM, NCHUNK, N), xT, w2ax, w2aa,
                            b2a_c, w2b, b2b_c, w1c, w1x)

  part = _sc_aggregate(*xas, sd, ec0, ec1, ec2, ec3)
  xnT = _final_call(part.reshape(FM, NCHUNK, N), xT, w2ax, w2aa,
                    b2a_c, w2b, b2b_c)
  return jnp.transpose(xnT)

# --- scband reference (transcript-rebuilt; emitter-appended) ---
"""Pipeline reference for scband-igcnet-23536420782218 (READ-ONLY COPY).

The authoritative reference and input builder live on the scoring server;
editing this copy changes nothing except your own understanding.
"""

import jax, jax.numpy as jnp
import numpy as np

Nt = 4
N_NODES = 50000
N_EDGES = 1600000


def setup_inputs(seed: int = 0) -> dict:
    key = jax.random.key(seed)
    ks = jax.random.split(key, 10)
    x = jax.random.normal(ks[0], (N_NODES, 4 * Nt), dtype=jnp.float32)
    edge_index = jax.random.randint(ks[1], (2, N_EDGES), 0, N_NODES, dtype=jnp.int32)
    edge_attr = jax.random.normal(ks[2], (N_EDGES, 2 * Nt), dtype=jnp.float32)
    # mlp1: Linear(6*Nt, 4) + ReLU
    W1 = jax.random.normal(ks[3], (6 * Nt, 4), dtype=jnp.float32) * 0.2
    b1 = jnp.zeros((4,), dtype=jnp.float32)
    # mlp2: Linear(4+4*Nt, 4) + ReLU, then Linear(4, 2*Nt)
    W2a = jax.random.normal(ks[4], (4 + 4 * Nt, 4), dtype=jnp.float32) * 0.2
    b2a = jnp.zeros((4,), dtype=jnp.float32)
    W2b = jax.random.normal(ks[5], (4, 2 * Nt), dtype=jnp.float32) * 0.2
    b2b = jnp.zeros((2 * Nt,), dtype=jnp.float32)
    return {"x": x, "edge_index": edge_index, "edge_attr": edge_attr,
            "W1": W1, "b1": b1, "W2a": W2a, "b2a": b2a, "W2b": W2b, "b2b": b2b}


def reference(x, edge_index, edge_attr, W1, b1, W2a, b2a, W2b, b2b):
    src = edge_index[0]
    dst = edge_index[1]

    def conv(x_in):
        # message: mlp1(cat[x_j, edge_attr])
        x_j = jnp.take(x_in, src, axis=0)
        tmp = jnp.concatenate([x_j, edge_attr], axis=1)
        msg = jax.nn.relu(tmp @ W1 + b1)
        # aggregate: max over incoming edges (PyG fills empty segments with 0)
        aggr = jax.ops.segment_max(msg, dst, num_segments=N_NODES)
        aggr = jnp.where(jnp.isfinite(aggr), aggr, 0.0)
        # update
        tmp2 = jnp.concatenate([x_in, aggr], axis=1)
        h = jax.nn.relu(tmp2 @ W2a + b2a)
        comb = h @ W2b + b2b
        nor = jnp.sqrt(jnp.sum(comb * comb, axis=1, keepdims=True))
        comb = comb / jnp.maximum(jnp.ones_like(nor), nor)
        return jnp.concatenate([comb, x_in[:, :2 * Nt]], axis=1)

    x1 = conv(x)
    x2 = conv(x1)
    out = conv(x2)
    return out

if __name__ == "__main__":
    import jax
    _d = setup_inputs()
    print(jax.jit(kernel)(*tuple(_d.values())))

</pallas_src>

<mosaic_0001>
#map = affine_map<(d0, d1) -> (0)>
module attributes {stable_mosaic.version = 14 : i64} {
  func.func @_sc_aggregate_body(%arg0: i32, %arg1: i32, %arg2: memref<50000xf32, #tpu.memory_space<hbm>>, %arg3: memref<50000xf32, #tpu.memory_space<hbm>>, %arg4: memref<50000xf32, #tpu.memory_space<hbm>>, %arg5: memref<50000xf32, #tpu.memory_space<hbm>>, %arg6: memref<1600000xi32, #tpu.memory_space<hbm>>, %arg7: memref<1600000xf32, #tpu.memory_space<hbm>>, %arg8: memref<1600000xf32, #tpu.memory_space<hbm>>, %arg9: memref<1600000xf32, #tpu.memory_space<hbm>>, %arg10: memref<1600000xf32, #tpu.memory_space<hbm>>, %arg11: memref<1600000xf32, #tpu.memory_space<hbm>>, %arg12: memref<50000xf32, #tpu.memory_space<vmem>>, %arg13: memref<50000xf32, #tpu.memory_space<vmem>>, %arg14: memref<2000xi32, #tpu.memory_space<vmem>>, %arg15: memref<2000xi32, #tpu.memory_space<vmem>>, %arg16: memref<2000xf32, #tpu.memory_space<vmem>>, %arg17: memref<2000xf32, #tpu.memory_space<vmem>>, %arg18: memref<2x!tpu.dma_semaphore, #tpu.memory_space<semaphore_mem>>) attributes {dimension_semantics = [#tpu.dimension_semantics<core_parallel>, #tpu.dimension_semantics<subcore_parallel>], iteration_bounds = array<i64: 2, 16>, scalar_prefetch = 0 : i64, scratch_operands = 7 : i64, tpu.core_type = #tpu.core_type<sc_vector_subcore>, window_params = [{transform_indices = #map}, {transform_indices = #map}, {transform_indices = #map}, {transform_indices = #map}, {transform_indices = #map}, {transform_indices = #map}, {transform_indices = #map}, {transform_indices = #map}, {transform_indices = #map}, {transform_indices = #map}]} {
    %mul3A = arith.constant 2 : i32
    %mul3A_0 = arith.muli %arg1, %mul3A : i32
    %add3A = arith.addi %mul3A_0, %arg0 : i32
    %jit3A = arith.constant 8 : i32
    %div3A = arith.divsi %add3A, %jit3A : i32
    %sign3A = arith.constant 0 : i32
    %sign3A_1 = arith.cmpi sgt, %add3A, %sign3A : i32
    %sign3A_2 = arith.extui %sign3A_1 : i1 to i32
    %sign3A_3 = arith.constant 0 : i32
    %sign3A_4 = arith.cmpi slt, %add3A, %sign3A_3 : i32
    %sign3A_5 = arith.extui %sign3A_4 : i1 to i32
    %sign3A_6 = arith.subi %sign3A_2, %sign3A_5 : i32
    %sign3A_7 = arith.constant 0 : i32
    %sign3A_8 = arith.cmpi sgt, %jit3A, %sign3A_7 : i32
    %sign3A_9 = arith.extui %sign3A_8 : i1 to i32
    %sign3A_10 = arith.constant 0 : i32
    %sign3A_11 = arith.cmpi slt, %jit3A, %sign3A_10 : i32
    %sign3A_12 = arith.extui %sign3A_11 : i1 to i32
    %sign3A_13 = arith.subi %sign3A_9, %sign3A_12 : i32
    %ne3A = arith.cmpi ne, %sign3A_6, %sign3A_13 : i32
    %rem3A = arith.remsi %add3A, %jit3A : i32
    %ne3A_14 = arith.constant 0 : i32
    %ne3A_15 = arith.cmpi ne, %rem3A, %ne3A_14 : i32
    %and3A = arith.andi %ne3A, %ne3A_15 : i1
    %sub3A = arith.constant 1 : i32
    %sub3A_16 = arith.subi %div3A, %sub3A : i32
    %select_n3A = arith.select %and3A, %sub3A_16, %div3A : i32
    %jit3A_17 = arith.constant 8 : i32
    %eq3A = arith.constant 0 : i32
    %eq3A_18 = arith.cmpi eq, %jit3A_17, %eq3A : i32
    %jit3A_19 = arith.constant 1 : i32
    %select_n3A_20 = arith.select %eq3A_18, %jit3A_19, %jit3A_17 : i32
    %rem3A_21 = arith.remsi %add3A, %select_n3A_20 : i32
    %ne3A_22 = arith.constant 0 : i32
    %ne3A_23 = arith.cmpi ne, %rem3A_21, %ne3A_22 : i32
    %lt3A = arith.constant 0 : i32
    %lt3A_24 = arith.cmpi slt, %rem3A_21, %lt3A : i32
    %lt3A_25 = arith.constant 0 : i32
    %lt3A_26 = arith.cmpi slt, %select_n3A_20, %lt3A_25 : i32
    %ne3A_27 = arith.xori %lt3A_24, %lt3A_26 : i1
    %and3A_28 = arith.andi %ne3A_27, %ne3A_23 : i1
    %add3A_29 = arith.addi %rem3A_21, %select_n3A_20 : i32
    %select_n3A_30 = arith.select %and3A_28, %add3A_29, %rem3A_21 : i32
    %mul3A_31 = arith.constant 200000 : i32
    %mul3A_32 = arith.muli %select_n3A_30, %mul3A_31 : i32
    %eq3A_33 = arith.constant 0 : i32
    %eq3A_34 = arith.cmpi eq, %select_n3A, %eq3A_33 : i32
    %convert_element_type3A = arith.extui %eq3A_34 : i1 to i32
    %cond3A = arith.constant 0 : i32
    %cond3A_35 = arith.cmpi ne, %convert_element_type3A, %cond3A : i32
    scf.if %cond3A_35 {
      "tpu.region"() ({
        %run_scoped3A = tpu.sem_alloc : memref<!tpu.dma_semaphore, #tpu.memory_space<semaphore_mem>>
        tpu.enqueue_dma source(%arg2 : memref<50000xf32, #tpu.memory_space<hbm>>) target(%arg12 : memref<50000xf32, #tpu.memory_space<vmem>>) target_semaphore(%run_scoped3A : memref<!tpu.dma_semaphore, #tpu.memory_space<semaphore_mem>>)
        tpu.wait_dma2 semaphore(%run_scoped3A : memref<!tpu.dma_semaphore, #tpu.memory_space<semaphore_mem>>) src(%arg2 : memref<50000xf32, #tpu.memory_space<hbm>>) dst(%arg12 : memref<50000xf32, #tpu.memory_space<vmem>>)
        tpu.yield
      }) : () -> ()
    } else {
    }
    %eq3A_36 = arith.constant 1 : i32
    %eq3A_37 = arith.cmpi eq, %select_n3A, %eq3A_36 : i32
    %convert_element_type3A_38 = arith.extui %eq3A_37 : i1 to i32
    %cond3A_39 = arith.constant 0 : i32
    %cond3A_40 = arith.cmpi ne, %convert_element_type3A_38, %cond3A_39 : i32
    scf.if %cond3A_40 {
      "tpu.region"() ({
        %run_scoped3A = tpu.sem_alloc : memref<!tpu.dma_semaphore, #tpu.memory_space<semaphore_mem>>
        tpu.enqueue_dma source(%arg3 : memref<50000xf32, #tpu.memory_space<hbm>>) target(%arg12 : memref<50000xf32, #tpu.memory_space<vmem>>) target_semaphore(%run_scoped3A : memref<!tpu.dma_semaphore, #tpu.memory_space<semaphore_mem>>)
        tpu.wait_dma2 semaphore(%run_scoped3A : memref<!tpu.dma_semaphore, #tpu.memory_space<semaphore_mem>>) src(%arg3 : memref<50000xf32, #tpu.memory_space<hbm>>) dst(%arg12 : memref<50000xf32, #tpu.memory_space<vmem>>)
        tpu.yield
      }) : () -> ()
    } else {
    }
    %eq3A_41 = arith.constant 2 : i32
    %eq3A_42 = arith.cmpi eq, %select_n3A, %eq3A_41 : i32
    %convert_element_type3A_43 = arith.extui %eq3A_42 : i1 to i32
    %cond3A_44 = arith.constant 0 : i32
    %cond3A_45 = arith.cmpi ne, %convert_element_type3A_43, %cond3A_44 : i32
    scf.if %cond3A_45 {
      "tpu.region"() ({
        %run_scoped3A = tpu.sem_alloc : memref<!tpu.dma_semaphore, #tpu.memory_space<semaphore_mem>>
        tpu.enqueue_dma source(%arg4 : memref<50000xf32, #tpu.memory_space<hbm>>) target(%arg12 : memref<50000xf32, #tpu.memory_space<vmem>>) target_semaphore(%run_scoped3A : memref<!tpu.dma_semaphore, #tpu.memory_space<semaphore_mem>>)
        tpu.wait_dma2 semaphore(%run_scoped3A : memref<!tpu.dma_semaphore, #tpu.memory_space<semaphore_mem>>) src(%arg4 : memref<50000xf32, #tpu.memory_space<hbm>>) dst(%arg12 : memref<50000xf32, #tpu.memory_space<vmem>>)
        tpu.yield
      }) : () -> ()
    } else {
    }
    %eq3A_46 = arith.constant 3 : i32
    %eq3A_47 = arith.cmpi eq, %select_n3A, %eq3A_46 : i32
    %convert_element_type3A_48 = arith.extui %eq3A_47 : i1 to i32
    %cond3A_49 = arith.constant 0 : i32
    %cond3A_50 = arith.cmpi ne, %convert_element_type3A_48, %cond3A_49 : i32
    scf.if %cond3A_50 {
      "tpu.region"() ({
        %run_scoped3A = tpu.sem_alloc : memref<!tpu.dma_semaphore, #tpu.memory_space<semaphore_mem>>
        tpu.enqueue_dma source(%arg5 : memref<50000xf32, #tpu.memory_space<hbm>>) target(%arg12 : memref<50000xf32, #tpu.memory_space<vmem>>) target_semaphore(%run_scoped3A : memref<!tpu.dma_semaphore, #tpu.memory_space<semaphore_mem>>)
        tpu.wait_dma2 semaphore(%run_scoped3A : memref<!tpu.dma_semaphore, #tpu.memory_space<semaphore_mem>>) src(%arg5 : memref<50000xf32, #tpu.memory_space<hbm>>) dst(%arg12 : memref<50000xf32, #tpu.memory_space<vmem>>)
        tpu.yield
      }) : () -> ()
    } else {
    }
    %broadcast_in_dim3A = arith.constant 0.000000e+00 : f32
    %broadcast_in_dim3A_51 = vector.broadcast %broadcast_in_dim3A : f32 to vector<16xf32>
    %scan3A = arith.constant 0 : i32
    %scan3A_52 = arith.constant 3120 : i32
    %scan3A_53 = arith.addi %scan3A, %scan3A_52 : i32
    %scan3A_54 = arith.constant 8 : i32
    scf.for %scan3A_138 = %scan3A to %scan3A_53 step %scan3A_54  : i32 {
      %mul3A_139 = arith.constant 1 : i32
      %mul3A_140 = arith.muli %scan3A_138, %mul3A_139 : i32
      %add3A_141 = arith.constant 0 : i32
      %add3A_142 = arith.addi %add3A_141, %mul3A_140 : i32
      %mul3A_143 = arith.constant 16 : i32
      %mul3A_144 = arith.muli %add3A_142, %mul3A_143 : i32
      %swap3A_145 = arith.index_cast %mul3A_144 : i32 to index
      %swap3A_146 = tpu.vector_load %arg13[%swap3A_145] {strides = array<i32>} : memref<50000xf32, #tpu.memory_space<vmem>>, vector<16xf32>,
      tpu.vector_store %arg13[%swap3A_145], %broadcast_in_dim3A_51 {strides = array<i32>} : memref<50000xf32, #tpu.memory_space<vmem>>, vector<16xf32>,
      %scan3A_147 = arith.constant 1 : i32
      %scan3A_148 = arith.addi %scan3A_138, %scan3A_147 : i32
      %mul3A_149 = arith.constant 1 : i32
      %mul3A_150 = arith.muli %scan3A_148, %mul3A_149 : i32
      %add3A_151 = arith.constant 0 : i32
      %add3A_152 = arith.addi %add3A_151, %mul3A_150 : i32
      %mul3A_153 = arith.constant 16 : i32
      %mul3A_154 = arith.muli %add3A_152, %mul3A_153 : i32
      %swap3A_155 = arith.index_cast %mul3A_154 : i32 to index
      %swap3A_156 = tpu.vector_load %arg13[%swap3A_155] {strides = array<i32>} : memref<50000xf32, #tpu.memory_space<vmem>>, vector<16xf32>,
      tpu.vector_store %arg13[%swap3A_155], %broadcast_in_dim3A_51 {strides = array<i32>} : memref<50000xf32, #tpu.memory_space<vmem>>, vector<16xf32>,
      %scan3A_157 = arith.constant 2 : i32
      %scan3A_158 = arith.addi %scan3A_138, %scan3A_157 : i32
      %mul3A_159 = arith.constant 1 : i32
      %mul3A_160 = arith.muli %scan3A_158, %mul3A_159 : i32
      %add3A_161 = arith.constant 0 : i32
      %add3A_162 = arith.addi %add3A_161, %mul3A_160 : i32
      %mul3A_163 = arith.constant 16 : i32
      %mul3A_164 = arith.muli %add3A_162, %mul3A_163 : i32
      %swap3A_165 = arith.index_cast %mul3A_164 : i32 to index
      %swap3A_166 = tpu.vector_load %arg13[%swap3A_165] {strides = array<i32>} : memref<50000xf32, #tpu.memory_space<vmem>>, vector<16xf32>,
      tpu.vector_store %arg13[%swap3A_165], %broadcast_in_dim3A_51 {strides = array<i32>} : memref<50000xf32, #tpu.memory_space<vmem>>, vector<16xf32>,
      %scan3A_167 = arith.constant 3 : i32
      %scan3A_168 = arith.addi %scan3A_138, %scan3A_167 : i32
      %mul3A_169 = arith.constant 1 : i32
      %mul3A_170 = arith.muli %scan3A_168, %mul3A_169 : i32
      %add3A_171 = arith.constant 0 : i32
      %add3A_172 = arith.addi %add3A_171, %mul3A_170 : i32
      %mul3A_173 = arith.constant 16 : i32
      %mul3A_174 = arith.muli %add3A_172, %mul3A_173 : i32
      %swap3A_175 = arith.index_cast %mul3A_174 : i32 to index
      %swap3A_176 = tpu.vector_load %arg13[%swap3A_175] {strides = array<i32>} : memref<50000xf32, #tpu.memory_space<vmem>>, vector<16xf32>,
      tpu.vector_store %arg13[%swap3A_175], %broadcast_in_dim3A_51 {strides = array<i32>} : memref<50000xf32, #tpu.memory_space<vmem>>, vector<16xf32>,
      %scan3A_177 = arith.constant 4 : i32
      %scan3A_178 = arith.addi %scan3A_138, %scan3A_177 : i32
      %mul3A_179 = arith.constant 1 : i32
      %mul3A_180 = arith.muli %scan3A_178, %mul3A_179 : i32
      %add3A_181 = arith.constant 0 : i32
      %add3A_182 = arith.addi %add3A_181, %mul3A_180 : i32
      %mul3A_183 = arith.constant 16 : i32
      %mul3A_184 = arith.muli %add3A_182, %mul3A_183 : i32
      %swap3A_185 = arith.index_cast %mul3A_184 : i32 to index
      %swap3A_186 = tpu.vector_load %arg13[%swap3A_185] {strides = array<i32>} : memref<50000xf32, #tpu.memory_space<vmem>>, vector<16xf32>,
      tpu.vector_store %arg13[%swap3A_185], %broadcast_in_dim3A_51 {strides = array<i32>} : memref<50000xf32, #tpu.memory_space<vmem>>, vector<16xf32>,
      %scan3A_187 = arith.constant 5 : i32
      %scan3A_188 = arith.addi %scan3A_138, %scan3A_187 : i32
      %mul3A_189 = arith.constant 1 : i32
      %mul3A_190 = arith.muli %scan3A_188, %mul3A_189 : i32
      %add3A_191 = arith.constant 0 : i32
      %add3A_192 = arith.addi %add3A_191, %mul3A_190 : i32
      %mul3A_193 = arith.constant 16 : i32
      %mul3A_194 = arith.muli %add3A_192, %mul3A_193 : i32
      %swap3A_195 = arith.index_cast %mul3A_194 : i32 to index
      %swap3A_196 = tpu.vector_load %arg13[%swap3A_195] {strides = array<i32>} : memref<50000xf32, #tpu.memory_space<vmem>>, vector<16xf32>,
      tpu.vector_store %arg13[%swap3A_195], %broadcast_in_dim3A_51 {strides = array<i32>} : memref<50000xf32, #tpu.memory_space<vmem>>, vector<16xf32>,
      %scan3A_197 = arith.constant 6 : i32
      %scan3A_198 = arith.addi %scan3A_138, %scan3A_197 : i32
      %mul3A_199 = arith.constant 1 : i32
      %mul3A_200 = arith.muli %scan3A_198, %mul3A_199 : i32
      %add3A_201 = arith.constant 0 : i32
      %add3A_202 = arith.addi %add3A_201, %mul3A_200 : i32
      %mul3A_203 = arith.constant 16 : i32
      %mul3A_204 = arith.muli %add3A_202, %mul3A_203 : i32
      %swap3A_205 = arith.index_cast %mul3A_204 : i32 to index
      %swap3A_206 = tpu.vector_load %arg13[%swap3A_205] {strides = array<i32>} : memref<50000xf32, #tpu.memory_space<vmem>>, vector<16xf32>,
      tpu.vector_store %arg13[%swap3A_205], %broadcast_in_dim3A_51 {strides = array<i32>} : memref<50000xf32, #tpu.memory_space<vmem>>, vector<16xf32>,
      %scan3A_207 = arith.constant 7 : i32
      %scan3A_208 = arith.addi %scan3A_138, %scan3A_207 : i32
      %mul3A_209 = arith.constant 1 : i32
      %mul3A_210 = arith.muli %scan3A_208, %mul3A_209 : i32
      %add3A_211 = arith.constant 0 : i32
      %add3A_212 = arith.addi %add3A_211, %mul3A_210 : i32
      %mul3A_213 = arith.constant 16 : i32
      %mul3A_214 = arith.muli %add3A_212, %mul3A_213 : i32
      %swap3A_215 = arith.index_cast %mul3A_214 : i32 to index
      %swap3A_216 = tpu.vector_load %arg13[%swap3A_215] {strides = array<i32>} : memref<50000xf32, #tpu.memory_space<vmem>>, vector<16xf32>,
      tpu.vector_store %arg13[%swap3A_215], %broadcast_in_dim3A_51 {strides = array<i32>} : memref<50000xf32, #tpu.memory_space<vmem>>, vector<16xf32>,
    }
    %scan3A_55 = arith.constant 3120 : i32
    %scan3A_56 = arith.addi %scan3A, %scan3A_55 : i32
    %mul3A_57 = arith.constant 1 : i32
    %mul3A_58 = arith.muli %scan3A_56, %mul3A_57 : i32
    %add3A_59 = arith.constant 0 : i32
    %add3A_60 = arith.addi %add3A_59, %mul3A_58 : i32
    %mul3A_61 = arith.constant 16 : i32
    %mul3A_62 = arith.muli %add3A_60, %mul3A_61 : i32
    %swap3A = arith.index_cast %mul3A_62 : i32 to index
    %swap3A_63 = tpu.vector_load %arg13[%swap3A] {strides = array<i32>} : memref<50000xf32, #tpu.memory_space<vmem>>, vector<16xf32>,
    tpu.vector_store %arg13[%swap3A], %broadcast_in_dim3A_51 {strides = array<i32>} : memref<50000xf32, #tpu.memory_space<vmem>>, vector<16xf32>,
    %scan3A_64 = arith.constant 3121 : i32
    %scan3A_65 = arith.addi %scan3A, %scan3A_64 : i32
    %mul3A_66 = arith.constant 1 : i32
    %mul3A_67 = arith.muli %scan3A_65, %mul3A_66 : i32
    %add3A_68 = arith.constant 0 : i32
    %add3A_69 = arith.addi %add3A_68, %mul3A_67 : i32
    %mul3A_70 = arith.constant 16 : i32
    %mul3A_71 = arith.muli %add3A_69, %mul3A_70 : i32
    %swap3A_72 = arith.index_cast %mul3A_71 : i32 to index
    %swap3A_73 = tpu.vector_load %arg13[%swap3A_72] {strides = array<i32>} : memref<50000xf32, #tpu.memory_space<vmem>>, vector<16xf32>,
    tpu.vector_store %arg13[%swap3A_72], %broadcast_in_dim3A_51 {strides = array<i32>} : memref<50000xf32, #tpu.memory_space<vmem>>, vector<16xf32>,
    %scan3A_74 = arith.constant 3122 : i32
    %scan3A_75 = arith.addi %scan3A, %scan3A_74 : i32
    %mul3A_76 = arith.constant 1 : i32
    %mul3A_77 = arith.muli %scan3A_75, %mul3A_76 : i32
    %add3A_78 = arith.constant 0 : i32
    %add3A_79 = arith.addi %add3A_78, %mul3A_77 : i32
    %mul3A_80 = arith.constant 16 : i32
    %mul3A_81 = arith.muli %add3A_79, %mul3A_80 : i32
    %swap3A_82 = arith.index_cast %mul3A_81 : i32 to index
    %swap3A_83 = tpu.vector_load %arg13[%swap3A_82] {strides = array<i32>} : memref<50000xf32, #tpu.memory_space<vmem>>, vector<16xf32>,
    tpu.vector_store %arg13[%swap3A_82], %broadcast_in_dim3A_51 {strides = array<i32>} : memref<50000xf32, #tpu.memory_space<vmem>>, vector<16xf32>,
    %scan3A_84 = arith.constant 3123 : i32
    %scan3A_85 = arith.addi %scan3A, %scan3A_84 : i32
    %mul3A_86 = arith.constant 1 : i32
    %mul3A_87 = arith.muli %scan3A_85, %mul3A_86 : i32
    %add3A_88 = arith.constant 0 : i32
    %add3A_89 = arith.addi %add3A_88, %mul3A_87 : i32
    %mul3A_90 = arith.constant 16 : i32
    %mul3A_91 = arith.muli %add3A_89, %mul3A_90 : i32
    %swap3A_92 = arith.index_cast %mul3A_91 : i32 to index
    %swap3A_93 = tpu.vector_load %arg13[%swap3A_92] {strides = array<i32>} : memref<50000xf32, #tpu.memory_space<vmem>>, vector<16xf32>,
    tpu.vector_store %arg13[%swap3A_92], %broadcast_in_dim3A_51 {strides = array<i32>} : memref<50000xf32, #tpu.memory_space<vmem>>, vector<16xf32>,
    %scan3A_94 = arith.constant 3124 : i32
    %scan3A_95 = arith.addi %scan3A, %scan3A_94 : i32
    %mul3A_96 = arith.constant 1 : i32
    %mul3A_97 = arith.muli %scan3A_95, %mul3A_96 : i32
    %add3A_98 = arith.constant 0 : i32
    %add3A_99 = arith.addi %add3A_98, %mul3A_97 : i32
    %mul3A_100 = arith.constant 16 : i32
    %mul3A_101 = arith.muli %add3A_99, %mul3A_100 : i32
    %swap3A_102 = arith.index_cast %mul3A_101 : i32 to index
    %swap3A_103 = tpu.vector_load %arg13[%swap3A_102] {strides = array<i32>} : memref<50000xf32, #tpu.memory_space<vmem>>, vector<16xf32>,
    tpu.vector_store %arg13[%swap3A_102], %broadcast_in_dim3A_51 {strides = array<i32>} : memref<50000xf32, #tpu.memory_space<vmem>>, vector<16xf32>,
    %scan3A_104 = arith.constant 3125 : i32
    %add3A_105 = arith.constant 0 : i32
    %add3A_106 = arith.addi %mul3A_32, %add3A_105 : i32
    %dma_start3A = arith.constant 0 : i32
    %dma_start3A_107 = tpu.memref_slice %arg6[%add3A_106] : memref<1600000xi32, #tpu.memory_space<hbm>> -> memref<2000xi32, #tpu.memory_space<hbm>>
    %dma_start3A_108 = tpu.memref_slice %arg18[%dma_start3A] : memref<2x!tpu.dma_semaphore, #tpu.memory_space<semaphore_mem>> -> memref<1x!tpu.dma_semaphore, #tpu.memory_space<semaphore_mem>>
    %dma_start3A_109 = tpu.memref_squeeze %dma_start3A_108 : memref<1x!tpu.dma_semaphore, #tpu.memory_space<semaphore_mem>> -> memref<!tpu.dma_semaphore, #tpu.memory_space<semaphore_mem>>
    %dma_start3A_110 = tpu.memref_slice %arg6[%add3A_106] : memref<1600000xi32, #tpu.memory_space<hbm>> -> memref<2000xi32, #tpu.memory_space<hbm>>
    tpu.enqueue_dma source(%dma_start3A_110 : memref<2000xi32, #tpu.memory_space<hbm>>) target(%arg14 : memref<2000xi32, #tpu.memory_space<vmem>>) target_semaphore(%dma_start3A_109 : memref<!tpu.dma_semaphore, #tpu.memory_space<semaphore_mem>>)
    %eq3A_111 = arith.constant 0 : i32
    %eq3A_112 = arith.cmpi eq, %select_n3A, %eq3A_111 : i32
    %convert_element_type3A_113 = arith.extui %eq3A_112 : i1 to i32
    %cond3A_114 = arith.constant 0 : i32
    %cond3A_115 = arith.cmpi ne, %convert_element_type3A_113, %cond3A_114 : i32
    scf.if %cond3A_115 {
      %dma_start3A_138 = arith.constant 0 : i32
      %dma_start3A_139 = tpu.memref_slice %arg7[%add3A_106] : memref<1600000xf32, #tpu.memory_space<hbm>> -> memref<2000xf32, #tpu.memory_space<hbm>>
      %dma_start3A_140 = tpu.memref_slice %arg18[%dma_start3A_138] : memref<2x!tpu.dma_semaphore, #tpu.memory_space<semaphore_mem>> -> memref<1x!tpu.dma_semaphore, #tpu.memory_space<semaphore_mem>>
      %dma_start3A_141 = tpu.memref_squeeze %dma_start3A_140 : memref<1x!tpu.dma_semaphore, #tpu.memory_space<semaphore_mem>> -> memref<!tpu.dma_semaphore, #tpu.memory_space<semaphore_mem>>
      %dma_start3A_142 = tpu.memref_slice %arg7[%add3A_106] : memref<1600000xf32, #tpu.memory_space<hbm>> -> memref<2000xf32, #tpu.memory_space<hbm>>
      tpu.enqueue_dma source(%dma_start3A_142 : memref<2000xf32, #tpu.memory_space<hbm>>) target(%arg16 : memref<2000xf32, #tpu.memory_space<vmem>>) target_semaphore(%dma_start3A_141 : memref<!tpu.dma_semaphore, #tpu.memory_space<semaphore_mem>>)
    } else {
    }
    %eq3A_116 = arith.constant 1 : i32
    %eq3A_117 = arith.cmpi eq, %select_n3A, %eq3A_116 : i32
    %convert_element_type3A_118 = arith.extui %eq3A_117 : i1 to i32
    %cond3A_119 = arith.constant 0 : i32
    %cond3A_120 = arith.cmpi ne, %convert_element_type3A_118, %cond3A_119 : i32
    scf.if %cond3A_120 {
      %dma_start3A_138 = arith.constant 0 : i32
      %dma_start3A_139 = tpu.memref_slice %arg8[%add3A_106] : memref<1600000xf32, #tpu.memory_space<hbm>> -> memref<2000xf32, #tpu.memory_space<hbm>>
      %dma_start3A_140 = tpu.memref_slice %arg18[%dma_start3A_138] : memref<2x!tpu.dma_semaphore, #tpu.memory_space<semaphore_mem>> -> memref<1x!tpu.dma_semaphore, #tpu.memory_space<semaphore_mem>>
      %dma_start3A_141 = tpu.memref_squeeze %dma_start3A_140 : memref<1x!tpu.dma_semaphore, #tpu.memory_space<semaphore_mem>> -> memref<!tpu.dma_semaphore, #tpu.memory_space<semaphore_mem>>
      %dma_start3A_142 = tpu.memref_slice %arg8[%add3A_106] : memref<1600000xf32, #tpu.memory_space<hbm>> -> memref<2000xf32, #tpu.memory_space<hbm>>
      tpu.enqueue_dma source(%dma_start3A_142 : memref<2000xf32, #tpu.memory_space<hbm>>) target(%arg16 : memref<2000xf32, #tpu.memory_space<vmem>>) target_semaphore(%dma_start3A_141 : memref<!tpu.dma_semaphore, #tpu.memory_space<semaphore_mem>>)
    } else {
    }
    %eq3A_121 = arith.constant 2 : i32
    %eq3A_122 = arith.cmpi eq, %select_n3A, %eq3A_121 : i32
    %convert_element_type3A_123 = arith.extui %eq3A_122 : i1 to i32
    %cond3A_124 = arith.constant 0 : i32
    %cond3A_125 = arith.cmpi ne, %convert_element_type3A_123, %cond3A_124 : i32
    scf.if %cond3A_125 {
      %dma_start3A_138 = arith.constant 0 : i32
      %dma_start3A_139 = tpu.memref_slice %arg9[%add3A_106] : memref<1600000xf32, #tpu.memory_space<hbm>> -> memref<2000xf32, #tpu.memory_space<hbm>>
      %dma_start3A_140 = tpu.memref_slice %arg18[%dma_start3A_138] : memref<2x!tpu.dma_semaphore, #tpu.memory_space<semaphore_mem>> -> memref<1x!tpu.dma_semaphore, #tpu.memory_space<semaphore_mem>>
      %dma_start3A_141 = tpu.memref_squeeze %dma_start3A_140 : memref<1x!tpu.dma_semaphore, #tpu.memory_space<semaphore_mem>> -> memref<!tpu.dma_semaphore, #tpu.memory_space<semaphore_mem>>
      %dma_start3A_142 = tpu.memref_slice %arg9[%add3A_106] : memref<1600000xf32, #tpu.memory_space<hbm>> -> memref<2000xf32, #tpu.memory_space<hbm>>
      tpu.enqueue_dma source(%dma_start3A_142 : memref<2000xf32, #tpu.memory_space<hbm>>) target(%arg16 : memref<2000xf32, #tpu.memory_space<vmem>>) target_semaphore(%dma_start3A_141 : memref<!tpu.dma_semaphore, #tpu.memory_space<semaphore_mem>>)
    } else {
    }
    %eq3A_126 = arith.constant 3 : i32
    %eq3A_127 = arith.cmpi eq, %select_n3A, %eq3A_126 : i32
    %convert_element_type3A_128 = arith.extui %eq3A_127 : i1 to i32
    %cond3A_129 = arith.constant 0 : i32
    %cond3A_130 = arith.cmpi ne, %convert_element_type3A_128, %cond3A_129 : i32
    scf.if %cond3A_130 {
      %dma_start3A_138 = arith.constant 0 : i32
      %dma_start3A_139 = tpu.memref_slice %arg10[%add3A_106] : memref<1600000xf32, #tpu.memory_space<hbm>> -> memref<2000xf32, #tpu.memory_space<hbm>>
      %dma_start3A_140 = tpu.memref_slice %arg18[%dma_start3A_138] : memref<2x!tpu.dma_semaphore, #tpu.memory_space<semaphore_mem>> -> memref<1x!tpu.dma_semaphore, #tpu.memory_space<semaphore_mem>>
      %dma_start3A_141 = tpu.memref_squeeze %dma_start3A_140 : memref<1x!tpu.dma_semaphore, #tpu.memory_space<semaphore_mem>> -> memref<!tpu.dma_semaphore, #tpu.memory_space<semaphore_mem>>
      %dma_start3A_142 = tpu.memref_slice %arg10[%add3A_106] : memref<1600000xf32, #tpu.memory_space<hbm>> -> memref<2000xf32, #tpu.memory_space<hbm>>
      tpu.enqueue_dma source(%dma_start3A_142 : memref<2000xf32, #tpu.memory_space<hbm>>) target(%arg16 : memref<2000xf32, #tpu.memory_space<vmem>>) target_semaphore(%dma_start3A_141 : memref<!tpu.dma_semaphore, #tpu.memory_space<semaphore_mem>>)
    } else {
    }
    %scan3A_131 = arith.constant 0 : i32
    %scan3A_132 = arith.constant 50 : i32
    %scan3A_133 = arith.addi %scan3A_131, %scan3A_132 : i32
    %scan3A_134 = arith.constant 1 : i32
    scf.for %scan3A_138 = %scan3A_131 to %scan3A_133 step %scan3A_134  : i32 {
      %mul3A_139 = arith.constant 2 : i32
      %mul3A_140 = arith.muli %scan3A_138, %mul3A_139 : i32
      %add3A_141 = arith.constant 0 : i32
      %add3A_142 = arith.addi %add3A_141, %mul3A_140 : i32
      %add3A_143 = arith.constant 0 : i32
      %add3A_144 = arith.addi %add3A_142, %add3A_143 : i32
      %add3A_145 = arith.constant 1 : i32
      %add3A_146 = arith.addi %add3A_144, %add3A_145 : i32
      %lt3A_147 = arith.constant 100 : i32
      %lt3A_148 = arith.cmpi slt, %add3A_146, %lt3A_147 : i32
      %convert_element_type3A_149 = arith.extui %lt3A_148 : i1 to i32
      %cond3A_150 = arith.constant 0 : i32
      %cond3A_151 = arith.cmpi ne, %convert_element_type3A_149, %cond3A_150 : i32
      scf.if %cond3A_151 {
        %add3A_225 = arith.constant 1 : i32
        %add3A_226 = arith.addi %add3A_144, %add3A_225 : i32
        %mul3A_227 = arith.constant 2000 : i32
        %mul3A_228 = arith.muli %add3A_226, %mul3A_227 : i32
        %add3A_229 = arith.addi %mul3A_32, %mul3A_228 : i32
        %dma_start3A_230 = arith.constant 1 : i32
        %dma_start3A_231 = tpu.memref_slice %arg6[%add3A_229] : memref<1600000xi32, #tpu.memory_space<hbm>> -> memref<2000xi32, #tpu.memory_space<hbm>>
        %dma_start3A_232 = tpu.memref_slice %arg18[%dma_start3A_230] : memref<2x!tpu.dma_semaphore, #tpu.memory_space<semaphore_mem>> -> memref<1x!tpu.dma_semaphore, #tpu.memory_space<semaphore_mem>>
        %dma_start3A_233 = tpu.memref_squeeze %dma_start3A_232 : memref<1x!tpu.dma_semaphore, #tpu.memory_space<semaphore_mem>> -> memref<!tpu.dma_semaphore, #tpu.memory_space<semaphore_mem>>
        %dma_start3A_234 = tpu.memref_slice %arg6[%add3A_229] : memref<1600000xi32, #tpu.memory_space<hbm>> -> memref<2000xi32, #tpu.memory_space<hbm>>
        tpu.enqueue_dma source(%dma_start3A_234 : memref<2000xi32, #tpu.memory_space<hbm>>) target(%arg15 : memref<2000xi32, #tpu.memory_space<vmem>>) target_semaphore(%dma_start3A_233 : memref<!tpu.dma_semaphore, #tpu.memory_space<semaphore_mem>>)
        %eq3A_235 = arith.constant 0 : i32
        %eq3A_236 = arith.cmpi eq, %select_n3A, %eq3A_235 : i32
        %convert_element_type3A_237 = arith.extui %eq3A_236 : i1 to i32
        %cond3A_238 = arith.constant 0 : i32
        %cond3A_239 = arith.cmpi ne, %convert_element_type3A_237, %cond3A_238 : i32
        scf.if %cond3A_239 {
          %dma_start3A_255 = arith.constant 1 : i32
          %dma_start3A_256 = tpu.memref_slice %arg7[%add3A_229] : memref<1600000xf32, #tpu.memory_space<hbm>> -> memref<2000xf32, #tpu.memory_space<hbm>>
          %dma_start3A_257 = tpu.memref_slice %arg18[%dma_start3A_255] : memref<2x!tpu.dma_semaphore, #tpu.memory_space<semaphore_mem>> -> memref<1x!tpu.dma_semaphore, #tpu.memory_space<semaphore_mem>>
          %dma_start3A_258 = tpu.memref_squeeze %dma_start3A_257 : memref<1x!tpu.dma_semaphore, #tpu.memory_space<semaphore_mem>> -> memref<!tpu.dma_semaphore, #tpu.memory_space<semaphore_mem>>
          %dma_start3A_259 = tpu.memref_slice %arg7[%add3A_229] : memref<1600000xf32, #tpu.memory_space<hbm>> -> memref<2000xf32, #tpu.memory_space<hbm>>
          tpu.enqueue_dma source(%dma_start3A_259 : memref<2000xf32, #tpu.memory_space<hbm>>) target(%arg17 : memref<2000xf32, #tpu.memory_space<vmem>>) target_semaphore(%dma_start3A_258 : memref<!tpu.dma_semaphore, #tpu.memory_space<semaphore_mem>>)
        } else {
        }
        %eq3A_240 = arith.constant 1 : i32
        %eq3A_241 = arith.cmpi eq, %select_n3A, %eq3A_240 : i32
        %convert_element_type3A_242 = arith.extui %eq3A_241 : i1 to i32
        %cond3A_243 = arith.constant 0 : i32
        %cond3A_244 = arith.cmpi ne, %convert_element_type3A_242, %cond3A_243 : i32
        scf.if %cond3A_244 {
          %dma_start3A_255 = arith.constant 1 : i32
          %dma_start3A_256 = tpu.memref_slice %arg8[%add3A_229] : memref<1600000xf32, #tpu.memory_space<hbm>> -> memref<2000xf32, #tpu.memory_space<hbm>>
          %dma_start3A_257 = tpu.memref_slice %arg18[%dma_start3A_255] : memref<2x!tpu.dma_semaphore, #tpu.memory_space<semaphore_mem>> -> memref<1x!tpu.dma_semaphore, #tpu.memory_space<semaphore_mem>>
          %dma_start3A_258 = tpu.memref_squeeze %dma_start3A_257 : memref<1x!tpu.dma_semaphore, #tpu.memory_space<semaphore_mem>> -> memref<!tpu.dma_semaphore, #tpu.memory_space<semaphore_mem>>
          %dma_start3A_259 = tpu.memref_slice %arg8[%add3A_229] : memref<1600000xf32, #tpu.memory_space<hbm>> -> memref<2000xf32, #tpu.memory_space<hbm>>
          tpu.enqueue_dma source(%dma_start3A_259 : memref<2000xf32, #tpu.memory_space<hbm>>) target(%arg17 : memref<2000xf32, #tpu.memory_space<vmem>>) target_semaphore(%dma_start3A_258 : memref<!tpu.dma_semaphore, #tpu.memory_space<semaphore_mem>>)
        } else {
        }
        %eq3A_245 = arith.constant 2 : i32
        %eq3A_246 = arith.cmpi eq, %select_n3A, %eq3A_245 : i32
        %convert_element_type3A_247 = arith.extui %eq3A_246 : i1 to i32
        %cond3A_248 = arith.constant 0 : i32
        %cond3A_249 = arith.cmpi ne, %convert_element_type3A_247, %cond3A_248 : i32
        scf.if %cond3A_249 {
          %dma_start3A_255 = arith.constant 1 : i32
          %dma_start3A_256 = tpu.memref_slice %arg9[%add3A_229] : memref<1600000xf32, #tpu.memory_space<hbm>> -> memref<2000xf32, #tpu.memory_space<hbm>>
          %dma_start3A_257 = tpu.memref_slice %arg18[%dma_start3A_255] : memref<2x!tpu.dma_semaphore, #tpu.memory_space<semaphore_mem>> -> memref<1x!tpu.dma_semaphore, #tpu.memory_space<semaphore_mem>>
          %dma_start3A_258 = tpu.memref_squeeze %dma_start3A_257 : memref<1x!tpu.dma_semaphore, #tpu.memory_space<semaphore_mem>> -> memref<!tpu.dma_semaphore, #tpu.memory_space<semaphore_mem>>
          %dma_start3A_259 = tpu.memref_slice %arg9[%add3A_229] : memref<1600000xf32, #tpu.memory_space<hbm>> -> memref<2000xf32, #tpu.memory_space<hbm>>
          tpu.enqueue_dma source(%dma_start3A_259 : memref<2000xf32, #tpu.memory_space<hbm>>) target(%arg17 : memref<2000xf32, #tpu.memory_space<vmem>>) target_semaphore(%dma_start3A_258 : memref<!tpu.dma_semaphore, #tpu.memory_space<semaphore_mem>>)
        } else {
        }
        %eq3A_250 = arith.constant 3 : i32
        %eq3A_251 = arith.cmpi eq, %select_n3A, %eq3A_250 : i32
        %convert_element_type3A_252 = arith.extui %eq3A_251 : i1 to i32
        %cond3A_253 = arith.constant 0 : i32
        %cond3A_254 = arith.cmpi ne, %convert_element_type3A_252, %cond3A_253 : i32
        scf.if %cond3A_254 {
          %dma_start3A_255 = arith.constant 1 : i32
          %dma_start3A_256 = tpu.memref_slice %arg10[%add3A_229] : memref<1600000xf32, #tpu.memory_space<hbm>> -> memref<2000xf32, #tpu.memory_space<hbm>>
          %dma_start3A_257 = tpu.memref_slice %arg18[%dma_start3A_255] : memref<2x!tpu.dma_semaphore, #tpu.memory_space<semaphore_mem>> -> memref<1x!tpu.dma_semaphore, #tpu.memory_space<semaphore_mem>>
          %dma_start3A_258 = tpu.memref_squeeze %dma_start3A_257 : memref<1x!tpu.dma_semaphore, #tpu.memory_space<semaphore_mem>> -> memref<!tpu.dma_semaphore, #tpu.memory_space<semaphore_mem>>
          %dma_start3A_259 = tpu.memref_slice %arg10[%add3A_229] : memref<1600000xf32, #tpu.memory_space<hbm>> -> memref<2000xf32, #tpu.memory_space<hbm>>
          tpu.enqueue_dma source(%dma_start3A_259 : memref<2000xf32, #tpu.memory_space<hbm>>) target(%arg17 : memref<2000xf32, #tpu.memory_space<vmem>>) target_semaphore(%dma_start3A_258 : memref<!tpu.dma_semaphore, #tpu.memory_space<semaphore_mem>>)
        } else {
        }
      } else {
      }
      %mul3A_152 = arith.constant 2000 : i32
      %mul3A_153 = arith.muli %add3A_144, %mul3A_152 : i32
      %add3A_154 = arith.addi %mul3A_32, %mul3A_153 : i32
      %dma_wait3A = arith.constant 0 : i32
      %dma_wait3A_155 = tpu.memref_slice %arg6[%add3A_154] : memref<1600000xi32, #tpu.memory_space<hbm>> -> memref<2000xi32, #tpu.memory_space<hbm>>
      %dma_wait3A_156 = tpu.memref_slice %arg18[%dma_wait3A] : memref<2x!tpu.dma_semaphore, #tpu.memory_space<semaphore_mem>> -> memref<1x!tpu.dma_semaphore, #tpu.memory_space<semaphore_mem>>
      %dma_wait3A_157 = tpu.memref_squeeze %dma_wait3A_156 : memref<1x!tpu.dma_semaphore, #tpu.memory_space<semaphore_mem>> -> memref<!tpu.dma_semaphore, #tpu.memory_space<semaphore_mem>>
      %dma_wait3A_158 = tpu.memref_slice %arg6[%add3A_154] : memref<1600000xi32, #tpu.memory_space<hbm>> -> memref<2000xi32, #tpu.memory_space<hbm>>
      tpu.wait_dma2 semaphore(%dma_wait3A_157 : memref<!tpu.dma_semaphore, #tpu.memory_space<semaphore_mem>>) src(%dma_wait3A_158 : memref<2000xi32, #tpu.memory_space<hbm>>) dst(%arg14 : memref<2000xi32, #tpu.memory_space<vmem>>)
      %dma_wait3A_159 = arith.constant 0 : i32
      %dma_wait3A_160 = tpu.memref_slice %arg7[%add3A_154] : memref<1600000xf32, #tpu.memory_space<hbm>> -> memref<2000xf32, #tpu.memory_space<hbm>>
      %dma_wait3A_161 = tpu.memref_slice %arg18[%dma_wait3A_159] : memref<2x!tpu.dma_semaphore, #tpu.memory_space<semaphore_mem>> -> memref<1x!tpu.dma_semaphore, #tpu.memory_space<semaphore_mem>>
      %dma_wait3A_162 = tpu.memref_squeeze %dma_wait3A_161 : memref<1x!tpu.dma_semaphore, #tpu.memory_space<semaphore_mem>> -> memref<!tpu.dma_semaphore, #tpu.memory_space<semaphore_mem>>
      %dma_wait3A_163 = tpu.memref_slice %arg7[%add3A_154] : memref<1600000xf32, #tpu.memory_space<hbm>> -> memref<2000xf32, #tpu.memory_space<hbm>>
      tpu.wait_dma2 semaphore(%dma_wait3A_162 : memref<!tpu.dma_semaphore, #tpu.memory_space<semaphore_mem>>) src(%dma_wait3A_163 : memref<2000xf32, #tpu.memory_space<hbm>>) dst(%arg16 : memref<2000xf32, #tpu.memory_space<vmem>>)
      %parallel_loop3A = arith.constant 0 : i32
      %parallel_loop3A_164 = arith.constant 125 : i32
      %parallel_loop3A_165 = arith.constant 1 : i32
      scf.for %parallel_loop3A_225 = %parallel_loop3A to %parallel_loop3A_164 step %parallel_loop3A_165  : i32 {
        %parallel_loop3A_226 = arith.constant 16 : i32
        %parallel_loop3A_227 = arith.muli %parallel_loop3A_225, %parallel_loop3A_226 : i32
        %parallel_loop3A_228 = arith.index_cast %parallel_loop3A_227 : i32 to index
        %parallel_loop3A_229 = tpu.vector_load %arg14[%parallel_loop3A_228] {strides = array<i32>} : memref<2000xi32, #tpu.memory_space<vmem>>, vector<16xi32>,
        %parallel_loop3A_230 = arith.constant 65535 : i32
        %parallel_loop3A_231 = vector.broadcast %parallel_loop3A_230 : i32 to vector<16xi32>
        %parallel_loop3A_232 = arith.andi %parallel_loop3A_229, %parallel_loop3A_231 : vector<16xi32>
        %parallel_loop3A_233 = arith.constant 16 : i32
        %parallel_loop3A_234 = vector.broadcast %parallel_loop3A_233 : i32 to vector<16xi32>
        %parallel_loop3A_235 = arith.shrui %parallel_loop3A_229, %parallel_loop3A_234 : vector<16xi32>
        %parallel_loop3A_236 = tpu.vector_load_idx %arg12[%parallel_loop3A_232] : memref<50000xf32, #tpu.memory_space<vmem>>[vector<16xi32>], vector<16xf32>,
        %parallel_loop3A_237 = arith.index_cast %parallel_loop3A_227 : i32 to index
        %parallel_loop3A_238 = tpu.vector_load %arg16[%parallel_loop3A_237] {strides = array<i32>} : memref<2000xf32, #tpu.memory_space<vmem>>, vector<16xf32>,
        %parallel_loop3A_239 = arith.addf %parallel_loop3A_236, %parallel_loop3A_238 : vector<16xf32>
        %parallel_loop3A_240 = tpu.vector_load_idx %arg13[%parallel_loop3A_235] : memref<50000xf32, #tpu.memory_space<vmem>>[vector<16xi32>], vector<16xf32>,
        %parallel_loop3A_241 = arith.cmpf ogt, %parallel_loop3A_239, %parallel_loop3A_240 : vector<16xf32>
        tpu.vector_store_idx %arg13[%parallel_loop3A_235], %parallel_loop3A_239 masked %parallel_loop3A_241 : memref<50000xf32, #tpu.memory_space<vmem>>[vector<16xi32>], vector<16xf32>, vector<16xi1>
      } {sc.loop_unroll_factor = 8 : i64, sc.parallel_access}
      %broadcast_in_dim3A_166 = arith.constant false
      %broadcast_in_dim3A_167 = vector.broadcast %broadcast_in_dim3A_166 : i1 to vector<16xi1>
      %parallel_loop3A_168 = arith.constant 0 : i32
      %parallel_loop3A_169 = arith.constant 125 : i32
      %parallel_loop3A_170 = arith.constant 1 : i32
      %parallel_loop3A_171 = scf.for %parallel_loop3A_225 = %parallel_loop3A_168 to %parallel_loop3A_169 step %parallel_loop3A_170 iter_args(%parallel_loop3A_226 = %broadcast_in_dim3A_167) -> (vector<16xi1>)  : i32 {
        %parallel_loop3A_227 = arith.constant 16 : i32
        %parallel_loop3A_228 = arith.muli %parallel_loop3A_225, %parallel_loop3A_227 : i32
        %parallel_loop3A_229 = arith.index_cast %parallel_loop3A_228 : i32 to index
        %parallel_loop3A_230 = tpu.vector_load %arg14[%parallel_loop3A_229] {strides = array<i32>} : memref<2000xi32, #tpu.memory_space<vmem>>, vector<16xi32>,
        %parallel_loop3A_231 = arith.constant 65535 : i32
        %parallel_loop3A_232 = vector.broadcast %parallel_loop3A_231 : i32 to vector<16xi32>
        %parallel_loop3A_233 = arith.andi %parallel_loop3A_230, %parallel_loop3A_232 : vector<16xi32>
        %parallel_loop3A_234 = arith.constant 16 : i32
        %parallel_loop3A_235 = vector.broadcast %parallel_loop3A_234 : i32 to vector<16xi32>
        %parallel_loop3A_236 = arith.shrui %parallel_loop3A_230, %parallel_loop3A_235 : vector<16xi32>
        %parallel_loop3A_237 = tpu.vector_load_idx %arg12[%parallel_loop3A_233] : memref<50000xf32, #tpu.memory_space<vmem>>[vector<16xi32>], vector<16xf32>,
        %parallel_loop3A_238 = arith.index_cast %parallel_loop3A_228 : i32 to index
        %parallel_loop3A_239 = tpu.vector_load %arg16[%parallel_loop3A_238] {strides = array<i32>} : memref<2000xf32, #tpu.memory_space<vmem>>, vector<16xf32>,
        %parallel_loop3A_240 = arith.addf %parallel_loop3A_237, %parallel_loop3A_239 : vector<16xf32>
        %parallel_loop3A_241 = tpu.vector_load_idx %arg13[%parallel_loop3A_236] : memref<50000xf32, #tpu.memory_space<vmem>>[vector<16xi32>], vector<16xf32>,
        %parallel_loop3A_242 = arith.cmpf ogt, %parallel_loop3A_240, %parallel_loop3A_241 : vector<16xf32>
        %parallel_loop3A_243 = arith.ori %parallel_loop3A_226, %parallel_loop3A_242 : vector<16xi1>
        scf.yield %parallel_loop3A_243 : vector<16xi1>
      } {sc.loop_unroll_factor = 8 : i64, sc.parallel_access}
      %reduce_or3A = arith.constant 1.000000e+00 : f32
      %reduce_or3A_172 = arith.constant 0.000000e+00 : f32
      %reduce_or3A_173 = vector.broadcast %reduce_or3A : f32 to vector<16xf32>
      %reduce_or3A_174 = vector.broadcast %reduce_or3A_172 : f32 to vector<16xf32>
      %reduce_or3A_175 = arith.select %parallel_loop3A_171, %reduce_or3A_173, %reduce_or3A_174 : vector<16xi1>, vector<16xf32>
      %reduce_or3A_176 = arith.constant true
      %reduce_or3A_177 = vector.broadcast %reduce_or3A_176 : i1 to vector<16xi1>
      %reduce_or3A_178 = tpu.scan <max>, %reduce_or3A_175 masked %reduce_or3A_177 : vector<16xf32>, vector<16xi1> -> vector<16xf32>
      %reduce_or3A_179 = vector.extract %reduce_or3A_178[15] : f32 from vector<16xf32>
      %reduce_or3A_180 = arith.constant 0.000000e+00 : f32
      %reduce_or3A_181 = arith.cmpf ogt, %reduce_or3A_179, %reduce_or3A_180 : f32
      %while3A = scf.while (%while3A_225 = %reduce_or3A_181) : (i1) -> i1 {
        scf.condition(%while3A_225) %while3A_225 : i1
      } do {
      ^bb0(%while3A_225: i1):
        %parallel_loop3A_226 = arith.constant 0 : i32
        %parallel_loop3A_227 = arith.constant 125 : i32
        %parallel_loop3A_228 = arith.constant 1 : i32
        scf.for %parallel_loop3A_246 = %parallel_loop3A_226 to %parallel_loop3A_227 step %parallel_loop3A_228  : i32 {
          %parallel_loop3A_247 = arith.constant 16 : i32
          %parallel_loop3A_248 = arith.muli %parallel_loop3A_246, %parallel_loop3A_247 : i32
          %parallel_loop3A_249 = arith.index_cast %parallel_loop3A_248 : i32 to index
          %parallel_loop3A_250 = tpu.vector_load %arg14[%parallel_loop3A_249] {strides = array<i32>} : memref<2000xi32, #tpu.memory_space<vmem>>, vector<16xi32>,
          %parallel_loop3A_251 = arith.constant 65535 : i32
          %parallel_loop3A_252 = vector.broadcast %parallel_loop3A_251 : i32 to vector<16xi32>
          %parallel_loop3A_253 = arith.andi %parallel_loop3A_250, %parallel_loop3A_252 : vector<16xi32>
          %parallel_loop3A_254 = arith.constant 16 : i32
          %parallel_loop3A_255 = vector.broadcast %parallel_loop3A_254 : i32 to vector<16xi32>
          %parallel_loop3A_256 = arith.shrui %parallel_loop3A_250, %parallel_loop3A_255 : vector<16xi32>
          %parallel_loop3A_257 = tpu.vector_load_idx %arg12[%parallel_loop3A_253] : memref<50000xf32, #tpu.memory_space<vmem>>[vector<16xi32>], vector<16xf32>,
          %parallel_loop3A_258 = arith.index_cast %parallel_loop3A_248 : i32 to index
          %parallel_loop3A_259 = tpu.vector_load %arg16[%parallel_loop3A_258] {strides = array<i32>} : memref<2000xf32, #tpu.memory_space<vmem>>, vector<16xf32>,
          %parallel_loop3A_260 = arith.addf %parallel_loop3A_257, %parallel_loop3A_259 : vector<16xf32>
          %parallel_loop3A_261 = tpu.vector_load_idx %arg13[%parallel_loop3A_256] : memref<50000xf32, #tpu.memory_space<vmem>>[vector<16xi32>], vector<16xf32>,
          %parallel_loop3A_262 = arith.cmpf ogt, %parallel_loop3A_260, %parallel_loop3A_261 : vector<16xf32>
          tpu.vector_store_idx %arg13[%parallel_loop3A_256], %parallel_loop3A_260 masked %parallel_loop3A_262 : memref<50000xf32, #tpu.memory_space<vmem>>[vector<16xi32>], vector<16xf32>, vector<16xi1>
        } {sc.loop_unroll_factor = 8 : i64, sc.parallel_access}
        %broadcast_in_dim3A_229 = arith.constant false
        %broadcast_in_dim3A_230 = vector.broadcast %broadcast_in_dim3A_229 : i1 to vector<16xi1>
        %parallel_loop3A_231 = arith.constant 0 : i32
        %parallel_loop3A_232 = arith.constant 125 : i32
        %parallel_loop3A_233 = arith.constant 1 : i32
        %parallel_loop3A_234 = scf.for %parallel_loop3A_246 = %parallel_loop3A_231 to %parallel_loop3A_232 step %parallel_loop3A_233 iter_args(%parallel_loop3A_247 = %broadcast_in_dim3A_230) -> (vector<16xi1>)  : i32 {
          %parallel_loop3A_248 = arith.constant 16 : i32
          %parallel_loop3A_249 = arith.muli %parallel_loop3A_246, %parallel_loop3A_248 : i32
          %parallel_loop3A_250 = arith.index_cast %parallel_loop3A_249 : i32 to index
          %parallel_loop3A_251 = tpu.vector_load %arg14[%parallel_loop3A_250] {strides = array<i32>} : memref<2000xi32, #tpu.memory_space<vmem>>, vector<16xi32>,
          %parallel_loop3A_252 = arith.constant 65535 : i32
          %parallel_loop3A_253 = vector.broadcast %parallel_loop3A_252 : i32 to vector<16xi32>
          %parallel_loop3A_254 = arith.andi %parallel_loop3A_251, %parallel_loop3A_253 : vector<16xi32>
          %parallel_loop3A_255 = arith.constant 16 : i32
          %parallel_loop3A_256 = vector.broadcast %parallel_loop3A_255 : i32 to vector<16xi32>
          %parallel_loop3A_257 = arith.shrui %parallel_loop3A_251, %parallel_loop3A_256 : vector<16xi32>
          %parallel_loop3A_258 = tpu.vector_load_idx %arg12[%parallel_loop3A_254] : memref<50000xf32, #tpu.memory_space<vmem>>[vector<16xi32>], vector<16xf32>,
          %parallel_loop3A_259 = arith.index_cast %parallel_loop3A_249 : i32 to index
          %parallel_loop3A_260 = tpu.vector_load %arg16[%parallel_loop3A_259] {strides = array<i32>} : memref<2000xf32, #tpu.memory_space<vmem>>, vector<16xf32>,
          %parallel_loop3A_261 = arith.addf %parallel_loop3A_258, %parallel_loop3A_260 : vector<16xf32>
          %parallel_loop3A_262 = tpu.vector_load_idx %arg13[%parallel_loop3A_257] : memref<50000xf32, #tpu.memory_space<vmem>>[vector<16xi32>], vector<16xf32>,
          %parallel_loop3A_263 = arith.cmpf ogt, %parallel_loop3A_261, %parallel_loop3A_262 : vector<16xf32>
          %parallel_loop3A_264 = arith.ori %parallel_loop3A_247, %parallel_loop3A_263 : vector<16xi1>
          scf.yield %parallel_loop3A_264 : vector<16xi1>
        } {sc.loop_unroll_factor = 8 : i64, sc.parallel_access}
        %reduce_or3A_235 = arith.constant 1.000000e+00 : f32
        %reduce_or3A_236 = arith.constant 0.000000e+00 : f32
        %reduce_or3A_237 = vector.broadcast %reduce_or3A_235 : f32 to vector<16xf32>
        %reduce_or3A_238 = vector.broadcast %reduce_or3A_236 : f32 to vector<16xf32>
        %reduce_or3A_239 = arith.select %parallel_loop3A_234, %reduce_or3A_237, %reduce_or3A_238 : vector<16xi1>, vector<16xf32>
        %reduce_or3A_240 = arith.constant true
        %reduce_or3A_241 = vector.broadcast %reduce_or3A_240 : i1 to vector<16xi1>
        %reduce_or3A_242 = tpu.scan <max>, %reduce_or3A_239 masked %reduce_or3A_241 : vector<16xf32>, vector<16xi1> -> vector<16xf32>
        %reduce_or3A_243 = vector.extract %reduce_or3A_242[15] : f32 from vector<16xf32>
        %reduce_or3A_244 = arith.constant 0.000000e+00 : f32
        %reduce_or3A_245 = arith.cmpf ogt, %reduce_or3A_243, %reduce_or3A_244 : f32
        scf.yield %reduce_or3A_245 : i1
      }
      %add3A_182 = arith.constant 1 : i32
      %add3A_183 = arith.addi %add3A_142, %add3A_182 : i32
      %add3A_184 = arith.constant 1 : i32
      %add3A_185 = arith.addi %add3A_183, %add3A_184 : i32
      %lt3A_186 = arith.constant 100 : i32
      %lt3A_187 = arith.cmpi slt, %add3A_185, %lt3A_186 : i32
      %convert_element_type3A_188 = arith.extui %lt3A_187 : i1 to i32
      %cond3A_189 = arith.constant 0 : i32
      %cond3A_190 = arith.cmpi ne, %convert_element_type3A_188, %cond3A_189 : i32
      scf.if %cond3A_190 {
        %add3A_225 = arith.constant 1 : i32
        %add3A_226 = arith.addi %add3A_183, %add3A_225 : i32
        %mul3A_227 = arith.constant 2000 : i32
        %mul3A_228 = arith.muli %add3A_226, %mul3A_227 : i32
        %add3A_229 = arith.addi %mul3A_32, %mul3A_228 : i32
        %dma_start3A_230 = arith.constant 0 : i32
        %dma_start3A_231 = tpu.memref_slice %arg6[%add3A_229] : memref<1600000xi32, #tpu.memory_space<hbm>> -> memref<2000xi32, #tpu.memory_space<hbm>>
        %dma_start3A_232 = tpu.memref_slice %arg18[%dma_start3A_230] : memref<2x!tpu.dma_semaphore, #tpu.memory_space<semaphore_mem>> -> memref<1x!tpu.dma_semaphore, #tpu.memory_space<semaphore_mem>>
        %dma_start3A_233 = tpu.memref_squeeze %dma_start3A_232 : memref<1x!tpu.dma_semaphore, #tpu.memory_space<semaphore_mem>> -> memref<!tpu.dma_semaphore, #tpu.memory_space<semaphore_mem>>
        %dma_start3A_234 = tpu.memref_slice %arg6[%add3A_229] : memref<1600000xi32, #tpu.memory_space<hbm>> -> memref<2000xi32, #tpu.memory_space<hbm>>
        tpu.enqueue_dma source(%dma_start3A_234 : memref<2000xi32, #tpu.memory_space<hbm>>) target(%arg14 : memref<2000xi32, #tpu.memory_space<vmem>>) target_semaphore(%dma_start3A_233 : memref<!tpu.dma_semaphore, #tpu.memory_space<semaphore_mem>>)
        %eq3A_235 = arith.constant 0 : i32
        %eq3A_236 = arith.cmpi eq, %select_n3A, %eq3A_235 : i32
        %convert_element_type3A_237 = arith.extui %eq3A_236 : i1 to i32
        %cond3A_238 = arith.constant 0 : i32
        %cond3A_239 = arith.cmpi ne, %convert_element_type3A_237, %cond3A_238 : i32
        scf.if %cond3A_239 {
          %dma_start3A_255 = arith.constant 0 : i32
          %dma_start3A_256 = tpu.memref_slice %arg7[%add3A_229] : memref<1600000xf32, #tpu.memory_space<hbm>> -> memref<2000xf32, #tpu.memory_space<hbm>>
          %dma_start3A_257 = tpu.memref_slice %arg18[%dma_start3A_255] : memref<2x!tpu.dma_semaphore, #tpu.memory_space<semaphore_mem>> -> memref<1x!tpu.dma_semaphore, #tpu.memory_space<semaphore_mem>>
          %dma_start3A_258 = tpu.memref_squeeze %dma_start3A_257 : memref<1x!tpu.dma_semaphore, #tpu.memory_space<semaphore_mem>> -> memref<!tpu.dma_semaphore, #tpu.memory_space<semaphore_mem>>
          %dma_start3A_259 = tpu.memref_slice %arg7[%add3A_229] : memref<1600000xf32, #tpu.memory_space<hbm>> -> memref<2000xf32, #tpu.memory_space<hbm>>
          tpu.enqueue_dma source(%dma_start3A_259 : memref<2000xf32, #tpu.memory_space<hbm>>) target(%arg16 : memref<2000xf32, #tpu.memory_space<vmem>>) target_semaphore(%dma_start3A_258 : memref<!tpu.dma_semaphore, #tpu.memory_space<semaphore_mem>>)
        } else {
        }
        %eq3A_240 = arith.constant 1 : i32
        %eq3A_241 = arith.cmpi eq, %select_n3A, %eq3A_240 : i32
        %convert_element_type3A_242 = arith.extui %eq3A_241 : i1 to i32
        %cond3A_243 = arith.constant 0 : i32
        %cond3A_244 = arith.cmpi ne, %convert_element_type3A_242, %cond3A_243 : i32
        scf.if %cond3A_244 {
          %dma_start3A_255 = arith.constant 0 : i32
          %dma_start3A_256 = tpu.memref_slice %arg8[%add3A_229] : memref<1600000xf32, #tpu.memory_space<hbm>> -> memref<2000xf32, #tpu.memory_space<hbm>>
          %dma_start3A_257 = tpu.memref_slice %arg18[%dma_start3A_255] : memref<2x!tpu.dma_semaphore, #tpu.memory_space<semaphore_mem>> -> memref<1x!tpu.dma_semaphore, #tpu.memory_space<semaphore_mem>>
          %dma_start3A_258 = tpu.memref_squeeze %dma_start3A_257 : memref<1x!tpu.dma_semaphore, #tpu.memory_space<semaphore_mem>> -> memref<!tpu.dma_semaphore, #tpu.memory_space<semaphore_mem>>
          %dma_start3A_259 = tpu.memref_slice %arg8[%add3A_229] : memref<1600000xf32, #tpu.memory_space<hbm>> -> memref<2000xf32, #tpu.memory_space<hbm>>
          tpu.enqueue_dma source(%dma_start3A_259 : memref<2000xf32, #tpu.memory_space<hbm>>) target(%arg16 : memref<2000xf32, #tpu.memory_space<vmem>>) target_semaphore(%dma_start3A_258 : memref<!tpu.dma_semaphore, #tpu.memory_space<semaphore_mem>>)
        } else {
        }
        %eq3A_245 = arith.constant 2 : i32
        %eq3A_246 = arith.cmpi eq, %select_n3A, %eq3A_245 : i32
        %convert_element_type3A_247 = arith.extui %eq3A_246 : i1 to i32
        %cond3A_248 = arith.constant 0 : i32
        %cond3A_249 = arith.cmpi ne, %convert_element_type3A_247, %cond3A_248 : i32
        scf.if %cond3A_249 {
          %dma_start3A_255 = arith.constant 0 : i32
          %dma_start3A_256 = tpu.memref_slice %arg9[%add3A_229] : memref<1600000xf32, #tpu.memory_space<hbm>> -> memref<2000xf32, #tpu.memory_space<hbm>>
          %dma_start3A_257 = tpu.memref_slice %arg18[%dma_start3A_255] : memref<2x!tpu.dma_semaphore, #tpu.memory_space<semaphore_mem>> -> memref<1x!tpu.dma_semaphore, #tpu.memory_space<semaphore_mem>>
          %dma_start3A_258 = tpu.memref_squeeze %dma_start3A_257 : memref<1x!tpu.dma_semaphore, #tpu.memory_space<semaphore_mem>> -> memref<!tpu.dma_semaphore, #tpu.memory_space<semaphore_mem>>
          %dma_start3A_259 = tpu.memref_slice %arg9[%add3A_229] : memref<1600000xf32, #tpu.memory_space<hbm>> -> memref<2000xf32, #tpu.memory_space<hbm>>
          tpu.enqueue_dma source(%dma_start3A_259 : memref<2000xf32, #tpu.memory_space<hbm>>) target(%arg16 : memref<2000xf32, #tpu.memory_space<vmem>>) target_semaphore(%dma_start3A_258 : memref<!tpu.dma_semaphore, #tpu.memory_space<semaphore_mem>>)
        } else {
        }
        %eq3A_250 = arith.constant 3 : i32
        %eq3A_251 = arith.cmpi eq, %select_n3A, %eq3A_250 : i32
        %convert_element_type3A_252 = arith.extui %eq3A_251 : i1 to i32
        %cond3A_253 = arith.constant 0 : i32
        %cond3A_254 = arith.cmpi ne, %convert_element_type3A_252, %cond3A_253 : i32
        scf.if %cond3A_254 {
          %dma_start3A_255 = arith.constant 0 : i32
          %dma_start3A_256 = tpu.memref_slice %arg10[%add3A_229] : memref<1600000xf32, #tpu.memory_space<hbm>> -> memref<2000xf32, #tpu.memory_space<hbm>>
          %dma_start3A_257 = tpu.memref_slice %arg18[%dma_start3A_255] : memref<2x!tpu.dma_semaphore, #tpu.memory_space<semaphore_mem>> -> memref<1x!tpu.dma_semaphore, #tpu.memory_space<semaphore_mem>>
          %dma_start3A_258 = tpu.memref_squeeze %dma_start3A_257 : memref<1x!tpu.dma_semaphore, #tpu.memory_space<semaphore_mem>> -> memref<!tpu.dma_semaphore, #tpu.memory_space<semaphore_mem>>
          %dma_start3A_259 = tpu.memref_slice %arg10[%add3A_229] : memref<1600000xf32, #tpu.memory_space<hbm>> -> memref<2000xf32, #tpu.memory_space<hbm>>
          tpu.enqueue_dma source(%dma_start3A_259 : memref<2000xf32, #tpu.memory_space<hbm>>) target(%arg16 : memref<2000xf32, #tpu.memory_space<vmem>>) target_semaphore(%dma_start3A_258 : memref<!tpu.dma_semaphore, #tpu.memory_space<semaphore_mem>>)
        } else {
        }
      } else {
      }
      %mul3A_191 = arith.constant 2000 : i32
      %mul3A_192 = arith.muli %add3A_183, %mul3A_191 : i32
      %add3A_193 = arith.addi %mul3A_32, %mul3A_192 : i32
      %dma_wait3A_194 = arith.constant 1 : i32
      %dma_wait3A_195 = tpu.memref_slice %arg6[%add3A_193] : memref<1600000xi32, #tpu.memory_space<hbm>> -> memref<2000xi32, #tpu.memory_space<hbm>>
      %dma_wait3A_196 = tpu.memref_slice %arg18[%dma_wait3A_194] : memref<2x!tpu.dma_semaphore, #tpu.memory_space<semaphore_mem>> -> memref<1x!tpu.dma_semaphore, #tpu.memory_space<semaphore_mem>>
      %dma_wait3A_197 = tpu.memref_squeeze %dma_wait3A_196 : memref<1x!tpu.dma_semaphore, #tpu.memory_space<semaphore_mem>> -> memref<!tpu.dma_semaphore, #tpu.memory_space<semaphore_mem>>
      %dma_wait3A_198 = tpu.memref_slice %arg6[%add3A_193] : memref<1600000xi32, #tpu.memory_space<hbm>> -> memref<2000xi32, #tpu.memory_space<hbm>>
      tpu.wait_dma2 semaphore(%dma_wait3A_197 : memref<!tpu.dma_semaphore, #tpu.memory_space<semaphore_mem>>) src(%dma_wait3A_198 : memref<2000xi32, #tpu.memory_space<hbm>>) dst(%arg15 : memref<2000xi32, #tpu.memory_space<vmem>>)
      %dma_wait3A_199 = arith.constant 1 : i32
      %dma_wait3A_200 = tpu.memref_slice %arg7[%add3A_193] : memref<1600000xf32, #tpu.memory_space<hbm>> -> memref<2000xf32, #tpu.memory_space<hbm>>
      %dma_wait3A_201 = tpu.memref_slice %arg18[%dma_wait3A_199] : memref<2x!tpu.dma_semaphore, #tpu.memory_space<semaphore_mem>> -> memref<1x!tpu.dma_semaphore, #tpu.memory_space<semaphore_mem>>
      %dma_wait3A_202 = tpu.memref_squeeze %dma_wait3A_201 : memref<1x!tpu.dma_semaphore, #tpu.memory_space<semaphore_mem>> -> memref<!tpu.dma_semaphore, #tpu.memory_space<semaphore_mem>>
      %dma_wait3A_203 = tpu.memref_slice %arg7[%add3A_193] : memref<1600000xf32, #tpu.memory_space<hbm>> -> memref<2000xf32, #tpu.memory_space<hbm>>
      tpu.wait_dma2 semaphore(%dma_wait3A_202 : memref<!tpu.dma_semaphore, #tpu.memory_space<semaphore_mem>>) src(%dma_wait3A_203 : memref<2000xf32, #tpu.memory_space<hbm>>) dst(%arg17 : memref<2000xf32, #tpu.memory_space<vmem>>)
      %parallel_loop3A_204 = arith.constant 0 : i32
      %parallel_loop3A_205 = arith.constant 125 : i32
      %parallel_loop3A_206 = arith.constant 1 : i32
      scf.for %parallel_loop3A_225 = %parallel_loop3A_204 to %parallel_loop3A_205 step %parallel_loop3A_206  : i32 {
        %parallel_loop3A_226 = arith.constant 16 : i32
        %parallel_loop3A_227 = arith.muli %parallel_loop3A_225, %parallel_loop3A_226 : i32
        %parallel_loop3A_228 = arith.index_cast %parallel_loop3A_227 : i32 to index
        %parallel_loop3A_229 = tpu.vector_load %arg15[%parallel_loop3A_228] {strides = array<i32>} : memref<2000xi32, #tpu.memory_space<vmem>>, vector<16xi32>,
        %parallel_loop3A_230 = arith.constant 65535 : i32
        %parallel_loop3A_231 = vector.broadcast %parallel_loop3A_230 : i32 to vector<16xi32>
        %parallel_loop3A_232 = arith.andi %parallel_loop3A_229, %parallel_loop3A_231 : vector<16xi32>
        %parallel_loop3A_233 = arith.constant 16 : i32
        %parallel_loop3A_234 = vector.broadcast %parallel_loop3A_233 : i32 to vector<16xi32>
        %parallel_loop3A_235 = arith.shrui %parallel_loop3A_229, %parallel_loop3A_234 : vector<16xi32>
        %parallel_loop3A_236 = tpu.vector_load_idx %arg12[%parallel_loop3A_232] : memref<50000xf32, #tpu.memory_space<vmem>>[vector<16xi32>], vector<16xf32>,
        %parallel_loop3A_237 = arith.index_cast %parallel_loop3A_227 : i32 to index
        %parallel_loop3A_238 = tpu.vector_load %arg17[%parallel_loop3A_237] {strides = array<i32>} : memref<2000xf32, #tpu.memory_space<vmem>>, vector<16xf32>,
        %parallel_loop3A_239 = arith.addf %parallel_loop3A_236, %parallel_loop3A_238 : vector<16xf32>
        %parallel_loop3A_240 = tpu.vector_load_idx %arg13[%parallel_loop3A_235] : memref<50000xf32, #tpu.memory_space<vmem>>[vector<16xi32>], vector<16xf32>,
        %parallel_loop3A_241 = arith.cmpf ogt, %parallel_loop3A_239, %parallel_loop3A_240 : vector<16xf32>
        tpu.vector_store_idx %arg13[%parallel_loop3A_235], %parallel_loop3A_239 masked %parallel_loop3A_241 : memref<50000xf32, #tpu.memory_space<vmem>>[vector<16xi32>], vector<16xf32>, vector<16xi1>
      } {sc.loop_unroll_factor = 8 : i64, sc.parallel_access}
      %broadcast_in_dim3A_207 = arith.constant false
      %broadcast_in_dim3A_208 = vector.broadcast %broadcast_in_dim3A_207 : i1 to vector<16xi1>
      %parallel_loop3A_209 = arith.constant 0 : i32
      %parallel_loop3A_210 = arith.constant 125 : i32
      %parallel_loop3A_211 = arith.constant 1 : i32
      %parallel_loop3A_212 = scf.for %parallel_loop3A_225 = %parallel_loop3A_209 to %parallel_loop3A_210 step %parallel_loop3A_211 iter_args(%parallel_loop3A_226 = %broadcast_in_dim3A_208) -> (vector<16xi1>)  : i32 {
        %parallel_loop3A_227 = arith.constant 16 : i32
        %parallel_loop3A_228 = arith.muli %parallel_loop3A_225, %parallel_loop3A_227 : i32
        %parallel_loop3A_229 = arith.index_cast %parallel_loop3A_228 : i32 to index
        %parallel_loop3A_230 = tpu.vector_load %arg15[%parallel_loop3A_229] {strides = array<i32>} : memref<2000xi32, #tpu.memory_space<vmem>>, vector<16xi32>,
        %parallel_loop3A_231 = arith.constant 65535 : i32
        %parallel_loop3A_232 = vector.broadcast %parallel_loop3A_231 : i32 to vector<16xi32>
        %parallel_loop3A_233 = arith.andi %parallel_loop3A_230, %parallel_loop3A_232 : vector<16xi32>
        %parallel_loop3A_234 = arith.constant 16 : i32
        %parallel_loop3A_235 = vector.broadcast %parallel_loop3A_234 : i32 to vector<16xi32>
        %parallel_loop3A_236 = arith.shrui %parallel_loop3A_230, %parallel_loop3A_235 : vector<16xi32>
        %parallel_loop3A_237 = tpu.vector_load_idx %arg12[%parallel_loop3A_233] : memref<50000xf32, #tpu.memory_space<vmem>>[vector<16xi32>], vector<16xf32>,
        %parallel_loop3A_238 = arith.index_cast %parallel_loop3A_228 : i32 to index
        %parallel_loop3A_239 = tpu.vector_load %arg17[%parallel_loop3A_238] {strides = array<i32>} : memref<2000xf32, #tpu.memory_space<vmem>>, vector<16xf32>,
        %parallel_loop3A_240 = arith.addf %parallel_loop3A_237, %parallel_loop3A_239 : vector<16xf32>
        %parallel_loop3A_241 = tpu.vector_load_idx %arg13[%parallel_loop3A_236] : memref<50000xf32, #tpu.memory_space<vmem>>[vector<16xi32>], vector<16xf32>,
        %parallel_loop3A_242 = arith.cmpf ogt, %parallel_loop3A_240, %parallel_loop3A_241 : vector<16xf32>
        %parallel_loop3A_243 = arith.ori %parallel_loop3A_226, %parallel_loop3A_242 : vector<16xi1>
        scf.yield %parallel_loop3A_243 : vector<16xi1>
      } {sc.loop_unroll_factor = 8 : i64, sc.parallel_access}
      %reduce_or3A_213 = arith.constant 1.000000e+00 : f32
      %reduce_or3A_214 = arith.constant 0.000000e+00 : f32
      %reduce_or3A_215 = vector.broadcast %reduce_or3A_213 : f32 to vector<16xf32>
      %reduce_or3A_216 = vector.broadcast %reduce_or3A_214 : f32 to vector<16xf32>
      %reduce_or3A_217 = arith.select %parallel_loop3A_212, %reduce_or3A_215, %reduce_or3A_216 : vector<16xi1>, vector<16xf32>
      %reduce_or3A_218 = arith.constant true
      %reduce_or3A_219 = vector.broadcast %reduce_or3A_218 : i1 to vector<16xi1>
      %reduce_or3A_220 = tpu.scan <max>, %reduce_or3A_217 masked %reduce_or3A_219 : vector<16xf32>, vector<16xi1> -> vector<16xf32>
      %reduce_or3A_221 = vector.extract %reduce_or3A_220[15] : f32 from vector<16xf32>
      %reduce_or3A_222 = arith.constant 0.000000e+00 : f32
      %reduce_or3A_223 = arith.cmpf ogt, %reduce_or3A_221, %reduce_or3A_222 : f32
      %while3A_224 = scf.while (%while3A_225 = %reduce_or3A_223) : (i1) -> i1 {
        scf.condition(%while3A_225) %while3A_225 : i1
      } do {
      ^bb0(%while3A_225: i1):
        %parallel_loop3A_226 = arith.constant 0 : i32
        %parallel_loop3A_227 = arith.constant 125 : i32
        %parallel_loop3A_228 = arith.constant 1 : i32
        scf.for %parallel_loop3A_246 = %parallel_loop3A_226 to %parallel_loop3A_227 step %parallel_loop3A_228  : i32 {
          %parallel_loop3A_247 = arith.constant 16 : i32
          %parallel_loop3A_248 = arith.muli %parallel_loop3A_246, %parallel_loop3A_247 : i32
          %parallel_loop3A_249 = arith.index_cast %parallel_loop3A_248 : i32 to index
          %parallel_loop3A_250 = tpu.vector_load %arg15[%parallel_loop3A_249] {strides = array<i32>} : memref<2000xi32, #tpu.memory_space<vmem>>, vector<16xi32>,
          %parallel_loop3A_251 = arith.constant 65535 : i32
          %parallel_loop3A_252 = vector.broadcast %parallel_loop3A_251 : i32 to vector<16xi32>
          %parallel_loop3A_253 = arith.andi %parallel_loop3A_250, %parallel_loop3A_252 : vector<16xi32>
          %parallel_loop3A_254 = arith.constant 16 : i32
          %parallel_loop3A_255 = vector.broadcast %parallel_loop3A_254 : i32 to vector<16xi32>
          %parallel_loop3A_256 = arith.shrui %parallel_loop3A_250, %parallel_loop3A_255 : vector<16xi32>
          %parallel_loop3A_257 = tpu.vector_load_idx %arg12[%parallel_loop3A_253] : memref<50000xf32, #tpu.memory_space<vmem>>[vector<16xi32>], vector<16xf32>,
          %parallel_loop3A_258 = arith.index_cast %parallel_loop3A_248 : i32 to index
          %parallel_loop3A_259 = tpu.vector_load %arg17[%parallel_loop3A_258] {strides = array<i32>} : memref<2000xf32, #tpu.memory_space<vmem>>, vector<16xf32>,
          %parallel_loop3A_260 = arith.addf %parallel_loop3A_257, %parallel_loop3A_259 : vector<16xf32>
          %parallel_loop3A_261 = tpu.vector_load_idx %arg13[%parallel_loop3A_256] : memref<50000xf32, #tpu.memory_space<vmem>>[vector<16xi32>], vector<16xf32>,
          %parallel_loop3A_262 = arith.cmpf ogt, %parallel_loop3A_260, %parallel_loop3A_261 : vector<16xf32>
          tpu.vector_store_idx %arg13[%parallel_loop3A_256], %parallel_loop3A_260 masked %parallel_loop3A_262 : memref<50000xf32, #tpu.memory_space<vmem>>[vector<16xi32>], vector<16xf32>, vector<16xi1>
        } {sc.loop_unroll_factor = 8 : i64, sc.parallel_access}
        %broadcast_in_dim3A_229 = arith.constant false
        %broadcast_in_dim3A_230 = vector.broadcast %broadcast_in_dim3A_229 : i1 to vector<16xi1>
        %parallel_loop3A_231 = arith.constant 0 : i32
        %parallel_loop3A_232 = arith.constant 125 : i32
        %parallel_loop3A_233 = arith.constant 1 : i32
        %parallel_loop3A_234 = scf.for %parallel_loop3A_246 = %parallel_loop3A_231 to %parallel_loop3A_232 step %parallel_loop3A_233 iter_args(%parallel_loop3A_247 = %broadcast_in_dim3A_230) -> (vector<16xi1>)  : i32 {
          %parallel_loop3A_248 = arith.constant 16 : i32
          %parallel_loop3A_249 = arith.muli %parallel_loop3A_246, %parallel_loop3A_248 : i32
          %parallel_loop3A_250 = arith.index_cast %parallel_loop3A_249 : i32 to index
          %parallel_loop3A_251 = tpu.vector_load %arg15[%parallel_loop3A_250] {strides = array<i32>} : memref<2000xi32, #tpu.memory_space<vmem>>, vector<16xi32>,
          %parallel_loop3A_252 = arith.constant 65535 : i32
          %parallel_loop3A_253 = vector.broadcast %parallel_loop3A_252 : i32 to vector<16xi32>
          %parallel_loop3A_254 = arith.andi %parallel_loop3A_251, %parallel_loop3A_253 : vector<16xi32>
          %parallel_loop3A_255 = arith.constant 16 : i32
          %parallel_loop3A_256 = vector.broadcast %parallel_loop3A_255 : i32 to vector<16xi32>
          %parallel_loop3A_257 = arith.shrui %parallel_loop3A_251, %parallel_loop3A_256 : vector<16xi32>
          %parallel_loop3A_258 = tpu.vector_load_idx %arg12[%parallel_loop3A_254] : memref<50000xf32, #tpu.memory_space<vmem>>[vector<16xi32>], vector<16xf32>,
          %parallel_loop3A_259 = arith.index_cast %parallel_loop3A_249 : i32 to index
          %parallel_loop3A_260 = tpu.vector_load %arg17[%parallel_loop3A_259] {strides = array<i32>} : memref<2000xf32, #tpu.memory_space<vmem>>, vector<16xf32>,
          %parallel_loop3A_261 = arith.addf %parallel_loop3A_258, %parallel_loop3A_260 : vector<16xf32>
          %parallel_loop3A_262 = tpu.vector_load_idx %arg13[%parallel_loop3A_257] : memref<50000xf32, #tpu.memory_space<vmem>>[vector<16xi32>], vector<16xf32>,
          %parallel_loop3A_263 = arith.cmpf ogt, %parallel_loop3A_261, %parallel_loop3A_262 : vector<16xf32>
          %parallel_loop3A_264 = arith.ori %parallel_loop3A_247, %parallel_loop3A_263 : vector<16xi1>
          scf.yield %parallel_loop3A_264 : vector<16xi1>
        } {sc.loop_unroll_factor = 8 : i64, sc.parallel_access}
        %reduce_or3A_235 = arith.constant 1.000000e+00 : f32
        %reduce_or3A_236 = arith.constant 0.000000e+00 : f32
        %reduce_or3A_237 = vector.broadcast %reduce_or3A_235 : f32 to vector<16xf32>
        %reduce_or3A_238 = vector.broadcast %reduce_or3A_236 : f32 to vector<16xf32>
        %reduce_or3A_239 = arith.select %parallel_loop3A_234, %reduce_or3A_237, %reduce_or3A_238 : vector<16xi1>, vector<16xf32>
        %reduce_or3A_240 = arith.constant true
        %reduce_or3A_241 = vector.broadcast %reduce_or3A_240 : i1 to vector<16xi1>
        %reduce_or3A_242 = tpu.scan <max>, %reduce_or3A_239 masked %reduce_or3A_241 : vector<16xf32>, vector<16xi1> -> vector<16xf32>
        %reduce_or3A_243 = vector.extract %reduce_or3A_242[15] : f32 from vector<16xf32>
        %reduce_or3A_244 = arith.constant 0.000000e+00 : f32
        %reduce_or3A_245 = arith.cmpf ogt, %reduce_or3A_243, %reduce_or3A_244 : f32
        scf.yield %reduce_or3A_245 : i1
      }
    }
    %scan3A_135 = arith.constant 50 : i32
    %mul3A_136 = arith.constant 50000 : i32
    %mul3A_137 = arith.muli %add3A, %mul3A_136 : i32
    "tpu.region"() ({
      %run_scoped3A = tpu.sem_alloc : memref<!tpu.dma_semaphore, #tpu.memory_space<semaphore_mem>>
      %dma_start3A_138 = tpu.memref_slice %arg11[%mul3A_137] : memref<1600000xf32, #tpu.memory_space<hbm>> -> memref<50000xf32, #tpu.memory_space<hbm>>
      %dma_start3A_139 = tpu.memref_slice %arg11[%mul3A_137] : memref<1600000xf32, #tpu.memory_space<hbm>> -> memref<50000xf32, #tpu.memory_space<hbm>>
      tpu.enqueue_dma source(%arg13 : memref<50000xf32, #tpu.memory_space<vmem>>) target(%dma_start3A_139 : memref<50000xf32, #tpu.memory_space<hbm>>) target_semaphore(%run_scoped3A : memref<!tpu.dma_semaphore, #tpu.memory_space<semaphore_mem>>)
      %dma_wait3A = tpu.memref_slice %arg11[%mul3A_137] : memref<1600000xf32, #tpu.memory_space<hbm>> -> memref<50000xf32, #tpu.memory_space<hbm>>
      %dma_wait3A_140 = tpu.memref_slice %arg11[%mul3A_137] : memref<1600000xf32, #tpu.memory_space<hbm>> -> memref<50000xf32, #tpu.memory_space<hbm>>
      tpu.wait_dma2 semaphore(%run_scoped3A : memref<!tpu.dma_semaphore, #tpu.memory_space<semaphore_mem>>) src(%arg13 : memref<50000xf32, #tpu.memory_space<vmem>>) dst(%dma_wait3A_140 : memref<50000xf32, #tpu.memory_space<hbm>>)
      tpu.yield
    }) : () -> ()
    return
  }
}

#map = affine_map<(d0, d1) -> (0)>
module attributes {stable_mosaic.version = 14 : i64} {
  func.func @_sc_aggregate_body(%arg0: i32, %arg1: i32, %arg2: memref<50000xf32, #tpu.memory_space<hbm>>, %arg3: memref<50000xf32, #tpu.memory_space<hbm>>, %arg4: memref<50000xf32, #tpu.memory_space<hbm>>, %arg5: memref<50000xf32, #tpu.memory_space<hbm>>, %arg6: memref<1600000xi32, #tpu.memory_space<hbm>>, %arg7: memref<1600000xf32, #tpu.memory_space<hbm>>, %arg8: memref<1600000xf32, #tpu.memory_space<hbm>>, %arg9: memref<1600000xf32, #tpu.memory_space<hbm>>, %arg10: memref<1600000xf32, #tpu.memory_space<hbm>>, %arg11: memref<1600000xf32, #tpu.memory_space<hbm>>, %arg12: memref<50000xf32, #tpu.memory_space<vmem>>, %arg13: memref<50000xf32, #tpu.memory_space<vmem>>, %arg14: memref<2000xi32, #tpu.memory_space<vmem>>, %arg15: memref<2000xi32, #tpu.memory_space<vmem>>, %arg16: memref<2000xf32, #tpu.memory_space<vmem>>, %arg17: memref<2000xf32, #tpu.memory_space<vmem>>, %arg18: memref<2x!tpu.dma_semaphore, #tpu.memory_space<semaphore_mem>>) attributes {dimension_semantics = [#tpu.dimension_semantics<core_parallel>, #tpu.dimension_semantics<subcore_parallel>], iteration_bounds = array<i64: 2, 16>, scalar_prefetch = 0 : i64, scratch_operands = 7 : i64, tpu.core_type = #tpu.core_type<sc_vector_subcore>, window_params = [{transform_indices = #map}, {transform_indices = #map}, {transform_indices = #map}, {transform_indices = #map}, {transform_indices = #map}, {transform_indices = #map}, {transform_indices = #map}, {transform_indices = #map}, {transform_indices = #map}, {transform_indices = #map}]} {
    %mul3A = arith.constant 2 : i32
    %mul3A_0 = arith.muli %arg1, %mul3A : i32
    %add3A = arith.addi %mul3A_0, %arg0 : i32
    %jit3A = arith.constant 8 : i32
    %div3A = arith.divsi %add3A, %jit3A : i32
    %sign3A = arith.constant 0 : i32
    %sign3A_1 = arith.cmpi sgt, %add3A, %sign3A : i32
    %sign3A_2 = arith.extui %sign3A_1 : i1 to i32
    %sign3A_3 = arith.constant 0 : i32
    %sign3A_4 = arith.cmpi slt, %add3A, %sign3A_3 : i32
    %sign3A_5 = arith.extui %sign3A_4 : i1 to i32
    %sign3A_6 = arith.subi %sign3A_2, %sign3A_5 : i32
    %sign3A_7 = arith.constant 0 : i32
    %sign3A_8 = arith.cmpi sgt, %jit3A, %sign3A_7 : i32
    %sign3A_9 = arith.extui %sign3A_8 : i1 to i32
    %sign3A_10 = arith.constant 0 : i32
    %sign3A_11 = arith.cmpi slt, %jit3A, %sign3A_10 : i32
    %sign3A_12 = arith.extui %sign3A_11 : i1 to i32
    %sign3A_13 = arith.subi %sign3A_9, %sign3A_12 : i32
    %ne3A = arith.cmpi ne, %sign3A_6, %sign3A_13 : i32
    %rem3A = arith.remsi %add3A, %jit3A : i32
    %ne3A_14 = arith.constant 0 : i32
    %ne3A_15 = arith.cmpi ne, %rem3A, %ne3A_14 : i32
    %and3A = arith.andi %ne3A, %ne3A_15 : i1
    %sub3A = arith.constant 1 : i32
    %sub3A_16 = arith.subi %div3A, %sub3A : i32
    %select_n3A = arith.select %and3A, %sub3A_16, %div3A : i32
    %jit3A_17 = arith.constant 8 : i32
    %eq3A = arith.constant 0 : i32
    %eq3A_18 = arith.cmpi eq, %jit3A_17, %eq3A : i32
    %jit3A_19 = arith.constant 1 : i32
    %select_n3A_20 = arith.select %eq3A_18, %jit3A_19, %jit3A_17 : i32
    %rem3A_21 = arith.remsi %add3A, %select_n3A_20 : i32
    %ne3A_22 = arith.constant 0 : i32
    %ne3A_23 = arith.cmpi ne, %rem3A_21, %ne3A_22 : i32
    %lt3A = arith.constant 0 : i32
    %lt3A_24 = arith.cmpi slt, %rem3A_21, %lt3A : i32
    %lt3A_25 = arith.constant 0 : i32
    %lt3A_26 = arith.cmpi slt, %select_n3A_20, %lt3A_25 : i32
    %ne3A_27 = arith.xori %lt3A_24, %lt3A_26 : i1
    %and3A_28 = arith.andi %ne3A_27, %ne3A_23 : i1
    %add3A_29 = arith.addi %rem3A_21, %select_n3A_20 : i32
    %select_n3A_30 = arith.select %and3A_28, %add3A_29, %rem3A_21 : i32
    %mul3A_31 = arith.constant 200000 : i32
    %mul3A_32 = arith.muli %select_n3A_30, %mul3A_31 : i32
    %eq3A_33 = arith.constant 0 : i32
    %eq3A_34 = arith.cmpi eq, %select_n3A, %eq3A_33 : i32
    %convert_element_type3A = arith.extui %eq3A_34 : i1 to i32
    %cond3A = arith.constant 0 : i32
    %cond3A_35 = arith.cmpi ne, %convert_element_type3A, %cond3A : i32
    scf.if %cond3A_35 {
      "tpu.region"() ({
        %run_scoped3A = tpu.sem_alloc : memref<!tpu.dma_semaphore, #tpu.memory_space<semaphore_mem>>
        tpu.enqueue_dma source(%arg2 : memref<50000xf32, #tpu.memory_space<hbm>>) target(%arg12 : memref<50000xf32, #tpu.memory_space<vmem>>) target_semaphore(%run_scoped3A : memref<!tpu.dma_semaphore, #tpu.memory_space<semaphore_mem>>)
        tpu.wait_dma2 semaphore(%run_scoped3A : memref<!tpu.dma_semaphore, #tpu.memory_space<semaphore_mem>>) src(%arg2 : memref<50000xf32, #tpu.memory_space<hbm>>) dst(%arg12 : memref<50000xf32, #tpu.memory_space<vmem>>)
        tpu.yield
      }) : () -> ()
    } else {
    }
    %eq3A_36 = arith.constant 1 : i32
    %eq3A_37 = arith.cmpi eq, %select_n3A, %eq3A_36 : i32
    %convert_element_type3A_38 = arith.extui %eq3A_37 : i1 to i32
    %cond3A_39 = arith.constant 0 : i32
    %cond3A_40 = arith.cmpi ne, %convert_element_type3A_38, %cond3A_39 : i32
    scf.if %cond3A_40 {
      "tpu.region"() ({
        %run_scoped3A = tpu.sem_alloc : memref<!tpu.dma_semaphore, #tpu.memory_space<semaphore_mem>>
        tpu.enqueue_dma source(%arg3 : memref<50000xf32, #tpu.memory_space<hbm>>) target(%arg12 : memref<50000xf32, #tpu.memory_space<vmem>>) target_semaphore(%run_scoped3A : memref<!tpu.dma_semaphore, #tpu.memory_space<semaphore_mem>>)
        tpu.wait_dma2 semaphore(%run_scoped3A : memref<!tpu.dma_semaphore, #tpu.memory_space<semaphore_mem>>) src(%arg3 : memref<50000xf32, #tpu.memory_space<hbm>>) dst(%arg12 : memref<50000xf32, #tpu.memory_space<vmem>>)
        tpu.yield
      }) : () -> ()
    } else {
    }
    %eq3A_41 = arith.constant 2 : i32
    %eq3A_42 = arith.cmpi eq, %select_n3A, %eq3A_41 : i32
    %convert_element_type3A_43 = arith.extui %eq3A_42 : i1 to i32
    %cond3A_44 = arith.constant 0 : i32
    %cond3A_45 = arith.cmpi ne, %convert_element_type3A_43, %cond3A_44 : i32
    scf.if %cond3A_45 {
      "tpu.region"() ({
        %run_scoped3A = tpu.sem_alloc : memref<!tpu.dma_semaphore, #tpu.memory_space<semaphore_mem>>
        tpu.enqueue_dma source(%arg4 : memref<50000xf32, #tpu.memory_space<hbm>>) target(%arg12 : memref<50000xf32, #tpu.memory_space<vmem>>) target_semaphore(%run_scoped3A : memref<!tpu.dma_semaphore, #tpu.memory_space<semaphore_mem>>)
        tpu.wait_dma2 semaphore(%run_scoped3A : memref<!tpu.dma_semaphore, #tpu.memory_space<semaphore_mem>>) src(%arg4 : memref<50000xf32, #tpu.memory_space<hbm>>) dst(%arg12 : memref<50000xf32, #tpu.memory_space<vmem>>)
        tpu.yield
      }) : () -> ()
    } else {
    }
    %eq3A_46 = arith.constant 3 : i32
    %eq3A_47 = arith.cmpi eq, %select_n3A, %eq3A_46 : i32
    %convert_element_type3A_48 = arith.extui %eq3A_47 : i1 to i32
    %cond3A_49 = arith.constant 0 : i32
    %cond3A_50 = arith.cmpi ne, %convert_element_type3A_48, %cond3A_49 : i32
    scf.if %cond3A_50 {
      "tpu.region"() ({
        %run_scoped3A = tpu.sem_alloc : memref<!tpu.dma_semaphore, #tpu.memory_space<semaphore_mem>>
        tpu.enqueue_dma source(%arg5 : memref<50000xf32, #tpu.memory_space<hbm>>) target(%arg12 : memref<50000xf32, #tpu.memory_space<vmem>>) target_semaphore(%run_scoped3A : memref<!tpu.dma_semaphore, #tpu.memory_space<semaphore_mem>>)
        tpu.wait_dma2 semaphore(%run_scoped3A : memref<!tpu.dma_semaphore, #tpu.memory_space<semaphore_mem>>) src(%arg5 : memref<50000xf32, #tpu.memory_space<hbm>>) dst(%arg12 : memref<50000xf32, #tpu.memory_space<vmem>>)
        tpu.yield
      }) : () -> ()
    } else {
    }
    %broadcast_in_dim3A = arith.constant 0.000000e+00 : f32
    %broadcast_in_dim3A_51 = vector.broadcast %broadcast_in_dim3A : f32 to vector<16xf32>
    %scan3A = arith.constant 0 : i32
    %scan3A_52 = arith.constant 3120 : i32
    %scan3A_53 = arith.addi %scan3A, %scan3A_52 : i32
    %scan3A_54 = arith.constant 8 : i32
    scf.for %scan3A_138 = %scan3A to %scan3A_53 step %scan3A_54  : i32 {
      %mul3A_139 = arith.constant 1 : i32
      %mul3A_140 = arith.muli %scan3A_138, %mul3A_139 : i32
      %add3A_141 = arith.constant 0 : i32
      %add3A_142 = arith.addi %add3A_141, %mul3A_140 : i32
      %mul3A_143 = arith.constant 16 : i32
      %mul3A_144 = arith.muli %add3A_142, %mul3A_143 : i32
      %swap3A_145 = arith.index_cast %mul3A_144 : i32 to index
      %swap3A_146 = tpu.vector_load %arg13[%swap3A_145] {strides = array<i32>} : memref<50000xf32, #tpu.memory_space<vmem>>, vector<16xf32>,
      tpu.vector_store %arg13[%swap3A_145], %broadcast_in_dim3A_51 {strides = array<i32>} : memref<50000xf32, #tpu.memory_space<vmem>>, vector<16xf32>,
      %scan3A_147 = arith.constant 1 : i32
      %scan3A_148 = arith.addi %scan3A_138, %scan3A_147 : i32
      %mul3A_149 = arith.constant 1 : i32
      %mul3A_150 = arith.muli %scan3A_148, %mul3A_149 : i32
      %add3A_151 = arith.constant 0 : i32
      %add3A_152 = arith.addi %add3A_151, %mul3A_150 : i32
      %mul3A_153 = arith.constant 16 : i32
      %mul3A_154 = arith.muli %add3A_152, %mul3A_153 : i32
      %swap3A_155 = arith.index_cast %mul3A_154 : i32 to index
      %swap3A_156 = tpu.vector_load %arg13[%swap3A_155] {strides = array<i32>} : memref<50000xf32, #tpu.memory_space<vmem>>, vector<16xf32>,
      tpu.vector_store %arg13[%swap3A_155], %broadcast_in_dim3A_51 {strides = array<i32>} : memref<50000xf32, #tpu.memory_space<vmem>>, vector<16xf32>,
      %scan3A_157 = arith.constant 2 : i32
      %scan3A_158 = arith.addi %scan3A_138, %scan3A_157 : i32
      %mul3A_159 = arith.constant 1 : i32
      %mul3A_160 = arith.muli %scan3A_158, %mul3A_159 : i32
      %add3A_161 = arith.constant 0 : i32
      %add3A_162 = arith.addi %add3A_161, %mul3A_160 : i32
      %mul3A_163 = arith.constant 16 : i32
      %mul3A_164 = arith.muli %add3A_162, %mul3A_163 : i32
      %swap3A_165 = arith.index_cast %mul3A_164 : i32 to index
      %swap3A_166 = tpu.vector_load %arg13[%swap3A_165] {strides = array<i32>} : memref<50000xf32, #tpu.memory_space<vmem>>, vector<16xf32>,
      tpu.vector_store %arg13[%swap3A_165], %broadcast_in_dim3A_51 {strides = array<i32>} : memref<50000xf32, #tpu.memory_space<vmem>>, vector<16xf32>,
      %scan3A_167 = arith.constant 3 : i32
      %scan3A_168 = arith.addi %scan3A_138, %scan3A_167 : i32
      %mul3A_169 = arith.constant 1 : i32
      %mul3A_170 = arith.muli %scan3A_168, %mul3A_169 : i32
      %add3A_171 = arith.constant 0 : i32
      %add3A_172 = arith.addi %add3A_171, %mul3A_170 : i32
      %mul3A_173 = arith.constant 16 : i32
      %mul3A_174 = arith.muli %add3A_172, %mul3A_173 : i32
      %swap3A_175 = arith.index_cast %mul3A_174 : i32 to index
      %swap3A_176 = tpu.vector_load %arg13[%swap3A_175] {strides = array<i32>} : memref<50000xf32, #tpu.memory_space<vmem>>, vector<16xf32>,
      tpu.vector_store %arg13[%swap3A_175], %broadcast_in_dim3A_51 {strides = array<i32>} : memref<50000xf32, #tpu.memory_space<vmem>>, vector<16xf32>,
      %scan3A_177 = arith.constant 4 : i32
      %scan3A_178 = arith.addi %scan3A_138, %scan3A_177 : i32
      %mul3A_179 = arith.constant 1 : i32
      %mul3A_180 = arith.muli %scan3A_178, %mul3A_179 : i32
      %add3A_181 = arith.constant 0 : i32
      %add3A_182 = arith.addi %add3A_181, %mul3A_180 : i32
      %mul3A_183 = arith.constant 16 : i32
      %mul3A_184 = arith.muli %add3A_182, %mul3A_183 : i32
      %swap3A_185 = arith.index_cast %mul3A_184 : i32 to index
      %swap3A_186 = tpu.vector_load %arg13[%swap3A_185] {strides = array<i32>} : memref<50000xf32, #tpu.memory_space<vmem>>, vector<16xf32>,
      tpu.vector_store %arg13[%swap3A_185], %broadcast_in_dim3A_51 {strides = array<i32>} : memref<50000xf32, #tpu.memory_space<vmem>>, vector<16xf32>,
      %scan3A_187 = arith.constant 5 : i32
      %scan3A_188 = arith.addi %scan3A_138, %scan3A_187 : i32
      %mul3A_189 = arith.constant 1 : i32
      %mul3A_190 = arith.muli %scan3A_188, %mul3A_189 : i32
      %add3A_191 = arith.constant 0 : i32
      %add3A_192 = arith.addi %add3A_191, %mul3A_190 : i32
      %mul3A_193 = arith.constant 16 : i32
      %mul3A_194 = arith.muli %add3A_192, %mul3A_193 : i32
      %swap3A_195 = arith.index_cast %mul3A_194 : i32 to index
      %swap3A_196 = tpu.vector_load %arg13[%swap3A_195] {strides = array<i32>} : memref<50000xf32, #tpu.memory_space<vmem>>, vector<16xf32>,
      tpu.vector_store %arg13[%swap3A_195], %broadcast_in_dim3A_51 {strides = array<i32>} : memref<50000xf32, #tpu.memory_space<vmem>>, vector<16xf32>,
      %scan3A_197 = arith.constant 6 : i32
      %scan3A_198 = arith.addi %scan3A_138, %scan3A_197 : i32
      %mul3A_199 = arith.constant 1 : i32
      %mul3A_200 = arith.muli %scan3A_198, %mul3A_199 : i32
      %add3A_201 = arith.constant 0 : i32
      %add3A_202 = arith.addi %add3A_201, %mul3A_200 : i32
      %mul3A_203 = arith.constant 16 : i32
      %mul3A_204 = arith.muli %add3A_202, %mul3A_203 : i32
      %swap3A_205 = arith.index_cast %mul3A_204 : i32 to index
      %swap3A_206 = tpu.vector_load %arg13[%swap3A_205] {strides = array<i32>} : memref<50000xf32, #tpu.memory_space<vmem>>, vector<16xf32>,
      tpu.vector_store %arg13[%swap3A_205], %broadcast_in_dim3A_51 {strides = array<i32>} : memref<50000xf32, #tpu.memory_space<vmem>>, vector<16xf32>,
      %scan3A_207 = arith.constant 7 : i32
      %scan3A_208 = arith.addi %scan3A_138, %scan3A_207 : i32
      %mul3A_209 = arith.constant 1 : i32
      %mul3A_210 = arith.muli %scan3A_208, %mul3A_209 : i32
      %add3A_211 = arith.constant 0 : i32
      %add3A_212 = arith.addi %add3A_211, %mul3A_210 : i32
      %mul3A_213 = arith.constant 16 : i32
      %mul3A_214 = arith.muli %add3A_212, %mul3A_213 : i32
      %swap3A_215 = arith.index_cast %mul3A_214 : i32 to index
      %swap3A_216 = tpu.vector_load %arg13[%swap3A_215] {strides = array<i32>} : memref<50000xf32, #tpu.memory_space<vmem>>, vector<16xf32>,
      tpu.vector_store %arg13[%swap3A_215], %broadcast_in_dim3A_51 {strides = array<i32>} : memref<50000xf32, #tpu.memory_space<vmem>>, vector<16xf32>,
    }
    %scan3A_55 = arith.constant 3120 : i32
    %scan3A_56 = arith.addi %scan3A, %scan3A_55 : i32
    %mul3A_57 = arith.constant 1 : i32
    %mul3A_58 = arith.muli %scan3A_56, %mul3A_57 : i32
    %add3A_59 = arith.constant 0 : i32
    %add3A_60 = arith.addi %add3A_59, %mul3A_58 : i32
    %mul3A_61 = arith.constant 16 : i32
    %mul3A_62 = arith.muli %add3A_60, %mul3A_61 : i32
    %swap3A = arith.index_cast %mul3A_62 : i32 to index
    %swap3A_63 = tpu.vector_load %arg13[%swap3A] {strides = array<i32>} : memref<50000xf32, #tpu.memory_space<vmem>>, vector<16xf32>,
    tpu.vector_store %arg13[%swap3A], %broadcast_in_dim3A_51 {strides = array<i32>} : memref<50000xf32, #tpu.memory_space<vmem>>, vector<16xf32>,
    %scan3A_64 = arith.constant 3121 : i32
    %scan3A_65 = arith.addi %scan3A, %scan3A_64 : i32
    %mul3A_66 = arith.constant 1 : i32
    %mul3A_67 = arith.muli %scan3A_65, %mul3A_66 : i32
    %add3A_68 = arith.constant 0 : i32
    %add3A_69 = arith.addi %add3A_68, %mul3A_67 : i32
    %mul3A_70 = arith.constant 16 : i32
    %mul3A_71 = arith.muli %add3A_69, %mul3A_70 : i32
    %swap3A_72 = arith.index_cast %mul3A_71 : i32 to index
    %swap3A_73 = tpu.vector_load %arg13[%swap3A_72] {strides = array<i32>} : memref<50000xf32, #tpu.memory_space<vmem>>, vector<16xf32>,
    tpu.vector_store %arg13[%swap3A_72], %broadcast_in_dim3A_51 {strides = array<i32>} : memref<50000xf32, #tpu.memory_space<vmem>>, vector<16xf32>,
    %scan3A_74 = arith.constant 3122 : i32
    %scan3A_75 = arith.addi %scan3A, %scan3A_74 : i32
    %mul3A_76 = arith.constant 1 : i32
    %mul3A_77 = arith.muli %scan3A_75, %mul3A_76 : i32
    %add3A_78 = arith.constant 0 : i32
    %add3A_79 = arith.addi %add3A_78, %mul3A_77 : i32
    %mul3A_80 = arith.constant 16 : i32
    %mul3A_81 = arith.muli %add3A_79, %mul3A_80 : i32
    %swap3A_82 = arith.index_cast %mul3A_81 : i32 to index
    %swap3A_83 = tpu.vector_load %arg13[%swap3A_82] {strides = array<i32>} : memref<50000xf32, #tpu.memory_space<vmem>>, vector<16xf32>,
    tpu.vector_store %arg13[%swap3A_82], %broadcast_in_dim3A_51 {strides = array<i32>} : memref<50000xf32, #tpu.memory_space<vmem>>, vector<16xf32>,
    %scan3A_84 = arith.constant 3123 : i32
    %scan3A_85 = arith.addi %scan3A, %scan3A_84 : i32
    %mul3A_86 = arith.constant 1 : i32
    %mul3A_87 = arith.muli %scan3A_85, %mul3A_86 : i32
    %add3A_88 = arith.constant 0 : i32
    %add3A_89 = arith.addi %add3A_88, %mul3A_87 : i32
    %mul3A_90 = arith.constant 16 : i32
    %mul3A_91 = arith.muli %add3A_89, %mul3A_90 : i32
    %swap3A_92 = arith.index_cast %mul3A_91 : i32 to index
    %swap3A_93 = tpu.vector_load %arg13[%swap3A_92] {strides = array<i32>} : memref<50000xf32, #tpu.memory_space<vmem>>, vector<16xf32>,
    tpu.vector_store %arg13[%swap3A_92], %broadcast_in_dim3A_51 {strides = array<i32>} : memref<50000xf32, #tpu.memory_space<vmem>>, vector<16xf32>,
    %scan3A_94 = arith.constant 3124 : i32
    %scan3A_95 = arith.addi %scan3A, %scan3A_94 : i32
    %mul3A_96 = arith.constant 1 : i32
    %mul3A_97 = arith.muli %scan3A_95, %mul3A_96 : i32
    %add3A_98 = arith.constant 0 : i32
    %add3A_99 = arith.addi %add3A_98, %mul3A_97 : i32
    %mul3A_100 = arith.constant 16 : i32
    %mul3A_101 = arith.muli %add3A_99, %mul3A_100 : i32
    %swap3A_102 = arith.index_cast %mul3A_101 : i32 to index
    %swap3A_103 = tpu.vector_load %arg13[%swap3A_102] {strides = array<i32>} : memref<50000xf32, #tpu.memory_space<vmem>>, vector<16xf32>,
    tpu.vector_store %arg13[%swap3A_102], %broadcast_in_dim3A_51 {strides = array<i32>} : memref<50000xf32, #tpu.memory_space<vmem>>, vector<16xf32>,
    %scan3A_104 = arith.constant 3125 : i32
    %add3A_105 = arith.constant 0 : i32
    %add3A_106 = arith.addi %mul3A_32, %add3A_105 : i32
    %dma_start3A = arith.constant 0 : i32
    %dma_start3A_107 = tpu.memref_slice %arg6[%add3A_106] : memref<1600000xi32, #tpu.memory_space<hbm>> -> memref<2000xi32, #tpu.memory_space<hbm>>
    %dma_start3A_108 = tpu.memref_slice %arg18[%dma_start3A] : memref<2x!tpu.dma_semaphore, #tpu.memory_space<semaphore_mem>> -> memref<1x!tpu.dma_semaphore, #tpu.memory_space<semaphore_mem>>
    %dma_start3A_109 = tpu.memref_squeeze %dma_start3A_108 : memref<1x!tpu.dma_semaphore, #tpu.memory_space<semaphore_mem>> -> memref<!tpu.dma_semaphore, #tpu.memory_space<semaphore_mem>>
    %dma_start3A_110 = tpu.memref_slice %arg6[%add3A_106] : memref<1600000xi32, #tpu.memory_space<hbm>> -> memref<2000xi32, #tpu.memory_space<hbm>>
    tpu.enqueue_dma source(%dma_start3A_110 : memref<2000xi32, #tpu.memory_space<hbm>>) target(%arg14 : memref<2000xi32, #tpu.memory_space<vmem>>) target_semaphore(%dma_start3A_109 : memref<!tpu.dma_semaphore, #tpu.memory_space<semaphore_mem>>)
    %eq3A_111 = arith.constant 0 : i32
    %eq3A_112 = arith.cmpi eq, %select_n3A, %eq3A_111 : i32
    %convert_element_type3A_113 = arith.extui %eq3A_112 : i1 to i32
    %cond3A_114 = arith.constant 0 : i32
    %cond3A_115 = arith.cmpi ne, %convert_element_type3A_113, %cond3A_114 : i32
    scf.if %cond3A_115 {
      %dma_start3A_138 = arith.constant 0 : i32
      %dma_start3A_139 = tpu.memref_slice %arg7[%add3A_106] : memref<1600000xf32, #tpu.memory_space<hbm>> -> memref<2000xf32, #tpu.memory_space<hbm>>
      %dma_start3A_140 = tpu.memref_slice %arg18[%dma_start3A_138] : memref<2x!tpu.dma_semaphore, #tpu.memory_space<semaphore_mem>> -> memref<1x!tpu.dma_semaphore, #tpu.memory_space<semaphore_mem>>
      %dma_start3A_141 = tpu.memref_squeeze %dma_start3A_140 : memref<1x!tpu.dma_semaphore, #tpu.memory_space<semaphore_mem>> -> memref<!tpu.dma_semaphore, #tpu.memory_space<semaphore_mem>>
      %dma_start3A_142 = tpu.memref_slice %arg7[%add3A_106] : memref<1600000xf32, #tpu.memory_space<hbm>> -> memref<2000xf32, #tpu.memory_space<hbm>>
      tpu.enqueue_dma source(%dma_start3A_142 : memref<2000xf32, #tpu.memory_space<hbm>>) target(%arg16 : memref<2000xf32, #tpu.memory_space<vmem>>) target_semaphore(%dma_start3A_141 : memref<!tpu.dma_semaphore, #tpu.memory_space<semaphore_mem>>)
    } else {
    }
    %eq3A_116 = arith.constant 1 : i32
    %eq3A_117 = arith.cmpi eq, %select_n3A, %eq3A_116 : i32
    %convert_element_type3A_118 = arith.extui %eq3A_117 : i1 to i32
    %cond3A_119 = arith.constant 0 : i32
    %cond3A_120 = arith.cmpi ne, %convert_element_type3A_118, %cond3A_119 : i32
    scf.if %cond3A_120 {
      %dma_start3A_138 = arith.constant 0 : i32
      %dma_start3A_139 = tpu.memref_slice %arg8[%add3A_106] : memref<1600000xf32, #tpu.memory_space<hbm>> -> memref<2000xf32, #tpu.memory_space<hbm>>
      %dma_start3A_140 = tpu.memref_slice %arg18[%dma_start3A_138] : memref<2x!tpu.dma_semaphore, #tpu.memory_space<semaphore_mem>> -> memref<1x!tpu.dma_semaphore, #tpu.memory_space<semaphore_mem>>
      %dma_start3A_141 = tpu.memref_squeeze %dma_start3A_140 : memref<1x!tpu.dma_semaphore, #tpu.memory_space<semaphore_mem>> -> memref<!tpu.dma_semaphore, #tpu.memory_space<semaphore_mem>>
      %dma_start3A_142 = tpu.memref_slice %arg8[%add3A_106] : memref<1600000xf32, #tpu.memory_space<hbm>> -> memref<2000xf32, #tpu.memory_space<hbm>>
      tpu.enqueue_dma source(%dma_start3A_142 : memref<2000xf32, #tpu.memory_space<hbm>>) target(%arg16 : memref<2000xf32, #tpu.memory_space<vmem>>) target_semaphore(%dma_start3A_141 : memref<!tpu.dma_semaphore, #tpu.memory_space<semaphore_mem>>)
    } else {
    }
    %eq3A_121 = arith.constant 2 : i32
    %eq3A_122 = arith.cmpi eq, %select_n3A, %eq3A_121 : i32
    %convert_element_type3A_123 = arith.extui %eq3A_122 : i1 to i32
    %cond3A_124 = arith.constant 0 : i32
    %cond3A_125 = arith.cmpi ne, %convert_element_type3A_123, %cond3A_124 : i32
    scf.if %cond3A_125 {
      %dma_start3A_138 = arith.constant 0 : i32
      %dma_start3A_139 = tpu.memref_slice %arg9[%add3A_106] : memref<1600000xf32, #tpu.memory_space<hbm>> -> memref<2000xf32, #tpu.memory_space<hbm>>
      %dma_start3A_140 = tpu.memref_slice %arg18[%dma_start3A_138] : memref<2x!tpu.dma_semaphore, #tpu.memory_space<semaphore_mem>> -> memref<1x!tpu.dma_semaphore, #tpu.memory_space<semaphore_mem>>
      %dma_start3A_141 = tpu.memref_squeeze %dma_start3A_140 : memref<1x!tpu.dma_semaphore, #tpu.memory_space<semaphore_mem>> -> memref<!tpu.dma_semaphore, #tpu.memory_space<semaphore_mem>>
      %dma_start3A_142 = tpu.memref_slice %arg9[%add3A_106] : memref<1600000xf32, #tpu.memory_space<hbm>> -> memref<2000xf32, #tpu.memory_space<hbm>>
      tpu.enqueue_dma source(%dma_start3A_142 : memref<2000xf32, #tpu.memory_space<hbm>>) target(%arg16 : memref<2000xf32, #tpu.memory_space<vmem>>) target_semaphore(%dma_start3A_141 : memref<!tpu.dma_semaphore, #tpu.memory_space<semaphore_mem>>)
    } else {
    }
    %eq3A_126 = arith.constant 3 : i32
    %eq3A_127 = arith.cmpi eq, %select_n3A, %eq3A_126 : i32
    %convert_element_type3A_128 = arith.extui %eq3A_127 : i1 to i32
    %cond3A_129 = arith.constant 0 : i32
    %cond3A_130 = arith.cmpi ne, %convert_element_type3A_128, %cond3A_129 : i32
    scf.if %cond3A_130 {
      %dma_start3A_138 = arith.constant 0 : i32
      %dma_start3A_139 = tpu.memref_slice %arg10[%add3A_106] : memref<1600000xf32, #tpu.memory_space<hbm>> -> memref<2000xf32, #tpu.memory_space<hbm>>
      %dma_start3A_140 = tpu.memref_slice %arg18[%dma_start3A_138] : memref<2x!tpu.dma_semaphore, #tpu.memory_space<semaphore_mem>> -> memref<1x!tpu.dma_semaphore, #tpu.memory_space<semaphore_mem>>
      %dma_start3A_141 = tpu.memref_squeeze %dma_start3A_140 : memref<1x!tpu.dma_semaphore, #tpu.memory_space<semaphore_mem>> -> memref<!tpu.dma_semaphore, #tpu.memory_space<semaphore_mem>>
      %dma_start3A_142 = tpu.memref_slice %arg10[%add3A_106] : memref<1600000xf32, #tpu.memory_space<hbm>> -> memref<2000xf32, #tpu.memory_space<hbm>>
      tpu.enqueue_dma source(%dma_start3A_142 : memref<2000xf32, #tpu.memory_space<hbm>>) target(%arg16 : memref<2000xf32, #tpu.memory_space<vmem>>) target_semaphore(%dma_start3A_141 : memref<!tpu.dma_semaphore, #tpu.memory_space<semaphore_mem>>)
    } else {
    }
    %scan3A_131 = arith.constant 0 : i32
    %scan3A_132 = arith.constant 50 : i32
    %scan3A_133 = arith.addi %scan3A_131, %scan3A_132 : i32
    %scan3A_134 = arith.constant 1 : i32
    scf.for %scan3A_138 = %scan3A_131 to %scan3A_133 step %scan3A_134  : i32 {
      %mul3A_139 = arith.constant 2 : i32
      %mul3A_140 = arith.muli %scan3A_138, %mul3A_139 : i32
      %add3A_141 = arith.constant 0 : i32
      %add3A_142 = arith.addi %add3A_141, %mul3A_140 : i32
      %add3A_143 = arith.constant 0 : i32
      %add3A_144 = arith.addi %add3A_142, %add3A_143 : i32
      %add3A_145 = arith.constant 1 : i32
      %add3A_146 = arith.addi %add3A_144, %add3A_145 : i32
      %lt3A_147 = arith.constant 100 : i32
      %lt3A_148 = arith.cmpi slt, %add3A_146, %lt3A_147 : i32
      %convert_element_type3A_149 = arith.extui %lt3A_148 : i1 to i32
      %cond3A_150 = arith.constant 0 : i32
      %cond3A_151 = arith.cmpi ne, %convert_element_type3A_149, %cond3A_150 : i32
      scf.if %cond3A_151 {
        %add3A_225 = arith.constant 1 : i32
        %add3A_226 = arith.addi %add3A_144, %add3A_225 : i32
        %mul3A_227 = arith.constant 2000 : i32
        %mul3A_228 = arith.muli %add3A_226, %mul3A_227 : i32
        %add3A_229 = arith.addi %mul3A_32, %mul3A_228 : i32
        %dma_start3A_230 = arith.constant 1 : i32
        %dma_start3A_231 = tpu.memref_slice %arg6[%add3A_229] : memref<1600000xi32, #tpu.memory_space<hbm>> -> memref<2000xi32, #tpu.memory_space<hbm>>
        %dma_start3A_232 = tpu.memref_slice %arg18[%dma_start3A_230] : memref<2x!tpu.dma_semaphore, #tpu.memory_space<semaphore_mem>> -> memref<1x!tpu.dma_semaphore, #tpu.memory_space<semaphore_mem>>
        %dma_start3A_233 = tpu.memref_squeeze %dma_start3A_232 : memref<1x!tpu.dma_semaphore, #tpu.memory_space<semaphore_mem>> -> memref<!tpu.dma_semaphore, #tpu.memory_space<semaphore_mem>>
        %dma_start3A_234 = tpu.memref_slice %arg6[%add3A_229] : memref<1600000xi32, #tpu.memory_space<hbm>> -> memref<2000xi32, #tpu.memory_space<hbm>>
        tpu.enqueue_dma source(%dma_start3A_234 : memref<2000xi32, #tpu.memory_space<hbm>>) target(%arg15 : memref<2000xi32, #tpu.memory_space<vmem>>) target_semaphore(%dma_start3A_233 : memref<!tpu.dma_semaphore, #tpu.memory_space<semaphore_mem>>)
        %eq3A_235 = arith.constant 0 : i32
        %eq3A_236 = arith.cmpi eq, %select_n3A, %eq3A_235 : i32
        %convert_element_type3A_237 = arith.extui %eq3A_236 : i1 to i32
        %cond3A_238 = arith.constant 0 : i32
        %cond3A_239 = arith.cmpi ne, %convert_element_type3A_237, %cond3A_238 : i32
        scf.if %cond3A_239 {
          %dma_start3A_255 = arith.constant 1 : i32
          %dma_start3A_256 = tpu.memref_slice %arg7[%add3A_229] : memref<1600000xf32, #tpu.memory_space<hbm>> -> memref<2000xf32, #tpu.memory_space<hbm>>
          %dma_start3A_257 = tpu.memref_slice %arg18[%dma_start3A_255] : memref<2x!tpu.dma_semaphore, #tpu.memory_space<semaphore_mem>> -> memref<1x!tpu.dma_semaphore, #tpu.memory_space<semaphore_mem>>
          %dma_start3A_258 = tpu.memref_squeeze %dma_start3A_257 : memref<1x!tpu.dma_semaphore, #tpu.memory_space<semaphore_mem>> -> memref<!tpu.dma_semaphore, #tpu.memory_space<semaphore_mem>>
          %dma_start3A_259 = tpu.memref_slice %arg7[%add3A_229] : memref<1600000xf32, #tpu.memory_space<hbm>> -> memref<2000xf32, #tpu.memory_space<hbm>>
          tpu.enqueue_dma source(%dma_start3A_259 : memref<2000xf32, #tpu.memory_space<hbm>>) target(%arg17 : memref<2000xf32, #tpu.memory_space<vmem>>) target_semaphore(%dma_start3A_258 : memref<!tpu.dma_semaphore, #tpu.memory_space<semaphore_mem>>)
        } else {
        }
        %eq3A_240 = arith.constant 1 : i32
        %eq3A_241 = arith.cmpi eq, %select_n3A, %eq3A_240 : i32
        %convert_element_type3A_242 = arith.extui %eq3A_241 : i1 to i32
        %cond3A_243 = arith.constant 0 : i32
        %cond3A_244 = arith.cmpi ne, %convert_element_type3A_242, %cond3A_243 : i32
        scf.if %cond3A_244 {
          %dma_start3A_255 = arith.constant 1 : i32
          %dma_start3A_256 = tpu.memref_slice %arg8[%add3A_229] : memref<1600000xf32, #tpu.memory_space<hbm>> -> memref<2000xf32, #tpu.memory_space<hbm>>
          %dma_start3A_257 = tpu.memref_slice %arg18[%dma_start3A_255] : memref<2x!tpu.dma_semaphore, #tpu.memory_space<semaphore_mem>> -> memref<1x!tpu.dma_semaphore, #tpu.memory_space<semaphore_mem>>
          %dma_start3A_258 = tpu.memref_squeeze %dma_start3A_257 : memref<1x!tpu.dma_semaphore, #tpu.memory_space<semaphore_mem>> -> memref<!tpu.dma_semaphore, #tpu.memory_space<semaphore_mem>>
          %dma_start3A_259 = tpu.memref_slice %arg8[%add3A_229] : memref<1600000xf32, #tpu.memory_space<hbm>> -> memref<2000xf32, #tpu.memory_space<hbm>>
          tpu.enqueue_dma source(%dma_start3A_259 : memref<2000xf32, #tpu.memory_space<hbm>>) target(%arg17 : memref<2000xf32, #tpu.memory_space<vmem>>) target_semaphore(%dma_start3A_258 : memref<!tpu.dma_semaphore, #tpu.memory_space<semaphore_mem>>)
        } else {
        }
        %eq3A_245 = arith.constant 2 : i32
        %eq3A_246 = arith.cmpi eq, %select_n3A, %eq3A_245 : i32
        %convert_element_type3A_247 = arith.extui %eq3A_246 : i1 to i32
        %cond3A_248 = arith.constant 0 : i32
        %cond3A_249 = arith.cmpi ne, %convert_element_type3A_247, %cond3A_248 : i32
        scf.if %cond3A_249 {
          %dma_start3A_255 = arith.constant 1 : i32
          %dma_start3A_256 = tpu.memref_slice %arg9[%add3A_229] : memref<1600000xf32, #tpu.memory_space<hbm>> -> memref<2000xf32, #tpu.memory_space<hbm>>
          %dma_start3A_257 = tpu.memref_slice %arg18[%dma_start3A_255] : memref<2x!tpu.dma_semaphore, #tpu.memory_space<semaphore_mem>> -> memref<1x!tpu.dma_semaphore, #tpu.memory_space<semaphore_mem>>
          %dma_start3A_258 = tpu.memref_squeeze %dma_start3A_257 : memref<1x!tpu.dma_semaphore, #tpu.memory_space<semaphore_mem>> -> memref<!tpu.dma_semaphore, #tpu.memory_space<semaphore_mem>>
          %dma_start3A_259 = tpu.memref_slice %arg9[%add3A_229] : memref<1600000xf32, #tpu.memory_space<hbm>> -> memref<2000xf32, #tpu.memory_space<hbm>>
          tpu.enqueue_dma source(%dma_start3A_259 : memref<2000xf32, #tpu.memory_space<hbm>>) target(%arg17 : memref<2000xf32, #tpu.memory_space<vmem>>) target_semaphore(%dma_start3A_258 : memref<!tpu.dma_semaphore, #tpu.memory_space<semaphore_mem>>)
        } else {
        }
        %eq3A_250 = arith.constant 3 : i32
        %eq3A_251 = arith.cmpi eq, %select_n3A, %eq3A_250 : i32
        %convert_element_type3A_252 = arith.extui %eq3A_251 : i1 to i32
        %cond3A_253 = arith.constant 0 : i32
        %cond3A_254 = arith.cmpi ne, %convert_element_type3A_252, %cond3A_253 : i32
        scf.if %cond3A_254 {
          %dma_start3A_255 = arith.constant 1 : i32
          %dma_start3A_256 = tpu.memref_slice %arg10[%add3A_229] : memref<1600000xf32, #tpu.memory_space<hbm>> -> memref<2000xf32, #tpu.memory_space<hbm>>
          %dma_start3A_257 = tpu.memref_slice %arg18[%dma_start3A_255] : memref<2x!tpu.dma_semaphore, #tpu.memory_space<semaphore_mem>> -> memref<1x!tpu.dma_semaphore, #tpu.memory_space<semaphore_mem>>
          %dma_start3A_258 = tpu.memref_squeeze %dma_start3A_257 : memref<1x!tpu.dma_semaphore, #tpu.memory_space<semaphore_mem>> -> memref<!tpu.dma_semaphore, #tpu.memory_space<semaphore_mem>>
          %dma_start3A_259 = tpu.memref_slice %arg10[%add3A_229] : memref<1600000xf32, #tpu.memory_space<hbm>> -> memref<2000xf32, #tpu.memory_space<hbm>>
          tpu.enqueue_dma source(%dma_start3A_259 : memref<2000xf32, #tpu.memory_space<hbm>>) target(%arg17 : memref<2000xf32, #tpu.memory_space<vmem>>) target_semaphore(%dma_start3A_258 : memref<!tpu.dma_semaphore, #tpu.memory_space<semaphore_mem>>)
        } else {
        }
      } else {
      }
      %mul3A_152 = arith.constant 2000 : i32
      %mul3A_153 = arith.muli %add3A_144, %mul3A_152 : i32
      %add3A_154 = arith.addi %mul3A_32, %mul3A_153 : i32
      %dma_wait3A = arith.constant 0 : i32
      %dma_wait3A_155 = tpu.memref_slice %arg6[%add3A_154] : memref<1600000xi32, #tpu.memory_space<hbm>> -> memref<2000xi32, #tpu.memory_space<hbm>>
      %dma_wait3A_156 = tpu.memref_slice %arg18[%dma_wait3A] : memref<2x!tpu.dma_semaphore, #tpu.memory_space<semaphore_mem>> -> memref<1x!tpu.dma_semaphore, #tpu.memory_space<semaphore_mem>>
      %dma_wait3A_157 = tpu.memref_squeeze %dma_wait3A_156 : memref<1x!tpu.dma_semaphore, #tpu.memory_space<semaphore_mem>> -> memref<!tpu.dma_semaphore, #tpu.memory_space<semaphore_mem>>
      %dma_wait3A_158 = tpu.memref_slice %arg6[%add3A_154] : memref<1600000xi32, #tpu.memory_space<hbm>> -> memref<2000xi32, #tpu.memory_space<hbm>>
      tpu.wait_dma2 semaphore(%dma_wait3A_157 : memref<!tpu.dma_semaphore, #tpu.memory_space<semaphore_mem>>) src(%dma_wait3A_158 : memref<2000xi32, #tpu.memory_space<hbm>>) dst(%arg14 : memref<2000xi32, #tpu.memory_space<vmem>>)
      %dma_wait3A_159 = arith.constant 0 : i32
      %dma_wait3A_160 = tpu.memref_slice %arg7[%add3A_154] : memref<1600000xf32, #tpu.memory_space<hbm>> -> memref<2000xf32, #tpu.memory_space<hbm>>
      %dma_wait3A_161 = tpu.memref_slice %arg18[%dma_wait3A_159] : memref<2x!tpu.dma_semaphore, #tpu.memory_space<semaphore_mem>> -> memref<1x!tpu.dma_semaphore, #tpu.memory_space<semaphore_mem>>
      %dma_wait3A_162 = tpu.memref_squeeze %dma_wait3A_161 : memref<1x!tpu.dma_semaphore, #tpu.memory_space<semaphore_mem>> -> memref<!tpu.dma_semaphore, #tpu.memory_space<semaphore_mem>>
      %dma_wait3A_163 = tpu.memref_slice %arg7[%add3A_154] : memref<1600000xf32, #tpu.memory_space<hbm>> -> memref<2000xf32, #tpu.memory_space<hbm>>
      tpu.wait_dma2 semaphore(%dma_wait3A_162 : memref<!tpu.dma_semaphore, #tpu.memory_space<semaphore_mem>>) src(%dma_wait3A_163 : memref<2000xf32, #tpu.memory_space<hbm>>) dst(%arg16 : memref<2000xf32, #tpu.memory_space<vmem>>)
      %parallel_loop3A = arith.constant 0 : i32
      %parallel_loop3A_164 = arith.constant 125 : i32
      %parallel_loop3A_165 = arith.constant 1 : i32
      scf.for %parallel_loop3A_225 = %parallel_loop3A to %parallel_loop3A_164 step %parallel_loop3A_165  : i32 {
        %parallel_loop3A_226 = arith.constant 16 : i32
        %parallel_loop3A_227 = arith.muli %parallel_loop3A_225, %parallel_loop3A_226 : i32
        %parallel_loop3A_228 = arith.index_cast %parallel_loop3A_227 : i32 to index
        %parallel_loop3A_229 = tpu.vector_load %arg14[%parallel_loop3A_228] {strides = array<i32>} : memref<2000xi32, #tpu.memory_space<vmem>>, vector<16xi32>,
        %parallel_loop3A_230 = arith.constant 65535 : i32
        %parallel_loop3A_231 = vector.broadcast %parallel_loop3A_230 : i32 to vector<16xi32>
        %parallel_loop3A_232 = arith.andi %parallel_loop3A_229, %parallel_loop3A_231 : vector<16xi32>
        %parallel_loop3A_233 = arith.constant 16 : i32
        %parallel_loop3A_234 = vector.broadcast %parallel_loop3A_233 : i32 to vector<16xi32>
        %parallel_loop3A_235 = arith.shrui %parallel_loop3A_229, %parallel_loop3A_234 : vector<16xi32>
        %parallel_loop3A_236 = tpu.vector_load_idx %arg12[%parallel_loop3A_232] : memref<50000xf32, #tpu.memory_space<vmem>>[vector<16xi32>], vector<16xf32>,
        %parallel_loop3A_237 = arith.index_cast %parallel_loop3A_227 : i32 to index
        %parallel_loop3A_238 = tpu.vector_load %arg16[%parallel_loop3A_237] {strides = array<i32>} : memref<2000xf32, #tpu.memory_space<vmem>>, vector<16xf32>,
        %parallel_loop3A_239 = arith.addf %parallel_loop3A_236, %parallel_loop3A_238 : vector<16xf32>
        %parallel_loop3A_240 = tpu.vector_load_idx %arg13[%parallel_loop3A_235] : memref<50000xf32, #tpu.memory_space<vmem>>[vector<16xi32>], vector<16xf32>,
        %parallel_loop3A_241 = arith.cmpf ogt, %parallel_loop3A_239, %parallel_loop3A_240 : vector<16xf32>
        tpu.vector_store_idx %arg13[%parallel_loop3A_235], %parallel_loop3A_239 masked %parallel_loop3A_241 : memref<50000xf32, #tpu.memory_space<vmem>>[vector<16xi32>], vector<16xf32>, vector<16xi1>
      } {sc.loop_unroll_factor = 8 : i64, sc.parallel_access}
      %broadcast_in_dim3A_166 = arith.constant false
      %broadcast_in_dim3A_167 = vector.broadcast %broadcast_in_dim3A_166 : i1 to vector<16xi1>
      %parallel_loop3A_168 = arith.constant 0 : i32
      %parallel_loop3A_169 = arith.constant 125 : i32
      %parallel_loop3A_170 = arith.constant 1 : i32
      %parallel_loop3A_171 = scf.for %parallel_loop3A_225 = %parallel_loop3A_168 to %parallel_loop3A_169 step %parallel_loop3A_170 iter_args(%parallel_loop3A_226 = %broadcast_in_dim3A_167) -> (vector<16xi1>)  : i32 {
        %parallel_loop3A_227 = arith.constant 16 : i32
        %parallel_loop3A_228 = arith.muli %parallel_loop3A_225, %parallel_loop3A_227 : i32
        %parallel_loop3A_229 = arith.index_cast %parallel_loop3A_228 : i32 to index
        %parallel_loop3A_230 = tpu.vector_load %arg14[%parallel_loop3A_229] {strides = array<i32>} : memref<2000xi32, #tpu.memory_space<vmem>>, vector<16xi32>,
        %parallel_loop3A_231 = arith.constant 65535 : i32
        %parallel_loop3A_232 = vector.broadcast %parallel_loop3A_231 : i32 to vector<16xi32>
        %parallel_loop3A_233 = arith.andi %parallel_loop3A_230, %parallel_loop3A_232 : vector<16xi32>
        %parallel_loop3A_234 = arith.constant 16 : i32
        %parallel_loop3A_235 = vector.broadcast %parallel_loop3A_234 : i32 to vector<16xi32>
        %parallel_loop3A_236 = arith.shrui %parallel_loop3A_230, %parallel_loop3A_235 : vector<16xi32>
        %parallel_loop3A_237 = tpu.vector_load_idx %arg12[%parallel_loop3A_233] : memref<50000xf32, #tpu.memory_space<vmem>>[vector<16xi32>], vector<16xf32>,
        %parallel_loop3A_238 = arith.index_cast %parallel_loop3A_228 : i32 to index
        %parallel_loop3A_239 = tpu.vector_load %arg16[%parallel_loop3A_238] {strides = array<i32>} : memref<2000xf32, #tpu.memory_space<vmem>>, vector<16xf32>,
        %parallel_loop3A_240 = arith.addf %parallel_loop3A_237, %parallel_loop3A_239 : vector<16xf32>
        %parallel_loop3A_241 = tpu.vector_load_idx %arg13[%parallel_loop3A_236] : memref<50000xf32, #tpu.memory_space<vmem>>[vector<16xi32>], vector<16xf32>,
        %parallel_loop3A_242 = arith.cmpf ogt, %parallel_loop3A_240, %parallel_loop3A_241 : vector<16xf32>
        %parallel_loop3A_243 = arith.ori %parallel_loop3A_226, %parallel_loop3A_242 : vector<16xi1>
        scf.yield %parallel_loop3A_243 : vector<16xi1>
      } {sc.loop_unroll_factor = 8 : i64, sc.parallel_access}
      %reduce_or3A = arith.constant 1.000000e+00 : f32
      %reduce_or3A_172 = arith.constant 0.000000e+00 : f32
      %reduce_or3A_173 = vector.broadcast %reduce_or3A : f32 to vector<16xf32>
      %reduce_or3A_174 = vector.broadcast %reduce_or3A_172 : f32 to vector<16xf32>
      %reduce_or3A_175 = arith.select %parallel_loop3A_171, %reduce_or3A_173, %reduce_or3A_174 : vector<16xi1>, vector<16xf32>
      %reduce_or3A_176 = arith.constant true
      %reduce_or3A_177 = vector.broadcast %reduce_or3A_176 : i1 to vector<16xi1>
      %reduce_or3A_178 = tpu.scan <max>, %reduce_or3A_175 masked %reduce_or3A_177 : vector<16xf32>, vector<16xi1> -> vector<16xf32>
      %reduce_or3A_179 = vector.extract %reduce_or3A_178[15] : f32 from vector<16xf32>
      %reduce_or3A_180 = arith.constant 0.000000e+00 : f32
      %reduce_or3A_181 = arith.cmpf ogt, %reduce_or3A_179, %reduce_or3A_180 : f32
      %while3A = scf.while (%while3A_225 = %reduce_or3A_181) : (i1) -> i1 {
        scf.condition(%while3A_225) %while3A_225 : i1
      } do {
      ^bb0(%while3A_225: i1):
        %parallel_loop3A_226 = arith.constant 0 : i32
        %parallel_loop3A_227 = arith.constant 125 : i32
        %parallel_loop3A_228 = arith.constant 1 : i32
        scf.for %parallel_loop3A_246 = %parallel_loop3A_226 to %parallel_loop3A_227 step %parallel_loop3A_228  : i32 {
          %parallel_loop3A_247 = arith.constant 16 : i32
          %parallel_loop3A_248 = arith.muli %parallel_loop3A_246, %parallel_loop3A_247 : i32
          %parallel_loop3A_249 = arith.index_cast %parallel_loop3A_248 : i32 to index
          %parallel_loop3A_250 = tpu.vector_load %arg14[%parallel_loop3A_249] {strides = array<i32>} : memref<2000xi32, #tpu.memory_space<vmem>>, vector<16xi32>,
          %parallel_loop3A_251 = arith.constant 65535 : i32
          %parallel_loop3A_252 = vector.broadcast %parallel_loop3A_251 : i32 to vector<16xi32>
          %parallel_loop3A_253 = arith.andi %parallel_loop3A_250, %parallel_loop3A_252 : vector<16xi32>
          %parallel_loop3A_254 = arith.constant 16 : i32
          %parallel_loop3A_255 = vector.broadcast %parallel_loop3A_254 : i32 to vector<16xi32>
          %parallel_loop3A_256 = arith.shrui %parallel_loop3A_250, %parallel_loop3A_255 : vector<16xi32>
          %parallel_loop3A_257 = tpu.vector_load_idx %arg12[%parallel_loop3A_253] : memref<50000xf32, #tpu.memory_space<vmem>>[vector<16xi32>], vector<16xf32>,
          %parallel_loop3A_258 = arith.index_cast %parallel_loop3A_248 : i32 to index
          %parallel_loop3A_259 = tpu.vector_load %arg16[%parallel_loop3A_258] {strides = array<i32>} : memref<2000xf32, #tpu.memory_space<vmem>>, vector<16xf32>,
          %parallel_loop3A_260 = arith.addf %parallel_loop3A_257, %parallel_loop3A_259 : vector<16xf32>
          %parallel_loop3A_261 = tpu.vector_load_idx %arg13[%parallel_loop3A_256] : memref<50000xf32, #tpu.memory_space<vmem>>[vector<16xi32>], vector<16xf32>,
          %parallel_loop3A_262 = arith.cmpf ogt, %parallel_loop3A_260, %parallel_loop3A_261 : vector<16xf32>
          tpu.vector_store_idx %arg13[%parallel_loop3A_256], %parallel_loop3A_260 masked %parallel_loop3A_262 : memref<50000xf32, #tpu.memory_space<vmem>>[vector<16xi32>], vector<16xf32>, vector<16xi1>
        } {sc.loop_unroll_factor = 8 : i64, sc.parallel_access}
        %broadcast_in_dim3A_229 = arith.constant false
        %broadcast_in_dim3A_230 = vector.broadcast %broadcast_in_dim3A_229 : i1 to vector<16xi1>
        %parallel_loop3A_231 = arith.constant 0 : i32
        %parallel_loop3A_232 = arith.constant 125 : i32
        %parallel_loop3A_233 = arith.constant 1 : i32
        %parallel_loop3A_234 = scf.for %parallel_loop3A_246 = %parallel_loop3A_231 to %parallel_loop3A_232 step %parallel_loop3A_233 iter_args(%parallel_loop3A_247 = %broadcast_in_dim3A_230) -> (vector<16xi1>)  : i32 {
          %parallel_loop3A_248 = arith.constant 16 : i32
          %parallel_loop3A_249 = arith.muli %parallel_loop3A_246, %parallel_loop3A_248 : i32
          %parallel_loop3A_250 = arith.index_cast %parallel_loop3A_249 : i32 to index
          %parallel_loop3A_251 = tpu.vector_load %arg14[%parallel_loop3A_250] {strides = array<i32>} : memref<2000xi32, #tpu.memory_space<vmem>>, vector<16xi32>,
          %parallel_loop3A_252 = arith.constant 65535 : i32
          %parallel_loop3A_253 = vector.broadcast %parallel_loop3A_252 : i32 to vector<16xi32>
          %parallel_loop3A_254 = arith.andi %parallel_loop3A_251, %parallel_loop3A_253 : vector<16xi32>
          %parallel_loop3A_255 = arith.constant 16 : i32
          %parallel_loop3A_256 = vector.broadcast %parallel_loop3A_255 : i32 to vector<16xi32>
          %parallel_loop3A_257 = arith.shrui %parallel_loop3A_251, %parallel_loop3A_256 : vector<16xi32>
          %parallel_loop3A_258 = tpu.vector_load_idx %arg12[%parallel_loop3A_254] : memref<50000xf32, #tpu.memory_space<vmem>>[vector<16xi32>], vector<16xf32>,
          %parallel_loop3A_259 = arith.index_cast %parallel_loop3A_249 : i32 to index
          %parallel_loop3A_260 = tpu.vector_load %arg16[%parallel_loop3A_259] {strides = array<i32>} : memref<2000xf32, #tpu.memory_space<vmem>>, vector<16xf32>,
          %parallel_loop3A_261 = arith.addf %parallel_loop3A_258, %parallel_loop3A_260 : vector<16xf32>
          %parallel_loop3A_262 = tpu.vector_load_idx %arg13[%parallel_loop3A_257] : memref<50000xf32, #tpu.memory_space<vmem>>[vector<16xi32>], vector<16xf32>,
          %parallel_loop3A_263 = arith.cmpf ogt, %parallel_loop3A_261, %parallel_loop3A_262 : vector<16xf32>
          %parallel_loop3A_264 = arith.ori %parallel_loop3A_247, %parallel_loop3A_263 : vector<16xi1>
          scf.yield %parallel_loop3A_264 : vector<16xi1>
        } {sc.loop_unroll_factor = 8 : i64, sc.parallel_access}
        %reduce_or3A_235 = arith.constant 1.000000e+00 : f32
        %reduce_or3A_236 = arith.constant 0.000000e+00 : f32
        %reduce_or3A_237 = vector.broadcast %reduce_or3A_235 : f32 to vector<16xf32>
        %reduce_or3A_238 = vector.broadcast %reduce_or3A_236 : f32 to vector<16xf32>
        %reduce_or3A_239 = arith.select %parallel_loop3A_234, %reduce_or3A_237, %reduce_or3A_238 : vector<16xi1>, vector<16xf32>
        %reduce_or3A_240 = arith.constant true
        %reduce_or3A_241 = vector.broadcast %reduce_or3A_240 : i1 to vector<16xi1>
        %reduce_or3A_242 = tpu.scan <max>, %reduce_or3A_239 masked %reduce_or3A_241 : vector<16xf32>, vector<16xi1> -> vector<16xf32>
        %reduce_or3A_243 = vector.extract %reduce_or3A_242[15] : f32 from vector<16xf32>
        %reduce_or3A_244 = arith.constant 0.000000e+00 : f32
        %reduce_or3A_245 = arith.cmpf ogt, %reduce_or3A_243, %reduce_or3A_244 : f32
        scf.yield %reduce_or3A_245 : i1
      }
      %add3A_182 = arith.constant 1 : i32
      %add3A_183 = arith.addi %add3A_142, %add3A_182 : i32
      %add3A_184 = arith.constant 1 : i32
      %add3A_185 = arith.addi %add3A_183, %add3A_184 : i32
      %lt3A_186 = arith.constant 100 : i32
      %lt3A_187 = arith.cmpi slt, %add3A_185, %lt3A_186 : i32
      %convert_element_type3A_188 = arith.extui %lt3A_187 : i1 to i32
      %cond3A_189 = arith.constant 0 : i32
      %cond3A_190 = arith.cmpi ne, %convert_element_type3A_188, %cond3A_189 : i32
      scf.if %cond3A_190 {
        %add3A_225 = arith.constant 1 : i32
        %add3A_226 = arith.addi %add3A_183, %add3A_225 : i32
        %mul3A_227 = arith.constant 2000 : i32
        %mul3A_228 = arith.muli %add3A_226, %mul3A_227 : i32
        %add3A_229 = arith.addi %mul3A_32, %mul3A_228 : i32
        %dma_start3A_230 = arith.constant 0 : i32
        %dma_start3A_231 = tpu.memref_slice %arg6[%add3A_229] : memref<1600000xi32, #tpu.memory_space<hbm>> -> memref<2000xi32, #tpu.memory_space<hbm>>
        %dma_start3A_232 = tpu.memref_slice %arg18[%dma_start3A_230] : memref<2x!tpu.dma_semaphore, #tpu.memory_space<semaphore_mem>> -> memref<1x!tpu.dma_semaphore, #tpu.memory_space<semaphore_mem>>
        %dma_start3A_233 = tpu.memref_squeeze %dma_start3A_232 : memref<1x!tpu.dma_semaphore, #tpu.memory_space<semaphore_mem>> -> memref<!tpu.dma_semaphore, #tpu.memory_space<semaphore_mem>>
        %dma_start3A_234 = tpu.memref_slice %arg6[%add3A_229] : memref<1600000xi32, #tpu.memory_space<hbm>> -> memref<2000xi32, #tpu.memory_space<hbm>>
        tpu.enqueue_dma source(%dma_start3A_234 : memref<2000xi32, #tpu.memory_space<hbm>>) target(%arg14 : memref<2000xi32, #tpu.memory_space<vmem>>) target_semaphore(%dma_start3A_233 : memref<!tpu.dma_semaphore, #tpu.memory_space<semaphore_mem>>)
        %eq3A_235 = arith.constant 0 : i32
        %eq3A_236 = arith.cmpi eq, %select_n3A, %eq3A_235 : i32
        %convert_element_type3A_237 = arith.extui %eq3A_236 : i1 to i32
        %cond3A_238 = arith.constant 0 : i32
        %cond3A_239 = arith.cmpi ne, %convert_element_type3A_237, %cond3A_238 : i32
        scf.if %cond3A_239 {
          %dma_start3A_255 = arith.constant 0 : i32
          %dma_start3A_256 = tpu.memref_slice %arg7[%add3A_229] : memref<1600000xf32, #tpu.memory_space<hbm>> -> memref<2000xf32, #tpu.memory_space<hbm>>
          %dma_start3A_257 = tpu.memref_slice %arg18[%dma_start3A_255] : memref<2x!tpu.dma_semaphore, #tpu.memory_space<semaphore_mem>> -> memref<1x!tpu.dma_semaphore, #tpu.memory_space<semaphore_mem>>
          %dma_start3A_258 = tpu.memref_squeeze %dma_start3A_257 : memref<1x!tpu.dma_semaphore, #tpu.memory_space<semaphore_mem>> -> memref<!tpu.dma_semaphore, #tpu.memory_space<semaphore_mem>>
          %dma_start3A_259 = tpu.memref_slice %arg7[%add3A_229] : memref<1600000xf32, #tpu.memory_space<hbm>> -> memref<2000xf32, #tpu.memory_space<hbm>>
          tpu.enqueue_dma source(%dma_start3A_259 : memref<2000xf32, #tpu.memory_space<hbm>>) target(%arg16 : memref<2000xf32, #tpu.memory_space<vmem>>) target_semaphore(%dma_start3A_258 : memref<!tpu.dma_semaphore, #tpu.memory_space<semaphore_mem>>)
        } else {
        }
        %eq3A_240 = arith.constant 1 : i32
        %eq3A_241 = arith.cmpi eq, %select_n3A, %eq3A_240 : i32
        %convert_element_type3A_242 = arith.extui %eq3A_241 : i1 to i32
        %cond3A_243 = arith.constant 0 : i32
        %cond3A_244 = arith.cmpi ne, %convert_element_type3A_242, %cond3A_243 : i32
        scf.if %cond3A_244 {
          %dma_start3A_255 = arith.constant 0 : i32
          %dma_start3A_256 = tpu.memref_slice %arg8[%add3A_229] : memref<1600000xf32, #tpu.memory_space<hbm>> -> memref<2000xf32, #tpu.memory_space<hbm>>
          %dma_start3A_257 = tpu.memref_slice %arg18[%dma_start3A_255] : memref<2x!tpu.dma_semaphore, #tpu.memory_space<semaphore_mem>> -> memref<1x!tpu.dma_semaphore, #tpu.memory_space<semaphore_mem>>
          %dma_start3A_258 = tpu.memref_squeeze %dma_start3A_257 : memref<1x!tpu.dma_semaphore, #tpu.memory_space<semaphore_mem>> -> memref<!tpu.dma_semaphore, #tpu.memory_space<semaphore_mem>>
          %dma_start3A_259 = tpu.memref_slice %arg8[%add3A_229] : memref<1600000xf32, #tpu.memory_space<hbm>> -> memref<2000xf32, #tpu.memory_space<hbm>>
          tpu.enqueue_dma source(%dma_start3A_259 : memref<2000xf32, #tpu.memory_space<hbm>>) target(%arg16 : memref<2000xf32, #tpu.memory_space<vmem>>) target_semaphore(%dma_start3A_258 : memref<!tpu.dma_semaphore, #tpu.memory_space<semaphore_mem>>)
        } else {
        }
        %eq3A_245 = arith.constant 2 : i32
        %eq3A_246 = arith.cmpi eq, %select_n3A, %eq3A_245 : i32
        %convert_element_type3A_247 = arith.extui %eq3A_246 : i1 to i32
        %cond3A_248 = arith.constant 0 : i32
        %cond3A_249 = arith.cmpi ne, %convert_element_type3A_247, %cond3A_248 : i32
        scf.if %cond3A_249 {
          %dma_start3A_255 = arith.constant 0 : i32
          %dma_start3A_256 = tpu.memref_slice %arg9[%add3A_229] : memref<1600000xf32, #tpu.memory_space<hbm>> -> memref<2000xf32, #tpu.memory_space<hbm>>
          %dma_start3A_257 = tpu.memref_slice %arg18[%dma_start3A_255] : memref<2x!tpu.dma_semaphore, #tpu.memory_space<semaphore_mem>> -> memref<1x!tpu.dma_semaphore, #tpu.memory_space<semaphore_mem>>
          %dma_start3A_258 = tpu.memref_squeeze %dma_start3A_257 : memref<1x!tpu.dma_semaphore, #tpu.memory_space<semaphore_mem>> -> memref<!tpu.dma_semaphore, #tpu.memory_space<semaphore_mem>>
          %dma_start3A_259 = tpu.memref_slice %arg9[%add3A_229] : memref<1600000xf32, #tpu.memory_space<hbm>> -> memref<2000xf32, #tpu.memory_space<hbm>>
          tpu.enqueue_dma source(%dma_start3A_259 : memref<2000xf32, #tpu.memory_space<hbm>>) target(%arg16 : memref<2000xf32, #tpu.memory_space<vmem>>) target_semaphore(%dma_start3A_258 : memref<!tpu.dma_semaphore, #tpu.memory_space<semaphore_mem>>)
        } else {
        }
        %eq3A_250 = arith.constant 3 : i32
        %eq3A_251 = arith.cmpi eq, %select_n3A, %eq3A_250 : i32
        %convert_element_type3A_252 = arith.extui %eq3A_251 : i1 to i32
        %cond3A_253 = arith.constant 0 : i32
        %cond3A_254 = arith.cmpi ne, %convert_element_type3A_252, %cond3A_253 : i32
        scf.if %cond3A_254 {
          %dma_start3A_255 = arith.constant 0 : i32
          %dma_start3A_256 = tpu.memref_slice %arg10[%add3A_229] : memref<1600000xf32, #tpu.memory_space<hbm>> -> memref<2000xf32, #tpu.memory_space<hbm>>
          %dma_start3A_257 = tpu.memref_slice %arg18[%dma_start3A_255] : memref<2x!tpu.dma_semaphore, #tpu.memory_space<semaphore_mem>> -> memref<1x!tpu.dma_semaphore, #tpu.memory_space<semaphore_mem>>
          %dma_start3A_258 = tpu.memref_squeeze %dma_start3A_257 : memref<1x!tpu.dma_semaphore, #tpu.memory_space<semaphore_mem>> -> memref<!tpu.dma_semaphore, #tpu.memory_space<semaphore_mem>>
          %dma_start3A_259 = tpu.memref_slice %arg10[%add3A_229] : memref<1600000xf32, #tpu.memory_space<hbm>> -> memref<2000xf32, #tpu.memory_space<hbm>>
          tpu.enqueue_dma source(%dma_start3A_259 : memref<2000xf32, #tpu.memory_space<hbm>>) target(%arg16 : memref<2000xf32, #tpu.memory_space<vmem>>) target_semaphore(%dma_start3A_258 : memref<!tpu.dma_semaphore, #tpu.memory_space<semaphore_mem>>)
        } else {
        }
      } else {
      }
      %mul3A_191 = arith.constant 2000 : i32
      %mul3A_192 = arith.muli %add3A_183, %mul3A_191 : i32
      %add3A_193 = arith.addi %mul3A_32, %mul3A_192 : i32
      %dma_wait3A_194 = arith.constant 1 : i32
      %dma_wait3A_195 = tpu.memref_slice %arg6[%add3A_193] : memref<1600000xi32, #tpu.memory_space<hbm>> -> memref<2000xi32, #tpu.memory_space<hbm>>
      %dma_wait3A_196 = tpu.memref_slice %arg18[%dma_wait3A_194] : memref<2x!tpu.dma_semaphore, #tpu.memory_space<semaphore_mem>> -> memref<1x!tpu.dma_semaphore, #tpu.memory_space<semaphore_mem>>
      %dma_wait3A_197 = tpu.memref_squeeze %dma_wait3A_196 : memref<1x!tpu.dma_semaphore, #tpu.memory_space<semaphore_mem>> -> memref<!tpu.dma_semaphore, #tpu.memory_space<semaphore_mem>>
      %dma_wait3A_198 = tpu.memref_slice %arg6[%add3A_193] : memref<1600000xi32, #tpu.memory_space<hbm>> -> memref<2000xi32, #tpu.memory_space<hbm>>
      tpu.wait_dma2 semaphore(%dma_wait3A_197 : memref<!tpu.dma_semaphore, #tpu.memory_space<semaphore_mem>>) src(%dma_wait3A_198 : memref<2000xi32, #tpu.memory_space<hbm>>) dst(%arg15 : memref<2000xi32, #tpu.memory_space<vmem>>)
      %dma_wait3A_199 = arith.constant 1 : i32
      %dma_wait3A_200 = tpu.memref_slice %arg7[%add3A_193] : memref<1600000xf32, #tpu.memory_space<hbm>> -> memref<2000xf32, #tpu.memory_space<hbm>>
      %dma_wait3A_201 = tpu.memref_slice %arg18[%dma_wait3A_199] : memref<2x!tpu.dma_semaphore, #tpu.memory_space<semaphore_mem>> -> memref<1x!tpu.dma_semaphore, #tpu.memory_space<semaphore_mem>>
      %dma_wait3A_202 = tpu.memref_squeeze %dma_wait3A_201 : memref<1x!tpu.dma_semaphore, #tpu.memory_space<semaphore_mem>> -> memref<!tpu.dma_semaphore, #tpu.memory_space<semaphore_mem>>
      %dma_wait3A_203 = tpu.memref_slice %arg7[%add3A_193] : memref<1600000xf32, #tpu.memory_space<hbm>> -> memref<2000xf32, #tpu.memory_space<hbm>>
      tpu.wait_dma2 semaphore(%dma_wait3A_202 : memref<!tpu.dma_semaphore, #tpu.memory_space<semaphore_mem>>) src(%dma_wait3A_203 : memref<2000xf32, #tpu.memory_space<hbm>>) dst(%arg17 : memref<2000xf32, #tpu.memory_space<vmem>>)
      %parallel_loop3A_204 = arith.constant 0 : i32
      %parallel_loop3A_205 = arith.constant 125 : i32
      %parallel_loop3A_206 = arith.constant 1 : i32
      scf.for %parallel_loop3A_225 = %parallel_loop3A_204 to %parallel_loop3A_205 step %parallel_loop3A_206  : i32 {
        %parallel_loop3A_226 = arith.constant 16 : i32
        %parallel_loop3A_227 = arith.muli %parallel_loop3A_225, %parallel_loop3A_226 : i32
        %parallel_loop3A_228 = arith.index_cast %parallel_loop3A_227 : i32 to index
        %parallel_loop3A_229 = tpu.vector_load %arg15[%parallel_loop3A_228] {strides = array<i32>} : memref<2000xi32, #tpu.memory_space<vmem>>, vector<16xi32>,
        %parallel_loop3A_230 = arith.constant 65535 : i32
        %parallel_loop3A_231 = vector.broadcast %parallel_loop3A_230 : i32 to vector<16xi32>
        %parallel_loop3A_232 = arith.andi %parallel_loop3A_229, %parallel_loop3A_231 : vector<16xi32>
        %parallel_loop3A_233 = arith.constant 16 : i32
        %parallel_loop3A_234 = vector.broadcast %parallel_loop3A_233 : i32 to vector<16xi32>
        %parallel_loop3A_235 = arith.shrui %parallel_loop3A_229, %parallel_loop3A_234 : vector<16xi32>
        %parallel_loop3A_236 = tpu.vector_load_idx %arg12[%parallel_loop3A_232] : memref<50000xf32, #tpu.memory_space<vmem>>[vector<16xi32>], vector<16xf32>,
        %parallel_loop3A_237 = arith.index_cast %parallel_loop3A_227 : i32 to index
        %parallel_loop3A_238 = tpu.vector_load %arg17[%parallel_loop3A_237] {strides = array<i32>} : memref<2000xf32, #tpu.memory_space<vmem>>, vector<16xf32>,
        %parallel_loop3A_239 = arith.addf %parallel_loop3A_236, %parallel_loop3A_238 : vector<16xf32>
        %parallel_loop3A_240 = tpu.vector_load_idx %arg13[%parallel_loop3A_235] : memref<50000xf32, #tpu.memory_space<vmem>>[vector<16xi32>], vector<16xf32>,
        %parallel_loop3A_241 = arith.cmpf ogt, %parallel_loop3A_239, %parallel_loop3A_240 : vector<16xf32>
        tpu.vector_store_idx %arg13[%parallel_loop3A_235], %parallel_loop3A_239 masked %parallel_loop3A_241 : memref<50000xf32, #tpu.memory_space<vmem>>[vector<16xi32>], vector<16xf32>, vector<16xi1>
      } {sc.loop_unroll_factor = 8 : i64, sc.parallel_access}
      %broadcast_in_dim3A_207 = arith.constant false
      %broadcast_in_dim3A_208 = vector.broadcast %broadcast_in_dim3A_207 : i1 to vector<16xi1>
      %parallel_loop3A_209 = arith.constant 0 : i32
      %parallel_loop3A_210 = arith.constant 125 : i32
      %parallel_loop3A_211 = arith.constant 1 : i32
      %parallel_loop3A_212 = scf.for %parallel_loop3A_225 = %parallel_loop3A_209 to %parallel_loop3A_210 step %parallel_loop3A_211 iter_args(%parallel_loop3A_226 = %broadcast_in_dim3A_208) -> (vector<16xi1>)  : i32 {
        %parallel_loop3A_227 = arith.constant 16 : i32
        %parallel_loop3A_228 = arith.muli %parallel_loop3A_225, %parallel_loop3A_227 : i32
        %parallel_loop3A_229 = arith.index_cast %parallel_loop3A_228 : i32 to index
        %parallel_loop3A_230 = tpu.vector_load %arg15[%parallel_loop3A_229] {strides = array<i32>} : memref<2000xi32, #tpu.memory_space<vmem>>, vector<16xi32>,
        %parallel_loop3A_231 = arith.constant 65535 : i32
        %parallel_loop3A_232 = vector.broadcast %parallel_loop3A_231 : i32 to vector<16xi32>
        %parallel_loop3A_233 = arith.andi %parallel_loop3A_230, %parallel_loop3A_232 : vector<16xi32>
        %parallel_loop3A_234 = arith.constant 16 : i32
        %parallel_loop3A_235 = vector.broadcast %parallel_loop3A_234 : i32 to vector<16xi32>
        %parallel_loop3A_236 = arith.shrui %parallel_loop3A_230, %parallel_loop3A_235 : vector<16xi32>
        %parallel_loop3A_237 = tpu.vector_load_idx %arg12[%parallel_loop3A_233] : memref<50000xf32, #tpu.memory_space<vmem>>[vector<16xi32>], vector<16xf32>,
        %parallel_loop3A_238 = arith.index_cast %parallel_loop3A_228 : i32 to index
        %parallel_loop3A_239 = tpu.vector_load %arg17[%parallel_loop3A_238] {strides = array<i32>} : memref<2000xf32, #tpu.memory_space<vmem>>, vector<16xf32>,
        %parallel_loop3A_240 = arith.addf %parallel_loop3A_237, %parallel_loop3A_239 : vector<16xf32>
        %parallel_loop3A_241 = tpu.vector_load_idx %arg13[%parallel_loop3A_236] : memref<50000xf32, #tpu.memory_space<vmem>>[vector<16xi32>], vector<16xf32>,
        %parallel_loop3A_242 = arith.cmpf ogt, %parallel_loop3A_240, %parallel_loop3A_241 : vector<16xf32>
        %parallel_loop3A_243 = arith.ori %parallel_loop3A_226, %parallel_loop3A_242 : vector<16xi1>
        scf.yield %parallel_loop3A_243 : vector<16xi1>
      } {sc.loop_unroll_factor = 8 : i64, sc.parallel_access}
      %reduce_or3A_213 = arith.constant 1.000000e+00 : f32
      %reduce_or3A_214 = arith.constant 0.000000e+00 : f32
      %reduce_or3A_215 = vector.broadcast %reduce_or3A_213 : f32 to vector<16xf32>
      %reduce_or3A_216 = vector.broadcast %reduce_or3A_214 : f32 to vector<16xf32>
      %reduce_or3A_217 = arith.select %parallel_loop3A_212, %reduce_or3A_215, %reduce_or3A_216 : vector<16xi1>, vector<16xf32>
      %reduce_or3A_218 = arith.constant true
      %reduce_or3A_219 = vector.broadcast %reduce_or3A_218 : i1 to vector<16xi1>
      %reduce_or3A_220 = tpu.scan <max>, %reduce_or3A_217 masked %reduce_or3A_219 : vector<16xf32>, vector<16xi1> -> vector<16xf32>
      %reduce_or3A_221 = vector.extract %reduce_or3A_220[15] : f32 from vector<16xf32>
      %reduce_or3A_222 = arith.constant 0.000000e+00 : f32
      %reduce_or3A_223 = arith.cmpf ogt, %reduce_or3A_221, %reduce_or3A_222 : f32
      %while3A_224 = scf.while (%while3A_225 = %reduce_or3A_223) : (i1) -> i1 {
        scf.condition(%while3A_225) %while3A_225 : i1
      } do {
      ^bb0(%while3A_225: i1):
        %parallel_loop3A_226 = arith.constant 0 : i32
        %parallel_loop3A_227 = arith.constant 125 : i32
        %parallel_loop3A_228 = arith.constant 1 : i32
        scf.for %parallel_loop3A_246 = %parallel_loop3A_226 to %parallel_loop3A_227 step %parallel_loop3A_228  : i32 {
          %parallel_loop3A_247 = arith.constant 16 : i32
          %parallel_loop3A_248 = arith.muli %parallel_loop3A_246, %parallel_loop3A_247 : i32
          %parallel_loop3A_249 = arith.index_cast %parallel_loop3A_248 : i32 to index
          %parallel_loop3A_250 = tpu.vector_load %arg15[%parallel_loop3A_249] {strides = array<i32>} : memref<2000xi32, #tpu.memory_space<vmem>>, vector<16xi32>,
          %parallel_loop3A_251 = arith.constant 65535 : i32
          %parallel_loop3A_252 = vector.broadcast %parallel_loop3A_251 : i32 to vector<16xi32>
          %parallel_loop3A_253 = arith.andi %parallel_loop3A_250, %parallel_loop3A_252 : vector<16xi32>
          %parallel_loop3A_254 = arith.constant 16 : i32
          %parallel_loop3A_255 = vector.broadcast %parallel_loop3A_254 : i32 to vector<16xi32>
          %parallel_loop3A_256 = arith.shrui %parallel_loop3A_250, %parallel_loop3A_255 : vector<16xi32>
          %parallel_loop3A_257 = tpu.vector_load_idx %arg12[%parallel_loop3A_253] : memref<50000xf32, #tpu.memory_space<vmem>>[vector<16xi32>], vector<16xf32>,
          %parallel_loop3A_258 = arith.index_cast %parallel_loop3A_248 : i32 to index
          %parallel_loop3A_259 = tpu.vector_load %arg17[%parallel_loop3A_258] {strides = array<i32>} : memref<2000xf32, #tpu.memory_space<vmem>>, vector<16xf32>,
          %parallel_loop3A_260 = arith.addf %parallel_loop3A_257, %parallel_loop3A_259 : vector<16xf32>
          %parallel_loop3A_261 = tpu.vector_load_idx %arg13[%parallel_loop3A_256] : memref<50000xf32, #tpu.memory_space<vmem>>[vector<16xi32>], vector<16xf32>,
          %parallel_loop3A_262 = arith.cmpf ogt, %parallel_loop3A_260, %parallel_loop3A_261 : vector<16xf32>
          tpu.vector_store_idx %arg13[%parallel_loop3A_256], %parallel_loop3A_260 masked %parallel_loop3A_262 : memref<50000xf32, #tpu.memory_space<vmem>>[vector<16xi32>], vector<16xf32>, vector<16xi1>
        } {sc.loop_unroll_factor = 8 : i64, sc.parallel_access}
        %broadcast_in_dim3A_229 = arith.constant false
        %broadcast_in_dim3A_230 = vector.broadcast %broadcast_in_dim3A_229 : i1 to vector<16xi1>
        %parallel_loop3A_231 = arith.constant 0 : i32
        %parallel_loop3A_232 = arith.constant 125 : i32
        %parallel_loop3A_233 = arith.constant 1 : i32
        %parallel_loop3A_234 = scf.for %parallel_loop3A_246 = %parallel_loop3A_231 to %parallel_loop3A_232 step %parallel_loop3A_233 iter_args(%parallel_loop3A_247 = %broadcast_in_dim3A_230) -> (vector<16xi1>)  : i32 {
          %parallel_loop3A_248 = arith.constant 16 : i32
          %parallel_loop3A_249 = arith.muli %parallel_loop3A_246, %parallel_loop3A_248 : i32
          %parallel_loop3A_250 = arith.index_cast %parallel_loop3A_249 : i32 to index
          %parallel_loop3A_251 = tpu.vector_load %arg15[%parallel_loop3A_250] {strides = array<i32>} : memref<2000xi32, #tpu.memory_space<vmem>>, vector<16xi32>,
          %parallel_loop3A_252 = arith.constant 65535 : i32
          %parallel_loop3A_253 = vector.broadcast %parallel_loop3A_252 : i32 to vector<16xi32>
          %parallel_loop3A_254 = arith.andi %parallel_loop3A_251, %parallel_loop3A_253 : vector<16xi32>
          %parallel_loop3A_255 = arith.constant 16 : i32
          %parallel_loop3A_256 = vector.broadcast %parallel_loop3A_255 : i32 to vector<16xi32>
          %parallel_loop3A_257 = arith.shrui %parallel_loop3A_251, %parallel_loop3A_256 : vector<16xi32>
          %parallel_loop3A_258 = tpu.vector_load_idx %arg12[%parallel_loop3A_254] : memref<50000xf32, #tpu.memory_space<vmem>>[vector<16xi32>], vector<16xf32>,
          %parallel_loop3A_259 = arith.index_cast %parallel_loop3A_249 : i32 to index
          %parallel_loop3A_260 = tpu.vector_load %arg17[%parallel_loop3A_259] {strides = array<i32>} : memref<2000xf32, #tpu.memory_space<vmem>>, vector<16xf32>,
          %parallel_loop3A_261 = arith.addf %parallel_loop3A_258, %parallel_loop3A_260 : vector<16xf32>
          %parallel_loop3A_262 = tpu.vector_load_idx %arg13[%parallel_loop3A_257] : memref<50000xf32, #tpu.memory_space<vmem>>[vector<16xi32>], vector<16xf32>,
          %parallel_loop3A_263 = arith.cmpf ogt, %parallel_loop3A_261, %parallel_loop3A_262 : vector<16xf32>
          %parallel_loop3A_264 = arith.ori %parallel_loop3A_247, %parallel_loop3A_263 : vector<16xi1>
          scf.yield %parallel_loop3A_264 : vector<16xi1>
        } {sc.loop_unroll_factor = 8 : i64, sc.parallel_access}
        %reduce_or3A_235 = arith.constant 1.000000e+00 : f32
        %reduce_or3A_236 = arith.constant 0.000000e+00 : f32
        %reduce_or3A_237 = vector.broadcast %reduce_or3A_235 : f32 to vector<16xf32>
        %reduce_or3A_238 = vector.broadcast %reduce_or3A_236 : f32 to vector<16xf32>
        %reduce_or3A_239 = arith.select %parallel_loop3A_234, %reduce_or3A_237, %reduce_or3A_238 : vector<16xi1>, vector<16xf32>
        %reduce_or3A_240 = arith.constant true
        %reduce_or3A_241 = vector.broadcast %reduce_or3A_240 : i1 to vector<16xi1>
        %reduce_or3A_242 = tpu.scan <max>, %reduce_or3A_239 masked %reduce_or3A_241 : vector<16xf32>, vector<16xi1> -> vector<16xf32>
        %reduce_or3A_243 = vector.extract %reduce_or3A_242[15] : f32 from vector<16xf32>
        %reduce_or3A_244 = arith.constant 0.000000e+00 : f32
        %reduce_or3A_245 = arith.cmpf ogt, %reduce_or3A_243, %reduce_or3A_244 : f32
        scf.yield %reduce_or3A_245 : i1
      }
    }
    %scan3A_135 = arith.constant 50 : i32
    %mul3A_136 = arith.constant 50000 : i32
    %mul3A_137 = arith.muli %add3A, %mul3A_136 : i32
    "tpu.region"() ({
      %run_scoped3A = tpu.sem_alloc : memref<!tpu.dma_semaphore, #tpu.memory_space<semaphore_mem>>
      %dma_start3A_138 = tpu.memref_slice %arg11[%mul3A_137] : memref<1600000xf32, #tpu.memory_space<hbm>> -> memref<50000xf32, #tpu.memory_space<hbm>>
      %dma_start3A_139 = tpu.memref_slice %arg11[%mul3A_137] : memref<1600000xf32, #tpu.memory_space<hbm>> -> memref<50000xf32, #tpu.memory_space<hbm>>
      tpu.enqueue_dma source(%arg13 : memref<50000xf32, #tpu.memory_space<vmem>>) target(%dma_start3A_139 : memref<50000xf32, #tpu.memory_space<hbm>>) target_semaphore(%run_scoped3A : memref<!tpu.dma_semaphore, #tpu.memory_space<semaphore_mem>>)
      %dma_wait3A = tpu.memref_slice %arg11[%mul3A_137] : memref<1600000xf32, #tpu.memory_space<hbm>> -> memref<50000xf32, #tpu.memory_space<hbm>>
      %dma_wait3A_140 = tpu.memref_slice %arg11[%mul3A_137] : memref<1600000xf32, #tpu.memory_space<hbm>> -> memref<50000xf32, #tpu.memory_space<hbm>>
      tpu.wait_dma2 semaphore(%run_scoped3A : memref<!tpu.dma_semaphore, #tpu.memory_space<semaphore_mem>>) src(%arg13 : memref<50000xf32, #tpu.memory_space<vmem>>) dst(%dma_wait3A_140 : memref<50000xf32, #tpu.memory_space<hbm>>)
      tpu.yield
    }) : () -> ()
    return
  }
}

#map = affine_map<(d0, d1) -> (0)>
module attributes {stable_mosaic.version = 14 : i64} {
  func.func @_sc_aggregate_body(%arg0: i32, %arg1: i32, %arg2: memref<50000xf32, #tpu.memory_space<hbm>>, %arg3: memref<50000xf32, #tpu.memory_space<hbm>>, %arg4: memref<50000xf32, #tpu.memory_space<hbm>>, %arg5: memref<50000xf32, #tpu.memory_space<hbm>>, %arg6: memref<1600000xi32, #tpu.memory_space<hbm>>, %arg7: memref<1600000xf32, #tpu.memory_space<hbm>>, %arg8: memref<1600000xf32, #tpu.memory_space<hbm>>, %arg9: memref<1600000xf32, #tpu.memory_space<hbm>>, %arg10: memref<1600000xf32, #tpu.memory_space<hbm>>, %arg11: memref<1600000xf32, #tpu.memory_space<hbm>>, %arg12: memref<50000xf32, #tpu.memory_space<vmem>>, %arg13: memref<50000xf32, #tpu.memory_space<vmem>>, %arg14: memref<2000xi32, #tpu.memory_space<vmem>>, %arg15: memref<2000xi32, #tpu.memory_space<vmem>>, %arg16: memref<2000xf32, #tpu.memory_space<vmem>>, %arg17: memref<2000xf32, #tpu.memory_space<vmem>>, %arg18: memref<2x!tpu.dma_semaphore, #tpu.memory_space<semaphore_mem>>) attributes {dimension_semantics = [#tpu.dimension_semantics<core_parallel>, #tpu.dimension_semantics<subcore_parallel>], iteration_bounds = array<i64: 2, 16>, scalar_prefetch = 0 : i64, scratch_operands = 7 : i64, tpu.core_type = #tpu.core_type<sc_vector_subcore>, window_params = [{transform_indices = #map}, {transform_indices = #map}, {transform_indices = #map}, {transform_indices = #map}, {transform_indices = #map}, {transform_indices = #map}, {transform_indices = #map}, {transform_indices = #map}, {transform_indices = #map}, {transform_indices = #map}]} {
    %mul3A = arith.constant 2 : i32
    %mul3A_0 = arith.muli %arg1, %mul3A : i32
    %add3A = arith.addi %mul3A_0, %arg0 : i32
    %jit3A = arith.constant 8 : i32
    %div3A = arith.divsi %add3A, %jit3A : i32
    %sign3A = arith.constant 0 : i32
    %sign3A_1 = arith.cmpi sgt, %add3A, %sign3A : i32
    %sign3A_2 = arith.extui %sign3A_1 : i1 to i32
    %sign3A_3 = arith.constant 0 : i32
    %sign3A_4 = arith.cmpi slt, %add3A, %sign3A_3 : i32
    %sign3A_5 = arith.extui %sign3A_4 : i1 to i32
    %sign3A_6 = arith.subi %sign3A_2, %sign3A_5 : i32
    %sign3A_7 = arith.constant 0 : i32
    %sign3A_8 = arith.cmpi sgt, %jit3A, %sign3A_7 : i32
    %sign3A_9 = arith.extui %sign3A_8 : i1 to i32
    %sign3A_10 = arith.constant 0 : i32
    %sign3A_11 = arith.cmpi slt, %jit3A, %sign3A_10 : i32
    %sign3A_12 = arith.extui %sign3A_11 : i1 to i32
    %sign3A_13 = arith.subi %sign3A_9, %sign3A_12 : i32
    %ne3A = arith.cmpi ne, %sign3A_6, %sign3A_13 : i32
    %rem3A = arith.remsi %add3A, %jit3A : i32
    %ne3A_14 = arith.constant 0 : i32
    %ne3A_15 = arith.cmpi ne, %rem3A, %ne3A_14 : i32
    %and3A = arith.andi %ne3A, %ne3A_15 : i1
    %sub3A = arith.constant 1 : i32
    %sub3A_16 = arith.subi %div3A, %sub3A : i32
    %select_n3A = arith.select %and3A, %sub3A_16, %div3A : i32
    %jit3A_17 = arith.constant 8 : i32
    %eq3A = arith.constant 0 : i32
    %eq3A_18 = arith.cmpi eq, %jit3A_17, %eq3A : i32
    %jit3A_19 = arith.constant 1 : i32
    %select_n3A_20 = arith.select %eq3A_18, %jit3A_19, %jit3A_17 : i32
    %rem3A_21 = arith.remsi %add3A, %select_n3A_20 : i32
    %ne3A_22 = arith.constant 0 : i32
    %ne3A_23 = arith.cmpi ne, %rem3A_21, %ne3A_22 : i32
    %lt3A = arith.constant 0 : i32
    %lt3A_24 = arith.cmpi slt, %rem3A_21, %lt3A : i32
    %lt3A_25 = arith.constant 0 : i32
    %lt3A_26 = arith.cmpi slt, %select_n3A_20, %lt3A_25 : i32
    %ne3A_27 = arith.xori %lt3A_24, %lt3A_26 : i1
    %and3A_28 = arith.andi %ne3A_27, %ne3A_23 : i1
    %add3A_29 = arith.addi %rem3A_21, %select_n3A_20 : i32
    %select_n3A_30 = arith.select %and3A_28, %add3A_29, %rem3A_21 : i32
    %mul3A_31 = arith.constant 200000 : i32
    %mul3A_32 = arith.muli %select_n3A_30, %mul3A_31 : i32
    %eq3A_33 = arith.constant 0 : i32
    %eq3A_34 = arith.cmpi eq, %select_n3A, %eq3A_33 : i32
    %convert_element_type3A = arith.extui %eq3A_34 : i1 to i32
    %cond3A = arith.constant 0 : i32
    %cond3A_35 = arith.cmpi ne, %convert_element_type3A, %cond3A : i32
    scf.if %cond3A_35 {
      "tpu.region"() ({
        %run_scoped3A = tpu.sem_alloc : memref<!tpu.dma_semaphore, #tpu.memory_space<semaphore_mem>>
        tpu.enqueue_dma source(%arg2 : memref<50000xf32, #tpu.memory_space<hbm>>) target(%arg12 : memref<50000xf32, #tpu.memory_space<vmem>>) target_semaphore(%run_scoped3A : memref<!tpu.dma_semaphore, #tpu.memory_space<semaphore_mem>>)
        tpu.wait_dma2 semaphore(%run_scoped3A : memref<!tpu.dma_semaphore, #tpu.memory_space<semaphore_mem>>) src(%arg2 : memref<50000xf32, #tpu.memory_space<hbm>>) dst(%arg12 : memref<50000xf32, #tpu.memory_space<vmem>>)
        tpu.yield
      }) : () -> ()
    } else {
    }
    %eq3A_36 = arith.constant 1 : i32
    %eq3A_37 = arith.cmpi eq, %select_n3A, %eq3A_36 : i32
    %convert_element_type3A_38 = arith.extui %eq3A_37 : i1 to i32
    %cond3A_39 = arith.constant 0 : i32
    %cond3A_40 = arith.cmpi ne, %convert_element_type3A_38, %cond3A_39 : i32
    scf.if %cond3A_40 {
      "tpu.region"() ({
        %run_scoped3A = tpu.sem_alloc : memref<!tpu.dma_semaphore, #tpu.memory_space<semaphore_mem>>
        tpu.enqueue_dma source(%arg3 : memref<50000xf32, #tpu.memory_space<hbm>>) target(%arg12 : memref<50000xf32, #tpu.memory_space<vmem>>) target_semaphore(%run_scoped3A : memref<!tpu.dma_semaphore, #tpu.memory_space<semaphore_mem>>)
        tpu.wait_dma2 semaphore(%run_scoped3A : memref<!tpu.dma_semaphore, #tpu.memory_space<semaphore_mem>>) src(%arg3 : memref<50000xf32, #tpu.memory_space<hbm>>) dst(%arg12 : memref<50000xf32, #tpu.memory_space<vmem>>)
        tpu.yield
      }) : () -> ()
    } else {
    }
    %eq3A_41 = arith.constant 2 : i32
    %eq3A_42 = arith.cmpi eq, %select_n3A, %eq3A_41 : i32
    %convert_element_type3A_43 = arith.extui %eq3A_42 : i1 to i32
    %cond3A_44 = arith.constant 0 : i32
    %cond3A_45 = arith.cmpi ne, %convert_element_type3A_43, %cond3A_44 : i32
    scf.if %cond3A_45 {
      "tpu.region"() ({
        %run_scoped3A = tpu.sem_alloc : memref<!tpu.dma_semaphore, #tpu.memory_space<semaphore_mem>>
        tpu.enqueue_dma source(%arg4 : memref<50000xf32, #tpu.memory_space<hbm>>) target(%arg12 : memref<50000xf32, #tpu.memory_space<vmem>>) target_semaphore(%run_scoped3A : memref<!tpu.dma_semaphore, #tpu.memory_space<semaphore_mem>>)
        tpu.wait_dma2 semaphore(%run_scoped3A : memref<!tpu.dma_semaphore, #tpu.memory_space<semaphore_mem>>) src(%arg4 : memref<50000xf32, #tpu.memory_space<hbm>>) dst(%arg12 : memref<50000xf32, #tpu.memory_space<vmem>>)
        tpu.yield
      }) : () -> ()
    } else {
    }
    %eq3A_46 = arith.constant 3 : i32
    %eq3A_47 = arith.cmpi eq, %select_n3A, %eq3A_46 : i32
    %convert_element_type3A_48 = arith.extui %eq3A_47 : i1 to i32
    %cond3A_49 = arith.constant 0 : i32
    %cond3A_50 = arith.cmpi ne, %convert_element_type3A_48, %cond3A_49 : i32
    scf.if %cond3A_50 {
      "tpu.region"() ({
        %run_scoped3A = tpu.sem_alloc : memref<!tpu.dma_semaphore, #tpu.memory_space<semaphore_mem>>
        tpu.enqueue_dma source(%arg5 : memref<50000xf32, #tpu.memory_space<hbm>>) target(%arg12 : memref<50000xf32, #tpu.memory_space<vmem>>) target_semaphore(%run_scoped3A : memref<!tpu.dma_semaphore, #tpu.memory_space<semaphore_mem>>)
        tpu.wait_dma2 semaphore(%run_scoped3A : memref<!tpu.dma_semaphore, #tpu.memory_space<semaphore_mem>>) src(%arg5 : memref<50000xf32, #tpu.memory_space<hbm>>) dst(%arg12 : memref<50000xf32, #tpu.memory_space<vmem>>)
        tpu.yield
      }) : () -> ()
    } else {
    }
    %broadcast_in_dim3A = arith.constant 0.000000e+00 : f32
    %broadcast_in_dim3A_51 = vector.broadcast %broadcast_in_dim3A : f32 to vector<16xf32>
    %scan3A = arith.constant 0 : i32
    %scan3A_52 = arith.constant 3120 : i32
    %scan3A_53 = arith.addi %scan3A, %scan3A_52 : i32
    %scan3A_54 = arith.constant 8 : i32
    scf.for %scan3A_138 = %scan3A to %scan3A_53 step %scan3A_54  : i32 {
      %mul3A_139 = arith.constant 1 : i32
      %mul3A_140 = arith.muli %scan3A_138, %mul3A_139 : i32
      %add3A_141 = arith.constant 0 : i32
      %add3A_142 = arith.addi %add3A_141, %mul3A_140 : i32
      %mul3A_143 = arith.constant 16 : i32
      %mul3A_144 = arith.muli %add3A_142, %mul3A_143 : i32
      %swap3A_145 = arith.index_cast %mul3A_144 : i32 to index
      %swap3A_146 = tpu.vector_load %arg13[%swap3A_145] {strides = array<i32>} : memref<50000xf32, #tpu.memory_space<vmem>>, vector<16xf32>,
      tpu.vector_store %arg13[%swap3A_145], %broadcast_in_dim3A_51 {strides = array<i32>} : memref<50000xf32, #tpu.memory_space<vmem>>, vector<16xf32>,
      %scan3A_147 = arith.constant 1 : i32
      %scan3A_148 = arith.addi %scan3A_138, %scan3A_147 : i32
      %mul3A_149 = arith.constant 1 : i32
      %mul3A_150 = arith.muli %scan3A_148, %mul3A_149 : i32
      %add3A_151 = arith.constant 0 : i32
      %add3A_152 = arith.addi %add3A_151, %mul3A_150 : i32
      %mul3A_153 = arith.constant 16 : i32
      %mul3A_154 = arith.muli %add3A_152, %mul3A_153 : i32
      %swap3A_155 = arith.index_cast %mul3A_154 : i32 to index
      %swap3A_156 = tpu.vector_load %arg13[%swap3A_155] {strides = array<i32>} : memref<50000xf32, #tpu.memory_space<vmem>>, vector<16xf32>,
      tpu.vector_store %arg13[%swap3A_155], %broadcast_in_dim3A_51 {strides = array<i32>} : memref<50000xf32, #tpu.memory_space<vmem>>, vector<16xf32>,
      %scan3A_157 = arith.constant 2 : i32
      %scan3A_158 = arith.addi %scan3A_138, %scan3A_157 : i32
      %mul3A_159 = arith.constant 1 : i32
      %mul3A_160 = arith.muli %scan3A_158, %mul3A_159 : i32
      %add3A_161 = arith.constant 0 : i32
      %add3A_162 = arith.addi %add3A_161, %mul3A_160 : i32
      %mul3A_163 = arith.constant 16 : i32
      %mul3A_164 = arith.muli %add3A_162, %mul3A_163 : i32
      %swap3A_165 = arith.index_cast %mul3A_164 : i32 to index
      %swap3A_166 = tpu.vector_load %arg13[%swap3A_165] {strides = array<i32>} : memref<50000xf32, #tpu.memory_space<vmem>>, vector<16xf32>,
      tpu.vector_store %arg13[%swap3A_165], %broadcast_in_dim3A_51 {strides = array<i32>} : memref<50000xf32, #tpu.memory_space<vmem>>, vector<16xf32>,
      %scan3A_167 = arith.constant 3 : i32
      %scan3A_168 = arith.addi %scan3A_138, %scan3A_167 : i32
      %mul3A_169 = arith.constant 1 : i32
      %mul3A_170 = arith.muli %scan3A_168, %mul3A_169 : i32
      %add3A_171 = arith.constant 0 : i32
      %add3A_172 = arith.addi %add3A_171, %mul3A_170 : i32
      %mul3A_173 = arith.constant 16 : i32
      %mul3A_174 = arith.muli %add3A_172, %mul3A_173 : i32
      %swap3A_175 = arith.index_cast %mul3A_174 : i32 to index
      %swap3A_176 = tpu.vector_load %arg13[%swap3A_175] {strides = array<i32>} : memref<50000xf32, #tpu.memory_space<vmem>>, vector<16xf32>,
      tpu.vector_store %arg13[%swap3A_175], %broadcast_in_dim3A_51 {strides = array<i32>} : memref<50000xf32, #tpu.memory_space<vmem>>, vector<16xf32>,
      %scan3A_177 = arith.constant 4 : i32
      %scan3A_178 = arith.addi %scan3A_138, %scan3A_177 : i32
      %mul3A_179 = arith.constant 1 : i32
      %mul3A_180 = arith.muli %scan3A_178, %mul3A_179 : i32
      %add3A_181 = arith.constant 0 : i32
      %add3A_182 = arith.addi %add3A_181, %mul3A_180 : i32
      %mul3A_183 = arith.constant 16 : i32
      %mul3A_184 = arith.muli %add3A_182, %mul3A_183 : i32
      %swap3A_185 = arith.index_cast %mul3A_184 : i32 to index
      %swap3A_186 = tpu.vector_load %arg13[%swap3A_185] {strides = array<i32>} : memref<50000xf32, #tpu.memory_space<vmem>>, vector<16xf32>,
      tpu.vector_store %arg13[%swap3A_185], %broadcast_in_dim3A_51 {strides = array<i32>} : memref<50000xf32, #tpu.memory_space<vmem>>, vector<16xf32>,
      %scan3A_187 = arith.constant 5 : i32
      %scan3A_188 = arith.addi %scan3A_138, %scan3A_187 : i32
      %mul3A_189 = arith.constant 1 : i32
      %mul3A_190 = arith.muli %scan3A_188, %mul3A_189 : i32
      %add3A_191 = arith.constant 0 : i32
      %add3A_192 = arith.addi %add3A_191, %mul3A_190 : i32
      %mul3A_193 = arith.constant 16 : i32
      %mul3A_194 = arith.muli %add3A_192, %mul3A_193 : i32
      %swap3A_195 = arith.index_cast %mul3A_194 : i32 to index
      %swap3A_196 = tpu.vector_load %arg13[%swap3A_195] {strides = array<i32>} : memref<50000xf32, #tpu.memory_space<vmem>>, vector<16xf32>,
      tpu.vector_store %arg13[%swap3A_195], %broadcast_in_dim3A_51 {strides = array<i32>} : memref<50000xf32, #tpu.memory_space<vmem>>, vector<16xf32>,
      %scan3A_197 = arith.constant 6 : i32
      %scan3A_198 = arith.addi %scan3A_138, %scan3A_197 : i32
      %mul3A_199 = arith.constant 1 : i32
      %mul3A_200 = arith.muli %scan3A_198, %mul3A_199 : i32
      %add3A_201 = arith.constant 0 : i32
      %add3A_202 = arith.addi %add3A_201, %mul3A_200 : i32
      %mul3A_203 = arith.constant 16 : i32
      %mul3A_204 = arith.muli %add3A_202, %mul3A_203 : i32
      %swap3A_205 = arith.index_cast %mul3A_204 : i32 to index
      %swap3A_206 = tpu.vector_load %arg13[%swap3A_205] {strides = array<i32>} : memref<50000xf32, #tpu.memory_space<vmem>>, vector<16xf32>,
      tpu.vector_store %arg13[%swap3A_205], %broadcast_in_dim3A_51 {strides = array<i32>} : memref<50000xf32, #tpu.memory_space<vmem>>, vector<16xf32>,
      %scan3A_207 = arith.constant 7 : i32
      %scan3A_208 = arith.addi %scan3A_138, %scan3A_207 : i32
      %mul3A_209 = arith.constant 1 : i32
      %mul3A_210 = arith.muli %scan3A_208, %mul3A_209 : i32
      %add3A_211 = arith.constant 0 : i32
      %add3A_212 = arith.addi %add3A_211, %mul3A_210 : i32
      %mul3A_213 = arith.constant 16 : i32
      %mul3A_214 = arith.muli %add3A_212, %mul3A_213 : i32
      %swap3A_215 = arith.index_cast %mul3A_214 : i32 to index
      %swap3A_216 = tpu.vector_load %arg13[%swap3A_215] {strides = array<i32>} : memref<50000xf32, #tpu.memory_space<vmem>>, vector<16xf32>,
      tpu.vector_store %arg13[%swap3A_215], %broadcast_in_dim3A_51 {strides = array<i32>} : memref<50000xf32, #tpu.memory_space<vmem>>, vector<16xf32>,
    }
    %scan3A_55 = arith.constant 3120 : i32
    %scan3A_56 = arith.addi %scan3A, %scan3A_55 : i32
    %mul3A_57 = arith.constant 1 : i32
    %mul3A_58 = arith.muli %scan3A_56, %mul3A_57 : i32
    %add3A_59 = arith.constant 0 : i32
    %add3A_60 = arith.addi %add3A_59, %mul3A_58 : i32
    %mul3A_61 = arith.constant 16 : i32
    %mul3A_62 = arith.muli %add3A_60, %mul3A_61 : i32
    %swap3A = arith.index_cast %mul3A_62 : i32 to index
    %swap3A_63 = tpu.vector_load %arg13[%swap3A] {strides = array<i32>} : memref<50000xf32, #tpu.memory_space<vmem>>, vector<16xf32>,
    tpu.vector_store %arg13[%swap3A], %broadcast_in_dim3A_51 {strides = array<i32>} : memref<50000xf32, #tpu.memory_space<vmem>>, vector<16xf32>,
    %scan3A_64 = arith.constant 3121 : i32
    %scan3A_65 = arith.addi %scan3A, %scan3A_64 : i32
    %mul3A_66 = arith.constant 1 : i32
    %mul3A_67 = arith.muli %scan3A_65, %mul3A_66 : i32
    %add3A_68 = arith.constant 0 : i32
    %add3A_69 = arith.addi %add3A_68, %mul3A_67 : i32
    %mul3A_70 = arith.constant 16 : i32
    %mul3A_71 = arith.muli %add3A_69, %mul3A_70 : i32
    %swap3A_72 = arith.index_cast %mul3A_71 : i32 to index
    %swap3A_73 = tpu.vector_load %arg13[%swap3A_72] {strides = array<i32>} : memref<50000xf32, #tpu.memory_space<vmem>>, vector<16xf32>,
    tpu.vector_store %arg13[%swap3A_72], %broadcast_in_dim3A_51 {strides = array<i32>} : memref<50000xf32, #tpu.memory_space<vmem>>, vector<16xf32>,
    %scan3A_74 = arith.constant 3122 : i32
    %scan3A_75 = arith.addi %scan3A, %scan3A_74 : i32
    %mul3A_76 = arith.constant 1 : i32
    %mul3A_77 = arith.muli %scan3A_75, %mul3A_76 : i32
    %add3A_78 = arith.constant 0 : i32
    %add3A_79 = arith.addi %add3A_78, %mul3A_77 : i32
    %mul3A_80 = arith.constant 16 : i32
    %mul3A_81 = arith.muli %add3A_79, %mul3A_80 : i32
    %swap3A_82 = arith.index_cast %mul3A_81 : i32 to index
    %swap3A_83 = tpu.vector_load %arg13[%swap3A_82] {strides = array<i32>} : memref<50000xf32, #tpu.memory_space<vmem>>, vector<16xf32>,
    tpu.vector_store %arg13[%swap3A_82], %broadcast_in_dim3A_51 {strides = array<i32>} : memref<50000xf32, #tpu.memory_space<vmem>>, vector<16xf32>,
    %scan3A_84 = arith.constant 3123 : i32
    %scan3A_85 = arith.addi %scan3A, %scan3A_84 : i32
    %mul3A_86 = arith.constant 1 : i32
    %mul3A_87 = arith.muli %scan3A_85, %mul3A_86 : i32
    %add3A_88 = arith.constant 0 : i32
    %add3A_89 = arith.addi %add3A_88, %mul3A_87 : i32
    %mul3A_90 = arith.constant 16 : i32
    %mul3A_91 = arith.muli %add3A_89, %mul3A_90 : i32
    %swap3A_92 = arith.index_cast %mul3A_91 : i32 to index
    %swap3A_93 = tpu.vector_load %arg13[%swap3A_92] {strides = array<i32>} : memref<50000xf32, #tpu.memory_space<vmem>>, vector<16xf32>,
    tpu.vector_store %arg13[%swap3A_92], %broadcast_in_dim3A_51 {strides = array<i32>} : memref<50000xf32, #tpu.memory_space<vmem>>, vector<16xf32>,
    %scan3A_94 = arith.constant 3124 : i32
    %scan3A_95 = arith.addi %scan3A, %scan3A_94 : i32
    %mul3A_96 = arith.constant 1 : i32
    %mul3A_97 = arith.muli %scan3A_95, %mul3A_96 : i32
    %add3A_98 = arith.constant 0 : i32
    %add3A_99 = arith.addi %add3A_98, %mul3A_97 : i32
    %mul3A_100 = arith.constant 16 : i32
    %mul3A_101 = arith.muli %add3A_99, %mul3A_100 : i32
    %swap3A_102 = arith.index_cast %mul3A_101 : i32 to index
    %swap3A_103 = tpu.vector_load %arg13[%swap3A_102] {strides = array<i32>} : memref<50000xf32, #tpu.memory_space<vmem>>, vector<16xf32>,
    tpu.vector_store %arg13[%swap3A_102], %broadcast_in_dim3A_51 {strides = array<i32>} : memref<50000xf32, #tpu.memory_space<vmem>>, vector<16xf32>,
    %scan3A_104 = arith.constant 3125 : i32
    %add3A_105 = arith.constant 0 : i32
    %add3A_106 = arith.addi %mul3A_32, %add3A_105 : i32
    %dma_start3A = arith.constant 0 : i32
    %dma_start3A_107 = tpu.memref_slice %arg6[%add3A_106] : memref<1600000xi32, #tpu.memory_space<hbm>> -> memref<2000xi32, #tpu.memory_space<hbm>>
    %dma_start3A_108 = tpu.memref_slice %arg18[%dma_start3A] : memref<2x!tpu.dma_semaphore, #tpu.memory_space<semaphore_mem>> -> memref<1x!tpu.dma_semaphore, #tpu.memory_space<semaphore_mem>>
    %dma_start3A_109 = tpu.memref_squeeze %dma_start3A_108 : memref<1x!tpu.dma_semaphore, #tpu.memory_space<semaphore_mem>> -> memref<!tpu.dma_semaphore, #tpu.memory_space<semaphore_mem>>
    %dma_start3A_110 = tpu.memref_slice %arg6[%add3A_106] : memref<1600000xi32, #tpu.memory_space<hbm>> -> memref<2000xi32, #tpu.memory_space<hbm>>
    tpu.enqueue_dma source(%dma_start3A_110 : memref<2000xi32, #tpu.memory_space<hbm>>) target(%arg14 : memref<2000xi32, #tpu.memory_space<vmem>>) target_semaphore(%dma_start3A_109 : memref<!tpu.dma_semaphore, #tpu.memory_space<semaphore_mem>>)
    %eq3A_111 = arith.constant 0 : i32
    %eq3A_112 = arith.cmpi eq, %select_n3A, %eq3A_111 : i32
    %convert_element_type3A_113 = arith.extui %eq3A_112 : i1 to i32
    %cond3A_114 = arith.constant 0 : i32
    %cond3A_115 = arith.cmpi ne, %convert_element_type3A_113, %cond3A_114 : i32
    scf.if %cond3A_115 {
      %dma_start3A_138 = arith.constant 0 : i32
      %dma_start3A_139 = tpu.memref_slice %arg7[%add3A_106] : memref<1600000xf32, #tpu.memory_space<hbm>> -> memref<2000xf32, #tpu.memory_space<hbm>>
      %dma_start3A_140 = tpu.memref_slice %arg18[%dma_start3A_138] : memref<2x!tpu.dma_semaphore, #tpu.memory_space<semaphore_mem>> -> memref<1x!tpu.dma_semaphore, #tpu.memory_space<semaphore_mem>>
      %dma_start3A_141 = tpu.memref_squeeze %dma_start3A_140 : memref<1x!tpu.dma_semaphore, #tpu.memory_space<semaphore_mem>> -> memref<!tpu.dma_semaphore, #tpu.memory_space<semaphore_mem>>
      %dma_start3A_142 = tpu.memref_slice %arg7[%add3A_106] : memref<1600000xf32, #tpu.memory_space<hbm>> -> memref<2000xf32, #tpu.memory_space<hbm>>
      tpu.enqueue_dma source(%dma_start3A_142 : memref<2000xf32, #tpu.memory_space<hbm>>) target(%arg16 : memref<2000xf32, #tpu.memory_space<vmem>>) target_semaphore(%dma_start3A_141 : memref<!tpu.dma_semaphore, #tpu.memory_space<semaphore_mem>>)
    } else {
    }
    %eq3A_116 = arith.constant 1 : i32
    %eq3A_117 = arith.cmpi eq, %select_n3A, %eq3A_116 : i32
    %convert_element_type3A_118 = arith.extui %eq3A_117 : i1 to i32
    %cond3A_119 = arith.constant 0 : i32
    %cond3A_120 = arith.cmpi ne, %convert_element_type3A_118, %cond3A_119 : i32
    scf.if %cond3A_120 {
      %dma_start3A_138 = arith.constant 0 : i32
      %dma_start3A_139 = tpu.memref_slice %arg8[%add3A_106] : memref<1600000xf32, #tpu.memory_space<hbm>> -> memref<2000xf32, #tpu.memory_space<hbm>>
      %dma_start3A_140 = tpu.memref_slice %arg18[%dma_start3A_138] : memref<2x!tpu.dma_semaphore, #tpu.memory_space<semaphore_mem>> -> memref<1x!tpu.dma_semaphore, #tpu.memory_space<semaphore_mem>>
      %dma_start3A_141 = tpu.memref_squeeze %dma_start3A_140 : memref<1x!tpu.dma_semaphore, #tpu.memory_space<semaphore_mem>> -> memref<!tpu.dma_semaphore, #tpu.memory_space<semaphore_mem>>
      %dma_start3A_142 = tpu.memref_slice %arg8[%add3A_106] : memref<1600000xf32, #tpu.memory_space<hbm>> -> memref<2000xf32, #tpu.memory_space<hbm>>
      tpu.enqueue_dma source(%dma_start3A_142 : memref<2000xf32, #tpu.memory_space<hbm>>) target(%arg16 : memref<2000xf32, #tpu.memory_space<vmem>>) target_semaphore(%dma_start3A_141 : memref<!tpu.dma_semaphore, #tpu.memory_space<semaphore_mem>>)
    } else {
    }
    %eq3A_121 = arith.constant 2 : i32
    %eq3A_122 = arith.cmpi eq, %select_n3A, %eq3A_121 : i32
    %convert_element_type3A_123 = arith.extui %eq3A_122 : i1 to i32
    %cond3A_124 = arith.constant 0 : i32
    %cond3A_125 = arith.cmpi ne, %convert_element_type3A_123, %cond3A_124 : i32
    scf.if %cond3A_125 {
      %dma_start3A_138 = arith.constant 0 : i32
      %dma_start3A_139 = tpu.memref_slice %arg9[%add3A_106] : memref<1600000xf32, #tpu.memory_space<hbm>> -> memref<2000xf32, #tpu.memory_space<hbm>>
      %dma_start3A_140 = tpu.memref_slice %arg18[%dma_start3A_138] : memref<2x!tpu.dma_semaphore, #tpu.memory_space<semaphore_mem>> -> memref<1x!tpu.dma_semaphore, #tpu.memory_space<semaphore_mem>>
      %dma_start3A_141 = tpu.memref_squeeze %dma_start3A_140 : memref<1x!tpu.dma_semaphore, #tpu.memory_space<semaphore_mem>> -> memref<!tpu.dma_semaphore, #tpu.memory_space<semaphore_mem>>
      %dma_start3A_142 = tpu.memref_slice %arg9[%add3A_106] : memref<1600000xf32, #tpu.memory_space<hbm>> -> memref<2000xf32, #tpu.memory_space<hbm>>
      tpu.enqueue_dma source(%dma_start3A_142 : memref<2000xf32, #tpu.memory_space<hbm>>) target(%arg16 : memref<2000xf32, #tpu.memory_space<vmem>>) target_semaphore(%dma_start3A_141 : memref<!tpu.dma_semaphore, #tpu.memory_space<semaphore_mem>>)
    } else {
    }
    %eq3A_126 = arith.constant 3 : i32
    %eq3A_127 = arith.cmpi eq, %select_n3A, %eq3A_126 : i32
    %convert_element_type3A_128 = arith.extui %eq3A_127 : i1 to i32
    %cond3A_129 = arith.constant 0 : i32
    %cond3A_130 = arith.cmpi ne, %convert_element_type3A_128, %cond3A_129 : i32
    scf.if %cond3A_130 {
      %dma_start3A_138 = arith.constant 0 : i32
      %dma_start3A_139 = tpu.memref_slice %arg10[%add3A_106] : memref<1600000xf32, #tpu.memory_space<hbm>> -> memref<2000xf32, #tpu.memory_space<hbm>>
      %dma_start3A_140 = tpu.memref_slice %arg18[%dma_start3A_138] : memref<2x!tpu.dma_semaphore, #tpu.memory_space<semaphore_mem>> -> memref<1x!tpu.dma_semaphore, #tpu.memory_space<semaphore_mem>>
      %dma_start3A_141 = tpu.memref_squeeze %dma_start3A_140 : memref<1x!tpu.dma_semaphore, #tpu.memory_space<semaphore_mem>> -> memref<!tpu.dma_semaphore, #tpu.memory_space<semaphore_mem>>
      %dma_start3A_142 = tpu.memref_slice %arg10[%add3A_106] : memref<1600000xf32, #tpu.memory_space<hbm>> -> memref<2000xf32, #tpu.memory_space<hbm>>
      tpu.enqueue_dma source(%dma_start3A_142 : memref<2000xf32, #tpu.memory_space<hbm>>) target(%arg16 : memref<2000xf32, #tpu.memory_space<vmem>>) target_semaphore(%dma_start3A_141 : memref<!tpu.dma_semaphore, #tpu.memory_space<semaphore_mem>>)
    } else {
    }
    %scan3A_131 = arith.constant 0 : i32
    %scan3A_132 = arith.constant 50 : i32
    %scan3A_133 = arith.addi %scan3A_131, %scan3A_132 : i32
    %scan3A_134 = arith.constant 1 : i32
    scf.for %scan3A_138 = %scan3A_131 to %scan3A_133 step %scan3A_134  : i32 {
      %mul3A_139 = arith.constant 2 : i32
      %mul3A_140 = arith.muli %scan3A_138, %mul3A_139 : i32
      %add3A_141 = arith.constant 0 : i32
      %add3A_142 = arith.addi %add3A_141, %mul3A_140 : i32
      %add3A_143 = arith.constant 0 : i32
      %add3A_144 = arith.addi %add3A_142, %add3A_143 : i32
      %add3A_145 = arith.constant 1 : i32
      %add3A_146 = arith.addi %add3A_144, %add3A_145 : i32
      %lt3A_147 = arith.constant 100 : i32
      %lt3A_148 = arith.cmpi slt, %add3A_146, %lt3A_147 : i32
      %convert_element_type3A_149 = arith.extui %lt3A_148 : i1 to i32
      %cond3A_150 = arith.constant 0 : i32
      %cond3A_151 = arith.cmpi ne, %convert_element_type3A_149, %cond3A_150 : i32
      scf.if %cond3A_151 {
        %add3A_225 = arith.constant 1 : i32
        %add3A_226 = arith.addi %add3A_144, %add3A_225 : i32
        %mul3A_227 = arith.constant 2000 : i32
        %mul3A_228 = arith.muli %add3A_226, %mul3A_227 : i32
        %add3A_229 = arith.addi %mul3A_32, %mul3A_228 : i32
        %dma_start3A_230 = arith.constant 1 : i32
        %dma_start3A_231 = tpu.memref_slice %arg6[%add3A_229] : memref<1600000xi32, #tpu.memory_space<hbm>> -> memref<2000xi32, #tpu.memory_space<hbm>>
        %dma_start3A_232 = tpu.memref_slice %arg18[%dma_start3A_230] : memref<2x!tpu.dma_semaphore, #tpu.memory_space<semaphore_mem>> -> memref<1x!tpu.dma_semaphore, #tpu.memory_space<semaphore_mem>>
        %dma_start3A_233 = tpu.memref_squeeze %dma_start3A_232 : memref<1x!tpu.dma_semaphore, #tpu.memory_space<semaphore_mem>> -> memref<!tpu.dma_semaphore, #tpu.memory_space<semaphore_mem>>
        %dma_start3A_234 = tpu.memref_slice %arg6[%add3A_229] : memref<1600000xi32, #tpu.memory_space<hbm>> -> memref<2000xi32, #tpu.memory_space<hbm>>
        tpu.enqueue_dma source(%dma_start3A_234 : memref<2000xi32, #tpu.memory_space<hbm>>) target(%arg15 : memref<2000xi32, #tpu.memory_space<vmem>>) target_semaphore(%dma_start3A_233 : memref<!tpu.dma_semaphore, #tpu.memory_space<semaphore_mem>>)
        %eq3A_235 = arith.constant 0 : i32
        %eq3A_236 = arith.cmpi eq, %select_n3A, %eq3A_235 : i32
        %convert_element_type3A_237 = arith.extui %eq3A_236 : i1 to i32
        %cond3A_238 = arith.constant 0 : i32
        %cond3A_239 = arith.cmpi ne, %convert_element_type3A_237, %cond3A_238 : i32
        scf.if %cond3A_239 {
          %dma_start3A_255 = arith.constant 1 : i32
          %dma_start3A_256 = tpu.memref_slice %arg7[%add3A_229] : memref<1600000xf32, #tpu.memory_space<hbm>> -> memref<2000xf32, #tpu.memory_space<hbm>>
          %dma_start3A_257 = tpu.memref_slice %arg18[%dma_start3A_255] : memref<2x!tpu.dma_semaphore, #tpu.memory_space<semaphore_mem>> -> memref<1x!tpu.dma_semaphore, #tpu.memory_space<semaphore_mem>>
          %dma_start3A_258 = tpu.memref_squeeze %dma_start3A_257 : memref<1x!tpu.dma_semaphore, #tpu.memory_space<semaphore_mem>> -> memref<!tpu.dma_semaphore, #tpu.memory_space<semaphore_mem>>
          %dma_start3A_259 = tpu.memref_slice %arg7[%add3A_229] : memref<1600000xf32, #tpu.memory_space<hbm>> -> memref<2000xf32, #tpu.memory_space<hbm>>
          tpu.enqueue_dma source(%dma_start3A_259 : memref<2000xf32, #tpu.memory_space<hbm>>) target(%arg17 : memref<2000xf32, #tpu.memory_space<vmem>>) target_semaphore(%dma_start3A_258 : memref<!tpu.dma_semaphore, #tpu.memory_space<semaphore_mem>>)
        } else {
        }
        %eq3A_240 = arith.constant 1 : i32
        %eq3A_241 = arith.cmpi eq, %select_n3A, %eq3A_240 : i32
        %convert_element_type3A_242 = arith.extui %eq3A_241 : i1 to i32
        %cond3A_243 = arith.constant 0 : i32
        %cond3A_244 = arith.cmpi ne, %convert_element_type3A_242, %cond3A_243 : i32
        scf.if %cond3A_244 {
          %dma_start3A_255 = arith.constant 1 : i32
          %dma_start3A_256 = tpu.memref_slice %arg8[%add3A_229] : memref<1600000xf32, #tpu.memory_space<hbm>> -> memref<2000xf32, #tpu.memory_space<hbm>>
          %dma_start3A_257 = tpu.memref_slice %arg18[%dma_start3A_255] : memref<2x!tpu.dma_semaphore, #tpu.memory_space<semaphore_mem>> -> memref<1x!tpu.dma_semaphore, #tpu.memory_space<semaphore_mem>>
          %dma_start3A_258 = tpu.memref_squeeze %dma_start3A_257 : memref<1x!tpu.dma_semaphore, #tpu.memory_space<semaphore_mem>> -> memref<!tpu.dma_semaphore, #tpu.memory_space<semaphore_mem>>
          %dma_start3A_259 = tpu.memref_slice %arg8[%add3A_229] : memref<1600000xf32, #tpu.memory_space<hbm>> -> memref<2000xf32, #tpu.memory_space<hbm>>
          tpu.enqueue_dma source(%dma_start3A_259 : memref<2000xf32, #tpu.memory_space<hbm>>) target(%arg17 : memref<2000xf32, #tpu.memory_space<vmem>>) target_semaphore(%dma_start3A_258 : memref<!tpu.dma_semaphore, #tpu.memory_space<semaphore_mem>>)
        } else {
        }
        %eq3A_245 = arith.constant 2 : i32
        %eq3A_246 = arith.cmpi eq, %select_n3A, %eq3A_245 : i32
        %convert_element_type3A_247 = arith.extui %eq3A_246 : i1 to i32
        %cond3A_248 = arith.constant 0 : i32
        %cond3A_249 = arith.cmpi ne, %convert_element_type3A_247, %cond3A_248 : i32
        scf.if %cond3A_249 {
          %dma_start3A_255 = arith.constant 1 : i32
          %dma_start3A_256 = tpu.memref_slice %arg9[%add3A_229] : memref<1600000xf32, #tpu.memory_space<hbm>> -> memref<2000xf32, #tpu.memory_space<hbm>>
          %dma_start3A_257 = tpu.memref_slice %arg18[%dma_start3A_255] : memref<2x!tpu.dma_semaphore, #tpu.memory_space<semaphore_mem>> -> memref<1x!tpu.dma_semaphore, #tpu.memory_space<semaphore_mem>>
          %dma_start3A_258 = tpu.memref_squeeze %dma_start3A_257 : memref<1x!tpu.dma_semaphore, #tpu.memory_space<semaphore_mem>> -> memref<!tpu.dma_semaphore, #tpu.memory_space<semaphore_mem>>
          %dma_start3A_259 = tpu.memref_slice %arg9[%add3A_229] : memref<1600000xf32, #tpu.memory_space<hbm>> -> memref<2000xf32, #tpu.memory_space<hbm>>
          tpu.enqueue_dma source(%dma_start3A_259 : memref<2000xf32, #tpu.memory_space<hbm>>) target(%arg17 : memref<2000xf32, #tpu.memory_space<vmem>>) target_semaphore(%dma_start3A_258 : memref<!tpu.dma_semaphore, #tpu.memory_space<semaphore_mem>>)
        } else {
        }
        %eq3A_250 = arith.constant 3 : i32
        %eq3A_251 = arith.cmpi eq, %select_n3A, %eq3A_250 : i32
        %convert_element_type3A_252 = arith.extui %eq3A_251 : i1 to i32
        %cond3A_253 = arith.constant 0 : i32
        %cond3A_254 = arith.cmpi ne, %convert_element_type3A_252, %cond3A_253 : i32
        scf.if %cond3A_254 {
          %dma_start3A_255 = arith.constant 1 : i32
          %dma_start3A_256 = tpu.memref_slice %arg10[%add3A_229] : memref<1600000xf32, #tpu.memory_space<hbm>> -> memref<2000xf32, #tpu.memory_space<hbm>>
          %dma_start3A_257 = tpu.memref_slice %arg18[%dma_start3A_255] : memref<2x!tpu.dma_semaphore, #tpu.memory_space<semaphore_mem>> -> memref<1x!tpu.dma_semaphore, #tpu.memory_space<semaphore_mem>>
          %dma_start3A_258 = tpu.memref_squeeze %dma_start3A_257 : memref<1x!tpu.dma_semaphore, #tpu.memory_space<semaphore_mem>> -> memref<!tpu.dma_semaphore, #tpu.memory_space<semaphore_mem>>
          %dma_start3A_259 = tpu.memref_slice %arg10[%add3A_229] : memref<1600000xf32, #tpu.memory_space<hbm>> -> memref<2000xf32, #tpu.memory_space<hbm>>
          tpu.enqueue_dma source(%dma_start3A_259 : memref<2000xf32, #tpu.memory_space<hbm>>) target(%arg17 : memref<2000xf32, #tpu.memory_space<vmem>>) target_semaphore(%dma_start3A_258 : memref<!tpu.dma_semaphore, #tpu.memory_space<semaphore_mem>>)
        } else {
        }
      } else {
      }
      %mul3A_152 = arith.constant 2000 : i32
      %mul3A_153 = arith.muli %add3A_144, %mul3A_152 : i32
      %add3A_154 = arith.addi %mul3A_32, %mul3A_153 : i32
      %dma_wait3A = arith.constant 0 : i32
      %dma_wait3A_155 = tpu.memref_slice %arg6[%add3A_154] : memref<1600000xi32, #tpu.memory_space<hbm>> -> memref<2000xi32, #tpu.memory_space<hbm>>
      %dma_wait3A_156 = tpu.memref_slice %arg18[%dma_wait3A] : memref<2x!tpu.dma_semaphore, #tpu.memory_space<semaphore_mem>> -> memref<1x!tpu.dma_semaphore, #tpu.memory_space<semaphore_mem>>
      %dma_wait3A_157 = tpu.memref_squeeze %dma_wait3A_156 : memref<1x!tpu.dma_semaphore, #tpu.memory_space<semaphore_mem>> -> memref<!tpu.dma_semaphore, #tpu.memory_space<semaphore_mem>>
      %dma_wait3A_158 = tpu.memref_slice %arg6[%add3A_154] : memref<1600000xi32, #tpu.memory_space<hbm>> -> memref<2000xi32, #tpu.memory_space<hbm>>
      tpu.wait_dma2 semaphore(%dma_wait3A_157 : memref<!tpu.dma_semaphore, #tpu.memory_space<semaphore_mem>>) src(%dma_wait3A_158 : memref<2000xi32, #tpu.memory_space<hbm>>) dst(%arg14 : memref<2000xi32, #tpu.memory_space<vmem>>)
      %dma_wait3A_159 = arith.constant 0 : i32
      %dma_wait3A_160 = tpu.memref_slice %arg7[%add3A_154] : memref<1600000xf32, #tpu.memory_space<hbm>> -> memref<2000xf32, #tpu.memory_space<hbm>>
      %dma_wait3A_161 = tpu.memref_slice %arg18[%dma_wait3A_159] : memref<2x!tpu.dma_semaphore, #tpu.memory_space<semaphore_mem>> -> memref<1x!tpu.dma_semaphore, #tpu.memory_space<semaphore_mem>>
      %dma_wait3A_162 = tpu.memref_squeeze %dma_wait3A_161 : memref<1x!tpu.dma_semaphore, #tpu.memory_space<semaphore_mem>> -> memref<!tpu.dma_semaphore, #tpu.memory_space<semaphore_mem>>
      %dma_wait3A_163 = tpu.memref_slice %arg7[%add3A_154] : memref<1600000xf32, #tpu.memory_space<hbm>> -> memref<2000xf32, #tpu.memory_space<hbm>>
      tpu.wait_dma2 semaphore(%dma_wait3A_162 : memref<!tpu.dma_semaphore, #tpu.memory_space<semaphore_mem>>) src(%dma_wait3A_163 : memref<2000xf32, #tpu.memory_space<hbm>>) dst(%arg16 : memref<2000xf32, #tpu.memory_space<vmem>>)
      %parallel_loop3A = arith.constant 0 : i32
      %parallel_loop3A_164 = arith.constant 125 : i32
      %parallel_loop3A_165 = arith.constant 1 : i32
      scf.for %parallel_loop3A_225 = %parallel_loop3A to %parallel_loop3A_164 step %parallel_loop3A_165  : i32 {
        %parallel_loop3A_226 = arith.constant 16 : i32
        %parallel_loop3A_227 = arith.muli %parallel_loop3A_225, %parallel_loop3A_226 : i32
        %parallel_loop3A_228 = arith.index_cast %parallel_loop3A_227 : i32 to index
        %parallel_loop3A_229 = tpu.vector_load %arg14[%parallel_loop3A_228] {strides = array<i32>} : memref<2000xi32, #tpu.memory_space<vmem>>, vector<16xi32>,
        %parallel_loop3A_230 = arith.constant 65535 : i32
        %parallel_loop3A_231 = vector.broadcast %parallel_loop3A_230 : i32 to vector<16xi32>
        %parallel_loop3A_232 = arith.andi %parallel_loop3A_229, %parallel_loop3A_231 : vector<16xi32>
        %parallel_loop3A_233 = arith.constant 16 : i32
        %parallel_loop3A_234 = vector.broadcast %parallel_loop3A_233 : i32 to vector<16xi32>
        %parallel_loop3A_235 = arith.shrui %parallel_loop3A_229, %parallel_loop3A_234 : vector<16xi32>
        %parallel_loop3A_236 = tpu.vector_load_idx %arg12[%parallel_loop3A_232] : memref<50000xf32, #tpu.memory_space<vmem>>[vector<16xi32>], vector<16xf32>,
        %parallel_loop3A_237 = arith.index_cast %parallel_loop3A_227 : i32 to index
        %parallel_loop3A_238 = tpu.vector_load %arg16[%parallel_loop3A_237] {strides = array<i32>} : memref<2000xf32, #tpu.memory_space<vmem>>, vector<16xf32>,
        %parallel_loop3A_239 = arith.addf %parallel_loop3A_236, %parallel_loop3A_238 : vector<16xf32>
        %parallel_loop3A_240 = tpu.vector_load_idx %arg13[%parallel_loop3A_235] : memref<50000xf32, #tpu.memory_space<vmem>>[vector<16xi32>], vector<16xf32>,
        %parallel_loop3A_241 = arith.cmpf ogt, %parallel_loop3A_239, %parallel_loop3A_240 : vector<16xf32>
        tpu.vector_store_idx %arg13[%parallel_loop3A_235], %parallel_loop3A_239 masked %parallel_loop3A_241 : memref<50000xf32, #tpu.memory_space<vmem>>[vector<16xi32>], vector<16xf32>, vector<16xi1>
      } {sc.loop_unroll_factor = 8 : i64, sc.parallel_access}
      %broadcast_in_dim3A_166 = arith.constant false
      %broadcast_in_dim3A_167 = vector.broadcast %broadcast_in_dim3A_166 : i1 to vector<16xi1>
      %parallel_loop3A_168 = arith.constant 0 : i32
      %parallel_loop3A_169 = arith.constant 125 : i32
      %parallel_loop3A_170 = arith.constant 1 : i32
      %parallel_loop3A_171 = scf.for %parallel_loop3A_225 = %parallel_loop3A_168 to %parallel_loop3A_169 step %parallel_loop3A_170 iter_args(%parallel_loop3A_226 = %broadcast_in_dim3A_167) -> (vector<16xi1>)  : i32 {
        %parallel_loop3A_227 = arith.constant 16 : i32
        %parallel_loop3A_228 = arith.muli %parallel_loop3A_225, %parallel_loop3A_227 : i32
        %parallel_loop3A_229 = arith.index_cast %parallel_loop3A_228 : i32 to index
        %parallel_loop3A_230 = tpu.vector_load %arg14[%parallel_loop3A_229] {strides = array<i32>} : memref<2000xi32, #tpu.memory_space<vmem>>, vector<16xi32>,
        %parallel_loop3A_231 = arith.constant 65535 : i32
        %parallel_loop3A_232 = vector.broadcast %parallel_loop3A_231 : i32 to vector<16xi32>
        %parallel_loop3A_233 = arith.andi %parallel_loop3A_230, %parallel_loop3A_232 : vector<16xi32>
        %parallel_loop3A_234 = arith.constant 16 : i32
        %parallel_loop3A_235 = vector.broadcast %parallel_loop3A_234 : i32 to vector<16xi32>
        %parallel_loop3A_236 = arith.shrui %parallel_loop3A_230, %parallel_loop3A_235 : vector<16xi32>
        %parallel_loop3A_237 = tpu.vector_load_idx %arg12[%parallel_loop3A_233] : memref<50000xf32, #tpu.memory_space<vmem>>[vector<16xi32>], vector<16xf32>,
        %parallel_loop3A_238 = arith.index_cast %parallel_loop3A_228 : i32 to index
        %parallel_loop3A_239 = tpu.vector_load %arg16[%parallel_loop3A_238] {strides = array<i32>} : memref<2000xf32, #tpu.memory_space<vmem>>, vector<16xf32>,
        %parallel_loop3A_240 = arith.addf %parallel_loop3A_237, %parallel_loop3A_239 : vector<16xf32>
        %parallel_loop3A_241 = tpu.vector_load_idx %arg13[%parallel_loop3A_236] : memref<50000xf32, #tpu.memory_space<vmem>>[vector<16xi32>], vector<16xf32>,
        %parallel_loop3A_242 = arith.cmpf ogt, %parallel_loop3A_240, %parallel_loop3A_241 : vector<16xf32>
        %parallel_loop3A_243 = arith.ori %parallel_loop3A_226, %parallel_loop3A_242 : vector<16xi1>
        scf.yield %parallel_loop3A_243 : vector<16xi1>
      } {sc.loop_unroll_factor = 8 : i64, sc.parallel_access}
      %reduce_or3A = arith.constant 1.000000e+00 : f32
      %reduce_or3A_172 = arith.constant 0.000000e+00 : f32
      %reduce_or3A_173 = vector.broadcast %reduce_or3A : f32 to vector<16xf32>
      %reduce_or3A_174 = vector.broadcast %reduce_or3A_172 : f32 to vector<16xf32>
      %reduce_or3A_175 = arith.select %parallel_loop3A_171, %reduce_or3A_173, %reduce_or3A_174 : vector<16xi1>, vector<16xf32>
      %reduce_or3A_176 = arith.constant true
      %reduce_or3A_177 = vector.broadcast %reduce_or3A_176 : i1 to vector<16xi1>
      %reduce_or3A_178 = tpu.scan <max>, %reduce_or3A_175 masked %reduce_or3A_177 : vector<16xf32>, vector<16xi1> -> vector<16xf32>
      %reduce_or3A_179 = vector.extract %reduce_or3A_178[15] : f32 from vector<16xf32>
      %reduce_or3A_180 = arith.constant 0.000000e+00 : f32
      %reduce_or3A_181 = arith.cmpf ogt, %reduce_or3A_179, %reduce_or3A_180 : f32
      %while3A = scf.while (%while3A_225 = %reduce_or3A_181) : (i1) -> i1 {
        scf.condition(%while3A_225) %while3A_225 : i1
      } do {
      ^bb0(%while3A_225: i1):
        %parallel_loop3A_226 = arith.constant 0 : i32
        %parallel_loop3A_227 = arith.constant 125 : i32
        %parallel_loop3A_228 = arith.constant 1 : i32
        scf.for %parallel_loop3A_246 = %parallel_loop3A_226 to %parallel_loop3A_227 step %parallel_loop3A_228  : i32 {
          %parallel_loop3A_247 = arith.constant 16 : i32
          %parallel_loop3A_248 = arith.muli %parallel_loop3A_246, %parallel_loop3A_247 : i32
          %parallel_loop3A_249 = arith.index_cast %parallel_loop3A_248 : i32 to index
          %parallel_loop3A_250 = tpu.vector_load %arg14[%parallel_loop3A_249] {strides = array<i32>} : memref<2000xi32, #tpu.memory_space<vmem>>, vector<16xi32>,
          %parallel_loop3A_251 = arith.constant 65535 : i32
          %parallel_loop3A_252 = vector.broadcast %parallel_loop3A_251 : i32 to vector<16xi32>
          %parallel_loop3A_253 = arith.andi %parallel_loop3A_250, %parallel_loop3A_252 : vector<16xi32>
          %parallel_loop3A_254 = arith.constant 16 : i32
          %parallel_loop3A_255 = vector.broadcast %parallel_loop3A_254 : i32 to vector<16xi32>
          %parallel_loop3A_256 = arith.shrui %parallel_loop3A_250, %parallel_loop3A_255 : vector<16xi32>
          %parallel_loop3A_257 = tpu.vector_load_idx %arg12[%parallel_loop3A_253] : memref<50000xf32, #tpu.memory_space<vmem>>[vector<16xi32>], vector<16xf32>,
          %parallel_loop3A_258 = arith.index_cast %parallel_loop3A_248 : i32 to index
          %parallel_loop3A_259 = tpu.vector_load %arg16[%parallel_loop3A_258] {strides = array<i32>} : memref<2000xf32, #tpu.memory_space<vmem>>, vector<16xf32>,
          %parallel_loop3A_260 = arith.addf %parallel_loop3A_257, %parallel_loop3A_259 : vector<16xf32>
          %parallel_loop3A_261 = tpu.vector_load_idx %arg13[%parallel_loop3A_256] : memref<50000xf32, #tpu.memory_space<vmem>>[vector<16xi32>], vector<16xf32>,
          %parallel_loop3A_262 = arith.cmpf ogt, %parallel_loop3A_260, %parallel_loop3A_261 : vector<16xf32>
          tpu.vector_store_idx %arg13[%parallel_loop3A_256], %parallel_loop3A_260 masked %parallel_loop3A_262 : memref<50000xf32, #tpu.memory_space<vmem>>[vector<16xi32>], vector<16xf32>, vector<16xi1>
        } {sc.loop_unroll_factor = 8 : i64, sc.parallel_access}
        %broadcast_in_dim3A_229 = arith.constant false
        %broadcast_in_dim3A_230 = vector.broadcast %broadcast_in_dim3A_229 : i1 to vector<16xi1>
        %parallel_loop3A_231 = arith.constant 0 : i32
        %parallel_loop3A_232 = arith.constant 125 : i32
        %parallel_loop3A_233 = arith.constant 1 : i32
        %parallel_loop3A_234 = scf.for %parallel_loop3A_246 = %parallel_loop3A_231 to %parallel_loop3A_232 step %parallel_loop3A_233 iter_args(%parallel_loop3A_247 = %broadcast_in_dim3A_230) -> (vector<16xi1>)  : i32 {
          %parallel_loop3A_248 = arith.constant 16 : i32
          %parallel_loop3A_249 = arith.muli %parallel_loop3A_246, %parallel_loop3A_248 : i32
          %parallel_loop3A_250 = arith.index_cast %parallel_loop3A_249 : i32 to index
          %parallel_loop3A_251 = tpu.vector_load %arg14[%parallel_loop3A_250] {strides = array<i32>} : memref<2000xi32, #tpu.memory_space<vmem>>, vector<16xi32>,
          %parallel_loop3A_252 = arith.constant 65535 : i32
          %parallel_loop3A_253 = vector.broadcast %parallel_loop3A_252 : i32 to vector<16xi32>
          %parallel_loop3A_254 = arith.andi %parallel_loop3A_251, %parallel_loop3A_253 : vector<16xi32>
          %parallel_loop3A_255 = arith.constant 16 : i32
          %parallel_loop3A_256 = vector.broadcast %parallel_loop3A_255 : i32 to vector<16xi32>
          %parallel_loop3A_257 = arith.shrui %parallel_loop3A_251, %parallel_loop3A_256 : vector<16xi32>
          %parallel_loop3A_258 = tpu.vector_load_idx %arg12[%parallel_loop3A_254] : memref<50000xf32, #tpu.memory_space<vmem>>[vector<16xi32>], vector<16xf32>,
          %parallel_loop3A_259 = arith.index_cast %parallel_loop3A_249 : i32 to index
          %parallel_loop3A_260 = tpu.vector_load %arg16[%parallel_loop3A_259] {strides = array<i32>} : memref<2000xf32, #tpu.memory_space<vmem>>, vector<16xf32>,
          %parallel_loop3A_261 = arith.addf %parallel_loop3A_258, %parallel_loop3A_260 : vector<16xf32>
          %parallel_loop3A_262 = tpu.vector_load_idx %arg13[%parallel_loop3A_257] : memref<50000xf32, #tpu.memory_space<vmem>>[vector<16xi32>], vector<16xf32>,
          %parallel_loop3A_263 = arith.cmpf ogt, %parallel_loop3A_261, %parallel_loop3A_262 : vector<16xf32>
          %parallel_loop3A_264 = arith.ori %parallel_loop3A_247, %parallel_loop3A_263 : vector<16xi1>
          scf.yield %parallel_loop3A_264 : vector<16xi1>
        } {sc.loop_unroll_factor = 8 : i64, sc.parallel_access}
        %reduce_or3A_235 = arith.constant 1.000000e+00 : f32
        %reduce_or3A_236 = arith.constant 0.000000e+00 : f32
        %reduce_or3A_237 = vector.broadcast %reduce_or3A_235 : f32 to vector<16xf32>
        %reduce_or3A_238 = vector.broadcast %reduce_or3A_236 : f32 to vector<16xf32>
        %reduce_or3A_239 = arith.select %parallel_loop3A_234, %reduce_or3A_237, %reduce_or3A_238 : vector<16xi1>, vector<16xf32>
        %reduce_or3A_240 = arith.constant true
        %reduce_or3A_241 = vector.broadcast %reduce_or3A_240 : i1 to vector<16xi1>
        %reduce_or3A_242 = tpu.scan <max>, %reduce_or3A_239 masked %reduce_or3A_241 : vector<16xf32>, vector<16xi1> -> vector<16xf32>
        %reduce_or3A_243 = vector.extract %reduce_or3A_242[15] : f32 from vector<16xf32>
        %reduce_or3A_244 = arith.constant 0.000000e+00 : f32
        %reduce_or3A_245 = arith.cmpf ogt, %reduce_or3A_243, %reduce_or3A_244 : f32
        scf.yield %reduce_or3A_245 : i1
      }
      %add3A_182 = arith.constant 1 : i32
      %add3A_183 = arith.addi %add3A_142, %add3A_182 : i32
      %add3A_184 = arith.constant 1 : i32
      %add3A_185 = arith.addi %add3A_183, %add3A_184 : i32
      %lt3A_186 = arith.constant 100 : i32
      %lt3A_187 = arith.cmpi slt, %add3A_185, %lt3A_186 : i32
      %convert_element_type3A_188 = arith.extui %lt3A_187 : i1 to i32
      %cond3A_189 = arith.constant 0 : i32
      %cond3A_190 = arith.cmpi ne, %convert_element_type3A_188, %cond3A_189 : i32
      scf.if %cond3A_190 {
        %add3A_225 = arith.constant 1 : i32
        %add3A_226 = arith.addi %add3A_183, %add3A_225 : i32
        %mul3A_227 = arith.constant 2000 : i32
        %mul3A_228 = arith.muli %add3A_226, %mul3A_227 : i32
        %add3A_229 = arith.addi %mul3A_32, %mul3A_228 : i32
        %dma_start3A_230 = arith.constant 0 : i32
        %dma_start3A_231 = tpu.memref_slice %arg6[%add3A_229] : memref<1600000xi32, #tpu.memory_space<hbm>> -> memref<2000xi32, #tpu.memory_space<hbm>>
        %dma_start3A_232 = tpu.memref_slice %arg18[%dma_start3A_230] : memref<2x!tpu.dma_semaphore, #tpu.memory_space<semaphore_mem>> -> memref<1x!tpu.dma_semaphore, #tpu.memory_space<semaphore_mem>>
        %dma_start3A_233 = tpu.memref_squeeze %dma_start3A_232 : memref<1x!tpu.dma_semaphore, #tpu.memory_space<semaphore_mem>> -> memref<!tpu.dma_semaphore, #tpu.memory_space<semaphore_mem>>
        %dma_start3A_234 = tpu.memref_slice %arg6[%add3A_229] : memref<1600000xi32, #tpu.memory_space<hbm>> -> memref<2000xi32, #tpu.memory_space<hbm>>
        tpu.enqueue_dma source(%dma_start3A_234 : memref<2000xi32, #tpu.memory_space<hbm>>) target(%arg14 : memref<2000xi32, #tpu.memory_space<vmem>>) target_semaphore(%dma_start3A_233 : memref<!tpu.dma_semaphore, #tpu.memory_space<semaphore_mem>>)
        %eq3A_235 = arith.constant 0 : i32
        %eq3A_236 = arith.cmpi eq, %select_n3A, %eq3A_235 : i32
        %convert_element_type3A_237 = arith.extui %eq3A_236 : i1 to i32
        %cond3A_238 = arith.constant 0 : i32
        %cond3A_239 = arith.cmpi ne, %convert_element_type3A_237, %cond3A_238 : i32
        scf.if %cond3A_239 {
          %dma_start3A_255 = arith.constant 0 : i32
          %dma_start3A_256 = tpu.memref_slice %arg7[%add3A_229] : memref<1600000xf32, #tpu.memory_space<hbm>> -> memref<2000xf32, #tpu.memory_space<hbm>>
          %dma_start3A_257 = tpu.memref_slice %arg18[%dma_start3A_255] : memref<2x!tpu.dma_semaphore, #tpu.memory_space<semaphore_mem>> -> memref<1x!tpu.dma_semaphore, #tpu.memory_space<semaphore_mem>>
          %dma_start3A_258 = tpu.memref_squeeze %dma_start3A_257 : memref<1x!tpu.dma_semaphore, #tpu.memory_space<semaphore_mem>> -> memref<!tpu.dma_semaphore, #tpu.memory_space<semaphore_mem>>
          %dma_start3A_259 = tpu.memref_slice %arg7[%add3A_229] : memref<1600000xf32, #tpu.memory_space<hbm>> -> memref<2000xf32, #tpu.memory_space<hbm>>
          tpu.enqueue_dma source(%dma_start3A_259 : memref<2000xf32, #tpu.memory_space<hbm>>) target(%arg16 : memref<2000xf32, #tpu.memory_space<vmem>>) target_semaphore(%dma_start3A_258 : memref<!tpu.dma_semaphore, #tpu.memory_space<semaphore_mem>>)
        } else {
        }
        %eq3A_240 = arith.constant 1 : i32
        %eq3A_241 = arith.cmpi eq, %select_n3A, %eq3A_240 : i32
        %convert_element_type3A_242 = arith.extui %eq3A_241 : i1 to i32
        %cond3A_243 = arith.constant 0 : i32
        %cond3A_244 = arith.cmpi ne, %convert_element_type3A_242, %cond3A_243 : i32
        scf.if %cond3A_244 {
          %dma_start3A_255 = arith.constant 0 : i32
          %dma_start3A_256 = tpu.memref_slice %arg8[%add3A_229] : memref<1600000xf32, #tpu.memory_space<hbm>> -> memref<2000xf32, #tpu.memory_space<hbm>>
          %dma_start3A_257 = tpu.memref_slice %arg18[%dma_start3A_255] : memref<2x!tpu.dma_semaphore, #tpu.memory_space<semaphore_mem>> -> memref<1x!tpu.dma_semaphore, #tpu.memory_space<semaphore_mem>>
          %dma_start3A_258 = tpu.memref_squeeze %dma_start3A_257 : memref<1x!tpu.dma_semaphore, #tpu.memory_space<semaphore_mem>> -> memref<!tpu.dma_semaphore, #tpu.memory_space<semaphore_mem>>
          %dma_start3A_259 = tpu.memref_slice %arg8[%add3A_229] : memref<1600000xf32, #tpu.memory_space<hbm>> -> memref<2000xf32, #tpu.memory_space<hbm>>
          tpu.enqueue_dma source(%dma_start3A_259 : memref<2000xf32, #tpu.memory_space<hbm>>) target(%arg16 : memref<2000xf32, #tpu.memory_space<vmem>>) target_semaphore(%dma_start3A_258 : memref<!tpu.dma_semaphore, #tpu.memory_space<semaphore_mem>>)
        } else {
        }
        %eq3A_245 = arith.constant 2 : i32
        %eq3A_246 = arith.cmpi eq, %select_n3A, %eq3A_245 : i32
        %convert_element_type3A_247 = arith.extui %eq3A_246 : i1 to i32
        %cond3A_248 = arith.constant 0 : i32
        %cond3A_249 = arith.cmpi ne, %convert_element_type3A_247, %cond3A_248 : i32
        scf.if %cond3A_249 {
          %dma_start3A_255 = arith.constant 0 : i32
          %dma_start3A_256 = tpu.memref_slice %arg9[%add3A_229] : memref<1600000xf32, #tpu.memory_space<hbm>> -> memref<2000xf32, #tpu.memory_space<hbm>>
          %dma_start3A_257 = tpu.memref_slice %arg18[%dma_start3A_255] : memref<2x!tpu.dma_semaphore, #tpu.memory_space<semaphore_mem>> -> memref<1x!tpu.dma_semaphore, #tpu.memory_space<semaphore_mem>>
          %dma_start3A_258 = tpu.memref_squeeze %dma_start3A_257 : memref<1x!tpu.dma_semaphore, #tpu.memory_space<semaphore_mem>> -> memref<!tpu.dma_semaphore, #tpu.memory_space<semaphore_mem>>
          %dma_start3A_259 = tpu.memref_slice %arg9[%add3A_229] : memref<1600000xf32, #tpu.memory_space<hbm>> -> memref<2000xf32, #tpu.memory_space<hbm>>
          tpu.enqueue_dma source(%dma_start3A_259 : memref<2000xf32, #tpu.memory_space<hbm>>) target(%arg16 : memref<2000xf32, #tpu.memory_space<vmem>>) target_semaphore(%dma_start3A_258 : memref<!tpu.dma_semaphore, #tpu.memory_space<semaphore_mem>>)
        } else {
        }
        %eq3A_250 = arith.constant 3 : i32
        %eq3A_251 = arith.cmpi eq, %select_n3A, %eq3A_250 : i32
        %convert_element_type3A_252 = arith.extui %eq3A_251 : i1 to i32
        %cond3A_253 = arith.constant 0 : i32
        %cond3A_254 = arith.cmpi ne, %convert_element_type3A_252, %cond3A_253 : i32
        scf.if %cond3A_254 {
          %dma_start3A_255 = arith.constant 0 : i32
          %dma_start3A_256 = tpu.memref_slice %arg10[%add3A_229] : memref<1600000xf32, #tpu.memory_space<hbm>> -> memref<2000xf32, #tpu.memory_space<hbm>>
          %dma_start3A_257 = tpu.memref_slice %arg18[%dma_start3A_255] : memref<2x!tpu.dma_semaphore, #tpu.memory_space<semaphore_mem>> -> memref<1x!tpu.dma_semaphore, #tpu.memory_space<semaphore_mem>>
          %dma_start3A_258 = tpu.memref_squeeze %dma_start3A_257 : memref<1x!tpu.dma_semaphore, #tpu.memory_space<semaphore_mem>> -> memref<!tpu.dma_semaphore, #tpu.memory_space<semaphore_mem>>
          %dma_start3A_259 = tpu.memref_slice %arg10[%add3A_229] : memref<1600000xf32, #tpu.memory_space<hbm>> -> memref<2000xf32, #tpu.memory_space<hbm>>
          tpu.enqueue_dma source(%dma_start3A_259 : memref<2000xf32, #tpu.memory_space<hbm>>) target(%arg16 : memref<2000xf32, #tpu.memory_space<vmem>>) target_semaphore(%dma_start3A_258 : memref<!tpu.dma_semaphore, #tpu.memory_space<semaphore_mem>>)
        } else {
        }
      } else {
      }
      %mul3A_191 = arith.constant 2000 : i32
      %mul3A_192 = arith.muli %add3A_183, %mul3A_191 : i32
      %add3A_193 = arith.addi %mul3A_32, %mul3A_192 : i32
      %dma_wait3A_194 = arith.constant 1 : i32
      %dma_wait3A_195 = tpu.memref_slice %arg6[%add3A_193] : memref<1600000xi32, #tpu.memory_space<hbm>> -> memref<2000xi32, #tpu.memory_space<hbm>>
      %dma_wait3A_196 = tpu.memref_slice %arg18[%dma_wait3A_194] : memref<2x!tpu.dma_semaphore, #tpu.memory_space<semaphore_mem>> -> memref<1x!tpu.dma_semaphore, #tpu.memory_space<semaphore_mem>>
      %dma_wait3A_197 = tpu.memref_squeeze %dma_wait3A_196 : memref<1x!tpu.dma_semaphore, #tpu.memory_space<semaphore_mem>> -> memref<!tpu.dma_semaphore, #tpu.memory_space<semaphore_mem>>
      %dma_wait3A_198 = tpu.memref_slice %arg6[%add3A_193] : memref<1600000xi32, #tpu.memory_space<hbm>> -> memref<2000xi32, #tpu.memory_space<hbm>>
      tpu.wait_dma2 semaphore(%dma_wait3A_197 : memref<!tpu.dma_semaphore, #tpu.memory_space<semaphore_mem>>) src(%dma_wait3A_198 : memref<2000xi32, #tpu.memory_space<hbm>>) dst(%arg15 : memref<2000xi32, #tpu.memory_space<vmem>>)
      %dma_wait3A_199 = arith.constant 1 : i32
      %dma_wait3A_200 = tpu.memref_slice %arg7[%add3A_193] : memref<1600000xf32, #tpu.memory_space<hbm>> -> memref<2000xf32, #tpu.memory_space<hbm>>
      %dma_wait3A_201 = tpu.memref_slice %arg18[%dma_wait3A_199] : memref<2x!tpu.dma_semaphore, #tpu.memory_space<semaphore_mem>> -> memref<1x!tpu.dma_semaphore, #tpu.memory_space<semaphore_mem>>
      %dma_wait3A_202 = tpu.memref_squeeze %dma_wait3A_201 : memref<1x!tpu.dma_semaphore, #tpu.memory_space<semaphore_mem>> -> memref<!tpu.dma_semaphore, #tpu.memory_space<semaphore_mem>>
      %dma_wait3A_203 = tpu.memref_slice %arg7[%add3A_193] : memref<1600000xf32, #tpu.memory_space<hbm>> -> memref<2000xf32, #tpu.memory_space<hbm>>
      tpu.wait_dma2 semaphore(%dma_wait3A_202 : memref<!tpu.dma_semaphore, #tpu.memory_space<semaphore_mem>>) src(%dma_wait3A_203 : memref<2000xf32, #tpu.memory_space<hbm>>) dst(%arg17 : memref<2000xf32, #tpu.memory_space<vmem>>)
      %parallel_loop3A_204 = arith.constant 0 : i32
      %parallel_loop3A_205 = arith.constant 125 : i32
      %parallel_loop3A_206 = arith.constant 1 : i32
      scf.for %parallel_loop3A_225 = %parallel_loop3A_204 to %parallel_loop3A_205 step %parallel_loop3A_206  : i32 {
        %parallel_loop3A_226 = arith.constant 16 : i32
        %parallel_loop3A_227 = arith.muli %parallel_loop3A_225, %parallel_loop3A_226 : i32
        %parallel_loop3A_228 = arith.index_cast %parallel_loop3A_227 : i32 to index
        %parallel_loop3A_229 = tpu.vector_load %arg15[%parallel_loop3A_228] {strides = array<i32>} : memref<2000xi32, #tpu.memory_space<vmem>>, vector<16xi32>,
        %parallel_loop3A_230 = arith.constant 65535 : i32
        %parallel_loop3A_231 = vector.broadcast %parallel_loop3A_230 : i32 to vector<16xi32>
        %parallel_loop3A_232 = arith.andi %parallel_loop3A_229, %parallel_loop3A_231 : vector<16xi32>
        %parallel_loop3A_233 = arith.constant 16 : i32
        %parallel_loop3A_234 = vector.broadcast %parallel_loop3A_233 : i32 to vector<16xi32>
        %parallel_loop3A_235 = arith.shrui %parallel_loop3A_229, %parallel_loop3A_234 : vector<16xi32>
        %parallel_loop3A_236 = tpu.vector_load_idx %arg12[%parallel_loop3A_232] : memref<50000xf32, #tpu.memory_space<vmem>>[vector<16xi32>], vector<16xf32>,
        %parallel_loop3A_237 = arith.index_cast %parallel_loop3A_227 : i32 to index
        %parallel_loop3A_238 = tpu.vector_load %arg17[%parallel_loop3A_237] {strides = array<i32>} : memref<2000xf32, #tpu.memory_space<vmem>>, vector<16xf32>,
        %parallel_loop3A_239 = arith.addf %parallel_loop3A_236, %parallel_loop3A_238 : vector<16xf32>
        %parallel_loop3A_240 = tpu.vector_load_idx %arg13[%parallel_loop3A_235] : memref<50000xf32, #tpu.memory_space<vmem>>[vector<16xi32>], vector<16xf32>,
        %parallel_loop3A_241 = arith.cmpf ogt, %parallel_loop3A_239, %parallel_loop3A_240 : vector<16xf32>
        tpu.vector_store_idx %arg13[%parallel_loop3A_235], %parallel_loop3A_239 masked %parallel_loop3A_241 : memref<50000xf32, #tpu.memory_space<vmem>>[vector<16xi32>], vector<16xf32>, vector<16xi1>
      } {sc.loop_unroll_factor = 8 : i64, sc.parallel_access}
      %broadcast_in_dim3A_207 = arith.constant false
      %broadcast_in_dim3A_208 = vector.broadcast %broadcast_in_dim3A_207 : i1 to vector<16xi1>
      %parallel_loop3A_209 = arith.constant 0 : i32
      %parallel_loop3A_210 = arith.constant 125 : i32
      %parallel_loop3A_211 = arith.constant 1 : i32
      %parallel_loop3A_212 = scf.for %parallel_loop3A_225 = %parallel_loop3A_209 to %parallel_loop3A_210 step %parallel_loop3A_211 iter_args(%parallel_loop3A_226 = %broadcast_in_dim3A_208) -> (vector<16xi1>)  : i32 {
        %parallel_loop3A_227 = arith.constant 16 : i32
        %parallel_loop3A_228 = arith.muli %parallel_loop3A_225, %parallel_loop3A_227 : i32
        %parallel_loop3A_229 = arith.index_cast %parallel_loop3A_228 : i32 to index
        %parallel_loop3A_230 = tpu.vector_load %arg15[%parallel_loop3A_229] {strides = array<i32>} : memref<2000xi32, #tpu.memory_space<vmem>>, vector<16xi32>,
        %parallel_loop3A_231 = arith.constant 65535 : i32
        %parallel_loop3A_232 = vector.broadcast %parallel_loop3A_231 : i32 to vector<16xi32>
        %parallel_loop3A_233 = arith.andi %parallel_loop3A_230, %parallel_loop3A_232 : vector<16xi32>
        %parallel_loop3A_234 = arith.constant 16 : i32
        %parallel_loop3A_235 = vector.broadcast %parallel_loop3A_234 : i32 to vector<16xi32>
        %parallel_loop3A_236 = arith.shrui %parallel_loop3A_230, %parallel_loop3A_235 : vector<16xi32>
        %parallel_loop3A_237 = tpu.vector_load_idx %arg12[%parallel_loop3A_233] : memref<50000xf32, #tpu.memory_space<vmem>>[vector<16xi32>], vector<16xf32>,
        %parallel_loop3A_238 = arith.index_cast %parallel_loop3A_228 : i32 to index
        %parallel_loop3A_239 = tpu.vector_load %arg17[%parallel_loop3A_238] {strides = array<i32>} : memref<2000xf32, #tpu.memory_space<vmem>>, vector<16xf32>,
        %parallel_loop3A_240 = arith.addf %parallel_loop3A_237, %parallel_loop3A_239 : vector<16xf32>
        %parallel_loop3A_241 = tpu.vector_load_idx %arg13[%parallel_loop3A_236] : memref<50000xf32, #tpu.memory_space<vmem>>[vector<16xi32>], vector<16xf32>,
        %parallel_loop3A_242 = arith.cmpf ogt, %parallel_loop3A_240, %parallel_loop3A_241 : vector<16xf32>
        %parallel_loop3A_243 = arith.ori %parallel_loop3A_226, %parallel_loop3A_242 : vector<16xi1>
        scf.yield %parallel_loop3A_243 : vector<16xi1>
      } {sc.loop_unroll_factor = 8 : i64, sc.parallel_access}
      %reduce_or3A_213 = arith.constant 1.000000e+00 : f32
      %reduce_or3A_214 = arith.constant 0.000000e+00 : f32
      %reduce_or3A_215 = vector.broadcast %reduce_or3A_213 : f32 to vector<16xf32>
      %reduce_or3A_216 = vector.broadcast %reduce_or3A_214 : f32 to vector<16xf32>
      %reduce_or3A_217 = arith.select %parallel_loop3A_212, %reduce_or3A_215, %reduce_or3A_216 : vector<16xi1>, vector<16xf32>
      %reduce_or3A_218 = arith.constant true
      %reduce_or3A_219 = vector.broadcast %reduce_or3A_218 : i1 to vector<16xi1>
      %reduce_or3A_220 = tpu.scan <max>, %reduce_or3A_217 masked %reduce_or3A_219 : vector<16xf32>, vector<16xi1> -> vector<16xf32>
      %reduce_or3A_221 = vector.extract %reduce_or3A_220[15] : f32 from vector<16xf32>
      %reduce_or3A_222 = arith.constant 0.000000e+00 : f32
      %reduce_or3A_223 = arith.cmpf ogt, %reduce_or3A_221, %reduce_or3A_222 : f32
      %while3A_224 = scf.while (%while3A_225 = %reduce_or3A_223) : (i1) -> i1 {
        scf.condition(%while3A_225) %while3A_225 : i1
      } do {
      ^bb0(%while3A_225: i1):
        %parallel_loop3A_226 = arith.constant 0 : i32
        %parallel_loop3A_227 = arith.constant 125 : i32
        %parallel_loop3A_228 = arith.constant 1 : i32
        scf.for %parallel_loop3A_246 = %parallel_loop3A_226 to %parallel_loop3A_227 step %parallel_loop3A_228  : i32 {
          %parallel_loop3A_247 = arith.constant 16 : i32
          %parallel_loop3A_248 = arith.muli %parallel_loop3A_246, %parallel_loop3A_247 : i32
          %parallel_loop3A_249 = arith.index_cast %parallel_loop3A_248 : i32 to index
          %parallel_loop3A_250 = tpu.vector_load %arg15[%parallel_loop3A_249] {strides = array<i32>} : memref<2000xi32, #tpu.memory_space<vmem>>, vector<16xi32>,
          %parallel_loop3A_251 = arith.constant 65535 : i32
          %parallel_loop3A_252 = vector.broadcast %parallel_loop3A_251 : i32 to vector<16xi32>
          %parallel_loop3A_253 = arith.andi %parallel_loop3A_250, %parallel_loop3A_252 : vector<16xi32>
          %parallel_loop3A_254 = arith.constant 16 : i32
          %parallel_loop3A_255 = vector.broadcast %parallel_loop3A_254 : i32 to vector<16xi32>
          %parallel_loop3A_256 = arith.shrui %parallel_loop3A_250, %parallel_loop3A_255 : vector<16xi32>
          %parallel_loop3A_257 = tpu.vector_load_idx %arg12[%parallel_loop3A_253] : memref<50000xf32, #tpu.memory_space<vmem>>[vector<16xi32>], vector<16xf32>,
          %parallel_loop3A_258 = arith.index_cast %parallel_loop3A_248 : i32 to index
          %parallel_loop3A_259 = tpu.vector_load %arg17[%parallel_loop3A_258] {strides = array<i32>} : memref<2000xf32, #tpu.memory_space<vmem>>, vector<16xf32>,
          %parallel_loop3A_260 = arith.addf %parallel_loop3A_257, %parallel_loop3A_259 : vector<16xf32>
          %parallel_loop3A_261 = tpu.vector_load_idx %arg13[%parallel_loop3A_256] : memref<50000xf32, #tpu.memory_space<vmem>>[vector<16xi32>], vector<16xf32>,
          %parallel_loop3A_262 = arith.cmpf ogt, %parallel_loop3A_260, %parallel_loop3A_261 : vector<16xf32>
          tpu.vector_store_idx %arg13[%parallel_loop3A_256], %parallel_loop3A_260 masked %parallel_loop3A_262 : memref<50000xf32, #tpu.memory_space<vmem>>[vector<16xi32>], vector<16xf32>, vector<16xi1>
        } {sc.loop_unroll_factor = 8 : i64, sc.parallel_access}
        %broadcast_in_dim3A_229 = arith.constant false
        %broadcast_in_dim3A_230 = vector.broadcast %broadcast_in_dim3A_229 : i1 to vector<16xi1>
        %parallel_loop3A_231 = arith.constant 0 : i32
        %parallel_loop3A_232 = arith.constant 125 : i32
        %parallel_loop3A_233 = arith.constant 1 : i32
        %parallel_loop3A_234 = scf.for %parallel_loop3A_246 = %parallel_loop3A_231 to %parallel_loop3A_232 step %parallel_loop3A_233 iter_args(%parallel_loop3A_247 = %broadcast_in_dim3A_230) -> (vector<16xi1>)  : i32 {
          %parallel_loop3A_248 = arith.constant 16 : i32
          %parallel_loop3A_249 = arith.muli %parallel_loop3A_246, %parallel_loop3A_248 : i32
          %parallel_loop3A_250 = arith.index_cast %parallel_loop3A_249 : i32 to index
          %parallel_loop3A_251 = tpu.vector_load %arg15[%parallel_loop3A_250] {strides = array<i32>} : memref<2000xi32, #tpu.memory_space<vmem>>, vector<16xi32>,
          %parallel_loop3A_252 = arith.constant 65535 : i32
          %parallel_loop3A_253 = vector.broadcast %parallel_loop3A_252 : i32 to vector<16xi32>
          %parallel_loop3A_254 = arith.andi %parallel_loop3A_251, %parallel_loop3A_253 : vector<16xi32>
          %parallel_loop3A_255 = arith.constant 16 : i32
          %parallel_loop3A_256 = vector.broadcast %parallel_loop3A_255 : i32 to vector<16xi32>
          %parallel_loop3A_257 = arith.shrui %parallel_loop3A_251, %parallel_loop3A_256 : vector<16xi32>
          %parallel_loop3A_258 = tpu.vector_load_idx %arg12[%parallel_loop3A_254] : memref<50000xf32, #tpu.memory_space<vmem>>[vector<16xi32>], vector<16xf32>,
          %parallel_loop3A_259 = arith.index_cast %parallel_loop3A_249 : i32 to index
          %parallel_loop3A_260 = tpu.vector_load %arg17[%parallel_loop3A_259] {strides = array<i32>} : memref<2000xf32, #tpu.memory_space<vmem>>, vector<16xf32>,
          %parallel_loop3A_261 = arith.addf %parallel_loop3A_258, %parallel_loop3A_260 : vector<16xf32>
          %parallel_loop3A_262 = tpu.vector_load_idx %arg13[%parallel_loop3A_257] : memref<50000xf32, #tpu.memory_space<vmem>>[vector<16xi32>], vector<16xf32>,
          %parallel_loop3A_263 = arith.cmpf ogt, %parallel_loop3A_261, %parallel_loop3A_262 : vector<16xf32>
          %parallel_loop3A_264 = arith.ori %parallel_loop3A_247, %parallel_loop3A_263 : vector<16xi1>
          scf.yield %parallel_loop3A_264 : vector<16xi1>
        } {sc.loop_unroll_factor = 8 : i64, sc.parallel_access}
        %reduce_or3A_235 = arith.constant 1.000000e+00 : f32
        %reduce_or3A_236 = arith.constant 0.000000e+00 : f32
        %reduce_or3A_237 = vector.broadcast %reduce_or3A_235 : f32 to vector<16xf32>
        %reduce_or3A_238 = vector.broadcast %reduce_or3A_236 : f32 to vector<16xf32>
        %reduce_or3A_239 = arith.select %parallel_loop3A_234, %reduce_or3A_237, %reduce_or3A_238 : vector<16xi1>, vector<16xf32>
        %reduce_or3A_240 = arith.constant true
        %reduce_or3A_241 = vector.broadcast %reduce_or3A_240 : i1 to vector<16xi1>
        %reduce_or3A_242 = tpu.scan <max>, %reduce_or3A_239 masked %reduce_or3A_241 : vector<16xf32>, vector<16xi1> -> vector<16xf32>
        %reduce_or3A_243 = vector.extract %reduce_or3A_242[15] : f32 from vector<16xf32>
        %reduce_or3A_244 = arith.constant 0.000000e+00 : f32
        %reduce_or3A_245 = arith.cmpf ogt, %reduce_or3A_243, %reduce_or3A_244 : f32
        scf.yield %reduce_or3A_245 : i1
      }
    }
    %scan3A_135 = arith.constant 50 : i32
    %mul3A_136 = arith.constant 50000 : i32
    %mul3A_137 = arith.muli %add3A, %mul3A_136 : i32
    "tpu.region"() ({
      %run_scoped3A = tpu.sem_alloc : memref<!tpu.dma_semaphore, #tpu.memory_space<semaphore_mem>>
      %dma_start3A_138 = tpu.memref_slice %arg11[%mul3A_137] : memref<1600000xf32, #tpu.memory_space<hbm>> -> memref<50000xf32, #tpu.memory_space<hbm>>
      %dma_start3A_139 = tpu.memref_slice %arg11[%mul3A_137] : memref<1600000xf32, #tpu.memory_space<hbm>> -> memref<50000xf32, #tpu.memory_space<hbm>>
      tpu.enqueue_dma source(%arg13 : memref<50000xf32, #tpu.memory_space<vmem>>) target(%dma_start3A_139 : memref<50000xf32, #tpu.memory_space<hbm>>) target_semaphore(%run_scoped3A : memref<!tpu.dma_semaphore, #tpu.memory_space<semaphore_mem>>)
      %dma_wait3A = tpu.memref_slice %arg11[%mul3A_137] : memref<1600000xf32, #tpu.memory_space<hbm>> -> memref<50000xf32, #tpu.memory_space<hbm>>
      %dma_wait3A_140 = tpu.memref_slice %arg11[%mul3A_137] : memref<1600000xf32, #tpu.memory_space<hbm>> -> memref<50000xf32, #tpu.memory_space<hbm>>
      tpu.wait_dma2 semaphore(%run_scoped3A : memref<!tpu.dma_semaphore, #tpu.memory_space<semaphore_mem>>) src(%arg13 : memref<50000xf32, #tpu.memory_space<vmem>>) dst(%dma_wait3A_140 : memref<50000xf32, #tpu.memory_space<hbm>>)
      tpu.yield
    }) : () -> ()
    return
  }
}

module attributes {stable_mosaic.version = 14 : i64} {
  func.func @_nprep_body(%arg0: i32, %arg1: memref<16x3072xf32, #tpu.memory_space<vmem>>, %arg2: memref<4x16xf32, #tpu.memory_space<vmem>>, %arg3: memref<3072xf32, #tpu.memory_space<vmem>>, %arg4: memref<3072xf32, #tpu.memory_space<vmem>>, %arg5: memref<3072xf32, #tpu.memory_space<vmem>>, %arg6: memref<3072xf32, #tpu.memory_space<vmem>>) attributes {dimension_semantics = [#tpu.dimension_semantics<arbitrary>], iteration_bounds = array<i64: 17>, scalar_prefetch = 0 : i64, scratch_operands = 0 : i64, tpu.core_type = #tpu.core_type<tc>, window_params = [{transform_indices = @transform_0, window_bounds = array<i64: 16, 3072>}, {pipeline_mode = #tpu.pipeline_mode<synchronous>, transform_indices = @transform_1, window_bounds = array<i64: 4, 16>}, {transform_indices = @transform_2, window_bounds = array<i64: 3072>}, {transform_indices = @transform_3, window_bounds = array<i64: 3072>}, {transform_indices = @transform_4, window_bounds = array<i64: 3072>}, {transform_indices = @transform_5, window_bounds = array<i64: 3072>}]} {
    %get3A = arith.constant 0 : index
    %get3A_0 = arith.constant 0 : index
    %get3A_1 = vector.load %arg2[%get3A, %get3A_0] : memref<4x16xf32, #tpu.memory_space<vmem>>, vector<4x16xf32>
    %get3A_2 = arith.constant 0 : index
    %get3A_3 = arith.constant 0 : index
    %get3A_4 = vector.load %arg1[%get3A_2, %get3A_3] : memref<16x3072xf32, #tpu.memory_space<vmem>>, vector<16x3072xf32>
    %dot_general3A = arith.constant dense<0.000000e+00> : vector<4x3072xf32>
    %dot_general3A_5 = tpu.matmul %get3A_1, %get3A_4, %dot_general3A {dimension_numbers = #tpu.dot_dimension_numbers<[1], [0], [0], [1], [0, 0, 1, 1], [], []>, transpose_lhs_hint = false} : vector<4x16xf32>, vector<16x3072xf32>, vector<4x3072xf32> -> vector<4x3072xf32>
    %slice3A = vector.extract_strided_slice %dot_general3A_5 {offsets = [0, 0], sizes = [1, 3072], strides = [1, 1]} : vector<4x3072xf32> to vector<1x3072xf32>
    %squeeze3A = vector.shape_cast %slice3A : vector<1x3072xf32> to vector<3072xf32>
    %swap3A = arith.constant 0 : index
    %swap3A_6 = vector.load %arg3[%swap3A] : memref<3072xf32, #tpu.memory_space<vmem>>, vector<3072xf32>
    tpu.vector_store %arg3[%swap3A], %squeeze3A {strides = array<i32>} : memref<3072xf32, #tpu.memory_space<vmem>>, vector<3072xf32>,
    %slice3A_7 = vector.extract_strided_slice %dot_general3A_5 {offsets = [1, 0], sizes = [1, 3072], strides = [1, 1]} : vector<4x3072xf32> to vector<1x3072xf32>
    %squeeze3A_8 = vector.shape_cast %slice3A_7 : vector<1x3072xf32> to vector<3072xf32>
    %swap3A_9 = arith.constant 0 : index
    %swap3A_10 = vector.load %arg4[%swap3A_9] : memref<3072xf32, #tpu.memory_space<vmem>>, vector<3072xf32>
    tpu.vector_store %arg4[%swap3A_9], %squeeze3A_8 {strides = array<i32>} : memref<3072xf32, #tpu.memory_space<vmem>>, vector<3072xf32>,
    %slice3A_11 = vector.extract_strided_slice %dot_general3A_5 {offsets = [2, 0], sizes = [1, 3072], strides = [1, 1]} : vector<4x3072xf32> to vector<1x3072xf32>
    %squeeze3A_12 = vector.shape_cast %slice3A_11 : vector<1x3072xf32> to vector<3072xf32>
    %swap3A_13 = arith.constant 0 : index
    %swap3A_14 = vector.load %arg5[%swap3A_13] : memref<3072xf32, #tpu.memory_space<vmem>>, vector<3072xf32>
    tpu.vector_store %arg5[%swap3A_13], %squeeze3A_12 {strides = array<i32>} : memref<3072xf32, #tpu.memory_space<vmem>>, vector<3072xf32>,
    %slice3A_15 = vector.extract_strided_slice %dot_general3A_5 {offsets = [3, 0], sizes = [1, 3072], strides = [1, 1]} : vector<4x3072xf32> to vector<1x3072xf32>
    %squeeze3A_16 = vector.shape_cast %slice3A_15 : vector<1x3072xf32> to vector<3072xf32>
    %swap3A_17 = arith.constant 0 : index
    %swap3A_18 = vector.load %arg6[%swap3A_17] : memref<3072xf32, #tpu.memory_space<vmem>>, vector<3072xf32>
    tpu.vector_store %arg6[%swap3A_17], %squeeze3A_16 {strides = array<i32>} : memref<3072xf32, #tpu.memory_space<vmem>>, vector<3072xf32>,
    return
  }
  func.func @transform_0(%arg0: i32) -> (i32, i32) {
    %c0_i32 = arith.constant 0 : i32
    %c0_i32_0 = arith.constant 0 : i32
    return %c0_i32, %arg0 : i32, i32
  }
  func.func @transform_1(%arg0: i32) -> (i32, i32) {
    %c0_i32 = arith.constant 0 : i32
    %c0_i32_0 = arith.constant 0 : i32
    %c0_i32_1 = arith.constant 0 : i32
    return %c0_i32, %c0_i32_0 : i32, i32
  }
  func.func @transform_2(%arg0: i32) -> i32 {
    %c0_i32 = arith.constant 0 : i32
    return %arg0 : i32
  }
  func.func @transform_3(%arg0: i32) -> i32 {
    %c0_i32 = arith.constant 0 : i32
    return %arg0 : i32
  }
  func.func @transform_4(%arg0: i32) -> i32 {
    %c0_i32 = arith.constant 0 : i32
    return %arg0 : i32
  }
  func.func @transform_5(%arg0: i32) -> i32 {
    %c0_i32 = arith.constant 0 : i32
    return %arg0 : i32
  }
}

module attributes {stable_mosaic.version = 14 : i64} {
  func.func @_prep_body(%arg0: i32, %arg1: memref<8x81920xf32, #tpu.memory_space<vmem>>, %arg2: memref<81920xi32, #tpu.memory_space<vmem>>, %arg3: memref<81920xi32, #tpu.memory_space<vmem>>, %arg4: memref<4x8xf32, #tpu.memory_space<vmem>>, %arg5: memref<4x1xf32, #tpu.memory_space<vmem>>, %arg6: memref<81920xf32, #tpu.memory_space<vmem>>, %arg7: memref<81920xf32, #tpu.memory_space<vmem>>, %arg8: memref<81920xf32, #tpu.memory_space<vmem>>, %arg9: memref<81920xf32, #tpu.memory_space<vmem>>, %arg10: memref<81920xi32, #tpu.memory_space<vmem>>) attributes {dimension_semantics = [#tpu.dimension_semantics<arbitrary>], iteration_bounds = array<i64: 20>, scalar_prefetch = 0 : i64, scratch_operands = 0 : i64, tpu.core_type = #tpu.core_type<tc>, window_params = [{transform_indices = @transform_0, window_bounds = array<i64: 8, 81920>}, {transform_indices = @transform_1, window_bounds = array<i64: 81920>}, {transform_indices = @transform_2, window_bounds = array<i64: 81920>}, {pipeline_mode = #tpu.pipeline_mode<synchronous>, transform_indices = @transform_3, window_bounds = array<i64: 4, 8>}, {pipeline_mode = #tpu.pipeline_mode<synchronous>, transform_indices = @transform_4, window_bounds = array<i64: 4, 1>}, {transform_indices = @transform_5, window_bounds = array<i64: 81920>}, {transform_indices = @transform_6, window_bounds = array<i64: 81920>}, {transform_indices = @transform_7, window_bounds = array<i64: 81920>}, {transform_indices = @transform_8, window_bounds = array<i64: 81920>}, {transform_indices = @transform_9, window_bounds = array<i64: 81920>}]} {
    %get3A = arith.constant 0 : index
    %get3A_0 = arith.constant 0 : index
    %get3A_1 = vector.load %arg4[%get3A, %get3A_0] : memref<4x8xf32, #tpu.memory_space<vmem>>, vector<4x8xf32>
    %get3A_2 = arith.constant 0 : index
    %get3A_3 = arith.constant 0 : index
    %get3A_4 = vector.load %arg1[%get3A_2, %get3A_3] : memref<8x81920xf32, #tpu.memory_space<vmem>>, vector<8x81920xf32>
    %dot_general3A = arith.constant dense<0.000000e+00> : vector<4x81920xf32>
    %dot_general3A_5 = tpu.matmul %get3A_1, %get3A_4, %dot_general3A {dimension_numbers = #tpu.dot_dimension_numbers<[1], [0], [0], [1], [0, 0, 1, 1], [], []>, transpose_lhs_hint = false} : vector<4x8xf32>, vector<8x81920xf32>, vector<4x81920xf32> -> vector<4x81920xf32>
    %get3A_6 = arith.constant 0 : index
    %get3A_7 = arith.constant 0 : index
    %get3A_8 = vector.load %arg5[%get3A_6, %get3A_7] : memref<4x1xf32, #tpu.memory_space<vmem>>, vector<4x1xf32>
    %add3A = vector.broadcast %get3A_8 : vector<4x1xf32> to vector<4x81920xf32>
    %add3A_9 = arith.addf %dot_general3A_5, %add3A : vector<4x81920xf32>
    %slice3A = vector.extract_strided_slice %add3A_9 {offsets = [0, 0], sizes = [1, 81920], strides = [1, 1]} : vector<4x81920xf32> to vector<1x81920xf32>
    %squeeze3A = vector.shape_cast %slice3A : vector<1x81920xf32> to vector<81920xf32>
    %swap3A = arith.constant 0 : index
    %swap3A_10 = vector.load %arg6[%swap3A] : memref<81920xf32, #tpu.memory_space<vmem>>, vector<81920xf32>
    tpu.vector_store %arg6[%swap3A], %squeeze3A {strides = array<i32>} : memref<81920xf32, #tpu.memory_space<vmem>>, vector<81920xf32>,
    %slice3A_11 = vector.extract_strided_slice %add3A_9 {offsets = [1, 0], sizes = [1, 81920], strides = [1, 1]} : vector<4x81920xf32> to vector<1x81920xf32>
    %squeeze3A_12 = vector.shape_cast %slice3A_11 : vector<1x81920xf32> to vector<81920xf32>
    %swap3A_13 = arith.constant 0 : index
    %swap3A_14 = vector.load %arg7[%swap3A_13] : memref<81920xf32, #tpu.memory_space<vmem>>, vector<81920xf32>
    tpu.vector_store %arg7[%swap3A_13], %squeeze3A_12 {strides = array<i32>} : memref<81920xf32, #tpu.memory_space<vmem>>, vector<81920xf32>,
    %slice3A_15 = vector.extract_strided_slice %add3A_9 {offsets = [2, 0], sizes = [1, 81920], strides = [1, 1]} : vector<4x81920xf32> to vector<1x81920xf32>
    %squeeze3A_16 = vector.shape_cast %slice3A_15 : vector<1x81920xf32> to vector<81920xf32>
    %swap3A_17 = arith.constant 0 : index
    %swap3A_18 = vector.load %arg8[%swap3A_17] : memref<81920xf32, #tpu.memory_space<vmem>>, vector<81920xf32>
    tpu.vector_store %arg8[%swap3A_17], %squeeze3A_16 {strides = array<i32>} : memref<81920xf32, #tpu.memory_space<vmem>>, vector<81920xf32>,
    %slice3A_19 = vector.extract_strided_slice %add3A_9 {offsets = [3, 0], sizes = [1, 81920], strides = [1, 1]} : vector<4x81920xf32> to vector<1x81920xf32>
    %squeeze3A_20 = vector.shape_cast %slice3A_19 : vector<1x81920xf32> to vector<81920xf32>
    %swap3A_21 = arith.constant 0 : index
    %swap3A_22 = vector.load %arg9[%swap3A_21] : memref<81920xf32, #tpu.memory_space<vmem>>, vector<81920xf32>
    tpu.vector_store %arg9[%swap3A_21], %squeeze3A_20 {strides = array<i32>} : memref<81920xf32, #tpu.memory_space<vmem>>, vector<81920xf32>,
    %get3A_23 = arith.constant 0 : index
    %get3A_24 = vector.load %arg2[%get3A_23] : memref<81920xi32, #tpu.memory_space<vmem>>, vector<81920xi32>
    %get3A_25 = arith.constant 0 : index
    %get3A_26 = vector.load %arg3[%get3A_25] : memref<81920xi32, #tpu.memory_space<vmem>>, vector<81920xi32>
    %shift_left3A = arith.constant 16 : i32
    %shift_left3A_27 = vector.broadcast %shift_left3A : i32 to vector<81920xi32>
    %shift_left3A_28 = arith.shli %get3A_26, %shift_left3A_27 : vector<81920xi32>
    %or3A = arith.ori %get3A_24, %shift_left3A_28 : vector<81920xi32>
    %swap3A_29 = arith.constant 0 : index
    %swap3A_30 = vector.load %arg10[%swap3A_29] : memref<81920xi32, #tpu.memory_space<vmem>>, vector<81920xi32>
    tpu.vector_store %arg10[%swap3A_29], %or3A {strides = array<i32>} : memref<81920xi32, #tpu.memory_space<vmem>>, vector<81920xi32>,
    return
  }
  func.func @transform_0(%arg0: i32) -> (i32, i32) {
    %c0_i32 = arith.constant 0 : i32
    %c0_i32_0 = arith.constant 0 : i32
    return %c0_i32, %arg0 : i32, i32
  }
  func.func @transform_1(%arg0: i32) -> i32 {
    %c0_i32 = arith.constant 0 : i32
    return %arg0 : i32
  }
  func.func @transform_2(%arg0: i32) -> i32 {
    %c0_i32 = arith.constant 0 : i32
    return %arg0 : i32
  }
  func.func @transform_3(%arg0: i32) -> (i32, i32) {
    %c0_i32 = arith.constant 0 : i32
    %c0_i32_0 = arith.constant 0 : i32
    %c0_i32_1 = arith.constant 0 : i32
    return %c0_i32, %c0_i32_0 : i32, i32
  }
  func.func @transform_4(%arg0: i32) -> (i32, i32) {
    %c0_i32 = arith.constant 0 : i32
    %c0_i32_0 = arith.constant 0 : i32
    %c0_i32_1 = arith.constant 0 : i32
    return %c0_i32, %c0_i32_0 : i32, i32
  }
  func.func @transform_5(%arg0: i32) -> i32 {
    %c0_i32 = arith.constant 0 : i32
    return %arg0 : i32
  }
  func.func @transform_6(%arg0: i32) -> i32 {
    %c0_i32 = arith.constant 0 : i32
    return %arg0 : i32
  }
  func.func @transform_7(%arg0: i32) -> i32 {
    %c0_i32 = arith.constant 0 : i32
    return %arg0 : i32
  }
  func.func @transform_8(%arg0: i32) -> i32 {
    %c0_i32 = arith.constant 0 : i32
    return %arg0 : i32
  }
  func.func @transform_9(%arg0: i32) -> i32 {
    %c0_i32 = arith.constant 0 : i32
    return %arg0 : i32
  }
}

module attributes {stable_mosaic.version = 14 : i64} {
  func.func @_update_body(%arg0: i32, %arg1: memref<4x8x1024xf32, #tpu.memory_space<vmem>>, %arg2: memref<16x1024xf32, #tpu.memory_space<vmem>>, %arg3: memref<4x16xf32, #tpu.memory_space<vmem>>, %arg4: memref<4x4xf32, #tpu.memory_space<vmem>>, %arg5: memref<4x1xf32, #tpu.memory_space<vmem>>, %arg6: memref<8x4xf32, #tpu.memory_space<vmem>>, %arg7: memref<8x1xf32, #tpu.memory_space<vmem>>, %arg8: memref<4x8xf32, #tpu.memory_space<vmem>>, %arg9: memref<4x8xf32, #tpu.memory_space<vmem>>, %arg10: memref<16x1024xf32, #tpu.memory_space<vmem>>, %arg11: memref<1024xf32, #tpu.memory_space<vmem>>, %arg12: memref<1024xf32, #tpu.memory_space<vmem>>, %arg13: memref<1024xf32, #tpu.memory_space<vmem>>, %arg14: memref<1024xf32, #tpu.memory_space<vmem>>) attributes {dimension_semantics = [#tpu.dimension_semantics<arbitrary>], iteration_bounds = array<i64: 49>, scalar_prefetch = 0 : i64, scratch_operands = 0 : i64, tpu.core_type = #tpu.core_type<tc>, window_params = [{transform_indices = @transform_0, window_bounds = array<i64: 4, 8, 1024>}, {transform_indices = @transform_1, window_bounds = array<i64: 16, 1024>}, {pipeline_mode = #tpu.pipeline_mode<synchronous>, transform_indices = @transform_2, window_bounds = array<i64: 4, 16>}, {pipeline_mode = #tpu.pipeline_mode<synchronous>, transform_indices = @transform_3, window_bounds = array<i64: 4, 4>}, {pipeline_mode = #tpu.pipeline_mode<synchronous>, transform_indices = @transform_4, window_bounds = array<i64: 4, 1>}, {pipeline_mode = #tpu.pipeline_mode<synchronous>, transform_indices = @transform_5, window_bounds = array<i64: 8, 4>}, {pipeline_mode = #tpu.pipeline_mode<synchronous>, transform_indices = @transform_6, window_bounds = array<i64: 8, 1>}, {pipeline_mode = #tpu.pipeline_mode<synchronous>, transform_indices = @transform_7, window_bounds = array<i64: 4, 8>}, {pipeline_mode = #tpu.pipeline_mode<synchronous>, transform_indices = @transform_8, window_bounds = array<i64: 4, 8>}, {transform_indices = @transform_9, window_bounds = array<i64: 16, 1024>}, {transform_indices = @transform_10, window_bounds = array<i64: 1024>}, {transform_indices = @transform_11, window_bounds = array<i64: 1024>}, {transform_indices = @transform_12, window_bounds = array<i64: 1024>}, {transform_indices = @transform_13, window_bounds = array<i64: 1024>}]} {
    %get3A = arith.constant 0 : index
    %get3A_0 = arith.constant 0 : index
    %get3A_1 = arith.constant 0 : index
    %get3A_2 = vector.load %arg1[%get3A, %get3A_0, %get3A_1] : memref<4x8x1024xf32, #tpu.memory_space<vmem>>, vector<4x8x1024xf32>
    %slice3A = vector.extract_strided_slice %get3A_2 {offsets = [0, 0, 0], sizes = [4, 1, 1024], strides = [1, 1, 1]} : vector<4x8x1024xf32> to vector<4x1x1024xf32>
    %squeeze3A = vector.shape_cast %slice3A : vector<4x1x1024xf32> to vector<4x1024xf32>
    %slice3A_3 = vector.extract_strided_slice %get3A_2 {offsets = [0, 1, 0], sizes = [4, 1, 1024], strides = [1, 1, 1]} : vector<4x8x1024xf32> to vector<4x1x1024xf32>
    %squeeze3A_4 = vector.shape_cast %slice3A_3 : vector<4x1x1024xf32> to vector<4x1024xf32>
    %max3A = arith.maximumf %squeeze3A, %squeeze3A_4 : vector<4x1024xf32>
    %slice3A_5 = vector.extract_strided_slice %get3A_2 {offsets = [0, 2, 0], sizes = [4, 1, 1024], strides = [1, 1, 1]} : vector<4x8x1024xf32> to vector<4x1x1024xf32>
    %squeeze3A_6 = vector.shape_cast %slice3A_5 : vector<4x1x1024xf32> to vector<4x1024xf32>
    %max3A_7 = arith.maximumf %max3A, %squeeze3A_6 : vector<4x1024xf32>
    %slice3A_8 = vector.extract_strided_slice %get3A_2 {offsets = [0, 3, 0], sizes = [4, 1, 1024], strides = [1, 1, 1]} : vector<4x8x1024xf32> to vector<4x1x1024xf32>
    %squeeze3A_9 = vector.shape_cast %slice3A_8 : vector<4x1x1024xf32> to vector<4x1024xf32>
    %max3A_10 = arith.maximumf %max3A_7, %squeeze3A_9 : vector<4x1024xf32>
    %slice3A_11 = vector.extract_strided_slice %get3A_2 {offsets = [0, 4, 0], sizes = [4, 1, 1024], strides = [1, 1, 1]} : vector<4x8x1024xf32> to vector<4x1x1024xf32>
    %squeeze3A_12 = vector.shape_cast %slice3A_11 : vector<4x1x1024xf32> to vector<4x1024xf32>
    %max3A_13 = arith.maximumf %max3A_10, %squeeze3A_12 : vector<4x1024xf32>
    %slice3A_14 = vector.extract_strided_slice %get3A_2 {offsets = [0, 5, 0], sizes = [4, 1, 1024], strides = [1, 1, 1]} : vector<4x8x1024xf32> to vector<4x1x1024xf32>
    %squeeze3A_15 = vector.shape_cast %slice3A_14 : vector<4x1x1024xf32> to vector<4x1024xf32>
    %max3A_16 = arith.maximumf %max3A_13, %squeeze3A_15 : vector<4x1024xf32>
    %slice3A_17 = vector.extract_strided_slice %get3A_2 {offsets = [0, 6, 0], sizes = [4, 1, 1024], strides = [1, 1, 1]} : vector<4x8x1024xf32> to vector<4x1x1024xf32>
    %squeeze3A_18 = vector.shape_cast %slice3A_17 : vector<4x1x1024xf32> to vector<4x1024xf32>
    %max3A_19 = arith.maximumf %max3A_16, %squeeze3A_18 : vector<4x1024xf32>
    %slice3A_20 = vector.extract_strided_slice %get3A_2 {offsets = [0, 7, 0], sizes = [4, 1, 1024], strides = [1, 1, 1]} : vector<4x8x1024xf32> to vector<4x1x1024xf32>
    %squeeze3A_21 = vector.shape_cast %slice3A_20 : vector<4x1x1024xf32> to vector<4x1024xf32>
    %max3A_22 = arith.maximumf %max3A_19, %squeeze3A_21 : vector<4x1024xf32>
    %get3A_23 = arith.constant 0 : index
    %get3A_24 = arith.constant 0 : index
    %get3A_25 = vector.load %arg2[%get3A_23, %get3A_24] : memref<16x1024xf32, #tpu.memory_space<vmem>>, vector<16x1024xf32>
    %get3A_26 = arith.constant 0 : index
    %get3A_27 = arith.constant 0 : index
    %get3A_28 = vector.load %arg3[%get3A_26, %get3A_27] : memref<4x16xf32, #tpu.memory_space<vmem>>, vector<4x16xf32>
    %dot_general3A = arith.constant dense<0.000000e+00> : vector<4x1024xf32>
    %dot_general3A_29 = tpu.matmul %get3A_28, %get3A_25, %dot_general3A {dimension_numbers = #tpu.dot_dimension_numbers<[1], [0], [0], [1], [0, 0, 1, 1], [], []>, transpose_lhs_hint = false} : vector<4x16xf32>, vector<16x1024xf32>, vector<4x1024xf32> -> vector<4x1024xf32>
    %get3A_30 = arith.constant 0 : index
    %get3A_31 = arith.constant 0 : index
    %get3A_32 = vector.load %arg4[%get3A_30, %get3A_31] : memref<4x4xf32, #tpu.memory_space<vmem>>, vector<4x4xf32>
    %dot_general3A_33 = arith.constant dense<0.000000e+00> : vector<4x1024xf32>
    %dot_general3A_34 = tpu.matmul %get3A_32, %max3A_22, %dot_general3A_33 {dimension_numbers = #tpu.dot_dimension_numbers<[1], [0], [0], [1], [0, 0, 1, 1], [], []>, transpose_lhs_hint = false} : vector<4x4xf32>, vector<4x1024xf32>, vector<4x1024xf32> -> vector<4x1024xf32>
    %add3A = arith.addf %dot_general3A_29, %dot_general3A_34 : vector<4x1024xf32>
    %get3A_35 = arith.constant 0 : index
    %get3A_36 = arith.constant 0 : index
    %get3A_37 = vector.load %arg5[%get3A_35, %get3A_36] : memref<4x1xf32, #tpu.memory_space<vmem>>, vector<4x1xf32>
    %add3A_38 = vector.broadcast %get3A_37 : vector<4x1xf32> to vector<4x1024xf32>
    %add3A_39 = arith.addf %add3A, %add3A_38 : vector<4x1024xf32>
    %max3A_40 = arith.constant 0.000000e+00 : f32
    %max3A_41 = vector.broadcast %max3A_40 : f32 to vector<4x1024xf32>
    %max3A_42 = arith.maximumf %add3A_39, %max3A_41 : vector<4x1024xf32>
    %get3A_43 = arith.constant 0 : index
    %get3A_44 = arith.constant 0 : index
    %get3A_45 = vector.load %arg6[%get3A_43, %get3A_44] : memref<8x4xf32, #tpu.memory_space<vmem>>, vector<8x4xf32>
    %dot_general3A_46 = arith.constant dense<0.000000e+00> : vector<8x1024xf32>
    %dot_general3A_47 = tpu.matmul %get3A_45, %max3A_42, %dot_general3A_46 {dimension_numbers = #tpu.dot_dimension_numbers<[1], [0], [0], [1], [0, 0, 1, 1], [], []>, transpose_lhs_hint = false} : vector<8x4xf32>, vector<4x1024xf32>, vector<8x1024xf32> -> vector<8x1024xf32>
    %get3A_48 = arith.constant 0 : index
    %get3A_49 = arith.constant 0 : index
    %get3A_50 = vector.load %arg7[%get3A_48, %get3A_49] : memref<8x1xf32, #tpu.memory_space<vmem>>, vector<8x1xf32>
    %add3A_51 = vector.broadcast %get3A_50 : vector<8x1xf32> to vector<8x1024xf32>
    %add3A_52 = arith.addf %dot_general3A_47, %add3A_51 : vector<8x1024xf32>
    %mul3A = arith.mulf %add3A_52, %add3A_52 : vector<8x1024xf32>
    %reduce_sum3A = arith.constant dense<0.000000e+00> : vector<1024xf32>
    %reduce_sum3A_53 = vector.multi_reduction <add>, %mul3A, %reduce_sum3A [0] : vector<8x1024xf32> to vector<1024xf32>
    %broadcast_in_dim3A = vector.shape_cast %reduce_sum3A_53 : vector<1024xf32> to vector<1x1024xf32>
    %sqrt3A = math.sqrt %broadcast_in_dim3A : vector<1x1024xf32>
    %max3A_54 = arith.constant 1.000000e+00 : f32
    %max3A_55 = vector.broadcast %max3A_54 : f32 to vector<1x1024xf32>
    %max3A_56 = arith.maximumf %max3A_55, %sqrt3A : vector<1x1024xf32>
    %div3A = vector.broadcast %max3A_56 : vector<1x1024xf32> to vector<8x1024xf32>
    %div3A_57 = arith.divf %add3A_52, %div3A : vector<8x1024xf32>
    %slice3A_58 = vector.extract_strided_slice %get3A_25 {offsets = [0, 0], sizes = [8, 1024], strides = [1, 1]} : vector<16x1024xf32> to vector<8x1024xf32>
    %swap3A = arith.constant 0 : index
    %swap3A_59 = arith.constant 0 : index
    %swap3A_60 = vector.load %arg10[%swap3A, %swap3A_59] : memref<16x1024xf32, #tpu.memory_space<vmem>>, vector<8x1024xf32>
    tpu.vector_store %arg10[%swap3A, %swap3A_59], %div3A_57 {strides = array<i32>} : memref<16x1024xf32, #tpu.memory_space<vmem>>, vector<8x1024xf32>,
    %swap3A_61 = arith.constant 8 : index
    %swap3A_62 = arith.constant 0 : index
    %swap3A_63 = vector.load %arg10[%swap3A_61, %swap3A_62] : memref<16x1024xf32, #tpu.memory_space<vmem>>, vector<8x1024xf32>
    tpu.vector_store %arg10[%swap3A_61, %swap3A_62], %slice3A_58 {strides = array<i32>} : memref<16x1024xf32, #tpu.memory_space<vmem>>, vector<8x1024xf32>,
    %get3A_64 = arith.constant 0 : index
    %get3A_65 = arith.constant 0 : index
    %get3A_66 = vector.load %arg8[%get3A_64, %get3A_65] : memref<4x8xf32, #tpu.memory_space<vmem>>, vector<4x8xf32>
    %dot_general3A_67 = arith.constant dense<0.000000e+00> : vector<4x1024xf32>
    %dot_general3A_68 = tpu.matmul %get3A_66, %div3A_57, %dot_general3A_67 {dimension_numbers = #tpu.dot_dimension_numbers<[1], [0], [0], [1], [0, 0, 1, 1], [], []>, transpose_lhs_hint = false} : vector<4x8xf32>, vector<8x1024xf32>, vector<4x1024xf32> -> vector<4x1024xf32>
    %get3A_69 = arith.constant 0 : index
    %get3A_70 = arith.constant 0 : index
    %get3A_71 = vector.load %arg9[%get3A_69, %get3A_70] : memref<4x8xf32, #tpu.memory_space<vmem>>, vector<4x8xf32>
    %dot_general3A_72 = arith.constant dense<0.000000e+00> : vector<4x1024xf32>
    %dot_general3A_73 = tpu.matmul %get3A_71, %slice3A_58, %dot_general3A_72 {dimension_numbers = #tpu.dot_dimension_numbers<[1], [0], [0], [1], [0, 0, 1, 1], [], []>, transpose_lhs_hint = false} : vector<4x8xf32>, vector<8x1024xf32>, vector<4x1024xf32> -> vector<4x1024xf32>
    %add3A_74 = arith.addf %dot_general3A_68, %dot_general3A_73 : vector<4x1024xf32>
    %slice3A_75 = vector.extract_strided_slice %add3A_74 {offsets = [0, 0], sizes = [1, 1024], strides = [1, 1]} : vector<4x1024xf32> to vector<1x1024xf32>
    %squeeze3A_76 = vector.shape_cast %slice3A_75 : vector<1x1024xf32> to vector<1024xf32>
    %swap3A_77 = arith.constant 0 : index
    %swap3A_78 = vector.load %arg11[%swap3A_77] : memref<1024xf32, #tpu.memory_space<vmem>>, vector<1024xf32>
    tpu.vector_store %arg11[%swap3A_77], %squeeze3A_76 {strides = array<i32>} : memref<1024xf32, #tpu.memory_space<vmem>>, vector<1024xf32>,
    %slice3A_79 = vector.extract_strided_slice %add3A_74 {offsets = [1, 0], sizes = [1, 1024], strides = [1, 1]} : vector<4x1024xf32> to vector<1x1024xf32>
    %squeeze3A_80 = vector.shape_cast %slice3A_79 : vector<1x1024xf32> to vector<1024xf32>
    %swap3A_81 = arith.constant 0 : index
    %swap3A_82 = vector.load %arg12[%swap3A_81] : memref<1024xf32, #tpu.memory_space<vmem>>, vector<1024xf32>
    tpu.vector_store %arg12[%swap3A_81], %squeeze3A_80 {strides = array<i32>} : memref<1024xf32, #tpu.memory_space<vmem>>, vector<1024xf32>,
    %slice3A_83 = vector.extract_strided_slice %add3A_74 {offsets = [2, 0], sizes = [1, 1024], strides = [1, 1]} : vector<4x1024xf32> to vector<1x1024xf32>
    %squeeze3A_84 = vector.shape_cast %slice3A_83 : vector<1x1024xf32> to vector<1024xf32>
    %swap3A_85 = arith.constant 0 : index
    %swap3A_86 = vector.load %arg13[%swap3A_85] : memref<1024xf32, #tpu.memory_space<vmem>>, vector<1024xf32>
    tpu.vector_store %arg13[%swap3A_85], %squeeze3A_84 {strides = array<i32>} : memref<1024xf32, #tpu.memory_space<vmem>>, vector<1024xf32>,
    %slice3A_87 = vector.extract_strided_slice %add3A_74 {offsets = [3, 0], sizes = [1, 1024], strides = [1, 1]} : vector<4x1024xf32> to vector<1x1024xf32>
    %squeeze3A_88 = vector.shape_cast %slice3A_87 : vector<1x1024xf32> to vector<1024xf32>
    %swap3A_89 = arith.constant 0 : index
    %swap3A_90 = vector.load %arg14[%swap3A_89] : memref<1024xf32, #tpu.memory_space<vmem>>, vector<1024xf32>
    tpu.vector_store %arg14[%swap3A_89], %squeeze3A_88 {strides = array<i32>} : memref<1024xf32, #tpu.memory_space<vmem>>, vector<1024xf32>,
    return
  }
  func.func @transform_0(%arg0: i32) -> (i32, i32, i32) {
    %c0_i32 = arith.constant 0 : i32
    %c0_i32_0 = arith.constant 0 : i32
    %c0_i32_1 = arith.constant 0 : i32
    return %c0_i32, %c0_i32_0, %arg0 : i32, i32, i32
  }
  func.func @transform_1(%arg0: i32) -> (i32, i32) {
    %c0_i32 = arith.constant 0 : i32
    %c0_i32_0 = arith.constant 0 : i32
    return %c0_i32, %arg0 : i32, i32
  }
  func.func @transform_2(%arg0: i32) -> (i32, i32) {
    %c0_i32 = arith.constant 0 : i32
    %c0_i32_0 = arith.constant 0 : i32
    %c0_i32_1 = arith.constant 0 : i32
    return %c0_i32, %c0_i32_0 : i32, i32
  }
  func.func @transform_3(%arg0: i32) -> (i32, i32) {
    %c0_i32 = arith.constant 0 : i32
    %c0_i32_0 = arith.constant 0 : i32
    %c0_i32_1 = arith.constant 0 : i32
    return %c0_i32, %c0_i32_0 : i32, i32
  }
  func.func @transform_4(%arg0: i32) -> (i32, i32) {
    %c0_i32 = arith.constant 0 : i32
    %c0_i32_0 = arith.constant 0 : i32
    %c0_i32_1 = arith.constant 0 : i32
    return %c0_i32, %c0_i32_0 : i32, i32
  }
  func.func @transform_5(%arg0: i32) -> (i32, i32) {
    %c0_i32 = arith.constant 0 : i32
    %c0_i32_0 = arith.constant 0 : i32
    %c0_i32_1 = arith.constant 0 : i32
    return %c0_i32, %c0_i32_0 : i32, i32
  }
  func.func @transform_6(%arg0: i32) -> (i32, i32) {
    %c0_i32 = arith.constant 0 : i32
    %c0_i32_0 = arith.constant 0 : i32
    %c0_i32_1 = arith.constant 0 : i32
    return %c0_i32, %c0_i32_0 : i32, i32
  }
  func.func @transform_7(%arg0: i32) -> (i32, i32) {
    %c0_i32 = arith.constant 0 : i32
    %c0_i32_0 = arith.constant 0 : i32
    %c0_i32_1 = arith.constant 0 : i32
    return %c0_i32, %c0_i32_0 : i32, i32
  }
  func.func @transform_8(%arg0: i32) -> (i32, i32) {
    %c0_i32 = arith.constant 0 : i32
    %c0_i32_0 = arith.constant 0 : i32
    %c0_i32_1 = arith.constant 0 : i32
    return %c0_i32, %c0_i32_0 : i32, i32
  }
  func.func @transform_9(%arg0: i32) -> (i32, i32) {
    %c0_i32 = arith.constant 0 : i32
    %c0_i32_0 = arith.constant 0 : i32
    return %c0_i32, %arg0 : i32, i32
  }
  func.func @transform_10(%arg0: i32) -> i32 {
    %c0_i32 = arith.constant 0 : i32
    return %arg0 : i32
  }
  func.func @transform_11(%arg0: i32) -> i32 {
    %c0_i32 = arith.constant 0 : i32
    return %arg0 : i32
  }
  func.func @transform_12(%arg0: i32) -> i32 {
    %c0_i32 = arith.constant 0 : i32
    return %arg0 : i32
  }
  func.func @transform_13(%arg0: i32) -> i32 {
    %c0_i32 = arith.constant 0 : i32
    return %arg0 : i32
  }
}

module attributes {stable_mosaic.version = 14 : i64} {
  func.func @_final_body(%arg0: i32, %arg1: memref<4x8x1024xf32, #tpu.memory_space<vmem>>, %arg2: memref<16x1024xf32, #tpu.memory_space<vmem>>, %arg3: memref<4x16xf32, #tpu.memory_space<vmem>>, %arg4: memref<4x4xf32, #tpu.memory_space<vmem>>, %arg5: memref<4x1xf32, #tpu.memory_space<vmem>>, %arg6: memref<8x4xf32, #tpu.memory_space<vmem>>, %arg7: memref<8x1xf32, #tpu.memory_space<vmem>>, %arg8: memref<16x1024xf32, #tpu.memory_space<vmem>>) attributes {dimension_semantics = [#tpu.dimension_semantics<arbitrary>], iteration_bounds = array<i64: 49>, scalar_prefetch = 0 : i64, scratch_operands = 0 : i64, tpu.core_type = #tpu.core_type<tc>, window_params = [{transform_indices = @transform_0, window_bounds = array<i64: 4, 8, 1024>}, {transform_indices = @transform_1, window_bounds = array<i64: 16, 1024>}, {pipeline_mode = #tpu.pipeline_mode<synchronous>, transform_indices = @transform_2, window_bounds = array<i64: 4, 16>}, {pipeline_mode = #tpu.pipeline_mode<synchronous>, transform_indices = @transform_3, window_bounds = array<i64: 4, 4>}, {pipeline_mode = #tpu.pipeline_mode<synchronous>, transform_indices = @transform_4, window_bounds = array<i64: 4, 1>}, {pipeline_mode = #tpu.pipeline_mode<synchronous>, transform_indices = @transform_5, window_bounds = array<i64: 8, 4>}, {pipeline_mode = #tpu.pipeline_mode<synchronous>, transform_indices = @transform_6, window_bounds = array<i64: 8, 1>}, {transform_indices = @transform_7, window_bounds = array<i64: 16, 1024>}]} {
    %get3A = arith.constant 0 : index
    %get3A_0 = arith.constant 0 : index
    %get3A_1 = arith.constant 0 : index
    %get3A_2 = vector.load %arg1[%get3A, %get3A_0, %get3A_1] : memref<4x8x1024xf32, #tpu.memory_space<vmem>>, vector<4x8x1024xf32>
    %slice3A = vector.extract_strided_slice %get3A_2 {offsets = [0, 0, 0], sizes = [4, 1, 1024], strides = [1, 1, 1]} : vector<4x8x1024xf32> to vector<4x1x1024xf32>
    %squeeze3A = vector.shape_cast %slice3A : vector<4x1x1024xf32> to vector<4x1024xf32>
    %slice3A_3 = vector.extract_strided_slice %get3A_2 {offsets = [0, 1, 0], sizes = [4, 1, 1024], strides = [1, 1, 1]} : vector<4x8x1024xf32> to vector<4x1x1024xf32>
    %squeeze3A_4 = vector.shape_cast %slice3A_3 : vector<4x1x1024xf32> to vector<4x1024xf32>
    %max3A = arith.maximumf %squeeze3A, %squeeze3A_4 : vector<4x1024xf32>
    %slice3A_5 = vector.extract_strided_slice %get3A_2 {offsets = [0, 2, 0], sizes = [4, 1, 1024], strides = [1, 1, 1]} : vector<4x8x1024xf32> to vector<4x1x1024xf32>
    %squeeze3A_6 = vector.shape_cast %slice3A_5 : vector<4x1x1024xf32> to vector<4x1024xf32>
    %max3A_7 = arith.maximumf %max3A, %squeeze3A_6 : vector<4x1024xf32>
    %slice3A_8 = vector.extract_strided_slice %get3A_2 {offsets = [0, 3, 0], sizes = [4, 1, 1024], strides = [1, 1, 1]} : vector<4x8x1024xf32> to vector<4x1x1024xf32>
    %squeeze3A_9 = vector.shape_cast %slice3A_8 : vector<4x1x1024xf32> to vector<4x1024xf32>
    %max3A_10 = arith.maximumf %max3A_7, %squeeze3A_9 : vector<4x1024xf32>
    %slice3A_11 = vector.extract_strided_slice %get3A_2 {offsets = [0, 4, 0], sizes = [4, 1, 1024], strides = [1, 1, 1]} : vector<4x8x1024xf32> to vector<4x1x1024xf32>
    %squeeze3A_12 = vector.shape_cast %slice3A_11 : vector<4x1x1024xf32> to vector<4x1024xf32>
    %max3A_13 = arith.maximumf %max3A_10, %squeeze3A_12 : vector<4x1024xf32>
    %slice3A_14 = vector.extract_strided_slice %get3A_2 {offsets = [0, 5, 0], sizes = [4, 1, 1024], strides = [1, 1, 1]} : vector<4x8x1024xf32> to vector<4x1x1024xf32>
    %squeeze3A_15 = vector.shape_cast %slice3A_14 : vector<4x1x1024xf32> to vector<4x1024xf32>
    %max3A_16 = arith.maximumf %max3A_13, %squeeze3A_15 : vector<4x1024xf32>
    %slice3A_17 = vector.extract_strided_slice %get3A_2 {offsets = [0, 6, 0], sizes = [4, 1, 1024], strides = [1, 1, 1]} : vector<4x8x1024xf32> to vector<4x1x1024xf32>
    %squeeze3A_18 = vector.shape_cast %slice3A_17 : vector<4x1x1024xf32> to vector<4x1024xf32>
    %max3A_19 = arith.maximumf %max3A_16, %squeeze3A_18 : vector<4x1024xf32>
    %slice3A_20 = vector.extract_strided_slice %get3A_2 {offsets = [0, 7, 0], sizes = [4, 1, 1024], strides = [1, 1, 1]} : vector<4x8x1024xf32> to vector<4x1x1024xf32>
    %squeeze3A_21 = vector.shape_cast %slice3A_20 : vector<4x1x1024xf32> to vector<4x1024xf32>
    %max3A_22 = arith.maximumf %max3A_19, %squeeze3A_21 : vector<4x1024xf32>
    %get3A_23 = arith.constant 0 : index
    %get3A_24 = arith.constant 0 : index
    %get3A_25 = vector.load %arg2[%get3A_23, %get3A_24] : memref<16x1024xf32, #tpu.memory_space<vmem>>, vector<16x1024xf32>
    %get3A_26 = arith.constant 0 : index
    %get3A_27 = arith.constant 0 : index
    %get3A_28 = vector.load %arg3[%get3A_26, %get3A_27] : memref<4x16xf32, #tpu.memory_space<vmem>>, vector<4x16xf32>
    %dot_general3A = arith.constant dense<0.000000e+00> : vector<4x1024xf32>
    %dot_general3A_29 = tpu.matmul %get3A_28, %get3A_25, %dot_general3A {dimension_numbers = #tpu.dot_dimension_numbers<[1], [0], [0], [1], [0, 0, 1, 1], [], []>, transpose_lhs_hint = false} : vector<4x16xf32>, vector<16x1024xf32>, vector<4x1024xf32> -> vector<4x1024xf32>
    %get3A_30 = arith.constant 0 : index
    %get3A_31 = arith.constant 0 : index
    %get3A_32 = vector.load %arg4[%get3A_30, %get3A_31] : memref<4x4xf32, #tpu.memory_space<vmem>>, vector<4x4xf32>
    %dot_general3A_33 = arith.constant dense<0.000000e+00> : vector<4x1024xf32>
    %dot_general3A_34 = tpu.matmul %get3A_32, %max3A_22, %dot_general3A_33 {dimension_numbers = #tpu.dot_dimension_numbers<[1], [0], [0], [1], [0, 0, 1, 1], [], []>, transpose_lhs_hint = false} : vector<4x4xf32>, vector<4x1024xf32>, vector<4x1024xf32> -> vector<4x1024xf32>
    %add3A = arith.addf %dot_general3A_29, %dot_general3A_34 : vector<4x1024xf32>
    %get3A_35 = arith.constant 0 : index
    %get3A_36 = arith.constant 0 : index
    %get3A_37 = vector.load %arg5[%get3A_35, %get3A_36] : memref<4x1xf32, #tpu.memory_space<vmem>>, vector<4x1xf32>
    %add3A_38 = vector.broadcast %get3A_37 : vector<4x1xf32> to vector<4x1024xf32>
    %add3A_39 = arith.addf %add3A, %add3A_38 : vector<4x1024xf32>
    %max3A_40 = arith.constant 0.000000e+00 : f32
    %max3A_41 = vector.broadcast %max3A_40 : f32 to vector<4x1024xf32>
    %max3A_42 = arith.maximumf %add3A_39, %max3A_41 : vector<4x1024xf32>
    %get3A_43 = arith.constant 0 : index
    %get3A_44 = arith.constant 0 : index
    %get3A_45 = vector.load %arg6[%get3A_43, %get3A_44] : memref<8x4xf32, #tpu.memory_space<vmem>>, vector<8x4xf32>
    %dot_general3A_46 = arith.constant dense<0.000000e+00> : vector<8x1024xf32>
    %dot_general3A_47 = tpu.matmul %get3A_45, %max3A_42, %dot_general3A_46 {dimension_numbers = #tpu.dot_dimension_numbers<[1], [0], [0], [1], [0, 0, 1, 1], [], []>, transpose_lhs_hint = false} : vector<8x4xf32>, vector<4x1024xf32>, vector<8x1024xf32> -> vector<8x1024xf32>
    %get3A_48 = arith.constant 0 : index
    %get3A_49 = arith.constant 0 : index
    %get3A_50 = vector.load %arg7[%get3A_48, %get3A_49] : memref<8x1xf32, #tpu.memory_space<vmem>>, vector<8x1xf32>
    %add3A_51 = vector.broadcast %get3A_50 : vector<8x1xf32> to vector<8x1024xf32>
    %add3A_52 = arith.addf %dot_general3A_47, %add3A_51 : vector<8x1024xf32>
    %mul3A = arith.mulf %add3A_52, %add3A_52 : vector<8x1024xf32>
    %reduce_sum3A = arith.constant dense<0.000000e+00> : vector<1024xf32>
    %reduce_sum3A_53 = vector.multi_reduction <add>, %mul3A, %reduce_sum3A [0] : vector<8x1024xf32> to vector<1024xf32>
    %broadcast_in_dim3A = vector.shape_cast %reduce_sum3A_53 : vector<1024xf32> to vector<1x1024xf32>
    %sqrt3A = math.sqrt %broadcast_in_dim3A : vector<1x1024xf32>
    %max3A_54 = arith.constant 1.000000e+00 : f32
    %max3A_55 = vector.broadcast %max3A_54 : f32 to vector<1x1024xf32>
    %max3A_56 = arith.maximumf %max3A_55, %sqrt3A : vector<1x1024xf32>
    %div3A = vector.broadcast %max3A_56 : vector<1x1024xf32> to vector<8x1024xf32>
    %div3A_57 = arith.divf %add3A_52, %div3A : vector<8x1024xf32>
    %slice3A_58 = vector.extract_strided_slice %get3A_25 {offsets = [0, 0], sizes = [8, 1024], strides = [1, 1]} : vector<16x1024xf32> to vector<8x1024xf32>
    %swap3A = arith.constant 0 : index
    %swap3A_59 = arith.constant 0 : index
    %swap3A_60 = vector.load %arg8[%swap3A, %swap3A_59] : memref<16x1024xf32, #tpu.memory_space<vmem>>, vector<8x1024xf32>
    tpu.vector_store %arg8[%swap3A, %swap3A_59], %div3A_57 {strides = array<i32>} : memref<16x1024xf32, #tpu.memory_space<vmem>>, vector<8x1024xf32>,
    %swap3A_61 = arith.constant 8 : index
    %swap3A_62 = arith.constant 0 : index
    %swap3A_63 = vector.load %arg8[%swap3A_61, %swap3A_62] : memref<16x1024xf32, #tpu.memory_space<vmem>>, vector<8x1024xf32>
    tpu.vector_store %arg8[%swap3A_61, %swap3A_62], %slice3A_58 {strides = array<i32>} : memref<16x1024xf32, #tpu.memory_space<vmem>>, vector<8x1024xf32>,
    return
  }
  func.func @transform_0(%arg0: i32) -> (i32, i32, i32) {
    %c0_i32 = arith.constant 0 : i32
    %c0_i32_0 = arith.constant 0 : i32
    %c0_i32_1 = arith.constant 0 : i32
    return %c0_i32, %c0_i32_0, %arg0 : i32, i32, i32
  }
  func.func @transform_1(%arg0: i32) -> (i32, i32) {
    %c0_i32 = arith.constant 0 : i32
    %c0_i32_0 = arith.constant 0 : i32
    return %c0_i32, %arg0 : i32, i32
  }
  func.func @transform_2(%arg0: i32) -> (i32, i32) {
    %c0_i32 = arith.constant 0 : i32
    %c0_i32_0 = arith.constant 0 : i32
    %c0_i32_1 = arith.constant 0 : i32
    return %c0_i32, %c0_i32_0 : i32, i32
  }
  func.func @transform_3(%arg0: i32) -> (i32, i32) {
    %c0_i32 = arith.constant 0 : i32
    %c0_i32_0 = arith.constant 0 : i32
    %c0_i32_1 = arith.constant 0 : i32
    return %c0_i32, %c0_i32_0 : i32, i32
  }
  func.func @transform_4(%arg0: i32) -> (i32, i32) {
    %c0_i32 = arith.constant 0 : i32
    %c0_i32_0 = arith.constant 0 : i32
    %c0_i32_1 = arith.constant 0 : i32
    return %c0_i32, %c0_i32_0 : i32, i32
  }
  func.func @transform_5(%arg0: i32) -> (i32, i32) {
    %c0_i32 = arith.constant 0 : i32
    %c0_i32_0 = arith.constant 0 : i32
    %c0_i32_1 = arith.constant 0 : i32
    return %c0_i32, %c0_i32_0 : i32, i32
  }
  func.func @transform_6(%arg0: i32) -> (i32, i32) {
    %c0_i32 = arith.constant 0 : i32
    %c0_i32_0 = arith.constant 0 : i32
    %c0_i32_1 = arith.constant 0 : i32
    return %c0_i32, %c0_i32_0 : i32, i32
  }
  func.func @transform_7(%arg0: i32) -> (i32, i32) {
    %c0_i32 = arith.constant 0 : i32
    %c0_i32_0 = arith.constant 0 : i32
    return %c0_i32, %arg0 : i32, i32
  }
}

</mosaic_0001>

<sc_bundles>
// kernel: kernel.10.cloned.1.call-start
scs
__scs_entry_jumppad:
0x0: {  	(pc) =	sbr.rel $0x88, $3  }
0x1: {  	(tag) =	ssettag $0x0;
	lr =	simm.s32 $0x1  }
0x2: {  	[smem:$0x3F98] =	sst lr;
	_ =	strace $0xD0000000  }
0x3: {  	_ = 	snop  }
0x4: {  	_ = 	snop  }
0x5: {  	_ = 	snop  }
0x6: {  	_ = 	snop  }
0x7: {  	_ = 	snop  }
__scs_overlays_trampoline_lowered:
0x8: {  	[smem:$0x3FA7] =	sst s0  }
0x9: {  	[smem:$0x3FA8] =	sst s1  }
0xa: {  	[smem:$0x3FA9] =	sst s2  }
0xb: {  	[smem:$0x3FAA] =	sst s3  }
0xc: {  	[smem:$0x3FAB] =	sst s4  }
0xd: {  	[smem:$0x3FAC] =	sst s5  }
0xe: {  	[smem:$0x3FAD] =	sst s6  }
0xf: {  	[smem:$0x3FAE] =	sst s7  }
0x10: {  	[smem:$0x3FAF] =	sst s8  }
0x11: {  	[smem:$0x3FB0] =	sst s9;
	s0 =	simm.s32 @!p0 $0x0  }
0x12: {  	s1 =	sld [smem:$0x3F96];
	s0 =	simm.s32 @p0 $0x1  }
0x13: {  	[smem:$0x3FB1] =	sst s0;
	s0 =	simm.s32 @!p1 $0x0  }
0x14: {  	s2 =	sld [smem:$0x3F95];
	s0 =	simm.s32 @p1 $0x1  }
0x15: {  	[smem:$0x3FB2] =	sst s0;
	s0 =	simm.s32 @!p2 $0x0  }
0x16: {  	s3 =	sld [smem:$0x3FDB];
	s0 =	simm.s32 @p2 $0x1  }
0x17: {  	s4 =	simm.s32 $0x1BF5;
	[smem:$0x3FB4] =	sst s0  }
0x18: {  	s0 =	sld [smem:$0x3F97];
	_ =	swait.ge [sflag:s4], $0x0  }
0x19: {  	s7 =	sld [smem:$0x3F98]  }
0x1a: {  	s8 =	sadd.s32 $0xFFFFE003, lr  }
0x1b: {  	s9 =	sadd.s32 $0xFFFFFEF7, lr;
	s5 =	simm.s32 $0xFFFFFFFF;
	p2 =	slt.u32 s8, $0xFFFFF086  }
0x1c: {  	p1 =	slt.u32 s9, $0xF7A;
	s5 =	simm.s32 @!p2 $0x0  }
0x1d: {  	s5 =	simm.s32 @p1 $0x1;
	p0 =	seq.s32 s7, s2  }
0x1e: {  	s7 =	smul.u32 @!p0 $0xF7A, s2;
	p2 =	seq.s32 @!p0 s5, $0x0  }
0x1f: {  	s9 =	smul.u32 $0xF7A, s1;
	s8 =	simm.s32 @!p0 $0x1BF5;
	p2 =	por !p2, p0  }
0x20: {  	[sflag:s8] =	ssyncset.s32 @!p0 $0xFFFFF086;
	s6 =	sadd.s32 @!p0 s3, s7;
	s7 =	simm.s32 @!p0 $0x108  }
0x21: {  	s3 =	sadd.s32 s3, s9;
	s6 =	sadd.s32 @!p0 $0x88, s6;
	s7 =	simm.s32 @p2 $0x1082  }
0x22: {  	[simem:s7], [sflag:s8] =	dma.local @!p0 [hbm:s6], $0xF7A  }
0x23: {  	s9 =	sor.u32 $0xD0000000, s2;
	s6 =	simm.s32 $0x108;
	_ =	swait.ge @!p0 [sflag:s8], $0x0  }
0x24: {  	s3 =	sadd.s32 $0x88, s3;
	s6 =	simm.s32 @!p1 $0x1082;
	[sflag:s4] =	ssyncset.s32 $0xFFFFF086  }
0x25: {  	[simem:s6], [sflag:s4] =	dma.local [hbm:s3], $0xF7A  }
0x26: {  	[smem:$0x3F98] =	sst s1;
	(tag) =	ssettag s2;
	_ =	strace s9  }
0x27: {  	s1 =	sld [smem:$0x3FA8]  }
0x28: {  	s2 =	sld [smem:$0x3FA9]  }
0x29: {  	s4 =	sld [smem:$0x3FAB]  }
0x2a: {  	p0 =	seq.s32 s5, $0x0;
	s5 =	sld [smem:$0x3FAC]  }
0x2b: {  	s6 =	sld [smem:$0x3FAD]  }
0x2c: {  	s7 =	sld [smem:$0x3FAE]  }
0x2d: {  	s3 =	simm.s32 $0x108;
	s8 =	sld [smem:$0x3FAF]  }
0x2e: {  	s3 =	simm.s32 @!p0 $0x1082;
	s9 =	sld [smem:$0x3FB0]  }
0x2f: {  	lr =	sadd.s32 s0, s3;
	s0 =	sld [smem:$0x3FA7]  }
0x30: {  	s3 =	sld [smem:$0x3FAA]  }
0x31: {  	[smem:$0x3FB3] =	sst s10  }
0x32: {  	s10 =	sld [smem:$0x3FB1];
	_ =	sdelay $0x3  }
0x33: {  	p0 =	seq.s32 s10, $0x1;
	s10 =	sld [smem:$0x3FB3];
	_ =	sdelay $0x3  }
0x34: {  	[smem:$0x3FB3] =	sst s10  }
0x35: {  	s10 =	sld [smem:$0x3FB2];
	_ =	sdelay $0x3  }
0x36: {  	p1 =	seq.s32 s10, $0x1;
	s10 =	sld [smem:$0x3FB3];
	_ =	sdelay $0x3  }
0x37: {  	[smem:$0x3FB3] =	sst s10  }
0x38: {  	s10 =	sld [smem:$0x3FB4]  }
0x39: {  	_ = 	snop;
	(pc) =	sbr.ind lr, $3  }
0x3a: {  	_ = 	snop  }
0x3b: {  	_ = 	snop  }
0x3c: {  	p2 =	seq.s32 s10, $0x1;
	s10 =	sld [smem:$0x3FB3]  }
0x3d: {  	_ =	shalt  }
0x3e: {  	_ =	shalt  }
0x3f: {  	_ =	shalt  }
0x40: {  	_ =	shalt  }
0x41: {  	_ =	shalt  }
0x42: {  	_ =	shalt  }
0x43: {  	_ =	shalt  }
0x44: {  	_ =	shalt  }
0x45: {  	_ =	shalt  }
0x46: {  	_ =	shalt  }
0x47: {  	_ =	shalt  }
0x48: {  	_ =	shalt  }
0x49: {  	_ =	shalt  }
0x4a: {  	_ =	shalt  }
0x4b: {  	_ =	shalt  }
0x4c: {  	_ =	shalt  }
0x4d: {  	_ =	shalt  }
0x4e: {  	_ =	shalt  }
0x4f: {  	_ =	shalt  }
0x50: {  	_ =	shalt  }
0x51: {  	_ =	shalt  }
0x52: {  	_ =	shalt  }
0x53: {  	_ =	shalt  }
0x54: {  	_ =	shalt  }
0x55: {  	_ =	shalt  }
0x56: {  	_ =	shalt  }
0x57: {  	_ =	shalt  }
0x58: {  	_ =	shalt  }
0x59: {  	_ =	shalt  }
0x5a: {  	_ =	shalt  }
0x5b: {  	_ =	shalt  }
0x5c: {  	_ =	shalt  }
0x5d: {  	_ =	shalt  }
0x5e: {  	_ =	shalt  }
0x5f: {  	_ =	shalt  }
0x60: {  	_ =	shalt  }
0x61: {  	_ =	shalt  }
0x62: {  	_ =	shalt  }
0x63: {  	_ =	shalt  }
0x64: {  	_ =	shalt  }
0x65: {  	_ =	shalt  }
0x66: {  	_ =	shalt  }
0x67: {  	_ =	shalt  }
0x68: {  	_ =	shalt  }
0x69: {  	_ =	shalt  }
0x6a: {  	_ =	shalt  }
0x6b: {  	_ =	shalt  }
0x6c: {  	_ =	shalt  }
0x6d: {  	_ =	shalt  }
0x6e: {  	_ =	shalt  }
0x6f: {  	_ =	shalt  }
0x70: {  	_ =	shalt  }
0x71: {  	_ =	shalt  }
0x72: {  	_ =	shalt  }
0x73: {  	_ =	shalt  }
0x74: {  	_ =	shalt  }
0x75: {  	_ =	shalt  }
0x76: {  	_ =	shalt  }
0x77: {  	_ =	shalt  }
0x78: {  	_ =	shalt  }
0x79: {  	_ =	shalt  }
0x7a: {  	_ =	shalt  }
0x7b: {  	_ =	shalt  }
0x7c: {  	_ =	shalt  }
0x7d: {  	_ =	shalt  }
0x7e: {  	_ =	shalt  }
0x7f: {  	_ =	shalt  }
0x80: {  	_ =	shalt  }
0x81: {  	_ =	shalt  }
0x82: {  	_ =	shalt  }
0x83: {  	_ =	shalt  }
0x84: {  	_ =	shalt  }
0x85: {  	_ =	shalt  }
0x86: {  	_ =	shalt  }
0x87: {  	_ =	shalt  }
.Lfunc_end0:
.L_simem_size_0:
called_computation_lowered:
.L_overlay_start_0:
0x88: {  	s2 =	sld [smem:$0x3FD9]  }
0x89: {  	s3 =	sld [smem:$0x3FFE];
	_ =	sdelay $0x1  }
0x8a: {  	s1 =	srdreg.scid  }
0x8b: {  	s0 =	sand.u32 $0x1, s1  }
0x8c: {  	s17 =	sshll.u32 s0, $0xA;
	s2 =	sadd.s32 s3, s2  }
0x8d: {  	s2 =	sadd.s32 s2, s17  }
0x8e: {  	[smem:$0x3FBF] =	sst s2  }
0x8f: {  	_ = 	snop  }
0x90: {  	s2 =	sld [smem:$0x3FD0];
	(tm) =	ssettm $0x1  }
0x91: {  	s18 =	sld [smem:$0x3FFB];
	_ =	sdelay $0x3  }
0x92: {  	_ =	strace s18  }
0x93: {  	s3 =	sld [smem:$0x3FFC];
	_ =	sdelay $0x3  }
0x94: {  	_ =	strace s3  }
0x95: {  	s3 =	sld [smem:$0x3FFD];
	_ =	sdelay $0x3  }
0x96: {  	_ =	strace s3  }
0x97: {  	_ =	strace $0x8FFFFFFF  }
0x98: {  	s19 =	sld [smem:$0x3FDB];
	_ =	sdelay $0x1  }
0x99: {  	s4 =	simm.s32 $_scs_section_size  }
0x9a: {  	s5 =	simm.s32 $_size__tile_overlayer_lowered;
	s6 =	simm.s32 $_tile_overlayer_lowered  }
0x9b: {  	s22 =	simm.s32 $0x1BFF;
	s21 =	sshll.u32 s6, $0x1;
	s3 =	sadd.s32 s4, s19  }
0x9c: {  	s7 =	simm.s32 $0x0;
	s20 =	sshll.u32 s5, $0x1;
	s5 =	sadd.s32 s21, s3  }
0x9d: {  	[timem:s7], [sflag:s22] =	dma.local [hbm:s5], s20  }
0x9e: {  	_ =	swait.ge [sflag:s22], s20  }
0x9f: {  	s4 =	ssub.s32 $0x0, s20;
	[sflag:s22] =	ssyncset.done $0x0  }
0xa0: {  	[sflag:s22] =	ssyncadd.s32 s4;
	_ =	sdelay $0x1  }
0xa1: {  	s23 =	simm.s32 $0x1B8B  }
0xa2: {  	_ =	swait.ge [sflag:s23], $0x1  }
0xa3: {  	[sflag:s23] =	ssyncset.done $0x0  }
0xa4: {  	s25 =	simm.s32 $0x1B8E;
	s24 =	sld [smem:$0x3FFE];
	[sflag:s23] =	ssyncadd.s32 $0xFFFFFFFF  }
0xa5: {  	s26 =	simm.s32 $execute0_lowered;
	[smem:$0x3FD2] =	sst s25  }
0xa6: {  	s5 =	sshll.u32 s26, $0x1;
	_ =	strace $0x80000046;
	[dreg:$0x1] =	wrdreg $0xFFFFFFFF  }
0xa7: {  	s28 =	simm.s32 $_size_execute0_lowered;
	s3 =	sadd.s32 s3, s5;
	[dreg:$0x0] =	wrdreg $0x0  }
0xa8: {  	s5 =	sshll.u32 s28, $0x1;
	[dreg:$0x2] =	wrdreg s3  }
0xa9: {  	[dreg:$0x3] =	wrdreg s5  }
0xaa: {  	[dreg:$0x4] =	wrdreg $0xC0  }
0xab: {  	_ =	task [dreg:s7], $0x5FFFF  }
0xac: {  	[dreg:$0x1] =	wrdreg $0xFFFFFFFF  }
0xad: {  	[dreg:$0x0] =	wrdreg $0x60  }
0xae: {  	[dreg:$0x2] =	wrdreg s2  }
0xaf: {  	[dreg:$0x3] =	wrdreg s24  }
0xb0: {  	[dreg:$0x4] =	wrdreg $0x9  }
0xb1: {  	_ =	task.clear_ibuf [dreg:s7], $0x5FFFF;
	_ =	strace $0x90000046  }
0xb2: {  	s29 =	simm.s32 $0x9;
	_ =	strace $0x80000048  }
0xb3: {  	_ =	swait.ge [sflag:s29], $0x1  }
0xb4: {  	[sflag:s29] =	ssyncadd.s32 $0xFFFFFFFF  }
0xb5: {  	_ =	strace $0x90000048  }
0xb6: {  	_ =	sfence  }
0xb7: {  	s30 =	sld [smem:$0x0];
	_ =	sdelay $0x2  }
0xb8: {  	s31 =	sshll.u32 s1, $0xD;
	s1 =	sshrl.u32 s1, $0x2  }
0xb9: {  	s3 =	sand.u32 $0x4000, s31;
	s1 =	sadd.s32 s1, s30  }
0xba: {  	s0 =	sor.u32 s3, s0;
	s1 =	sshll.u32 s1, $0x11  }
0xbb: {  	s0 =	sor.u32 s1, s0  }
0xbc: {  	s0 =	sadd.s32 $0x8F2B, s0  }
0xbd: {  	[sflag:s0] =	ssyncadd.remote.s32 $0x1  }
0xbe: {  	_ =	sfence.sel $0xFFFF  }
0xbf: {  	[dreg:$0x0] =	wrdreg $0xFFFFFFFF;
	(pc) =	sbr.abs _section_cstart, $3  }
0xc0: {  	[dreg:$0x1] =	wrdreg $0xFFFFFFFF  }
0xc1: {  	_ =	task.clear_ibuf [dreg:s7], $0x2FFFF;
	_ =	strace $0x9FFFFFFF  }
0xc2: {  	(tm) =	ssettm $0x7FFFFFFF  }
0xc3: {  	_ =	shalt  }
tec
execute0_lowered:
.L_overlay_start_1:
0x0: {  	(tag) =	ssettag $0x1  }
0x1: {  	s0 =	rddreg [dreg:$0x0]  }
0x2: {  	s2 =	rddreg [dreg:$0x1];
	s1 =	simm.s32 $0x0  }
0x3: {  	s24 =	srdreg.scid;
	s11 =	stileid.u32;
	s21 =	simm.s32 $0x3  }
0x4: {  	s23 =	simm.s32 $0x18F00;
	s28 =	simm.s32 $0x0;
	[smem:$0x7FF] =	sst s1  }
0x5: {  	s12 =	sadd.s32 $0x65200, s2;
	s3 =	sadd.s32 $0x66C00, s2;
	s4 =	sadd.s32 $0x68600, s2  }
0x6: {  	s25 =	sshll.u32 s11, $0x1;
	s6 =	sadd.s32 $0x9AE00, s2;
	s7 =	sadd.s32 $0x3600, s2  }
0x7: {  	s8 =	sadd.s32 $0x34400, s2;
	s9 =	sadd.s32 $0xCBC00, s2;
	s10 =	sadd.s32 $0x6A000, s2  }
0x8: {  	s11 =	sshrl.u32 s11, $0x2;
	_ =	strace $0x80000047;
	[dreg:$0x4] =	wrdreg s3  }
0x9: {  	[dreg:$0x5] =	wrdreg s4;
	s3 =	sand.u32 $0x1, s24;
	p0 =	seq.s32 s11, $0x0  }
0xa: {  	p1 =	sgt.s32 s11, $0x1;
	p2 =	sne.s32 s11, $0x0;
	s24 =	simm.s32 $0x1  }
0xb: {  	s4 =	sor.u32 s3, s25;
	s3 =	ssub.s32 $0x2, s3;
	s12 =	smov.u32 @p0 s0  }
0xc: {  	s25 =	simm.s32 $0xC380;
	s5 =	smul.u32 $0x186A, s4;
	s4 =	sand.u32 $0x7, s4  }
0xd: {  	s26 =	sshrl.u32 s3, $0x1;
	[dreg:$0x3] =	wrdreg s12;
	s4 =	smul.u32 $0x30D40, s4  }
0xe: {  	s3 =	ssub.s32 s3, s26;
	s26 =	simm.s32 $0x2;
	s2 =	sadd.s32 s5, s2  }
0xf: {  	s20 =	smax.u32 s3, $0x1;
	s29 =	sshrl.u32 s4, $0x3;
	s19 =	sadd.s32 $0xFCA00, s2  }
0x10: {  	s2 =	simm.s32 @!p1 $0x0;
	s13 =	sadd.s32 s6, s29;
	s30 =	sadd.s32 s7, s29  }
.Ltmp0:
0x11: {  	s31 =	sadd.s32 s8, s29;
	[dreg:$0x6] =	wrdreg s13;
	(pc) =	sbr.rel .LBB2_1-.Ltmp0, $4  }
0x12: {  	s2 =	simm.s32 @p1 $0x1;
	p1 =	seq.s32 s11, $0x3;
	[dreg:$0x7] =	wrdreg s30  }
0x13: {  	s17 =	sadd.s32 $0x7D0, s4;
	[dreg:$0x8] =	wrdreg s31;
	s0 =	simm.s32 @!p1 $0x0  }
0x14: {  	s18 =	sadd.s32 $0xFA0, s4;
	[smem:$0x7FC] =	sst s2;
	s0 =	simm.s32 @p1 $0x1  }
0x15: {  	v0 =	vimm.f32 $0.0e+00;
	vm0 =	vmxor vm0, vm0;
	s15 =	sadd.s32 s9, s29;
	s16 =	sadd.s32 s10, s29;
	[smem:$0x7FD] =	sst s0  }
.LBB2_42:
0x16: {  	s28 =	sadd.s32 $0x1, s28  }
0x17: {  	p1 =	sne.s32 s28, s20  }
.Ltmp1:
0x18: {  	_ = 	snop;
	(pc) =	sbr.rel @!p1 .LBB2_43-.Ltmp1, $4  }
0x19: {  	[hbm4b:s19+s1] =	stream.linear.scatter [tilespmem:s25], [sflag:$0x3], $0xC350, $0x38;
	[tilespmem:$0x1A700] =	vst v63  }
0x1a: {  	_ =	swait.ge [sflag:s21], $0xC350  }
0x1b: {  	[sflag:s21] =	ssyncset.done $0x0  }
0x1c: {  	[sflag:s21] =	ssyncadd.s32 $0xFFFF3CB0  }
.LBB2_1:
0x1d: {  	s0 =	sld [smem:$0x7FC];
	_ =	sdelay $0x2  }
0x1e: {  	p1 =	seq.s32 s0, $0x1  }
.Ltmp2:
0x1f: {  	_ = 	snop;
	(pc) =	sbr.rel @p1 .LBB2_3-.Ltmp2, $1  }
0x20: {  	_ =	sdelay $0x3  }
.Ltmp3:
0x21: {  	(pc) =	sbr.rel .LBB2_6-.Ltmp3, $4  }
0x22: {  	_ = 	snop  }
0x23: {  	p3 =	por @!p0 $0x1, $0x1;
	p1 =	por @!p0 $0x0, $0x0;
	p4 =	por $0x0, $0x0  }
0x24: {  	p5 =	por $0x0, $0x0;
	p6 =	por $0x0, $0x0;
	s0 =	rddreg [dreg:$0x3]  }
0x25: {  	p4 =	por @!p0 p1, p1;
	p5 =	por @!p0 p3, p3;
	p6 =	por @!p0 p1, p1  }
.LBB2_3:
0x26: {  	s0 =	sld [smem:$0x7FD];
	_ =	sdelay $0x2  }
0x27: {  	p1 =	seq.s32 s0, $0x1  }
.Ltmp4:
0x28: {  	_ = 	snop;
	(pc) =	sbr.rel @!p1 .LBB2_4-.Ltmp4, $1  }
0x29: {  	_ =	sdelay $0x3  }
.Ltmp5:
0x2a: {  	(pc) =	sbr.rel .LBB2_6-.Ltmp5, $3  }
0x2b: {  	_ =	sdelay $0x1  }
0x2c: {  	p5 =	por $0x0, $0x0  }
0x2d: {  	p4 =	por $0x1, $0x1;
	s0 =	rddreg [dreg:$0x5];
	p6 =	por $0x0, $0x0  }
.LBB2_4:
0x2e: {  	p6 =	por $0x1, $0x1  }
0x2f: {  	p4 =	por $0x0, $0x0;
	s0 =	rddreg [dreg:$0x4];
	p5 =	por $0x0, $0x0  }
.LBB2_6:
0x30: {  	[tilespmem:s1], [sflag:$0x3] =	stream.linear.gather [hbm4b:s0+s1], $0xC380, $0x38;
	[tilespmem:$0x1A700] =	vst v63  }
0x31: {  	_ =	swait.ge [sflag:s21], $0xC380  }
0x32: {  	[sflag:s21] =	ssyncset.done $0x0  }
0x33: {  	s0 =	simm.s32 $0xC3C0;
	[sflag:s21] =	ssyncadd.s32 $0xFFFF3C80  }
0x34: {  	[tilespmem:s0+$0xFFFFFFC0] =	vst v0  }
0x35: {  	[tilespmem:s0+$0x30] =	vst v0  }
0x36: {  	[tilespmem:s0+$0x20] =	vst v0  }
0x37: {  	[tilespmem:s0+$0x10] =	vst v0  }
0x38: {  	[tilespmem:s0+$0x0] =	vst v0  }
0x39: {  	[tilespmem:s0+$0xFFFFFFF0] =	vst v0  }
0x3a: {  	s2 =	simm.s32 $0x0;
	[tilespmem:s0+$0xFFFFFFE0] =	vst v0  }
.LBB2_7:
0x3b: {  	s2 =	sadd.s32 $0x8, s2;
	[tilespmem:s0+$0xFFFFFFD0] =	vst v0;
	s0 =	sadd.s32 $0x80, s0  }
0x3c: {  	[tilespmem:s0+$0xFFFFFFC0] =	vst v0;
	p1 =	slt.u32 s2, $0xC28  }
0x3d: {  	[tilespmem:s0+$0x30] =	vst v0  }
.Ltmp6:
0x3e: {  	[tilespmem:s0+$0x20] =	vst v0;
	(pc) =	sbr.rel @p1 .LBB2_7-.Ltmp6, $4  }
0x3f: {  	[tilespmem:s0+$0x10] =	vst v0  }
0x40: {  	[tilespmem:s0+$0x0] =	vst v0  }
0x41: {  	[tilespmem:s0+$0xFFFFFFF0] =	vst v0  }
0x42: {  	[tilespmem:s0+$0xFFFFFFE0] =	vst v0  }
0x43: {  	[tilespmem:s0+$0xFFFFFFD0] =	vst v0  }
0x44: {  	[tilespmem:$0x18680] =	vst v0  }
0x45: {  	[tilespmem:$0x18690] =	vst v0  }
0x46: {  	[tilespmem:$0x186A0] =	vst v0  }
0x47: {  	[tilespmem:$0x186B0] =	vst v0  }
0x48: {  	s22 =	rddreg [dreg:$0x6];
	s2 =	simm.s32 $0x18700;
	[tilespmem:$0x186C0] =	vst v0  }
0x49: {  	[tilespmem:s2], [sflag:$0x1] =	stream.linear.gather [hbm4b:s22+s1], $0x7D0, $0x38;
	[tilespmem:$0x1A700] =	vst v63  }
0x4a: {  	s29 =	simm.s32 @!p2 $0x0;
	s0 =	simm.s32 @!p2 $0x19700;
	s2 =	rddreg [dreg:$0x7]  }
0x4b: {  	[tilespmem:s0], [sflag:$0x1] =	stream.linear.gather @!p2 [hbm4b:s2+s29], $0x7D0, $0x38;
	[tilespmem:$0x1A700] =	vst v63  }
0x4c: {  	s30 =	simm.s32 @p5 $0x0;
	s0 =	simm.s32 @p5 $0x19700;
	s2 =	rddreg [dreg:$0x8]  }
0x4d: {  	[tilespmem:s0], [sflag:$0x1] =	stream.linear.gather @p5 [hbm4b:s2+s30], $0x7D0, $0x38;
	[tilespmem:$0x1A700] =	vst v63  }
.Ltmp7:
0x4e: {  	s31 =	simm.s32 @p6 $0x0;
	s0 =	simm.s32 @p6 $0x19700;
	(pc) =	sbr.rel .LBB2_9-.Ltmp7, $4  }
0x4f: {  	[tilespmem:s0], [sflag:$0x1] =	stream.linear.gather @p6 [hbm4b:s15+s31], $0x7D0, $0x38;
	[tilespmem:$0x1A700] =	vst v63  }
0x50: {  	s2 =	simm.s32 @p4 $0x19700;
	s0 =	simm.s32 @p4 $0x0  }
0x51: {  	[tilespmem:s2], [sflag:$0x1] =	stream.linear.gather @p4 [hbm4b:s16+s0], $0x7D0, $0x38;
	[tilespmem:$0x1A700] =	vst v63  }
0x52: {  	s4 =	simm.s32 $0x0;
	s2 =	simm.s32 $0x0  }
.LBB2_41:
0x53: {  	s4 =	sadd.s32 $0x1, s4  }
0x54: {  	p1 =	sne.s32 s4, $0x32  }
.Ltmp8:
0x55: {  	_ = 	snop;
	(pc) =	sbr.rel @!p1 .LBB2_42-.Ltmp8, $1  }
0x56: {  	_ =	sdelay $0x3  }
.LBB2_9:
0x57: {  	s5 =	smul.u32 $0xFA0, s4;
	_ =	sdelay $0x1  }
0x58: {  	s3 =	sadd.s32 s5, s17  }
0x59: {  	s3 =	sshrl.u32 s3, $0x3  }
0x5a: {  	s12 =	sadd.s32 s6, s3  }
0x5b: {  	[tilespmem:s23], [sflag:$0x2] =	stream.linear.gather [hbm4b:s12+s1], $0x7D0, $0x38;
	[tilespmem:$0x1A700] =	vst v63  }
0x5c: {  	s13 =	simm.s32 @!p2 $0x19F00;
	s12 =	sadd.s32 @!p2 s7, s3  }
0x5d: {  	[tilespmem:s13], [sflag:$0x2] =	stream.linear.gather @!p2 [hbm4b:s12+s29], $0x7D0, $0x38;
	[tilespmem:$0x1A700] =	vst v63  }
0x5e: {  	s12 =	sadd.s32 @p5 s8, s3;
	s13 =	simm.s32 @p5 $0x19F00  }
0x5f: {  	[tilespmem:s13], [sflag:$0x2] =	stream.linear.gather @p5 [hbm4b:s12+s30], $0x7D0, $0x38;
	[tilespmem:$0x1A700] =	vst v63  }
0x60: {  	s12 =	sadd.s32 @p6 s9, s3;
	s13 =	simm.s32 @p6 $0x19F00  }
0x61: {  	[tilespmem:s13], [sflag:$0x2] =	stream.linear.gather @p6 [hbm4b:s12+s31], $0x7D0, $0x38;
	[tilespmem:$0x1A700] =	vst v63  }
0x62: {  	s3 =	sadd.s32 @p4 s10, s3;
	s12 =	simm.s32 @p4 $0x19F00  }
0x63: {  	[tilespmem:s12], [sflag:$0x2] =	stream.linear.gather @p4 [hbm4b:s3+s0], $0x7D0, $0x38;
	[tilespmem:$0x1A700] =	vst v63  }
0x64: {  	_ =	swait.ge [sflag:s24], $0x7D0  }
0x65: {  	[sflag:s24] =	ssyncset.done $0x0  }
0x66: {  	[sflag:s24] =	ssyncadd.s32 $0xFFFFF830  }
0x67: {  	_ =	swait.ge [sflag:s24], $0x7D0  }
0x68: {  	[sflag:s24] =	ssyncset.done $0x0  }
0x69: {  	s22 =	simm.s32 $0x18740;
	[sflag:s24] =	ssyncadd.s32 $0xFFFFF830  }
0x6a: {  	v1 =	vld [tilespmem:s22+$0x30]  }
0x6b: {  	v2 =	vld [tilespmem:s22+$0xFFFFFFD0]  }
0x6c: {  	v3 =	vld [tilespmem:s22+$0xFFFFFFE0]  }
0x6d: {  	v4 =	vld [tilespmem:s22+$0xFFFFFFF0]  }
0x6e: {  	v6 =	vld [tilespmem:s22+$0x0]  }
0x6f: {  	v7 =	vld [tilespmem:s22+$0xFFFFFFC0]  }
0x70: {  	v9 =	vld [tilespmem:s22+$0x10]  }
0x71: {  	s3 =	simm.s32 $0x19740;
	v19 =	vld [tilespmem:s22+$0x20]  }
0x72: {  	v13 =	vld [tilespmem:s3+$0x30]  }
0x73: {  	v22 =	vld [tilespmem:s3+$0xFFFFFFD0]  }
0x74: {  	v23 =	vld [tilespmem:s3+$0xFFFFFFE0];
	v5 =	vand.u32 $0xFFFF, v1  }
0x75: {  	v24 =	vld [tilespmem:s3+$0xFFFFFFF0];
	v8 =	vshrl.u32 v1, $0x10;
	v1 =	vand.u32 $0xFFFF, v2  }
0x76: {  	v25 =	vld [tilespmem:s3+$0x0]  }
0x77: {  	v26 =	vld [tilespmem:s3+$0x10];
	v10 =	vand.u32 $0xFFFF, v3  }
0x78: {  	v27 =	vld [tilespmem:s3+$0x20];
	v12 =	vand.u32 $0xFFFF, v6  }
0x79: {  	v14 =	vand.u32 $0xFFFF, v7;
	v5 =	vld.idx.msk [tilespmem:v5+s2+$0x0], $0xffff  }
0x7a: {  	v17 =	vld.idx.msk [tilespmem:v1+s2+$0x0], $0xffff;
	v1 =	vand.u32 $0xFFFF, v19  }
0x7b: {  	v15 =	vld.idx.msk [tilespmem:v8+s25+$0x0], $0xffff  }
0x7c: {  	v11 =	vand.u32 $0xFFFF, v4;
	v10 =	vld.idx.msk [tilespmem:v10+s2+$0x0], $0xffff  }
0x7d: {  	v16 =	vand.u32 $0xFFFF, v9;
	v18 =	vld.idx.msk [tilespmem:v12+s2+$0x0], $0xffff  }
0x7e: {  	v7 =	vshrl.u32 v7, $0x10;
	v12 =	vld.idx.msk [tilespmem:v14+s2+$0x0], $0xffff  }
0x7f: {  	v21 =	vld.idx.msk [tilespmem:v1+s2+$0x0], $0xffff;
	v1 =	vshrl.u32 v2, $0x10  }
0x80: {  	v14 =	vld [tilespmem:s3+$0xFFFFFFC0];
	v5 =	vadd.f32 v13, v5;
	v2 =	vshrl.u32 v3, $0x10  }
0x81: {  	v11 =	vld.idx.msk [tilespmem:v11+s2+$0x0], $0xffff;
	v3 =	vshrl.u32 v4, $0x10  }
0x82: {  	v20 =	vld.idx.msk [tilespmem:v16+s2+$0x0], $0xffff;
	v4 =	vshrl.u32 v6, $0x10;
	vm1 =	vgt.f32 v5, v15  }
0x83: {  	v15 =	vld.idx.msk [tilespmem:v7+s25+$0x0], $0xffff  }
0x84: {  	v16 =	vld.idx.msk [tilespmem:v1+s25+$0x0], $0xffff  }
0x85: {  	v13 =	vadd.f32 v14, v12;
	v14 =	vadd.f32 v22, v17;
	v17 =	vld.idx.msk [tilespmem:v2+s25+$0x0], $0xffff  }
0x86: {  	v12 =	vadd.f32 v23, v10;
	v10 =	vadd.f32 v25, v18;
	v18 =	vld.idx.msk [tilespmem:v3+s25+$0x0], $0xffff  }
0x87: {  	v11 =	vadd.f32 v24, v11;
	v6 =	vshrl.u32 v19, $0x10;
	v19 =	vld.idx.msk [tilespmem:v4+s25+$0x0], $0xffff  }
0x88: {  	s13 =	simm.s32 $0x187C0;
	s12 =	simm.s32 $0x0;
	[tilespmem:v8+s25+$0x0] =	vst.idx.msk vm1, v5;
	v5 =	vshrl.u32 v9, $0x10;
	v8 =	vadd.f32 v26, v20;
	v9 =	vadd.f32 v27, v21  }
.LBB2_10:
0x89: {  	v20 =	vld [tilespmem:s13+$0x30];
	s12 =	sadd.s32 $0x8, s12  }
0x8a: {  	vm2 =	vgt.f32 v13, v15;
	v21 =	vld [tilespmem:s13+$0xFFFFFFD0];
	p3 =	slt.u32 s12, $0x70  }
0x8b: {  	vm3 =	vgt.f32 v14, v16;
	v15 =	vld [tilespmem:s13+$0xFFFFFFE0]  }
0x8c: {  	vm4 =	vgt.f32 v12, v17;
	v16 =	vld [tilespmem:s13+$0xFFFFFFF0]  }
0x8d: {  	vm5 =	vgt.f32 v11, v18;
	v17 =	vld [tilespmem:s13+$0x0]  }
0x8e: {  	vm1 =	vgt.f32 v10, v19;
	v18 =	vld [tilespmem:s13+$0x10];
	v22 =	vand.u32 $0xFFFF, v20  }
0x8f: {  	v19 =	vshrl.u32 v21, $0x10;
	v21 =	vand.u32 $0xFFFF, v21;
	v23 =	vld [tilespmem:s13+$0x20]  }
0x90: {  	v20 =	vshrl.u32 v20, $0x10;
	v24 =	vld [tilespmem:s13+$0xFFFFFFC0];
	v25 =	vshrl.u32 v15, $0x10;
	v15 =	vand.u32 $0xFFFF, v15;
	[tilespmem:v7+s25+$0x0] =	vst.idx.msk vm2, v13  }
0x91: {  	v7 =	vshrl.u32 v16, $0x10;
	v13 =	vand.u32 $0xFFFF, v16;
	[tilespmem:v1+s25+$0x0] =	vst.idx.msk vm3, v14;
	v14 =	vld.idx.msk [tilespmem:v5+s25+$0x0], $0xffff;
	v1 =	vmov v19  }
0x92: {  	s14 =	simm.s32 $0x0;
	v16 =	vshrl.u32 v17, $0x10;
	v17 =	vand.u32 $0xFFFF, v17;
	[tilespmem:v2+s25+$0x0] =	vst.idx.msk vm4, v12;
	v12 =	vld.idx.msk [tilespmem:v6+s25+$0x0], $0xffff;
	v2 =	vmov v25  }
0x93: {  	s3 =	sadd.s32 $0x80, s3;
	v19 =	vshrl.u32 v18, $0x10;
	v18 =	vand.u32 $0xFFFF, v18;
	v22 =	vld.idx.msk [tilespmem:v22+s14+$0x0], $0xffff;
	[tilespmem:v3+s25+$0x0] =	vst.idx.msk vm5, v11;
	v3 =	vmov v7  }
0x94: {  	v11 =	vshrl.u32 v23, $0x10;
	v23 =	vand.u32 $0xFFFF, v23;
	v25 =	vld [tilespmem:s3+$0x30];
	[tilespmem:v4+s25+$0x0] =	vst.idx.msk vm1, v10;
	v4 =	vmov v16  }
0x95: {  	v7 =	vshrl.u32 v24, $0x10;
	v10 =	vand.u32 $0xFFFF, v24;
	v16 =	vld.idx.msk [tilespmem:v20+s25+$0x0], $0xffff  }
0x96: {  	v21 =	vld.idx.msk [tilespmem:v21+s14+$0x0], $0xffff  }
0x97: {  	vm1 =	vgt.f32 v8, v14;
	v24 =	vld.idx.msk [tilespmem:v15+s14+$0x0], $0xffff  }
0x98: {  	vm2 =	vgt.f32 v9, v12;
	v26 =	vld.idx.msk [tilespmem:v13+s14+$0x0], $0xffff  }
0x99: {  	v27 =	vld.idx.msk [tilespmem:v17+s14+$0x0], $0xffff;
	v12 =	vadd.f32 v25, v22  }
0x9a: {  	v10 =	vld.idx.msk [tilespmem:v10+s14+$0x0], $0xffff  }
0x9b: {  	v22 =	vld.idx.msk [tilespmem:v18+s14+$0x0], $0xffff;
	vm3 =	vgt.f32 v12, v16  }
0x9c: {  	v23 =	vld.idx.msk [tilespmem:v23+s14+$0x0], $0xffff  }
0x9d: {  	v13 =	vld [tilespmem:s3+$0xFFFFFFC0];
	[tilespmem:v5+s25+$0x0] =	vst.idx.msk vm1, v8;
	v5 =	vmov v19  }
0x9e: {  	v8 =	vld [tilespmem:s3+$0xFFFFFFD0];
	[tilespmem:v6+s25+$0x0] =	vst.idx.msk vm2, v9;
	v6 =	vmov v11  }
0x9f: {  	v9 =	vld [tilespmem:s3+$0xFFFFFFE0]  }
0xa0: {  	v11 =	vld [tilespmem:s3+$0xFFFFFFF0]  }
0xa1: {  	v18 =	vld [tilespmem:s3+$0x0];
	[tilespmem:v20+s25+$0x0] =	vst.idx.msk vm3, v12  }
0xa2: {  	v13 =	vadd.f32 v13, v10;
	v19 =	vld [tilespmem:s3+$0x10]  }
0xa3: {  	v14 =	vadd.f32 v8, v21;
	v20 =	vld [tilespmem:s3+$0x20]  }
.Ltmp9:
0xa4: {  	v15 =	vld.idx.msk [tilespmem:v7+s25+$0x0], $0xffff;
	v12 =	vadd.f32 v9, v24;
	(pc) =	sbr.rel @p3 .LBB2_10-.Ltmp9, $4  }
0xa5: {  	v16 =	vld.idx.msk [tilespmem:v1+s25+$0x0], $0xffff;
	v11 =	vadd.f32 v11, v26  }
0xa6: {  	v17 =	vld.idx.msk [tilespmem:v2+s25+$0x0], $0xffff;
	v10 =	vadd.f32 v18, v27  }
0xa7: {  	v18 =	vld.idx.msk [tilespmem:v3+s25+$0x0], $0xffff;
	v8 =	vadd.f32 v19, v22  }
0xa8: {  	s13 =	sadd.s32 $0x80, s13;
	v19 =	vld.idx.msk [tilespmem:v4+s25+$0x0], $0xffff;
	v9 =	vadd.f32 v20, v23  }
0xa9: {  	_ =	sdelay $0x3  }
0xaa: {  	vm1 =	vgt.f32 v13, v15;
	v62 =	vld.idx.msk [tilespmem:v5+s25+$0x0], $0xffff  }
0xab: {  	v63 =	vld.idx.msk [tilespmem:v6+s25+$0x0], $0xffff;
	vm2 =	vgt.f32 v14, v16  }
0xac: {  	vm3 =	vgt.f32 v12, v17  }
0xad: {  	vm4 =	vgt.f32 v11, v18  }
0xae: {  	vm5 =	vgt.f32 v10, v19  }
0xaf: {  	vm6 =	vgt.f32 v8, v62  }
0xb0: {  	[tilespmem:v7+s25+$0x0] =	vst.idx.msk vm1, v13;
	vm1 =	vgt.f32 v9, v63  }
0xb1: {  	[tilespmem:v1+s25+$0x0] =	vst.idx.msk vm2, v14  }
0xb2: {  	[tilespmem:v2+s25+$0x0] =	vst.idx.msk vm3, v12  }
0xb3: {  	[tilespmem:v3+s25+$0x0] =	vst.idx.msk vm4, v11  }
0xb4: {  	[tilespmem:v4+s25+$0x0] =	vst.idx.msk vm5, v10  }
0xb5: {  	[tilespmem:v5+s25+$0x0] =	vst.idx.msk vm6, v8  }
0xb6: {  	[tilespmem:v6+s25+$0x0] =	vst.idx.msk vm1, v9  }
.LBB2_12:
0xb7: {  	s3 =	sshra.s32 s14, $0x2  }
0xb8: {  	v1 =	vld [tilespmem:s3+$0x18E80];
	_ =	sdelay $0x4  }
0xb9: {  	v2 =	vand.u32 $0xFFFF, v1;
	_ =	sdelay $0x1  }
0xba: {  	v1 =	vshrl.u32 v1, $0x10;
	_ =	sdelay $0x1  }
0xbb: {  	v3 =	vld [tilespmem:s3+$0x19E80]  }
0xbc: {  	v2 =	vld.idx.msk [tilespmem:v2+s1+$0x0], $0xffff;
	_ =	sdelay $0x1  }
0xbd: {  	v4 =	vld.idx.msk [tilespmem:v1+s25+$0x0], $0xffff;
	_ =	sdelay $0x2  }
0xbe: {  	v2 =	vadd.f32 v3, v2;
	_ =	sdelay $0x1  }
0xbf: {  	vm1 =	vgt.f32 v2, v4  }
0xc0: {  	p1 =	sne.s32 s14, $0x100  }
.Ltmp10:
0xc1: {  	_ = 	snop;
	(pc) =	sbr.rel @p1 .LBB2_12-.Ltmp10, $2  }
0xc2: {  	_ =	sdelay $0x2  }
0xc3: {  	s14 =	sadd.s32 $0x40, s14;
	[tilespmem:v1+s25+$0x0] =	vst.idx.msk vm1, v2  }
0xc4: {  	s12 =	simm.s32 $0x19740  }
0xc5: {  	v1 =	vld [tilespmem:s12+$0x30]  }
0xc6: {  	v3 =	vld [tilespmem:s12+$0x20]  }
0xc7: {  	v2 =	vld [tilespmem:s12+$0x10]  }
0xc8: {  	v4 =	vld [tilespmem:s12+$0x0]  }
0xc9: {  	v12 =	vld [tilespmem:s12+$0xFFFFFFF0]  }
0xca: {  	s3 =	simm.s32 $0x18740;
	v9 =	vld [tilespmem:s12+$0xFFFFFFE0]  }
0xcb: {  	v10 =	vld [tilespmem:s3+$0x10]  }
0xcc: {  	v11 =	vld [tilespmem:s3+$0x0]  }
0xcd: {  	v13 =	vld [tilespmem:s3+$0xFFFFFFF0]  }
0xce: {  	v8 =	vld [tilespmem:s3+$0xFFFFFFE0]  }
0xcf: {  	v6 =	vld [tilespmem:s3+$0xFFFFFFC0]  }
0xd0: {  	v7 =	vld [tilespmem:s3+$0xFFFFFFD0];
	v5 =	vshrl.u32 v10, $0x10  }
0xd1: {  	v15 =	vld [tilespmem:s12+$0xFFFFFFC0];
	v14 =	vshrl.u32 v11, $0x10  }
0xd2: {  	v16 =	vld [tilespmem:s12+$0xFFFFFFD0];
	v17 =	vshrl.u32 v13, $0x10  }
0xd3: {  	v19 =	vld [tilespmem:s3+$0x30];
	v18 =	vshrl.u32 v8, $0x10  }
0xd4: {  	v21 =	vld [tilespmem:s3+$0x20];
	v20 =	vshrl.u32 v6, $0x10  }
0xd5: {  	v22 =	vshrl.u32 v7, $0x10;
	v5 =	vld.idx.msk [tilespmem:v5+s25+$0x0], $0xffff  }
0xd6: {  	v23 =	vand.u32 $0xFFFF, v6;
	v6 =	vld.idx.msk [tilespmem:v14+s25+$0x0], $0xffff  }
0xd7: {  	v13 =	vand.u32 $0xFFFF, v13;
	v14 =	vand.u32 $0xFFFF, v7;
	v7 =	vld.idx.msk [tilespmem:v17+s25+$0x0], $0xffff  }
0xd8: {  	v17 =	vand.u32 $0xFFFF, v8;
	v8 =	vld.idx.msk [tilespmem:v18+s25+$0x0], $0xffff  }
0xd9: {  	v18 =	vld.idx.msk [tilespmem:v20+s25+$0x0], $0xffff  }
0xda: {  	s22 =	simm.s32 $0x0;
	v10 =	vand.u32 $0xFFFF, v10;
	v61 =	vld.idx.msk [tilespmem:v22+s25+$0x0], $0xffff  }
0xdb: {  	v11 =	vand.u32 $0xFFFF, v11;
	v62 =	vld.idx.msk [tilespmem:v23+s22+$0x0], $0xffff  }
0xdc: {  	v25 =	vand.u32 $0xFFFF, v19;
	v26 =	vld.idx.msk [tilespmem:v13+s22+$0x0], $0xffff  }
0xdd: {  	v24 =	vand.u32 $0xFFFF, v21;
	v63 =	vld.idx.msk [tilespmem:v14+s22+$0x0], $0xffff  }
0xde: {  	v21 =	vshrl.u32 v21, $0x10;
	v17 =	vld.idx.msk [tilespmem:v17+s22+$0x0], $0xffff  }
0xdf: {  	v19 =	vshrl.u32 v19, $0x10;
	v13 =	vld.idx.msk [tilespmem:v10+s22+$0x0], $0xffff  }
0xe0: {  	v14 =	vld.idx.msk [tilespmem:v11+s22+$0x0], $0xffff  }
0xe1: {  	v10 =	vld.idx.msk [tilespmem:v25+s22+$0x0], $0xffff  }
0xe2: {  	v11 =	vld.idx.msk [tilespmem:v24+s22+$0x0], $0xffff;
	v22 =	vadd.f32 v15, v62;
	v16 =	vadd.f32 v16, v63  }
0xe3: {  	vm1 =	vmmov vm0;
	v15 =	vadd.f32 v9, v17;
	v9 =	vld.idx.msk [tilespmem:v21+s25+$0x0], $0xffff  }
0xe4: {  	s13 =	simm.s32 $0x197C0;
	s12 =	simm.s32 $0x0;
	vm2 =	vgt.f32 v22, v18;
	vm3 =	vgt.f32 v16, v61;
	v16 =	vadd.f32 v12, v26;
	v12 =	vld.idx.msk [tilespmem:v19+s25+$0x0], $0xffff  }
.LBB2_14:
0xe5: {  	v17 =	vld [tilespmem:s13+$0x30];
	vm2 =	vmor vm2, vm3;
	vm3 =	vgt.f32 v15, v8;
	v4 =	vadd.f32 v4, v14  }
0xe6: {  	v8 =	vld [tilespmem:s13+$0x20];
	vm2 =	vmor vm2, vm3;
	vm3 =	vgt.f32 v16, v7;
	v7 =	vadd.f32 v2, v13  }
0xe7: {  	v3 =	vadd.f32 v3, v11;
	v2 =	vld [tilespmem:s13+$0x10];
	vm2 =	vmor vm2, vm3;
	vm3 =	vgt.f32 v4, v6  }
0xe8: {  	v4 =	vld [tilespmem:s13+$0x0];
	vm2 =	vmor vm2, vm3;
	vm3 =	vgt.f32 v7, v5;
	v5 =	vadd.f32 v1, v10  }
0xe9: {  	v16 =	vld [tilespmem:s13+$0xFFFFFFF0];
	vm2 =	vmor vm2, vm3;
	vm3 =	vgt.f32 v3, v9  }
0xea: {  	s3 =	sadd.s32 $0x80, s3;
	v9 =	vld [tilespmem:s13+$0xFFFFFFE0];
	vm2 =	vmor vm2, vm3;
	vm3 =	vgt.f32 v5, v12;
	v1 =	vmov v17  }
0xeb: {  	v10 =	vld [tilespmem:s3+$0x10];
	vm2 =	vmor vm2, vm3;
	v3 =	vmov v8  }
0xec: {  	v11 =	vld [tilespmem:s3+$0x0];
	vm1 =	vmor vm1, vm2  }
0xed: {  	v12 =	vld [tilespmem:s3+$0xFFFFFFF0]  }
0xee: {  	v8 =	vld [tilespmem:s3+$0xFFFFFFE0]  }
0xef: {  	v6 =	vld [tilespmem:s3+$0xFFFFFFC0]  }
0xf0: {  	v7 =	vld [tilespmem:s3+$0xFFFFFFD0];
	v5 =	vshrl.u32 v10, $0x10  }
0xf1: {  	v15 =	vld [tilespmem:s13+$0xFFFFFFC0];
	v13 =	vshrl.u32 v11, $0x10  }
0xf2: {  	s12 =	sadd.s32 $0x8, s12;
	v17 =	vld [tilespmem:s13+$0xFFFFFFD0];
	v14 =	vshrl.u32 v12, $0x10  }
0xf3: {  	p3 =	slt.u32 s12, $0x70;
	v18 =	vshrl.u32 v8, $0x10;
	v19 =	vld [tilespmem:s3+$0x30]  }
0xf4: {  	v20 =	vshrl.u32 v6, $0x10;
	v21 =	vld [tilespmem:s3+$0x20]  }
0xf5: {  	v22 =	vshrl.u32 v7, $0x10;
	v5 =	vld.idx.msk [tilespmem:v5+s25+$0x0], $0xffff  }
0xf6: {  	v23 =	vand.u32 $0xFFFF, v6;
	v6 =	vld.idx.msk [tilespmem:v13+s25+$0x0], $0xffff  }
0xf7: {  	v13 =	vand.u32 $0xFFFF, v7;
	v7 =	vld.idx.msk [tilespmem:v14+s25+$0x0], $0xffff  }
0xf8: {  	v14 =	vand.u32 $0xFFFF, v8;
	v8 =	vld.idx.msk [tilespmem:v18+s25+$0x0], $0xffff  }
0xf9: {  	v12 =	vand.u32 $0xFFFF, v12;
	v18 =	vld.idx.msk [tilespmem:v20+s25+$0x0], $0xffff  }
0xfa: {  	v11 =	vand.u32 $0xFFFF, v11;
	v20 =	vld.idx.msk [tilespmem:v22+s25+$0x0], $0xffff  }
0xfb: {  	v10 =	vand.u32 $0xFFFF, v10;
	v22 =	vld.idx.msk [tilespmem:v23+s22+$0x0], $0xffff  }
0xfc: {  	v24 =	vand.u32 $0xFFFF, v21;
	v23 =	vld.idx.msk [tilespmem:v13+s22+$0x0], $0xffff  }
0xfd: {  	v26 =	vand.u32 $0xFFFF, v19;
	v25 =	vld.idx.msk [tilespmem:v14+s22+$0x0], $0xffff  }
0xfe: {  	v21 =	vshrl.u32 v21, $0x10;
	v12 =	vld.idx.msk [tilespmem:v12+s22+$0x0], $0xffff  }
0xff: {  	v19 =	vshrl.u32 v19, $0x10;
	v14 =	vld.idx.msk [tilespmem:v11+s22+$0x0], $0xffff  }
.Ltmp11:
0x100: {  	v13 =	vld.idx.msk [tilespmem:v10+s22+$0x0], $0xffff;
	(pc) =	sbr.rel @p3 .LBB2_14-.Ltmp11, $4  }
0x101: {  	v11 =	vld.idx.msk [tilespmem:v24+s22+$0x0], $0xffff  }
0x102: {  	v22 =	vadd.f32 v15, v22;
	v17 =	vadd.f32 v17, v23;
	v10 =	vld.idx.msk [tilespmem:v26+s22+$0x0], $0xffff  }
0x103: {  	v15 =	vadd.f32 v9, v25;
	v9 =	vld.idx.msk [tilespmem:v21+s25+$0x0], $0xffff  }
0x104: {  	s13 =	sadd.s32 $0x80, s13;
	vm2 =	vgt.f32 v22, v18;
	vm3 =	vgt.f32 v17, v20;
	v16 =	vadd.f32 v16, v12;
	v12 =	vld.idx.msk [tilespmem:v19+s25+$0x0], $0xffff  }
0x105: {  	vm2 =	vmor vm2, vm3;
	vm3 =	vgt.f32 v15, v8;
	v4 =	vadd.f32 v4, v14  }
0x106: {  	v2 =	vadd.f32 v2, v13;
	vm2 =	vmor vm2, vm3;
	vm3 =	vgt.f32 v16, v7  }
0x107: {  	v3 =	vadd.f32 v3, v11;
	vm2 =	vmor vm2, vm3;
	vm3 =	vgt.f32 v4, v6  }
0x108: {  	v1 =	vadd.f32 v1, v10;
	vm2 =	vmor vm2, vm3;
	vm3 =	vgt.f32 v2, v5  }
0x109: {  	vm2 =	vmor vm2, vm3;
	vm3 =	vgt.f32 v3, v9  }
0x10a: {  	vm2 =	vmor vm2, vm3;
	vm3 =	vgt.f32 v1, v12  }
0x10b: {  	vm2 =	vmor vm2, vm3  }
0x10c: {  	vm1 =	vmor vm1, vm2  }
.LBB2_16:
0x10d: {  	s3 =	sshra.s32 s22, $0x2  }
0x10e: {  	v1 =	vld [tilespmem:s3+$0x18E80];
	_ =	sdelay $0x4  }
0x10f: {  	v2 =	vand.u32 $0xFFFF, v1;
	_ =	sdelay $0x1  }
0x110: {  	v1 =	vshrl.u32 v1, $0x10;
	_ =	sdelay $0x1  }
0x111: {  	v3 =	vld [tilespmem:s3+$0x19E80]  }
0x112: {  	v2 =	vld.idx.msk [tilespmem:v2+s1+$0x0], $0xffff;
	_ =	sdelay $0x1  }
0x113: {  	v1 =	vld.idx.msk [tilespmem:v1+s25+$0x0], $0xffff  }
0x114: {  	p1 =	sne.s32 s22, $0x100  }
.Ltmp12:
0x115: {  	_ = 	snop;
	(pc) =	sbr.rel @p1 .LBB2_16-.Ltmp12, $3  }
0x116: {  	v2 =	vadd.f32 v3, v2;
	_ =	sdelay $0x1  }
0x117: {  	vm2 =	vgt.f32 v2, v1  }
0x118: {  	s22 =	sadd.s32 $0x40, s22;
	vm1 =	vmor vm1, vm2  }
0x119: {  	v1 =	vsel vm1, $0x3F800000, v0  }
0x11a: {  	(xrf0) =	vmax.scan.msk.f32 $0xffff, v1;
	_ =	sdelay $0x5  }
0x11b: {  	v1, _, _ =	vpop (xrf0)  }
0x11c: {  	(v2sf) =	vpush v1, $0xF;
	_ =	sdelay $0xe  }
0x11d: {  	s3 =	spop (v2sf)  }
0x11e: {  	p1 =	sgt.f32 s3, $0.0e+00  }
.Ltmp13:
0x11f: {  	_ = 	snop;
	(pc) =	sbr.rel @!p1 .LBB2_25-.Ltmp13, $2  }
0x120: {  	_ =	sdelay $0x2  }
0x121: {  	s22 =	simm.s32 $0x0;
	s3 =	simm.s32 $0x0  }
.LBB2_18:
0x122: {  	s12 =	sshll.u32 s3, $0x4  }
0x123: {  	v1 =	vld [tilespmem:s12+$0x18700]  }
0x124: {  	v2 =	vld [tilespmem:s12+$0x18710]  }
0x125: {  	v4 =	vld [tilespmem:s12+$0x18720]  }
0x126: {  	v6 =	vld [tilespmem:s12+$0x19700]  }
0x127: {  	v7 =	vld [tilespmem:s12+$0x18730]  }
0x128: {  	v10 =	vld [tilespmem:s12+$0x19710]  }
0x129: {  	v13 =	vld [tilespmem:s12+$0x18740]  }
0x12a: {  	v14 =	vld [tilespmem:s12+$0x19720]  }
0x12b: {  	v15 =	vld [tilespmem:s12+$0x18750]  }
0x12c: {  	v18 =	vld [tilespmem:s12+$0x18760]  }
0x12d: {  	v19 =	vld [tilespmem:s12+$0x19730]  }
0x12e: {  	v21 =	vld [tilespmem:s12+$0x18770];
	v3 =	vand.u32 $0xFFFF, v1  }
0x12f: {  	v23 =	vld [tilespmem:s12+$0x19740];
	v1 =	vshrl.u32 v1, $0x10  }
0x130: {  	v27 =	vld [tilespmem:s12+$0x19750];
	v5 =	vand.u32 $0xFFFF, v2  }
0x131: {  	v55 =	vld [tilespmem:s12+$0x19760];
	v2 =	vshrl.u32 v2, $0x10  }
0x132: {  	v58 =	vld [tilespmem:s12+$0x19770];
	v9 =	vand.u32 $0xFFFF, v4  }
0x133: {  	v4 =	vshrl.u32 v4, $0x10;
	v3 =	vld.idx.msk [tilespmem:v3+s22+$0x0], $0xffff  }
0x134: {  	v12 =	vand.u32 $0xFFFF, v7;
	v8 =	vld.idx.msk [tilespmem:v1+s25+$0x0], $0xffff  }
0x135: {  	v7 =	vshrl.u32 v7, $0x10;
	v5 =	vld.idx.msk [tilespmem:v5+s22+$0x0], $0xffff  }
0x136: {  	v17 =	vand.u32 $0xFFFF, v13;
	v11 =	vld.idx.msk [tilespmem:v2+s25+$0x0], $0xffff  }
0x137: {  	v13 =	vshrl.u32 v13, $0x10;
	v9 =	vld.idx.msk [tilespmem:v9+s22+$0x0], $0xffff  }
0x138: {  	v20 =	vand.u32 $0xFFFF, v15;
	v16 =	vld.idx.msk [tilespmem:v4+s25+$0x0], $0xffff  }
0x139: {  	v15 =	vshrl.u32 v15, $0x10;
	v12 =	vld.idx.msk [tilespmem:v12+s22+$0x0], $0xffff  }
0x13a: {  	v24 =	vand.u32 $0xFFFF, v18;
	v22 =	vld.idx.msk [tilespmem:v7+s25+$0x0], $0xffff  }
0x13b: {  	v26 =	vand.u32 $0xFFFF, v21;
	v17 =	vld.idx.msk [tilespmem:v17+s22+$0x0], $0xffff  }
0x13c: {  	v18 =	vshrl.u32 v18, $0x10;
	v25 =	vld.idx.msk [tilespmem:v13+s25+$0x0], $0xffff  }
0x13d: {  	v21 =	vshrl.u32 v21, $0x10;
	v20 =	vld.idx.msk [tilespmem:v20+s22+$0x0], $0xffff  }
0x13e: {  	v28 =	vld.idx.msk [tilespmem:v15+s25+$0x0], $0xffff;
	v3 =	vadd.f32 v6, v3  }
0x13f: {  	v24 =	vld.idx.msk [tilespmem:v24+s22+$0x0], $0xffff;
	v5 =	vadd.f32 v10, v5  }
0x140: {  	v56 =	vld.idx.msk [tilespmem:v26+s22+$0x0], $0xffff;
	v57 =	vadd.f32 v14, v9;
	vm1 =	vgt.f32 v3, v8  }
0x141: {  	v60 =	vld.idx.msk [tilespmem:v18+s25+$0x0], $0xffff;
	v59 =	vadd.f32 v19, v12;
	vm2 =	vgt.f32 v5, v11  }
0x142: {  	v62 =	vld.idx.msk [tilespmem:v21+s25+$0x0], $0xffff;
	v61 =	vadd.f32 v23, v17;
	vm3 =	vgt.f32 v57, v16  }
0x143: {  	v63 =	vadd.f32 v27, v20;
	vm4 =	vgt.f32 v59, v22  }
0x144: {  	v6 =	vadd.f32 v55, v24;
	vm5 =	vgt.f32 v61, v25  }
0x145: {  	v9 =	vadd.f32 v58, v56;
	vm6 =	vgt.f32 v63, v28  }
0x146: {  	[tilespmem:v1+s25+$0x0] =	vst.idx.msk vm1, v3;
	vm1 =	vgt.f32 v6, v60  }
0x147: {  	[tilespmem:v2+s25+$0x0] =	vst.idx.msk vm2, v5;
	vm2 =	vgt.f32 v9, v62  }
0x148: {  	p1 =	slt.u32 s3, $0x70;
	[tilespmem:v4+s25+$0x0] =	vst.idx.msk vm3, v57  }
.Ltmp14:
0x149: {  	[tilespmem:v7+s25+$0x0] =	vst.idx.msk vm4, v59;
	(pc) =	sbr.rel @p1 .LBB2_18-.Ltmp14, $4  }
0x14a: {  	[tilespmem:v13+s25+$0x0] =	vst.idx.msk vm5, v61  }
0x14b: {  	[tilespmem:v15+s25+$0x0] =	vst.idx.msk vm6, v63  }
0x14c: {  	s14 =	sadd.s32 $0x8, s3;
	[tilespmem:v18+s25+$0x0] =	vst.idx.msk vm1, v6  }
0x14d: {  	s3 =	smov.u32 s14;
	s12 =	simm.s32 $0x0;
	[tilespmem:v21+s25+$0x0] =	vst.idx.msk vm2, v9  }
.LBB2_19:
0x14e: {  	s3 =	sshra.s32 s12, $0x2  }
0x14f: {  	v1 =	vld [tilespmem:s3+$0x18E80];
	_ =	sdelay $0x4  }
0x150: {  	v2 =	vand.u32 $0xFFFF, v1;
	_ =	sdelay $0x1  }
0x151: {  	v1 =	vshrl.u32 v1, $0x10;
	_ =	sdelay $0x1  }
0x152: {  	v3 =	vld [tilespmem:s3+$0x19E80]  }
0x153: {  	v2 =	vld.idx.msk [tilespmem:v2+s1+$0x0], $0xffff;
	_ =	sdelay $0x1  }
0x154: {  	v4 =	vld.idx.msk [tilespmem:v1+s25+$0x0], $0xffff;
	_ =	sdelay $0x2  }
0x155: {  	v2 =	vadd.f32 v3, v2;
	_ =	sdelay $0x1  }
0x156: {  	vm1 =	vgt.f32 v2, v4  }
0x157: {  	p1 =	sne.s32 s12, $0x100  }
.Ltmp15:
0x158: {  	_ = 	snop;
	(pc) =	sbr.rel @p1 .LBB2_19-.Ltmp15, $2  }
0x159: {  	_ =	sdelay $0x2  }
0x15a: {  	s12 =	sadd.s32 $0x40, s12;
	[tilespmem:v1+s25+$0x0] =	vst.idx.msk vm1, v2  }
0x15b: {  	s3 =	simm.s32 $0x19740  }
0x15c: {  	v1 =	vld [tilespmem:s3+$0x30]  }
0x15d: {  	v3 =	vld [tilespmem:s3+$0x20]  }
0x15e: {  	v2 =	vld [tilespmem:s3+$0x10]  }
0x15f: {  	v4 =	vld [tilespmem:s3+$0x0]  }
0x160: {  	v12 =	vld [tilespmem:s3+$0xFFFFFFF0]  }
0x161: {  	s12 =	simm.s32 $0x18740;
	v9 =	vld [tilespmem:s3+$0xFFFFFFE0]  }
0x162: {  	v10 =	vld [tilespmem:s12+$0x10]  }
0x163: {  	v11 =	vld [tilespmem:s12+$0x0]  }
0x164: {  	v13 =	vld [tilespmem:s12+$0xFFFFFFF0]  }
0x165: {  	v8 =	vld [tilespmem:s12+$0xFFFFFFE0]  }
0x166: {  	v6 =	vld [tilespmem:s12+$0xFFFFFFC0]  }
0x167: {  	v7 =	vld [tilespmem:s12+$0xFFFFFFD0];
	v5 =	vshrl.u32 v10, $0x10  }
0x168: {  	v15 =	vld [tilespmem:s3+$0xFFFFFFC0];
	v14 =	vshrl.u32 v11, $0x10  }
0x169: {  	v16 =	vld [tilespmem:s3+$0xFFFFFFD0];
	v17 =	vshrl.u32 v13, $0x10  }
0x16a: {  	v19 =	vld [tilespmem:s12+$0x30];
	v18 =	vshrl.u32 v8, $0x10  }
0x16b: {  	v21 =	vld [tilespmem:s12+$0x20];
	v20 =	vshrl.u32 v6, $0x10  }
0x16c: {  	v22 =	vshrl.u32 v7, $0x10;
	v5 =	vld.idx.msk [tilespmem:v5+s25+$0x0], $0xffff  }
0x16d: {  	v23 =	vand.u32 $0xFFFF, v6;
	v6 =	vld.idx.msk [tilespmem:v14+s25+$0x0], $0xffff  }
0x16e: {  	v13 =	vand.u32 $0xFFFF, v13;
	v14 =	vand.u32 $0xFFFF, v7;
	v7 =	vld.idx.msk [tilespmem:v17+s25+$0x0], $0xffff  }
0x16f: {  	v17 =	vand.u32 $0xFFFF, v8;
	v8 =	vld.idx.msk [tilespmem:v18+s25+$0x0], $0xffff  }
0x170: {  	v18 =	vld.idx.msk [tilespmem:v20+s25+$0x0], $0xffff  }
0x171: {  	s3 =	simm.s32 $0x0;
	v10 =	vand.u32 $0xFFFF, v10;
	v61 =	vld.idx.msk [tilespmem:v22+s25+$0x0], $0xffff  }
0x172: {  	v11 =	vand.u32 $0xFFFF, v11;
	v62 =	vld.idx.msk [tilespmem:v23+s3+$0x0], $0xffff  }
0x173: {  	v25 =	vand.u32 $0xFFFF, v19;
	v26 =	vld.idx.msk [tilespmem:v13+s3+$0x0], $0xffff  }
0x174: {  	v24 =	vand.u32 $0xFFFF, v21;
	v63 =	vld.idx.msk [tilespmem:v14+s3+$0x0], $0xffff  }
0x175: {  	v21 =	vshrl.u32 v21, $0x10;
	v17 =	vld.idx.msk [tilespmem:v17+s3+$0x0], $0xffff  }
0x176: {  	v19 =	vshrl.u32 v19, $0x10;
	v13 =	vld.idx.msk [tilespmem:v10+s3+$0x0], $0xffff  }
0x177: {  	v14 =	vld.idx.msk [tilespmem:v11+s3+$0x0], $0xffff  }
0x178: {  	v10 =	vld.idx.msk [tilespmem:v25+s3+$0x0], $0xffff  }
0x179: {  	v11 =	vld.idx.msk [tilespmem:v24+s3+$0x0], $0xffff;
	v22 =	vadd.f32 v15, v62;
	v16 =	vadd.f32 v16, v63  }
0x17a: {  	vm1 =	vmmov vm0;
	v15 =	vadd.f32 v9, v17;
	v9 =	vld.idx.msk [tilespmem:v21+s25+$0x0], $0xffff  }
0x17b: {  	s13 =	simm.s32 $0x0;
	s14 =	simm.s32 $0x197C0;
	vm2 =	vgt.f32 v22, v18;
	vm3 =	vgt.f32 v16, v61;
	v16 =	vadd.f32 v12, v26;
	v12 =	vld.idx.msk [tilespmem:v19+s25+$0x0], $0xffff  }
.LBB2_21:
0x17c: {  	v17 =	vld [tilespmem:s14+$0x30];
	vm2 =	vmor vm2, vm3;
	vm3 =	vgt.f32 v15, v8;
	v4 =	vadd.f32 v4, v14  }
0x17d: {  	v8 =	vld [tilespmem:s14+$0x20];
	vm2 =	vmor vm2, vm3;
	vm3 =	vgt.f32 v16, v7;
	v7 =	vadd.f32 v2, v13  }
0x17e: {  	v3 =	vadd.f32 v3, v11;
	v2 =	vld [tilespmem:s14+$0x10];
	vm2 =	vmor vm2, vm3;
	vm3 =	vgt.f32 v4, v6  }
0x17f: {  	v4 =	vld [tilespmem:s14+$0x0];
	vm2 =	vmor vm2, vm3;
	vm3 =	vgt.f32 v7, v5;
	v5 =	vadd.f32 v1, v10  }
0x180: {  	v16 =	vld [tilespmem:s14+$0xFFFFFFF0];
	vm2 =	vmor vm2, vm3;
	vm3 =	vgt.f32 v3, v9  }
0x181: {  	s12 =	sadd.s32 $0x80, s12;
	v9 =	vld [tilespmem:s14+$0xFFFFFFE0];
	vm2 =	vmor vm2, vm3;
	vm3 =	vgt.f32 v5, v12;
	v1 =	vmov v17  }
0x182: {  	v10 =	vld [tilespmem:s12+$0x10];
	vm2 =	vmor vm2, vm3;
	v3 =	vmov v8  }
0x183: {  	v11 =	vld [tilespmem:s12+$0x0];
	vm1 =	vmor vm1, vm2  }
0x184: {  	v12 =	vld [tilespmem:s12+$0xFFFFFFF0]  }
0x185: {  	v8 =	vld [tilespmem:s12+$0xFFFFFFE0]  }
0x186: {  	v6 =	vld [tilespmem:s12+$0xFFFFFFC0]  }
0x187: {  	v7 =	vld [tilespmem:s12+$0xFFFFFFD0];
	v5 =	vshrl.u32 v10, $0x10  }
0x188: {  	v15 =	vld [tilespmem:s14+$0xFFFFFFC0];
	v13 =	vshrl.u32 v11, $0x10  }
0x189: {  	s13 =	sadd.s32 $0x8, s13;
	v17 =	vld [tilespmem:s14+$0xFFFFFFD0];
	v14 =	vshrl.u32 v12, $0x10  }
0x18a: {  	p3 =	slt.u32 s13, $0x70;
	v18 =	vshrl.u32 v8, $0x10;
	v19 =	vld [tilespmem:s12+$0x30]  }
0x18b: {  	v20 =	vshrl.u32 v6, $0x10;
	v21 =	vld [tilespmem:s12+$0x20]  }
0x18c: {  	v22 =	vshrl.u32 v7, $0x10;
	v5 =	vld.idx.msk [tilespmem:v5+s25+$0x0], $0xffff  }
0x18d: {  	v23 =	vand.u32 $0xFFFF, v6;
	v6 =	vld.idx.msk [tilespmem:v13+s25+$0x0], $0xffff  }
0x18e: {  	v13 =	vand.u32 $0xFFFF, v7;
	v7 =	vld.idx.msk [tilespmem:v14+s25+$0x0], $0xffff  }
0x18f: {  	v14 =	vand.u32 $0xFFFF, v8;
	v8 =	vld.idx.msk [tilespmem:v18+s25+$0x0], $0xffff  }
0x190: {  	v12 =	vand.u32 $0xFFFF, v12;
	v18 =	vld.idx.msk [tilespmem:v20+s25+$0x0], $0xffff  }
0x191: {  	v11 =	vand.u32 $0xFFFF, v11;
	v20 =	vld.idx.msk [tilespmem:v22+s25+$0x0], $0xffff  }
0x192: {  	v10 =	vand.u32 $0xFFFF, v10;
	v22 =	vld.idx.msk [tilespmem:v23+s3+$0x0], $0xffff  }
0x193: {  	v24 =	vand.u32 $0xFFFF, v21;
	v23 =	vld.idx.msk [tilespmem:v13+s3+$0x0], $0xffff  }
0x194: {  	v26 =	vand.u32 $0xFFFF, v19;
	v25 =	vld.idx.msk [tilespmem:v14+s3+$0x0], $0xffff  }
0x195: {  	v21 =	vshrl.u32 v21, $0x10;
	v12 =	vld.idx.msk [tilespmem:v12+s3+$0x0], $0xffff  }
0x196: {  	v19 =	vshrl.u32 v19, $0x10;
	v14 =	vld.idx.msk [tilespmem:v11+s3+$0x0], $0xffff  }
.Ltmp16:
0x197: {  	v13 =	vld.idx.msk [tilespmem:v10+s3+$0x0], $0xffff;
	(pc) =	sbr.rel @p3 .LBB2_21-.Ltmp16, $4  }
0x198: {  	v11 =	vld.idx.msk [tilespmem:v24+s3+$0x0], $0xffff  }
0x199: {  	v22 =	vadd.f32 v15, v22;
	v17 =	vadd.f32 v17, v23;
	v10 =	vld.idx.msk [tilespmem:v26+s3+$0x0], $0xffff  }
0x19a: {  	v15 =	vadd.f32 v9, v25;
	v9 =	vld.idx.msk [tilespmem:v21+s25+$0x0], $0xffff  }
0x19b: {  	s14 =	sadd.s32 $0x80, s14;
	vm2 =	vgt.f32 v22, v18;
	vm3 =	vgt.f32 v17, v20;
	v16 =	vadd.f32 v16, v12;
	v12 =	vld.idx.msk [tilespmem:v19+s25+$0x0], $0xffff  }
0x19c: {  	vm2 =	vmor vm2, vm3;
	vm3 =	vgt.f32 v15, v8;
	v4 =	vadd.f32 v4, v14  }
0x19d: {  	v2 =	vadd.f32 v2, v13;
	vm2 =	vmor vm2, vm3;
	vm3 =	vgt.f32 v16, v7  }
0x19e: {  	v3 =	vadd.f32 v3, v11;
	vm2 =	vmor vm2, vm3;
	vm3 =	vgt.f32 v4, v6  }
0x19f: {  	v1 =	vadd.f32 v1, v10;
	vm2 =	vmor vm2, vm3;
	vm3 =	vgt.f32 v2, v5  }
0x1a0: {  	vm2 =	vmor vm2, vm3;
	vm3 =	vgt.f32 v3, v9  }
0x1a1: {  	vm2 =	vmor vm2, vm3;
	vm3 =	vgt.f32 v1, v12  }
0x1a2: {  	vm2 =	vmor vm2, vm3  }
0x1a3: {  	vm1 =	vmor vm1, vm2  }
.LBB2_23:
0x1a4: {  	s12 =	sshra.s32 s3, $0x2  }
0x1a5: {  	v1 =	vld [tilespmem:s12+$0x18E80];
	_ =	sdelay $0x4  }
0x1a6: {  	v2 =	vand.u32 $0xFFFF, v1;
	_ =	sdelay $0x1  }
0x1a7: {  	v1 =	vshrl.u32 v1, $0x10;
	_ =	sdelay $0x1  }
0x1a8: {  	v3 =	vld [tilespmem:s12+$0x19E80]  }
0x1a9: {  	v2 =	vld.idx.msk [tilespmem:v2+s1+$0x0], $0xffff;
	_ =	sdelay $0x1  }
0x1aa: {  	v1 =	vld.idx.msk [tilespmem:v1+s25+$0x0], $0xffff  }
0x1ab: {  	p1 =	sne.s32 s3, $0x100  }
.Ltmp17:
0x1ac: {  	_ = 	snop;
	(pc) =	sbr.rel @p1 .LBB2_23-.Ltmp17, $3  }
0x1ad: {  	v2 =	vadd.f32 v3, v2;
	_ =	sdelay $0x1  }
0x1ae: {  	vm2 =	vgt.f32 v2, v1  }
0x1af: {  	s3 =	sadd.s32 $0x40, s3;
	vm1 =	vmor vm1, vm2  }
0x1b0: {  	v1 =	vsel vm1, $0x3F800000, v0  }
0x1b1: {  	(xrf0) =	vmax.scan.msk.f32 $0xffff, v1;
	_ =	sdelay $0x5  }
0x1b2: {  	v1, _, _ =	vpop (xrf0)  }
0x1b3: {  	(v2sf) =	vpush v1, $0xF;
	_ =	sdelay $0xe  }
0x1b4: {  	s3 =	spop (v2sf)  }
0x1b5: {  	p1 =	sgt.f32 s3, $0.0e+00  }
.Ltmp18:
0x1b6: {  	_ = 	snop;
	(pc) =	sbr.rel @p1 .LBB2_18-.Ltmp18, $2  }
0x1b7: {  	_ =	sdelay $0x2  }
0x1b8: {  	s3 =	simm.s32 $0x0  }
.LBB2_25:
0x1b9: {  	p3 =	seq.s32 s4, $0x31  }
0x1ba: {  	s3 =	sadd.s32 @!p3 s5, s18  }
0x1bb: {  	p1 =	sne.s32 @!p3 s11, $0x0;
	s12 =	simm.s32 @!p3 $0x0;
	s3 =	sshrl.u32 @!p3 s3, $0x3  }
0x1bc: {  	s13 =	simm.s32 @!p3 $0x18700;
	p1 =	por p1, p3;
	s5 =	sadd.s32 @!p3 s6, s3  }
0x1bd: {  	[tilespmem:s13], [sflag:$0x1] =	stream.linear.gather @!p3 [hbm4b:s5+s12], $0x7D0, $0x38;
	[tilespmem:$0x1A700] =	vst v63  }
0x1be: {  	s5 =	sadd.s32 @!p1 s7, s3;
	s12 =	simm.s32 @!p1 $0x0;
	s13 =	simm.s32 @!p1 $0x19700  }
0x1bf: {  	[tilespmem:s13], [sflag:$0x1] =	stream.linear.gather @!p1 [hbm4b:s5+s12], $0x7D0, $0x38;
	[tilespmem:$0x1A700] =	vst v63  }
0x1c0: {  	p1 =	por !p5, p3  }
0x1c1: {  	s5 =	sadd.s32 @!p1 s8, s3;
	s12 =	simm.s32 @!p1 $0x0;
	s13 =	simm.s32 @!p1 $0x19700  }
0x1c2: {  	[tilespmem:s13], [sflag:$0x1] =	stream.linear.gather @!p1 [hbm4b:s5+s12], $0x7D0, $0x38;
	[tilespmem:$0x1A700] =	vst v63  }
0x1c3: {  	p1 =	por !p6, p3  }
0x1c4: {  	s5 =	sadd.s32 @!p1 s9, s3;
	s12 =	simm.s32 @!p1 $0x0;
	s13 =	simm.s32 @!p1 $0x19700  }
0x1c5: {  	[tilespmem:s13], [sflag:$0x1] =	stream.linear.gather @!p1 [hbm4b:s5+s12], $0x7D0, $0x38;
	[tilespmem:$0x1A700] =	vst v63  }
0x1c6: {  	p1 =	por !p4, p3  }
0x1c7: {  	s3 =	sadd.s32 @!p1 s10, s3;
	s5 =	simm.s32 @!p1 $0x0;
	s12 =	simm.s32 @!p1 $0x19700  }
0x1c8: {  	[tilespmem:s12], [sflag:$0x1] =	stream.linear.gather @!p1 [hbm4b:s3+s5], $0x7D0, $0x38;
	[tilespmem:$0x1A700] =	vst v63  }
0x1c9: {  	_ =	swait.ge [sflag:s26], $0x7D0  }
0x1ca: {  	[sflag:s26] =	ssyncset.done $0x0  }
0x1cb: {  	[sflag:s26] =	ssyncadd.s32 $0xFFFFF830  }
0x1cc: {  	_ =	swait.ge [sflag:s26], $0x7D0  }
0x1cd: {  	[sflag:s26] =	ssyncset.done $0x0  }
0x1ce: {  	s22 =	simm.s32 $0x18F40;
	[sflag:s26] =	ssyncadd.s32 $0xFFFFF830  }
0x1cf: {  	v1 =	vld [tilespmem:s22+$0x30]  }
0x1d0: {  	v2 =	vld [tilespmem:s22+$0xFFFFFFD0]  }
0x1d1: {  	v3 =	vld [tilespmem:s22+$0xFFFFFFE0]  }
0x1d2: {  	v4 =	vld [tilespmem:s22+$0xFFFFFFF0]  }
0x1d3: {  	v6 =	vld [tilespmem:s22+$0x0]  }
0x1d4: {  	v7 =	vld [tilespmem:s22+$0xFFFFFFC0]  }
0x1d5: {  	v9 =	vld [tilespmem:s22+$0x10]  }
0x1d6: {  	s3 =	simm.s32 $0x19F40;
	v19 =	vld [tilespmem:s22+$0x20]  }
0x1d7: {  	v13 =	vld [tilespmem:s3+$0x30]  }
0x1d8: {  	v22 =	vld [tilespmem:s3+$0xFFFFFFD0]  }
0x1d9: {  	v23 =	vld [tilespmem:s3+$0xFFFFFFE0];
	v5 =	vand.u32 $0xFFFF, v1  }
0x1da: {  	v24 =	vld [tilespmem:s3+$0xFFFFFFF0];
	v8 =	vshrl.u32 v1, $0x10;
	v1 =	vand.u32 $0xFFFF, v2  }
0x1db: {  	v25 =	vld [tilespmem:s3+$0x0]  }
0x1dc: {  	v26 =	vld [tilespmem:s3+$0x10];
	v10 =	vand.u32 $0xFFFF, v3  }
0x1dd: {  	s5 =	simm.s32 $0x0;
	v27 =	vld [tilespmem:s3+$0x20];
	v12 =	vand.u32 $0xFFFF, v6  }
0x1de: {  	v14 =	vand.u32 $0xFFFF, v7;
	v5 =	vld.idx.msk [tilespmem:v5+s5+$0x0], $0xffff  }
0x1df: {  	v17 =	vld.idx.msk [tilespmem:v1+s5+$0x0], $0xffff;
	v1 =	vand.u32 $0xFFFF, v19  }
0x1e0: {  	v15 =	vld.idx.msk [tilespmem:v8+s25+$0x0], $0xffff  }
0x1e1: {  	v11 =	vand.u32 $0xFFFF, v4;
	v10 =	vld.idx.msk [tilespmem:v10+s5+$0x0], $0xffff  }
0x1e2: {  	v16 =	vand.u32 $0xFFFF, v9;
	v18 =	vld.idx.msk [tilespmem:v12+s5+$0x0], $0xffff  }
0x1e3: {  	v7 =	vshrl.u32 v7, $0x10;
	v12 =	vld.idx.msk [tilespmem:v14+s5+$0x0], $0xffff  }
0x1e4: {  	v21 =	vld.idx.msk [tilespmem:v1+s5+$0x0], $0xffff;
	v1 =	vshrl.u32 v2, $0x10  }
0x1e5: {  	v14 =	vld [tilespmem:s3+$0xFFFFFFC0];
	v5 =	vadd.f32 v13, v5;
	v2 =	vshrl.u32 v3, $0x10  }
0x1e6: {  	v11 =	vld.idx.msk [tilespmem:v11+s5+$0x0], $0xffff;
	v3 =	vshrl.u32 v4, $0x10  }
0x1e7: {  	v20 =	vld.idx.msk [tilespmem:v16+s5+$0x0], $0xffff;
	v4 =	vshrl.u32 v6, $0x10;
	vm1 =	vgt.f32 v5, v15  }
0x1e8: {  	v15 =	vld.idx.msk [tilespmem:v7+s25+$0x0], $0xffff  }
0x1e9: {  	v16 =	vld.idx.msk [tilespmem:v1+s25+$0x0], $0xffff  }
0x1ea: {  	v13 =	vadd.f32 v14, v12;
	v14 =	vadd.f32 v22, v17;
	v17 =	vld.idx.msk [tilespmem:v2+s25+$0x0], $0xffff  }
0x1eb: {  	v12 =	vadd.f32 v23, v10;
	v10 =	vadd.f32 v25, v18;
	v18 =	vld.idx.msk [tilespmem:v3+s25+$0x0], $0xffff  }
0x1ec: {  	v11 =	vadd.f32 v24, v11;
	v6 =	vshrl.u32 v19, $0x10;
	v19 =	vld.idx.msk [tilespmem:v4+s25+$0x0], $0xffff  }
0x1ed: {  	s13 =	simm.s32 $0x18FC0;
	s12 =	simm.s32 $0x0;
	[tilespmem:v8+s25+$0x0] =	vst.idx.msk vm1, v5;
	v5 =	vshrl.u32 v9, $0x10;
	v8 =	vadd.f32 v26, v20;
	v9 =	vadd.f32 v27, v21  }
.LBB2_26:
0x1ee: {  	v20 =	vld [tilespmem:s13+$0x30];
	s12 =	sadd.s32 $0x8, s12  }
0x1ef: {  	vm2 =	vgt.f32 v13, v15;
	v21 =	vld [tilespmem:s13+$0xFFFFFFD0];
	p3 =	slt.u32 s12, $0x70  }
0x1f0: {  	vm3 =	vgt.f32 v14, v16;
	v15 =	vld [tilespmem:s13+$0xFFFFFFE0]  }
0x1f1: {  	vm4 =	vgt.f32 v12, v17;
	v16 =	vld [tilespmem:s13+$0xFFFFFFF0]  }
0x1f2: {  	vm5 =	vgt.f32 v11, v18;
	v17 =	vld [tilespmem:s13+$0x0]  }
0x1f3: {  	vm1 =	vgt.f32 v10, v19;
	v18 =	vld [tilespmem:s13+$0x10];
	v22 =	vand.u32 $0xFFFF, v20  }
0x1f4: {  	v19 =	vshrl.u32 v21, $0x10;
	v21 =	vand.u32 $0xFFFF, v21;
	v23 =	vld [tilespmem:s13+$0x20]  }
0x1f5: {  	v20 =	vshrl.u32 v20, $0x10;
	v24 =	vld [tilespmem:s13+$0xFFFFFFC0];
	v25 =	vshrl.u32 v15, $0x10;
	v15 =	vand.u32 $0xFFFF, v15;
	[tilespmem:v7+s25+$0x0] =	vst.idx.msk vm2, v13  }
0x1f6: {  	v7 =	vshrl.u32 v16, $0x10;
	v13 =	vand.u32 $0xFFFF, v16;
	[tilespmem:v1+s25+$0x0] =	vst.idx.msk vm3, v14;
	v14 =	vld.idx.msk [tilespmem:v5+s25+$0x0], $0xffff;
	v1 =	vmov v19  }
0x1f7: {  	v16 =	vshrl.u32 v17, $0x10;
	v17 =	vand.u32 $0xFFFF, v17;
	[tilespmem:v2+s25+$0x0] =	vst.idx.msk vm4, v12;
	v12 =	vld.idx.msk [tilespmem:v6+s25+$0x0], $0xffff;
	v2 =	vmov v25  }
0x1f8: {  	s3 =	sadd.s32 $0x80, s3;
	v19 =	vshrl.u32 v18, $0x10;
	v18 =	vand.u32 $0xFFFF, v18;
	v22 =	vld.idx.msk [tilespmem:v22+s5+$0x0], $0xffff;
	[tilespmem:v3+s25+$0x0] =	vst.idx.msk vm5, v11;
	v3 =	vmov v7  }
0x1f9: {  	v11 =	vshrl.u32 v23, $0x10;
	v23 =	vand.u32 $0xFFFF, v23;
	v25 =	vld [tilespmem:s3+$0x30];
	[tilespmem:v4+s25+$0x0] =	vst.idx.msk vm1, v10;
	v4 =	vmov v16  }
0x1fa: {  	v7 =	vshrl.u32 v24, $0x10;
	v10 =	vand.u32 $0xFFFF, v24;
	v16 =	vld.idx.msk [tilespmem:v20+s25+$0x0], $0xffff  }
0x1fb: {  	v21 =	vld.idx.msk [tilespmem:v21+s5+$0x0], $0xffff  }
0x1fc: {  	vm1 =	vgt.f32 v8, v14;
	v24 =	vld.idx.msk [tilespmem:v15+s5+$0x0], $0xffff  }
0x1fd: {  	vm2 =	vgt.f32 v9, v12;
	v26 =	vld.idx.msk [tilespmem:v13+s5+$0x0], $0xffff  }
0x1fe: {  	v27 =	vld.idx.msk [tilespmem:v17+s5+$0x0], $0xffff;
	v12 =	vadd.f32 v25, v22  }
0x1ff: {  	v10 =	vld.idx.msk [tilespmem:v10+s5+$0x0], $0xffff  }
0x200: {  	v22 =	vld.idx.msk [tilespmem:v18+s5+$0x0], $0xffff;
	vm3 =	vgt.f32 v12, v16  }
0x201: {  	v23 =	vld.idx.msk [tilespmem:v23+s5+$0x0], $0xffff  }
0x202: {  	v13 =	vld [tilespmem:s3+$0xFFFFFFC0];
	[tilespmem:v5+s25+$0x0] =	vst.idx.msk vm1, v8;
	v5 =	vmov v19  }
0x203: {  	v8 =	vld [tilespmem:s3+$0xFFFFFFD0];
	[tilespmem:v6+s25+$0x0] =	vst.idx.msk vm2, v9;
	v6 =	vmov v11  }
0x204: {  	v9 =	vld [tilespmem:s3+$0xFFFFFFE0]  }
0x205: {  	v11 =	vld [tilespmem:s3+$0xFFFFFFF0]  }
0x206: {  	v18 =	vld [tilespmem:s3+$0x0];
	[tilespmem:v20+s25+$0x0] =	vst.idx.msk vm3, v12  }
0x207: {  	v13 =	vadd.f32 v13, v10;
	v19 =	vld [tilespmem:s3+$0x10]  }
0x208: {  	v14 =	vadd.f32 v8, v21;
	v20 =	vld [tilespmem:s3+$0x20]  }
.Ltmp19:
0x209: {  	v15 =	vld.idx.msk [tilespmem:v7+s25+$0x0], $0xffff;
	v12 =	vadd.f32 v9, v24;
	(pc) =	sbr.rel @p3 .LBB2_26-.Ltmp19, $4  }
0x20a: {  	v16 =	vld.idx.msk [tilespmem:v1+s25+$0x0], $0xffff;
	v11 =	vadd.f32 v11, v26  }
0x20b: {  	v17 =	vld.idx.msk [tilespmem:v2+s25+$0x0], $0xffff;
	v10 =	vadd.f32 v18, v27  }
0x20c: {  	v18 =	vld.idx.msk [tilespmem:v3+s25+$0x0], $0xffff;
	v8 =	vadd.f32 v19, v22  }
0x20d: {  	s13 =	sadd.s32 $0x80, s13;
	v19 =	vld.idx.msk [tilespmem:v4+s25+$0x0], $0xffff;
	v9 =	vadd.f32 v20, v23  }
0x20e: {  	_ =	sdelay $0x3  }
0x20f: {  	vm1 =	vgt.f32 v13, v15;
	v62 =	vld.idx.msk [tilespmem:v5+s25+$0x0], $0xffff  }
0x210: {  	v63 =	vld.idx.msk [tilespmem:v6+s25+$0x0], $0xffff;
	vm2 =	vgt.f32 v14, v16  }
0x211: {  	vm3 =	vgt.f32 v12, v17  }
0x212: {  	vm4 =	vgt.f32 v11, v18  }
0x213: {  	vm5 =	vgt.f32 v10, v19  }
0x214: {  	vm6 =	vgt.f32 v8, v62  }
0x215: {  	[tilespmem:v7+s25+$0x0] =	vst.idx.msk vm1, v13;
	vm1 =	vgt.f32 v9, v63  }
0x216: {  	[tilespmem:v1+s25+$0x0] =	vst.idx.msk vm2, v14  }
0x217: {  	[tilespmem:v2+s25+$0x0] =	vst.idx.msk vm3, v12  }
0x218: {  	[tilespmem:v3+s25+$0x0] =	vst.idx.msk vm4, v11  }
0x219: {  	[tilespmem:v4+s25+$0x0] =	vst.idx.msk vm5, v10  }
0x21a: {  	[tilespmem:v5+s25+$0x0] =	vst.idx.msk vm6, v8  }
0x21b: {  	[tilespmem:v6+s25+$0x0] =	vst.idx.msk vm1, v9  }
.LBB2_28:
0x21c: {  	s3 =	sshra.s32 s5, $0x2  }
0x21d: {  	v1 =	vld [tilespmem:s3+$0x19680];
	_ =	sdelay $0x4  }
0x21e: {  	v2 =	vand.u32 $0xFFFF, v1;
	_ =	sdelay $0x1  }
0x21f: {  	v1 =	vshrl.u32 v1, $0x10;
	_ =	sdelay $0x1  }
0x220: {  	v3 =	vld [tilespmem:s3+$0x1A680]  }
0x221: {  	v2 =	vld.idx.msk [tilespmem:v2+s1+$0x0], $0xffff;
	_ =	sdelay $0x1  }
0x222: {  	v4 =	vld.idx.msk [tilespmem:v1+s25+$0x0], $0xffff;
	_ =	sdelay $0x2  }
0x223: {  	v2 =	vadd.f32 v3, v2;
	_ =	sdelay $0x1  }
0x224: {  	vm1 =	vgt.f32 v2, v4  }
0x225: {  	p1 =	sne.s32 s5, $0x100  }
.Ltmp20:
0x226: {  	_ = 	snop;
	(pc) =	sbr.rel @p1 .LBB2_28-.Ltmp20, $2  }
0x227: {  	_ =	sdelay $0x2  }
0x228: {  	s5 =	sadd.s32 $0x40, s5;
	[tilespmem:v1+s25+$0x0] =	vst.idx.msk vm1, v2  }
0x229: {  	s3 =	simm.s32 $0x19F40  }
0x22a: {  	v1 =	vld [tilespmem:s3+$0x30]  }
0x22b: {  	v3 =	vld [tilespmem:s3+$0x20]  }
0x22c: {  	v2 =	vld [tilespmem:s3+$0x10]  }
0x22d: {  	v4 =	vld [tilespmem:s3+$0x0]  }
0x22e: {  	v12 =	vld [tilespmem:s3+$0xFFFFFFF0]  }
0x22f: {  	s5 =	simm.s32 $0x18F40;
	v9 =	vld [tilespmem:s3+$0xFFFFFFE0]  }
0x230: {  	v10 =	vld [tilespmem:s5+$0x10]  }
0x231: {  	v11 =	vld [tilespmem:s5+$0x0]  }
0x232: {  	v13 =	vld [tilespmem:s5+$0xFFFFFFF0]  }
0x233: {  	v8 =	vld [tilespmem:s5+$0xFFFFFFE0]  }
0x234: {  	v6 =	vld [tilespmem:s5+$0xFFFFFFC0]  }
0x235: {  	v7 =	vld [tilespmem:s5+$0xFFFFFFD0];
	v5 =	vshrl.u32 v10, $0x10  }
0x236: {  	v15 =	vld [tilespmem:s3+$0xFFFFFFC0];
	v14 =	vshrl.u32 v11, $0x10  }
0x237: {  	v16 =	vld [tilespmem:s3+$0xFFFFFFD0];
	v17 =	vshrl.u32 v13, $0x10  }
0x238: {  	v19 =	vld [tilespmem:s5+$0x30];
	v18 =	vshrl.u32 v8, $0x10  }
0x239: {  	v21 =	vld [tilespmem:s5+$0x20];
	v20 =	vshrl.u32 v6, $0x10  }
0x23a: {  	v22 =	vshrl.u32 v7, $0x10;
	v5 =	vld.idx.msk [tilespmem:v5+s25+$0x0], $0xffff  }
0x23b: {  	v23 =	vand.u32 $0xFFFF, v6;
	v6 =	vld.idx.msk [tilespmem:v14+s25+$0x0], $0xffff  }
0x23c: {  	v13 =	vand.u32 $0xFFFF, v13;
	v14 =	vand.u32 $0xFFFF, v7;
	v7 =	vld.idx.msk [tilespmem:v17+s25+$0x0], $0xffff  }
0x23d: {  	v17 =	vand.u32 $0xFFFF, v8;
	v8 =	vld.idx.msk [tilespmem:v18+s25+$0x0], $0xffff  }
0x23e: {  	v18 =	vld.idx.msk [tilespmem:v20+s25+$0x0], $0xffff  }
0x23f: {  	s3 =	simm.s32 $0x0;
	v10 =	vand.u32 $0xFFFF, v10;
	v61 =	vld.idx.msk [tilespmem:v22+s25+$0x0], $0xffff  }
0x240: {  	v11 =	vand.u32 $0xFFFF, v11;
	v62 =	vld.idx.msk [tilespmem:v23+s3+$0x0], $0xffff  }
0x241: {  	v25 =	vand.u32 $0xFFFF, v19;
	v26 =	vld.idx.msk [tilespmem:v13+s3+$0x0], $0xffff  }
0x242: {  	v24 =	vand.u32 $0xFFFF, v21;
	v63 =	vld.idx.msk [tilespmem:v14+s3+$0x0], $0xffff  }
0x243: {  	v21 =	vshrl.u32 v21, $0x10;
	v17 =	vld.idx.msk [tilespmem:v17+s3+$0x0], $0xffff  }
0x244: {  	v19 =	vshrl.u32 v19, $0x10;
	v13 =	vld.idx.msk [tilespmem:v10+s3+$0x0], $0xffff  }
0x245: {  	v14 =	vld.idx.msk [tilespmem:v11+s3+$0x0], $0xffff  }
0x246: {  	v10 =	vld.idx.msk [tilespmem:v25+s3+$0x0], $0xffff  }
0x247: {  	v11 =	vld.idx.msk [tilespmem:v24+s3+$0x0], $0xffff;
	v22 =	vadd.f32 v15, v62;
	v16 =	vadd.f32 v16, v63  }
0x248: {  	vm1 =	vmmov vm0;
	v15 =	vadd.f32 v9, v17;
	v9 =	vld.idx.msk [tilespmem:v21+s25+$0x0], $0xffff  }
0x249: {  	s12 =	simm.s32 $0x0;
	s13 =	simm.s32 $0x19FC0;
	vm2 =	vgt.f32 v22, v18;
	vm3 =	vgt.f32 v16, v61;
	v16 =	vadd.f32 v12, v26;
	v12 =	vld.idx.msk [tilespmem:v19+s25+$0x0], $0xffff  }
.LBB2_30:
0x24a: {  	v17 =	vld [tilespmem:s13+$0x30];
	vm2 =	vmor vm2, vm3;
	vm3 =	vgt.f32 v15, v8;
	v4 =	vadd.f32 v4, v14  }
0x24b: {  	v8 =	vld [tilespmem:s13+$0x20];
	vm2 =	vmor vm2, vm3;
	vm3 =	vgt.f32 v16, v7;
	v7 =	vadd.f32 v2, v13  }
0x24c: {  	v3 =	vadd.f32 v3, v11;
	v2 =	vld [tilespmem:s13+$0x10];
	vm2 =	vmor vm2, vm3;
	vm3 =	vgt.f32 v4, v6  }
0x24d: {  	v4 =	vld [tilespmem:s13+$0x0];
	vm2 =	vmor vm2, vm3;
	vm3 =	vgt.f32 v7, v5;
	v5 =	vadd.f32 v1, v10  }
0x24e: {  	v16 =	vld [tilespmem:s13+$0xFFFFFFF0];
	vm2 =	vmor vm2, vm3;
	vm3 =	vgt.f32 v3, v9  }
0x24f: {  	s5 =	sadd.s32 $0x80, s5;
	v9 =	vld [tilespmem:s13+$0xFFFFFFE0];
	vm2 =	vmor vm2, vm3;
	vm3 =	vgt.f32 v5, v12;
	v1 =	vmov v17  }
0x250: {  	v10 =	vld [tilespmem:s5+$0x10];
	vm2 =	vmor vm2, vm3;
	v3 =	vmov v8  }
0x251: {  	v11 =	vld [tilespmem:s5+$0x0];
	vm1 =	vmor vm1, vm2  }
0x252: {  	v12 =	vld [tilespmem:s5+$0xFFFFFFF0]  }
0x253: {  	v8 =	vld [tilespmem:s5+$0xFFFFFFE0]  }
0x254: {  	v6 =	vld [tilespmem:s5+$0xFFFFFFC0]  }
0x255: {  	v7 =	vld [tilespmem:s5+$0xFFFFFFD0];
	v5 =	vshrl.u32 v10, $0x10  }
0x256: {  	v15 =	vld [tilespmem:s13+$0xFFFFFFC0];
	v13 =	vshrl.u32 v11, $0x10  }
0x257: {  	s12 =	sadd.s32 $0x8, s12;
	v17 =	vld [tilespmem:s13+$0xFFFFFFD0];
	v14 =	vshrl.u32 v12, $0x10  }
0x258: {  	p3 =	slt.u32 s12, $0x70;
	v18 =	vshrl.u32 v8, $0x10;
	v19 =	vld [tilespmem:s5+$0x30]  }
0x259: {  	v20 =	vshrl.u32 v6, $0x10;
	v21 =	vld [tilespmem:s5+$0x20]  }
0x25a: {  	v22 =	vshrl.u32 v7, $0x10;
	v5 =	vld.idx.msk [tilespmem:v5+s25+$0x0], $0xffff  }
0x25b: {  	v23 =	vand.u32 $0xFFFF, v6;
	v6 =	vld.idx.msk [tilespmem:v13+s25+$0x0], $0xffff  }
0x25c: {  	v13 =	vand.u32 $0xFFFF, v7;
	v7 =	vld.idx.msk [tilespmem:v14+s25+$0x0], $0xffff  }
0x25d: {  	v14 =	vand.u32 $0xFFFF, v8;
	v8 =	vld.idx.msk [tilespmem:v18+s25+$0x0], $0xffff  }
0x25e: {  	v12 =	vand.u32 $0xFFFF, v12;
	v18 =	vld.idx.msk [tilespmem:v20+s25+$0x0], $0xffff  }
0x25f: {  	v11 =	vand.u32 $0xFFFF, v11;
	v20 =	vld.idx.msk [tilespmem:v22+s25+$0x0], $0xffff  }
0x260: {  	v10 =	vand.u32 $0xFFFF, v10;
	v22 =	vld.idx.msk [tilespmem:v23+s3+$0x0], $0xffff  }
0x261: {  	v24 =	vand.u32 $0xFFFF, v21;
	v23 =	vld.idx.msk [tilespmem:v13+s3+$0x0], $0xffff  }
0x262: {  	v26 =	vand.u32 $0xFFFF, v19;
	v25 =	vld.idx.msk [tilespmem:v14+s3+$0x0], $0xffff  }
0x263: {  	v21 =	vshrl.u32 v21, $0x10;
	v12 =	vld.idx.msk [tilespmem:v12+s3+$0x0], $0xffff  }
0x264: {  	v19 =	vshrl.u32 v19, $0x10;
	v14 =	vld.idx.msk [tilespmem:v11+s3+$0x0], $0xffff  }
.Ltmp21:
0x265: {  	v13 =	vld.idx.msk [tilespmem:v10+s3+$0x0], $0xffff;
	(pc) =	sbr.rel @p3 .LBB2_30-.Ltmp21, $4  }
0x266: {  	v11 =	vld.idx.msk [tilespmem:v24+s3+$0x0], $0xffff  }
0x267: {  	v22 =	vadd.f32 v15, v22;
	v17 =	vadd.f32 v17, v23;
	v10 =	vld.idx.msk [tilespmem:v26+s3+$0x0], $0xffff  }
0x268: {  	v15 =	vadd.f32 v9, v25;
	v9 =	vld.idx.msk [tilespmem:v21+s25+$0x0], $0xffff  }
0x269: {  	s13 =	sadd.s32 $0x80, s13;
	vm2 =	vgt.f32 v22, v18;
	vm3 =	vgt.f32 v17, v20;
	v16 =	vadd.f32 v16, v12;
	v12 =	vld.idx.msk [tilespmem:v19+s25+$0x0], $0xffff  }
0x26a: {  	vm2 =	vmor vm2, vm3;
	vm3 =	vgt.f32 v15, v8;
	v4 =	vadd.f32 v4, v14  }
0x26b: {  	v2 =	vadd.f32 v2, v13;
	vm2 =	vmor vm2, vm3;
	vm3 =	vgt.f32 v16, v7  }
0x26c: {  	v3 =	vadd.f32 v3, v11;
	vm2 =	vmor vm2, vm3;
	vm3 =	vgt.f32 v4, v6  }
0x26d: {  	v1 =	vadd.f32 v1, v10;
	vm2 =	vmor vm2, vm3;
	vm3 =	vgt.f32 v2, v5  }
0x26e: {  	vm2 =	vmor vm2, vm3;
	vm3 =	vgt.f32 v3, v9  }
0x26f: {  	vm2 =	vmor vm2, vm3;
	vm3 =	vgt.f32 v1, v12  }
0x270: {  	vm2 =	vmor vm2, vm3  }
0x271: {  	vm1 =	vmor vm1, vm2  }
.LBB2_32:
0x272: {  	s5 =	sshra.s32 s3, $0x2  }
0x273: {  	v1 =	vld [tilespmem:s5+$0x19680];
	_ =	sdelay $0x4  }
0x274: {  	v2 =	vand.u32 $0xFFFF, v1;
	_ =	sdelay $0x1  }
0x275: {  	v1 =	vshrl.u32 v1, $0x10;
	_ =	sdelay $0x1  }
0x276: {  	v3 =	vld [tilespmem:s5+$0x1A680]  }
0x277: {  	v2 =	vld.idx.msk [tilespmem:v2+s1+$0x0], $0xffff;
	_ =	sdelay $0x1  }
0x278: {  	v1 =	vld.idx.msk [tilespmem:v1+s25+$0x0], $0xffff  }
0x279: {  	p1 =	sne.s32 s3, $0x100  }
.Ltmp22:
0x27a: {  	_ = 	snop;
	(pc) =	sbr.rel @p1 .LBB2_32-.Ltmp22, $3  }
0x27b: {  	v2 =	vadd.f32 v3, v2;
	_ =	sdelay $0x1  }
0x27c: {  	vm2 =	vgt.f32 v2, v1  }
0x27d: {  	s3 =	sadd.s32 $0x40, s3;
	vm1 =	vmor vm1, vm2  }
0x27e: {  	v1 =	vsel vm1, $0x3F800000, v0  }
0x27f: {  	(xrf0) =	vmax.scan.msk.f32 $0xffff, v1;
	_ =	sdelay $0x5  }
0x280: {  	v1, _, _ =	vpop (xrf0)  }
0x281: {  	(v2sf) =	vpush v1, $0xF;
	_ =	sdelay $0xe  }
0x282: {  	s3 =	spop (v2sf)  }
0x283: {  	p1 =	sgt.f32 s3, $0.0e+00  }
.Ltmp23:
0x284: {  	_ = 	snop;
	(pc) =	sbr.rel @!p1 .LBB2_41-.Ltmp23, $2  }
0x285: {  	_ =	sdelay $0x2  }
0x286: {  	s5 =	simm.s32 $0x0;
	s3 =	simm.s32 $0x0  }
.LBB2_34:
0x287: {  	s12 =	sshll.u32 s3, $0x4  }
0x288: {  	v1 =	vld [tilespmem:s12+$0x18F00]  }
0x289: {  	v2 =	vld [tilespmem:s12+$0x18F10]  }
0x28a: {  	v4 =	vld [tilespmem:s12+$0x18F20]  }
0x28b: {  	v6 =	vld [tilespmem:s12+$0x19F00]  }
0x28c: {  	v7 =	vld [tilespmem:s12+$0x18F30]  }
0x28d: {  	v10 =	vld [tilespmem:s12+$0x19F10]  }
0x28e: {  	v13 =	vld [tilespmem:s12+$0x18F40]  }
0x28f: {  	v14 =	vld [tilespmem:s12+$0x19F20]  }
0x290: {  	v15 =	vld [tilespmem:s12+$0x18F50]  }
0x291: {  	v18 =	vld [tilespmem:s12+$0x18F60]  }
0x292: {  	v19 =	vld [tilespmem:s12+$0x19F30]  }
0x293: {  	v21 =	vld [tilespmem:s12+$0x18F70];
	v3 =	vand.u32 $0xFFFF, v1  }
0x294: {  	v23 =	vld [tilespmem:s12+$0x19F40];
	v1 =	vshrl.u32 v1, $0x10  }
0x295: {  	v27 =	vld [tilespmem:s12+$0x19F50];
	v5 =	vand.u32 $0xFFFF, v2  }
0x296: {  	v55 =	vld [tilespmem:s12+$0x19F60];
	v2 =	vshrl.u32 v2, $0x10  }
0x297: {  	v58 =	vld [tilespmem:s12+$0x19F70];
	v9 =	vand.u32 $0xFFFF, v4  }
0x298: {  	v4 =	vshrl.u32 v4, $0x10;
	v3 =	vld.idx.msk [tilespmem:v3+s5+$0x0], $0xffff  }
0x299: {  	v12 =	vand.u32 $0xFFFF, v7;
	v8 =	vld.idx.msk [tilespmem:v1+s25+$0x0], $0xffff  }
0x29a: {  	v7 =	vshrl.u32 v7, $0x10;
	v5 =	vld.idx.msk [tilespmem:v5+s5+$0x0], $0xffff  }
0x29b: {  	v17 =	vand.u32 $0xFFFF, v13;
	v11 =	vld.idx.msk [tilespmem:v2+s25+$0x0], $0xffff  }
0x29c: {  	v13 =	vshrl.u32 v13, $0x10;
	v9 =	vld.idx.msk [tilespmem:v9+s5+$0x0], $0xffff  }
0x29d: {  	v20 =	vand.u32 $0xFFFF, v15;
	v16 =	vld.idx.msk [tilespmem:v4+s25+$0x0], $0xffff  }
0x29e: {  	v15 =	vshrl.u32 v15, $0x10;
	v12 =	vld.idx.msk [tilespmem:v12+s5+$0x0], $0xffff  }
0x29f: {  	v24 =	vand.u32 $0xFFFF, v18;
	v22 =	vld.idx.msk [tilespmem:v7+s25+$0x0], $0xffff  }
0x2a0: {  	v26 =	vand.u32 $0xFFFF, v21;
	v17 =	vld.idx.msk [tilespmem:v17+s5+$0x0], $0xffff  }
0x2a1: {  	v18 =	vshrl.u32 v18, $0x10;
	v25 =	vld.idx.msk [tilespmem:v13+s25+$0x0], $0xffff  }
0x2a2: {  	v21 =	vshrl.u32 v21, $0x10;
	v20 =	vld.idx.msk [tilespmem:v20+s5+$0x0], $0xffff  }
0x2a3: {  	v28 =	vld.idx.msk [tilespmem:v15+s25+$0x0], $0xffff;
	v3 =	vadd.f32 v6, v3  }
0x2a4: {  	v24 =	vld.idx.msk [tilespmem:v24+s5+$0x0], $0xffff;
	v5 =	vadd.f32 v10, v5  }
0x2a5: {  	v56 =	vld.idx.msk [tilespmem:v26+s5+$0x0], $0xffff;
	v57 =	vadd.f32 v14, v9;
	vm1 =	vgt.f32 v3, v8  }
0x2a6: {  	v60 =	vld.idx.msk [tilespmem:v18+s25+$0x0], $0xffff;
	v59 =	vadd.f32 v19, v12;
	vm2 =	vgt.f32 v5, v11  }
0x2a7: {  	v62 =	vld.idx.msk [tilespmem:v21+s25+$0x0], $0xffff;
	v61 =	vadd.f32 v23, v17;
	vm3 =	vgt.f32 v57, v16  }
0x2a8: {  	v63 =	vadd.f32 v27, v20;
	vm4 =	vgt.f32 v59, v22  }
0x2a9: {  	v6 =	vadd.f32 v55, v24;
	vm5 =	vgt.f32 v61, v25  }
0x2aa: {  	v9 =	vadd.f32 v58, v56;
	vm6 =	vgt.f32 v63, v28  }
0x2ab: {  	[tilespmem:v1+s25+$0x0] =	vst.idx.msk vm1, v3;
	vm1 =	vgt.f32 v6, v60  }
0x2ac: {  	[tilespmem:v2+s25+$0x0] =	vst.idx.msk vm2, v5;
	vm2 =	vgt.f32 v9, v62  }
0x2ad: {  	p1 =	slt.u32 s3, $0x70;
	[tilespmem:v4+s25+$0x0] =	vst.idx.msk vm3, v57  }
.Ltmp24:
0x2ae: {  	[tilespmem:v7+s25+$0x0] =	vst.idx.msk vm4, v59;
	(pc) =	sbr.rel @p1 .LBB2_34-.Ltmp24, $4  }
0x2af: {  	[tilespmem:v13+s25+$0x0] =	vst.idx.msk vm5, v61  }
0x2b0: {  	[tilespmem:v15+s25+$0x0] =	vst.idx.msk vm6, v63  }
0x2b1: {  	s22 =	sadd.s32 $0x8, s3;
	[tilespmem:v18+s25+$0x0] =	vst.idx.msk vm1, v6  }
0x2b2: {  	s3 =	smov.u32 s22;
	s12 =	simm.s32 $0x0;
	[tilespmem:v21+s25+$0x0] =	vst.idx.msk vm2, v9  }
.LBB2_35:
0x2b3: {  	s3 =	sshra.s32 s12, $0x2  }
0x2b4: {  	v1 =	vld [tilespmem:s3+$0x19680];
	_ =	sdelay $0x4  }
0x2b5: {  	v2 =	vand.u32 $0xFFFF, v1;
	_ =	sdelay $0x1  }
0x2b6: {  	v1 =	vshrl.u32 v1, $0x10;
	_ =	sdelay $0x1  }
0x2b7: {  	v3 =	vld [tilespmem:s3+$0x1A680]  }
0x2b8: {  	v2 =	vld.idx.msk [tilespmem:v2+s1+$0x0], $0xffff;
	_ =	sdelay $0x1  }
0x2b9: {  	v4 =	vld.idx.msk [tilespmem:v1+s25+$0x0], $0xffff;
	_ =	sdelay $0x2  }
0x2ba: {  	v2 =	vadd.f32 v3, v2;
	_ =	sdelay $0x1  }
0x2bb: {  	vm1 =	vgt.f32 v2, v4  }
0x2bc: {  	p1 =	sne.s32 s12, $0x100  }
.Ltmp25:
0x2bd: {  	_ = 	snop;
	(pc) =	sbr.rel @p1 .LBB2_35-.Ltmp25, $2  }
0x2be: {  	_ =	sdelay $0x2  }
0x2bf: {  	s12 =	sadd.s32 $0x40, s12;
	[tilespmem:v1+s25+$0x0] =	vst.idx.msk vm1, v2  }
0x2c0: {  	s3 =	simm.s32 $0x19F40  }
0x2c1: {  	v1 =	vld [tilespmem:s3+$0x30]  }
0x2c2: {  	v3 =	vld [tilespmem:s3+$0x20]  }
0x2c3: {  	v2 =	vld [tilespmem:s3+$0x10]  }
0x2c4: {  	v4 =	vld [tilespmem:s3+$0x0]  }
0x2c5: {  	v12 =	vld [tilespmem:s3+$0xFFFFFFF0]  }
0x2c6: {  	s12 =	simm.s32 $0x18F40;
	v9 =	vld [tilespmem:s3+$0xFFFFFFE0]  }
0x2c7: {  	v10 =	vld [tilespmem:s12+$0x10]  }
0x2c8: {  	v11 =	vld [tilespmem:s12+$0x0]  }
0x2c9: {  	v13 =	vld [tilespmem:s12+$0xFFFFFFF0]  }
0x2ca: {  	v8 =	vld [tilespmem:s12+$0xFFFFFFE0]  }
0x2cb: {  	v6 =	vld [tilespmem:s12+$0xFFFFFFC0]  }
0x2cc: {  	v7 =	vld [tilespmem:s12+$0xFFFFFFD0];
	v5 =	vshrl.u32 v10, $0x10  }
0x2cd: {  	v15 =	vld [tilespmem:s3+$0xFFFFFFC0];
	v14 =	vshrl.u32 v11, $0x10  }
0x2ce: {  	v16 =	vld [tilespmem:s3+$0xFFFFFFD0];
	v17 =	vshrl.u32 v13, $0x10  }
0x2cf: {  	v19 =	vld [tilespmem:s12+$0x30];
	v18 =	vshrl.u32 v8, $0x10  }
0x2d0: {  	v21 =	vld [tilespmem:s12+$0x20];
	v20 =	vshrl.u32 v6, $0x10  }
0x2d1: {  	v22 =	vshrl.u32 v7, $0x10;
	v5 =	vld.idx.msk [tilespmem:v5+s25+$0x0], $0xffff  }
0x2d2: {  	v23 =	vand.u32 $0xFFFF, v6;
	v6 =	vld.idx.msk [tilespmem:v14+s25+$0x0], $0xffff  }
0x2d3: {  	v13 =	vand.u32 $0xFFFF, v13;
	v14 =	vand.u32 $0xFFFF, v7;
	v7 =	vld.idx.msk [tilespmem:v17+s25+$0x0], $0xffff  }
0x2d4: {  	v17 =	vand.u32 $0xFFFF, v8;
	v8 =	vld.idx.msk [tilespmem:v18+s25+$0x0], $0xffff  }
0x2d5: {  	v18 =	vld.idx.msk [tilespmem:v20+s25+$0x0], $0xffff  }
0x2d6: {  	s3 =	simm.s32 $0x0;
	v10 =	vand.u32 $0xFFFF, v10;
	v61 =	vld.idx.msk [tilespmem:v22+s25+$0x0], $0xffff  }
0x2d7: {  	v11 =	vand.u32 $0xFFFF, v11;
	v62 =	vld.idx.msk [tilespmem:v23+s3+$0x0], $0xffff  }
0x2d8: {  	v25 =	vand.u32 $0xFFFF, v19;
	v26 =	vld.idx.msk [tilespmem:v13+s3+$0x0], $0xffff  }
0x2d9: {  	v24 =	vand.u32 $0xFFFF, v21;
	v63 =	vld.idx.msk [tilespmem:v14+s3+$0x0], $0xffff  }
0x2da: {  	v21 =	vshrl.u32 v21, $0x10;
	v17 =	vld.idx.msk [tilespmem:v17+s3+$0x0], $0xffff  }
0x2db: {  	v19 =	vshrl.u32 v19, $0x10;
	v13 =	vld.idx.msk [tilespmem:v10+s3+$0x0], $0xffff  }
0x2dc: {  	v14 =	vld.idx.msk [tilespmem:v11+s3+$0x0], $0xffff  }
0x2dd: {  	v10 =	vld.idx.msk [tilespmem:v25+s3+$0x0], $0xffff  }
0x2de: {  	v11 =	vld.idx.msk [tilespmem:v24+s3+$0x0], $0xffff;
	v22 =	vadd.f32 v15, v62;
	v16 =	vadd.f32 v16, v63  }
0x2df: {  	vm1 =	vmmov vm0;
	v15 =	vadd.f32 v9, v17;
	v9 =	vld.idx.msk [tilespmem:v21+s25+$0x0], $0xffff  }
0x2e0: {  	s13 =	simm.s32 $0x0;
	s14 =	simm.s32 $0x19FC0;
	vm2 =	vgt.f32 v22, v18;
	vm3 =	vgt.f32 v16, v61;
	v16 =	vadd.f32 v12, v26;
	v12 =	vld.idx.msk [tilespmem:v19+s25+$0x0], $0xffff  }
.LBB2_37:
0x2e1: {  	v17 =	vld [tilespmem:s14+$0x30];
	vm2 =	vmor vm2, vm3;
	vm3 =	vgt.f32 v15, v8;
	v4 =	vadd.f32 v4, v14  }
0x2e2: {  	v8 =	vld [tilespmem:s14+$0x20];
	vm2 =	vmor vm2, vm3;
	vm3 =	vgt.f32 v16, v7;
	v7 =	vadd.f32 v2, v13  }
0x2e3: {  	v3 =	vadd.f32 v3, v11;
	v2 =	vld [tilespmem:s14+$0x10];
	vm2 =	vmor vm2, vm3;
	vm3 =	vgt.f32 v4, v6  }
0x2e4: {  	v4 =	vld [tilespmem:s14+$0x0];
	vm2 =	vmor vm2, vm3;
	vm3 =	vgt.f32 v7, v5;
	v5 =	vadd.f32 v1, v10  }
0x2e5: {  	v16 =	vld [tilespmem:s14+$0xFFFFFFF0];
	vm2 =	vmor vm2, vm3;
	vm3 =	vgt.f32 v3, v9  }
0x2e6: {  	s12 =	sadd.s32 $0x80, s12;
	v9 =	vld [tilespmem:s14+$0xFFFFFFE0];
	vm2 =	vmor vm2, vm3;
	vm3 =	vgt.f32 v5, v12;
	v1 =	vmov v17  }
0x2e7: {  	v10 =	vld [tilespmem:s12+$0x10];
	vm2 =	vmor vm2, vm3;
	v3 =	vmov v8  }
0x2e8: {  	v11 =	vld [tilespmem:s12+$0x0];
	vm1 =	vmor vm1, vm2  }
0x2e9: {  	v12 =	vld [tilespmem:s12+$0xFFFFFFF0]  }
0x2ea: {  	v8 =	vld [tilespmem:s12+$0xFFFFFFE0]  }
0x2eb: {  	v6 =	vld [tilespmem:s12+$0xFFFFFFC0]  }
0x2ec: {  	v7 =	vld [tilespmem:s12+$0xFFFFFFD0];
	v5 =	vshrl.u32 v10, $0x10  }
0x2ed: {  	v15 =	vld [tilespmem:s14+$0xFFFFFFC0];
	v13 =	vshrl.u32 v11, $0x10  }
0x2ee: {  	s13 =	sadd.s32 $0x8, s13;
	v17 =	vld [tilespmem:s14+$0xFFFFFFD0];
	v14 =	vshrl.u32 v12, $0x10  }
0x2ef: {  	p3 =	slt.u32 s13, $0x70;
	v18 =	vshrl.u32 v8, $0x10;
	v19 =	vld [tilespmem:s12+$0x30]  }
0x2f0: {  	v20 =	vshrl.u32 v6, $0x10;
	v21 =	vld [tilespmem:s12+$0x20]  }
0x2f1: {  	v22 =	vshrl.u32 v7, $0x10;
	v5 =	vld.idx.msk [tilespmem:v5+s25+$0x0], $0xffff  }
0x2f2: {  	v23 =	vand.u32 $0xFFFF, v6;
	v6 =	vld.idx.msk [tilespmem:v13+s25+$0x0], $0xffff  }
0x2f3: {  	v13 =	vand.u32 $0xFFFF, v7;
	v7 =	vld.idx.msk [tilespmem:v14+s25+$0x0], $0xffff  }
0x2f4: {  	v14 =	vand.u32 $0xFFFF, v8;
	v8 =	vld.idx.msk [tilespmem:v18+s25+$0x0], $0xffff  }
0x2f5: {  	v12 =	vand.u32 $0xFFFF, v12;
	v18 =	vld.idx.msk [tilespmem:v20+s25+$0x0], $0xffff  }
0x2f6: {  	v11 =	vand.u32 $0xFFFF, v11;
	v20 =	vld.idx.msk [tilespmem:v22+s25+$0x0], $0xffff  }
0x2f7: {  	v10 =	vand.u32 $0xFFFF, v10;
	v22 =	vld.idx.msk [tilespmem:v23+s3+$0x0], $0xffff  }
0x2f8: {  	v24 =	vand.u32 $0xFFFF, v21;
	v23 =	vld.idx.msk [tilespmem:v13+s3+$0x0], $0xffff  }
0x2f9: {  	v26 =	vand.u32 $0xFFFF, v19;
	v25 =	vld.idx.msk [tilespmem:v14+s3+$0x0], $0xffff  }
0x2fa: {  	v21 =	vshrl.u32 v21, $0x10;
	v12 =	vld.idx.msk [tilespmem:v12+s3+$0x0], $0xffff  }
0x2fb: {  	v19 =	vshrl.u32 v19, $0x10;
	v14 =	vld.idx.msk [tilespmem:v11+s3+$0x0], $0xffff  }
.Ltmp26:
0x2fc: {  	v13 =	vld.idx.msk [tilespmem:v10+s3+$0x0], $0xffff;
	(pc) =	sbr.rel @p3 .LBB2_37-.Ltmp26, $4  }
0x2fd: {  	v11 =	vld.idx.msk [tilespmem:v24+s3+$0x0], $0xffff  }
0x2fe: {  	v22 =	vadd.f32 v15, v22;
	v17 =	vadd.f32 v17, v23;
	v10 =	vld.idx.msk [tilespmem:v26+s3+$0x0], $0xffff  }
0x2ff: {  	v15 =	vadd.f32 v9, v25;
	v9 =	vld.idx.msk [tilespmem:v21+s25+$0x0], $0xffff  }
0x300: {  	s14 =	sadd.s32 $0x80, s14;
	vm2 =	vgt.f32 v22, v18;
	vm3 =	vgt.f32 v17, v20;
	v16 =	vadd.f32 v16, v12;
	v12 =	vld.idx.msk [tilespmem:v19+s25+$0x0], $0xffff  }
0x301: {  	vm2 =	vmor vm2, vm3;
	vm3 =	vgt.f32 v15, v8;
	v4 =	vadd.f32 v4, v14  }
0x302: {  	v2 =	vadd.f32 v2, v13;
	vm2 =	vmor vm2, vm3;
	vm3 =	vgt.f32 v16, v7  }
0x303: {  	v3 =	vadd.f32 v3, v11;
	vm2 =	vmor vm2, vm3;
	vm3 =	vgt.f32 v4, v6  }
0x304: {  	v1 =	vadd.f32 v1, v10;
	vm2 =	vmor vm2, vm3;
	vm3 =	vgt.f32 v2, v5  }
0x305: {  	vm2 =	vmor vm2, vm3;
	vm3 =	vgt.f32 v3, v9  }
0x306: {  	vm2 =	vmor vm2, vm3;
	vm3 =	vgt.f32 v1, v12  }
0x307: {  	vm2 =	vmor vm2, vm3  }
0x308: {  	vm1 =	vmor vm1, vm2  }
.LBB2_39:
0x309: {  	s12 =	sshra.s32 s3, $0x2  }
0x30a: {  	v1 =	vld [tilespmem:s12+$0x19680];
	_ =	sdelay $0x4  }
0x30b: {  	v2 =	vand.u32 $0xFFFF, v1;
	_ =	sdelay $0x1  }
0x30c: {  	v1 =	vshrl.u32 v1, $0x10;
	_ =	sdelay $0x1  }
0x30d: {  	v3 =	vld [tilespmem:s12+$0x1A680]  }
0x30e: {  	v2 =	vld.idx.msk [tilespmem:v2+s1+$0x0], $0xffff;
	_ =	sdelay $0x1  }
0x30f: {  	v1 =	vld.idx.msk [tilespmem:v1+s25+$0x0], $0xffff  }
0x310: {  	p1 =	sne.s32 s3, $0x100  }
.Ltmp27:
0x311: {  	_ = 	snop;
	(pc) =	sbr.rel @p1 .LBB2_39-.Ltmp27, $3  }
0x312: {  	v2 =	vadd.f32 v3, v2;
	_ =	sdelay $0x1  }
0x313: {  	vm2 =	vgt.f32 v2, v1  }
0x314: {  	s3 =	sadd.s32 $0x40, s3;
	vm1 =	vmor vm1, vm2  }
0x315: {  	v1 =	vsel vm1, $0x3F800000, v0  }
0x316: {  	(xrf0) =	vmax.scan.msk.f32 $0xffff, v1;
	_ =	sdelay $0x5  }
0x317: {  	v1, _, _ =	vpop (xrf0)  }
0x318: {  	(v2sf) =	vpush v1, $0xF;
	_ =	sdelay $0xe  }
0x319: {  	s3 =	spop (v2sf)  }
0x31a: {  	p1 =	sgt.f32 s3, $0.0e+00  }
.Ltmp28:
0x31b: {  	_ = 	snop;
	(pc) =	sbr.rel @p1 .LBB2_34-.Ltmp28, $4  }
.Ltmp29:
0x31c: {  	_ = 	snop;
	(pc) =	sbr.rel @!p1 .LBB2_41-.Ltmp29, $4  }
0x31d: {  	_ = 	snop  }
0x31e: {  	_ = 	snop  }
0x31f: {  	s3 =	simm.s32 $0x0  }
0x320: {  	_ = 	snop  }
.LBB2_43:
0x321: {  	_ =	sfence.sel $0x180000  }
0x322: {  	[bflag:$0x0] =	sbarrier.arrive $0xFFFF  }
0x323: {  	_ =	strace $0x90000047  }
0x324: {  	s0 =	stileid.u32;
	[bflag:$0x2] =	sbarrier.arrive $0xFFFF  }
0x325: {  	p0 =	sne.s32 s0, $0x0;
	s0 =	rddreg [dreg:$0x2]  }
0x326: {  	s0 =	sadd.s32 @!p0 $0x100000, s0  }
0x327: {  	[sflag:s0] =	ssyncadd.tile.s32 @!p0 $0x1;
	_ =	shalt  }
.Lfunc_end2:
_tile_overlayer_lowered:
.L_overlay_start_2:
0x328: {  	(tag) =	ssettag $0x2  }
0x329: {  	s0 =	rddreg [dreg:$0x0];
	s2 =	stileid.u32  }
0x32a: {  	s1 =	rddreg [dreg:$0x1];
	p0 =	sne.s32 s2, $0x0  }
0x32b: {  	s3 =	rddreg [dreg:$0x2];
	[bflag:$0x3] =	sbarrier.arrive $0xFFFF;
	s2 =	simm.s32 @!p0 $0x1C03  }
0x32c: {  	[timem:s3], [sflag:s2] =	dma.local @!p0 [hbm:s0], s1  }
0x32d: {  	s0 =	simm.s32 @!p0 $0x3  }
0x32e: {  	_ =	swait.ge @!p0 [sflag:s0], s1  }
0x32f: {  	s1 =	ssub.s32 @!p0 $0x0, s1;
	[sflag:s0] =	ssyncset.done @!p0 $0x0  }
0x330: {  	[sflag:s0] =	ssyncadd.s32 @!p0 s1  }
0x331: {  	[bflag:$0x3] =	sbarrier.arrive $0xFFFF  }
0x332: {  	_ =	shalt  }

// kernel: kernel.13.cloned.1.call-start
scs
__scs_entry_jumppad:
0x0: {  	(pc) =	sbr.rel $0x88, $3  }
0x1: {  	(tag) =	ssettag $0x0;
	lr =	simm.s32 $0x1  }
0x2: {  	[smem:$0x3F98] =	sst lr;
	_ =	strace $0xD0000000  }
0x3: {  	_ = 	snop  }
0x4: {  	_ = 	snop  }
0x5: {  	_ = 	snop  }
0x6: {  	_ = 	snop  }
0x7: {  	_ = 	snop  }
__scs_overlays_trampoline_lowered:
0x8: {  	[smem:$0x3FA7] =	sst s0  }
0x9: {  	[smem:$0x3FA8] =	sst s1  }
0xa: {  	[smem:$0x3FA9] =	sst s2  }
0xb: {  	[smem:$0x3FAA] =	sst s3  }
0xc: {  	[smem:$0x3FAB] =	sst s4  }
0xd: {  	[smem:$0x3FAC] =	sst s5  }
0xe: {  	[smem:$0x3FAD] =	sst s6  }
0xf: {  	[smem:$0x3FAE] =	sst s7  }
0x10: {  	[smem:$0x3FAF] =	sst s8  }
0x11: {  	[smem:$0x3FB0] =	sst s9;
	s0 =	simm.s32 @!p0 $0x0  }
0x12: {  	s1 =	sld [smem:$0x3F96];
	s0 =	simm.s32 @p0 $0x1  }
0x13: {  	[smem:$0x3FB1] =	sst s0;
	s0 =	simm.s32 @!p1 $0x0  }
0x14: {  	s2 =	sld [smem:$0x3F95];
	s0 =	simm.s32 @p1 $0x1  }
0x15: {  	[smem:$0x3FB2] =	sst s0;
	s0 =	simm.s32 @!p2 $0x0  }
0x16: {  	s3 =	sld [smem:$0x3FDB];
	s0 =	simm.s32 @p2 $0x1  }
0x17: {  	s4 =	simm.s32 $0x1BF5;
	[smem:$0x3FB4] =	sst s0  }
0x18: {  	s0 =	sld [smem:$0x3F97];
	_ =	swait.ge [sflag:s4], $0x0  }
0x19: {  	s7 =	sld [smem:$0x3F98]  }
0x1a: {  	s8 =	sadd.s32 $0xFFFFE003, lr  }
0x1b: {  	s9 =	sadd.s32 $0xFFFFFEF7, lr;
	s5 =	simm.s32 $0xFFFFFFFF;
	p2 =	slt.u32 s8, $0xFFFFF086  }
0x1c: {  	p1 =	slt.u32 s9, $0xF7A;
	s5 =	simm.s32 @!p2 $0x0  }
0x1d: {  	s5 =	simm.s32 @p1 $0x1;
	p0 =	seq.s32 s7, s2  }
0x1e: {  	s7 =	smul.u32 @!p0 $0xF7A, s2;
	p2 =	seq.s32 @!p0 s5, $0x0  }
0x1f: {  	s9 =	smul.u32 $0xF7A, s1;
	s8 =	simm.s32 @!p0 $0x1BF5;
	p2 =	por !p2, p0  }
0x20: {  	[sflag:s8] =	ssyncset.s32 @!p0 $0xFFFFF086;
	s6 =	sadd.s32 @!p0 s3, s7;
	s7 =	simm.s32 @!p0 $0x108  }
0x21: {  	s3 =	sadd.s32 s3, s9;
	s6 =	sadd.s32 @!p0 $0x88, s6;
	s7 =	simm.s32 @p2 $0x1082  }
0x22: {  	[simem:s7], [sflag:s8] =	dma.local @!p0 [hbm:s6], $0xF7A  }
0x23: {  	s9 =	sor.u32 $0xD0000000, s2;
	s6 =	simm.s32 $0x108;
	_ =	swait.ge @!p0 [sflag:s8], $0x0  }
0x24: {  	s3 =	sadd.s32 $0x88, s3;
	s6 =	simm.s32 @!p1 $0x1082;
	[sflag:s4] =	ssyncset.s32 $0xFFFFF086  }
0x25: {  	[simem:s6], [sflag:s4] =	dma.local [hbm:s3], $0xF7A  }
0x26: {  	[smem:$0x3F98] =	sst s1;
	(tag) =	ssettag s2;
	_ =	strace s9  }
0x27: {  	s1 =	sld [smem:$0x3FA8]  }
0x28: {  	s2 =	sld [smem:$0x3FA9]  }
0x29: {  	s4 =	sld [smem:$0x3FAB]  }
0x2a: {  	p0 =	seq.s32 s5, $0x0;
	s5 =	sld [smem:$0x3FAC]  }
0x2b: {  	s6 =	sld [smem:$0x3FAD]  }
0x2c: {  	s7 =	sld [smem:$0x3FAE]  }
0x2d: {  	s3 =	simm.s32 $0x108;
	s8 =	sld [smem:$0x3FAF]  }
0x2e: {  	s3 =	simm.s32 @!p0 $0x1082;
	s9 =	sld [smem:$0x3FB0]  }
0x2f: {  	lr =	sadd.s32 s0, s3;
	s0 =	sld [smem:$0x3FA7]  }
0x30: {  	s3 =	sld [smem:$0x3FAA]  }
0x31: {  	[smem:$0x3FB3] =	sst s10  }
0x32: {  	s10 =	sld [smem:$0x3FB1];
	_ =	sdelay $0x3  }
0x33: {  	p0 =	seq.s32 s10, $0x1;
	s10 =	sld [smem:$0x3FB3];
	_ =	sdelay $0x3  }
0x34: {  	[smem:$0x3FB3] =	sst s10  }
0x35: {  	s10 =	sld [smem:$0x3FB2];
	_ =	sdelay $0x3  }
0x36: {  	p1 =	seq.s32 s10, $0x1;
	s10 =	sld [smem:$0x3FB3];
	_ =	sdelay $0x3  }
0x37: {  	[smem:$0x3FB3] =	sst s10  }
0x38: {  	s10 =	sld [smem:$0x3FB4]  }
0x39: {  	_ = 	snop;
	(pc) =	sbr.ind lr, $3  }
0x3a: {  	_ = 	snop  }
0x3b: {  	_ = 	snop  }
0x3c: {  	p2 =	seq.s32 s10, $0x1;
	s10 =	sld [smem:$0x3FB3]  }
0x3d: {  	_ =	shalt  }
0x3e: {  	_ =	shalt  }
0x3f: {  	_ =	shalt  }
0x40: {  	_ =	shalt  }
0x41: {  	_ =	shalt  }
0x42: {  	_ =	shalt  }
0x43: {  	_ =	shalt  }
0x44: {  	_ =	shalt  }
0x45: {  	_ =	shalt  }
0x46: {  	_ =	shalt  }
0x47: {  	_ =	shalt  }
0x48: {  	_ =	shalt  }
0x49: {  	_ =	shalt  }
0x4a: {  	_ =	shalt  }
0x4b: {  	_ =	shalt  }
0x4c: {  	_ =	shalt  }
0x4d: {  	_ =	shalt  }
0x4e: {  	_ =	shalt  }
0x4f: {  	_ =	shalt  }
0x50: {  	_ =	shalt  }
0x51: {  	_ =	shalt  }
0x52: {  	_ =	shalt  }
0x53: {  	_ =	shalt  }
0x54: {  	_ =	shalt  }
0x55: {  	_ =	shalt  }
0x56: {  	_ =	shalt  }
0x57: {  	_ =	shalt  }
0x58: {  	_ =	shalt  }
0x59: {  	_ =	shalt  }
0x5a: {  	_ =	shalt  }
0x5b: {  	_ =	shalt  }
0x5c: {  	_ =	shalt  }
0x5d: {  	_ =	shalt  }
0x5e: {  	_ =	shalt  }
0x5f: {  	_ =	shalt  }
0x60: {  	_ =	shalt  }
0x61: {  	_ =	shalt  }
0x62: {  	_ =	shalt  }
0x63: {  	_ =	shalt  }
0x64: {  	_ =	shalt  }
0x65: {  	_ =	shalt  }
0x66: {  	_ =	shalt  }
0x67: {  	_ =	shalt  }
0x68: {  	_ =	shalt  }
0x69: {  	_ =	shalt  }
0x6a: {  	_ =	shalt  }
0x6b: {  	_ =	shalt  }
0x6c: {  	_ =	shalt  }
0x6d: {  	_ =	shalt  }
0x6e: {  	_ =	shalt  }
0x6f: {  	_ =	shalt  }
0x70: {  	_ =	shalt  }
0x71: {  	_ =	shalt  }
0x72: {  	_ =	shalt  }
0x73: {  	_ =	shalt  }
0x74: {  	_ =	shalt  }
0x75: {  	_ =	shalt  }
0x76: {  	_ =	shalt  }
0x77: {  	_ =	shalt  }
0x78: {  	_ =	shalt  }
0x79: {  	_ =	shalt  }
0x7a: {  	_ =	shalt  }
0x7b: {  	_ =	shalt  }
0x7c: {  	_ =	shalt  }
0x7d: {  	_ =	shalt  }
0x7e: {  	_ =	shalt  }
0x7f: {  	_ =	shalt  }
0x80: {  	_ =	shalt  }
0x81: {  	_ =	shalt  }
0x82: {  	_ =	shalt  }
0x83: {  	_ =	shalt  }
0x84: {  	_ =	shalt  }
0x85: {  	_ =	shalt  }
0x86: {  	_ =	shalt  }
0x87: {  	_ =	shalt  }
.Lfunc_end0:
.L_simem_size_0:
called_computation.1_lowered:
.L_overlay_start_0:
0x88: {  	s2 =	sld [smem:$0x3FD9]  }
0x89: {  	s3 =	sld [smem:$0x3FFE];
	_ =	sdelay $0x1  }
0x8a: {  	s1 =	srdreg.scid  }
0x8b: {  	s0 =	sand.u32 $0x1, s1  }
0x8c: {  	s17 =	sshll.u32 s0, $0xA;
	s2 =	sadd.s32 s3, s2  }
0x8d: {  	s2 =	sadd.s32 s2, s17  }
0x8e: {  	[smem:$0x3FBF] =	sst s2  }
0x8f: {  	_ = 	snop  }
0x90: {  	s2 =	sld [smem:$0x3FD0];
	(tm) =	ssettm $0x1  }
0x91: {  	s18 =	sld [smem:$0x3FFB];
	_ =	sdelay $0x3  }
0x92: {  	_ =	strace s18  }
0x93: {  	s3 =	sld [smem:$0x3FFC];
	_ =	sdelay $0x3  }
0x94: {  	_ =	strace s3  }
0x95: {  	s3 =	sld [smem:$0x3FFD];
	_ =	sdelay $0x3  }
0x96: {  	_ =	strace s3  }
0x97: {  	_ =	strace $0x8FFFFFFF  }
0x98: {  	s19 =	sld [smem:$0x3FDB];
	_ =	sdelay $0x1  }
0x99: {  	s4 =	simm.s32 $_scs_section_size  }
0x9a: {  	s5 =	simm.s32 $_size__tile_overlayer_lowered;
	s6 =	simm.s32 $_tile_overlayer_lowered  }
0x9b: {  	s22 =	simm.s32 $0x1BFF;
	s21 =	sshll.u32 s6, $0x1;
	s3 =	sadd.s32 s4, s19  }
0x9c: {  	s7 =	simm.s32 $0x0;
	s20 =	sshll.u32 s5, $0x1;
	s5 =	sadd.s32 s21, s3  }
0x9d: {  	[timem:s7], [sflag:s22] =	dma.local [hbm:s5], s20  }
0x9e: {  	_ =	swait.ge [sflag:s22], s20  }
0x9f: {  	s4 =	ssub.s32 $0x0, s20;
	[sflag:s22] =	ssyncset.done $0x0  }
0xa0: {  	[sflag:s22] =	ssyncadd.s32 s4;
	_ =	sdelay $0x1  }
0xa1: {  	s23 =	simm.s32 $0x1B8B  }
0xa2: {  	_ =	swait.ge [sflag:s23], $0x1  }
0xa3: {  	[sflag:s23] =	ssyncset.done $0x0  }
0xa4: {  	s25 =	simm.s32 $0x1B8E;
	s24 =	sld [smem:$0x3FFE];
	[sflag:s23] =	ssyncadd.s32 $0xFFFFFFFF  }
0xa5: {  	s26 =	simm.s32 $execute0_lowered;
	[smem:$0x3FD2] =	sst s25  }
0xa6: {  	s5 =	sshll.u32 s26, $0x1;
	_ =	strace $0x80000049;
	[dreg:$0x1] =	wrdreg $0xFFFFFFFF  }
0xa7: {  	s28 =	simm.s32 $_size_execute0_lowered;
	s3 =	sadd.s32 s3, s5;
	[dreg:$0x0] =	wrdreg $0x0  }
0xa8: {  	s5 =	sshll.u32 s28, $0x1;
	[dreg:$0x2] =	wrdreg s3  }
0xa9: {  	[dreg:$0x3] =	wrdreg s5  }
0xaa: {  	[dreg:$0x4] =	wrdreg $0xC0  }
0xab: {  	_ =	task [dreg:s7], $0x5FFFF  }
0xac: {  	[dreg:$0x1] =	wrdreg $0xFFFFFFFF  }
0xad: {  	[dreg:$0x0] =	wrdreg $0x60  }
0xae: {  	[dreg:$0x2] =	wrdreg s2  }
0xaf: {  	[dreg:$0x3] =	wrdreg s24  }
0xb0: {  	[dreg:$0x4] =	wrdreg $0x9  }
0xb1: {  	_ =	task.clear_ibuf [dreg:s7], $0x5FFFF;
	_ =	strace $0x90000049  }
0xb2: {  	s29 =	simm.s32 $0x9;
	_ =	strace $0x8000004B  }
0xb3: {  	_ =	swait.ge [sflag:s29], $0x1  }
0xb4: {  	[sflag:s29] =	ssyncadd.s32 $0xFFFFFFFF  }
0xb5: {  	_ =	strace $0x9000004B  }
0xb6: {  	_ =	sfence  }
0xb7: {  	s30 =	sld [smem:$0x0];
	_ =	sdelay $0x2  }
0xb8: {  	s31 =	sshll.u32 s1, $0xD;
	s1 =	sshrl.u32 s1, $0x2  }
0xb9: {  	s3 =	sand.u32 $0x4000, s31;
	s1 =	sadd.s32 s1, s30  }
0xba: {  	s0 =	sor.u32 s3, s0;
	s1 =	sshll.u32 s1, $0x11  }
0xbb: {  	s0 =	sor.u32 s1, s0  }
0xbc: {  	s0 =	sadd.s32 $0x8F2B, s0  }
0xbd: {  	[sflag:s0] =	ssyncadd.remote.s32 $0x1  }
0xbe: {  	_ =	sfence.sel $0xFFFF  }
0xbf: {  	[dreg:$0x0] =	wrdreg $0xFFFFFFFF;
	(pc) =	sbr.abs _section_cstart, $3  }
0xc0: {  	[dreg:$0x1] =	wrdreg $0xFFFFFFFF  }
0xc1: {  	_ =	task.clear_ibuf [dreg:s7], $0x2FFFF;
	_ =	strace $0x9FFFFFFF  }
0xc2: {  	(tm) =	ssettm $0x7FFFFFFF  }
0xc3: {  	_ =	shalt  }
tec
execute0_lowered:
.L_overlay_start_1:
0x0: {  	(tag) =	ssettag $0x1  }
0x1: {  	s0 =	rddreg [dreg:$0x0]  }
0x2: {  	s2 =	rddreg [dreg:$0x1];
	s1 =	simm.s32 $0x0  }
0x3: {  	s24 =	srdreg.scid;
	s11 =	stileid.u32;
	s21 =	simm.s32 $0x3  }
0x4: {  	s23 =	simm.s32 $0x18F00;
	s28 =	simm.s32 $0x0;
	[smem:$0x7FF] =	sst s1  }
0x5: {  	s12 =	sadd.s32 $0x65200, s2;
	s3 =	sadd.s32 $0x66C00, s2;
	s4 =	sadd.s32 $0x68600, s2  }
0x6: {  	s25 =	sshll.u32 s11, $0x1;
	s6 =	sadd.s32 $0x9AE00, s2;
	s7 =	sadd.s32 $0x3600, s2  }
0x7: {  	s8 =	sadd.s32 $0x34400, s2;
	s9 =	sadd.s32 $0xCBC00, s2;
	s10 =	sadd.s32 $0x6A000, s2  }
0x8: {  	s11 =	sshrl.u32 s11, $0x2;
	_ =	strace $0x8000004A;
	[dreg:$0x4] =	wrdreg s3  }
0x9: {  	[dreg:$0x5] =	wrdreg s4;
	s3 =	sand.u32 $0x1, s24;
	p0 =	seq.s32 s11, $0x0  }
0xa: {  	p1 =	sgt.s32 s11, $0x1;
	p2 =	sne.s32 s11, $0x0;
	s24 =	simm.s32 $0x1  }
0xb: {  	s4 =	sor.u32 s3, s25;
	s3 =	ssub.s32 $0x2, s3;
	s12 =	smov.u32 @p0 s0  }
0xc: {  	s25 =	simm.s32 $0xC380;
	s5 =	smul.u32 $0x186A, s4;
	s4 =	sand.u32 $0x7, s4  }
0xd: {  	s26 =	sshrl.u32 s3, $0x1;
	[dreg:$0x3] =	wrdreg s12;
	s4 =	smul.u32 $0x30D40, s4  }
0xe: {  	s3 =	ssub.s32 s3, s26;
	s26 =	simm.s32 $0x2;
	s2 =	sadd.s32 s5, s2  }
0xf: {  	s20 =	smax.u32 s3, $0x1;
	s29 =	sshrl.u32 s4, $0x3;
	s19 =	sadd.s32 $0xFCA00, s2  }
0x10: {  	s2 =	simm.s32 @!p1 $0x0;
	s13 =	sadd.s32 s6, s29;
	s30 =	sadd.s32 s7, s29  }
.Ltmp0:
0x11: {  	s31 =	sadd.s32 s8, s29;
	[dreg:$0x6] =	wrdreg s13;
	(pc) =	sbr.rel .LBB2_1-.Ltmp0, $4  }
0x12: {  	s2 =	simm.s32 @p1 $0x1;
	p1 =	seq.s32 s11, $0x3;
	[dreg:$0x7] =	wrdreg s30  }
0x13: {  	s17 =	sadd.s32 $0x7D0, s4;
	[dreg:$0x8] =	wrdreg s31;
	s0 =	simm.s32 @!p1 $0x0  }
0x14: {  	s18 =	sadd.s32 $0xFA0, s4;
	[smem:$0x7FC] =	sst s2;
	s0 =	simm.s32 @p1 $0x1  }
0x15: {  	v0 =	vimm.f32 $0.0e+00;
	vm0 =	vmxor vm0, vm0;
	s15 =	sadd.s32 s9, s29;
	s16 =	sadd.s32 s10, s29;
	[smem:$0x7FD] =	sst s0  }
.LBB2_42:
0x16: {  	s28 =	sadd.s32 $0x1, s28  }
0x17: {  	p1 =	sne.s32 s28, s20  }
.Ltmp1:
0x18: {  	_ = 	snop;
	(pc) =	sbr.rel @!p1 .LBB2_43-.Ltmp1, $4  }
0x19: {  	[hbm4b:s19+s1] =	stream.linear.scatter [tilespmem:s25], [sflag:$0x3], $0xC350, $0x38;
	[tilespmem:$0x1A700] =	vst v63  }
0x1a: {  	_ =	swait.ge [sflag:s21], $0xC350  }
0x1b: {  	[sflag:s21] =	ssyncset.done $0x0  }
0x1c: {  	[sflag:s21] =	ssyncadd.s32 $0xFFFF3CB0  }
.LBB2_1:
0x1d: {  	s0 =	sld [smem:$0x7FC];
	_ =	sdelay $0x2  }
0x1e: {  	p1 =	seq.s32 s0, $0x1  }
.Ltmp2:
0x1f: {  	_ = 	snop;
	(pc) =	sbr.rel @p1 .LBB2_3-.Ltmp2, $1  }
0x20: {  	_ =	sdelay $0x3  }
.Ltmp3:
0x21: {  	(pc) =	sbr.rel .LBB2_6-.Ltmp3, $4  }
0x22: {  	_ = 	snop  }
0x23: {  	p3 =	por @!p0 $0x1, $0x1;
	p1 =	por @!p0 $0x0, $0x0;
	p4 =	por $0x0, $0x0  }
0x24: {  	p5 =	por $0x0, $0x0;
	p6 =	por $0x0, $0x0;
	s0 =	rddreg [dreg:$0x3]  }
0x25: {  	p4 =	por @!p0 p1, p1;
	p5 =	por @!p0 p3, p3;
	p6 =	por @!p0 p1, p1  }
.LBB2_3:
0x26: {  	s0 =	sld [smem:$0x7FD];
	_ =	sdelay $0x2  }
0x27: {  	p1 =	seq.s32 s0, $0x1  }
.Ltmp4:
0x28: {  	_ = 	snop;
	(pc) =	sbr.rel @!p1 .LBB2_4-.Ltmp4, $1  }
0x29: {  	_ =	sdelay $0x3  }
.Ltmp5:
0x2a: {  	(pc) =	sbr.rel .LBB2_6-.Ltmp5, $3  }
0x2b: {  	_ =	sdelay $0x1  }
0x2c: {  	p5 =	por $0x0, $0x0  }
0x2d: {  	p4 =	por $0x1, $0x1;
	s0 =	rddreg [dreg:$0x5];
	p6 =	por $0x0, $0x0  }
.LBB2_4:
0x2e: {  	p6 =	por $0x1, $0x1  }
0x2f: {  	p4 =	por $0x0, $0x0;
	s0 =	rddreg [dreg:$0x4];
	p5 =	por $0x0, $0x0  }
.LBB2_6:
0x30: {  	[tilespmem:s1], [sflag:$0x3] =	stream.linear.gather [hbm4b:s0+s1], $0xC380, $0x38;
	[tilespmem:$0x1A700] =	vst v63  }
0x31: {  	_ =	swait.ge [sflag:s21], $0xC380  }
0x32: {  	[sflag:s21] =	ssyncset.done $0x0  }
0x33: {  	s0 =	simm.s32 $0xC3C0;
	[sflag:s21] =	ssyncadd.s32 $0xFFFF3C80  }
0x34: {  	[tilespmem:s0+$0xFFFFFFC0] =	vst v0  }
0x35: {  	[tilespmem:s0+$0x30] =	vst v0  }
0x36: {  	[tilespmem:s0+$0x20] =	vst v0  }
0x37: {  	[tilespmem:s0+$0x10] =	vst v0  }
0x38: {  	[tilespmem:s0+$0x0] =	vst v0  }
0x39: {  	[tilespmem:s0+$0xFFFFFFF0] =	vst v0  }
0x3a: {  	s2 =	simm.s32 $0x0;
	[tilespmem:s0+$0xFFFFFFE0] =	vst v0  }
.LBB2_7:
0x3b: {  	s2 =	sadd.s32 $0x8, s2;
	[tilespmem:s0+$0xFFFFFFD0] =	vst v0;
	s0 =	sadd.s32 $0x80, s0  }
0x3c: {  	[tilespmem:s0+$0xFFFFFFC0] =	vst v0;
	p1 =	slt.u32 s2, $0xC28  }
0x3d: {  	[tilespmem:s0+$0x30] =	vst v0  }
.Ltmp6:
0x3e: {  	[tilespmem:s0+$0x20] =	vst v0;
	(pc) =	sbr.rel @p1 .LBB2_7-.Ltmp6, $4  }
0x3f: {  	[tilespmem:s0+$0x10] =	vst v0  }
0x40: {  	[tilespmem:s0+$0x0] =	vst v0  }
0x41: {  	[tilespmem:s0+$0xFFFFFFF0] =	vst v0  }
0x42: {  	[tilespmem:s0+$0xFFFFFFE0] =	vst v0  }
0x43: {  	[tilespmem:s0+$0xFFFFFFD0] =	vst v0  }
0x44: {  	[tilespmem:$0x18680] =	vst v0  }
0x45: {  	[tilespmem:$0x18690] =	vst v0  }
0x46: {  	[tilespmem:$0x186A0] =	vst v0  }
0x47: {  	[tilespmem:$0x186B0] =	vst v0  }
0x48: {  	s22 =	rddreg [dreg:$0x6];
	s2 =	simm.s32 $0x18700;
	[tilespmem:$0x186C0] =	vst v0  }
0x49: {  	[tilespmem:s2], [sflag:$0x1] =	stream.linear.gather [hbm4b:s22+s1], $0x7D0, $0x38;
	[tilespmem:$0x1A700] =	vst v63  }
0x4a: {  	s29 =	simm.s32 @!p2 $0x0;
	s0 =	simm.s32 @!p2 $0x19700;
	s2 =	rddreg [dreg:$0x7]  }
0x4b: {  	[tilespmem:s0], [sflag:$0x1] =	stream.linear.gather @!p2 [hbm4b:s2+s29], $0x7D0, $0x38;
	[tilespmem:$0x1A700] =	vst v63  }
0x4c: {  	s30 =	simm.s32 @p5 $0x0;
	s0 =	simm.s32 @p5 $0x19700;
	s2 =	rddreg [dreg:$0x8]  }
0x4d: {  	[tilespmem:s0], [sflag:$0x1] =	stream.linear.gather @p5 [hbm4b:s2+s30], $0x7D0, $0x38;
	[tilespmem:$0x1A700] =	vst v63  }
.Ltmp7:
0x4e: {  	s31 =	simm.s32 @p6 $0x0;
	s0 =	simm.s32 @p6 $0x19700;
	(pc) =	sbr.rel .LBB2_9-.Ltmp7, $4  }
0x4f: {  	[tilespmem:s0], [sflag:$0x1] =	stream.linear.gather @p6 [hbm4b:s15+s31], $0x7D0, $0x38;
	[tilespmem:$0x1A700] =	vst v63  }
0x50: {  	s2 =	simm.s32 @p4 $0x19700;
	s0 =	simm.s32 @p4 $0x0  }
0x51: {  	[tilespmem:s2], [sflag:$0x1] =	stream.linear.gather @p4 [hbm4b:s16+s0], $0x7D0, $0x38;
	[tilespmem:$0x1A700] =	vst v63  }
0x52: {  	s4 =	simm.s32 $0x0;
	s2 =	simm.s32 $0x0  }
.LBB2_41:
0x53: {  	s4 =	sadd.s32 $0x1, s4  }
0x54: {  	p1 =	sne.s32 s4, $0x32  }
.Ltmp8:
0x55: {  	_ = 	snop;
	(pc) =	sbr.rel @!p1 .LBB2_42-.Ltmp8, $1  }
0x56: {  	_ =	sdelay $0x3  }
.LBB2_9:
0x57: {  	s5 =	smul.u32 $0xFA0, s4;
	_ =	sdelay $0x1  }
0x58: {  	s3 =	sadd.s32 s5, s17  }
0x59: {  	s3 =	sshrl.u32 s3, $0x3  }
0x5a: {  	s12 =	sadd.s32 s6, s3  }
0x5b: {  	[tilespmem:s23], [sflag:$0x2] =	stream.linear.gather [hbm4b:s12+s1], $0x7D0, $0x38;
	[tilespmem:$0x1A700] =	vst v63  }
0x5c: {  	s13 =	simm.s32 @!p2 $0x19F00;
	s12 =	sadd.s32 @!p2 s7, s3  }
0x5d: {  	[tilespmem:s13], [sflag:$0x2] =	stream.linear.gather @!p2 [hbm4b:s12+s29], $0x7D0, $0x38;
	[tilespmem:$0x1A700] =	vst v63  }
0x5e: {  	s12 =	sadd.s32 @p5 s8, s3;
	s13 =	simm.s32 @p5 $0x19F00  }
0x5f: {  	[tilespmem:s13], [sflag:$0x2] =	stream.linear.gather @p5 [hbm4b:s12+s30], $0x7D0, $0x38;
	[tilespmem:$0x1A700] =	vst v63  }
0x60: {  	s12 =	sadd.s32 @p6 s9, s3;
	s13 =	simm.s32 @p6 $0x19F00  }
0x61: {  	[tilespmem:s13], [sflag:$0x2] =	stream.linear.gather @p6 [hbm4b:s12+s31], $0x7D0, $0x38;
	[tilespmem:$0x1A700] =	vst v63  }
0x62: {  	s3 =	sadd.s32 @p4 s10, s3;
	s12 =	simm.s32 @p4 $0x19F00  }
0x63: {  	[tilespmem:s12], [sflag:$0x2] =	stream.linear.gather @p4 [hbm4b:s3+s0], $0x7D0, $0x38;
	[tilespmem:$0x1A700] =	vst v63  }
0x64: {  	_ =	swait.ge [sflag:s24], $0x7D0  }
0x65: {  	[sflag:s24] =	ssyncset.done $0x0  }
0x66: {  	[sflag:s24] =	ssyncadd.s32 $0xFFFFF830  }
0x67: {  	_ =	swait.ge [sflag:s24], $0x7D0  }
0x68: {  	[sflag:s24] =	ssyncset.done $0x0  }
0x69: {  	s22 =	simm.s32 $0x18740;
	[sflag:s24] =	ssyncadd.s32 $0xFFFFF830  }
0x6a: {  	v1 =	vld [tilespmem:s22+$0x30]  }
0x6b: {  	v2 =	vld [tilespmem:s22+$0xFFFFFFD0]  }
0x6c: {  	v3 =	vld [tilespmem:s22+$0xFFFFFFE0]  }
0x6d: {  	v4 =	vld [tilespmem:s22+$0xFFFFFFF0]  }
0x6e: {  	v6 =	vld [tilespmem:s22+$0x0]  }
0x6f: {  	v7 =	vld [tilespmem:s22+$0xFFFFFFC0]  }
0x70: {  	v9 =	vld [tilespmem:s22+$0x10]  }
0x71: {  	s3 =	simm.s32 $0x19740;
	v19 =	vld [tilespmem:s22+$0x20]  }
0x72: {  	v13 =	vld [tilespmem:s3+$0x30]  }
0x73: {  	v22 =	vld [tilespmem:s3+$0xFFFFFFD0]  }
0x74: {  	v23 =	vld [tilespmem:s3+$0xFFFFFFE0];
	v5 =	vand.u32 $0xFFFF, v1  }
0x75: {  	v24 =	vld [tilespmem:s3+$0xFFFFFFF0];
	v8 =	vshrl.u32 v1, $0x10;
	v1 =	vand.u32 $0xFFFF, v2  }
0x76: {  	v25 =	vld [tilespmem:s3+$0x0]  }
0x77: {  	v26 =	vld [tilespmem:s3+$0x10];
	v10 =	vand.u32 $0xFFFF, v3  }
0x78: {  	v27 =	vld [tilespmem:s3+$0x20];
	v12 =	vand.u32 $0xFFFF, v6  }
0x79: {  	v14 =	vand.u32 $0xFFFF, v7;
	v5 =	vld.idx.msk [tilespmem:v5+s2+$0x0], $0xffff  }
0x7a: {  	v17 =	vld.idx.msk [tilespmem:v1+s2+$0x0], $0xffff;
	v1 =	vand.u32 $0xFFFF, v19  }
0x7b: {  	v15 =	vld.idx.msk [tilespmem:v8+s25+$0x0], $0xffff  }
0x7c: {  	v11 =	vand.u32 $0xFFFF, v4;
	v10 =	vld.idx.msk [tilespmem:v10+s2+$0x0], $0xffff  }
0x7d: {  	v16 =	vand.u32 $0xFFFF, v9;
	v18 =	vld.idx.msk [tilespmem:v12+s2+$0x0], $0xffff  }
0x7e: {  	v7 =	vshrl.u32 v7, $0x10;
	v12 =	vld.idx.msk [tilespmem:v14+s2+$0x0], $0xffff  }
0x7f: {  	v21 =	vld.idx.msk [tilespmem:v1+s2+$0x0], $0xffff;
	v1 =	vshrl.u32 v2, $0x10  }
0x80: {  	v14 =	vld [tilespmem:s3+$0xFFFFFFC0];
	v5 =	vadd.f32 v13, v5;
	v2 =	vshrl.u32 v3, $0x10  }
0x81: {  	v11 =	vld.idx.msk [tilespmem:v11+s2+$0x0], $0xffff;
	v3 =	vshrl.u32 v4, $0x10  }
0x82: {  	v20 =	vld.idx.msk [tilespmem:v16+s2+$0x0], $0xffff;
	v4 =	vshrl.u32 v6, $0x10;
	vm1 =	vgt.f32 v5, v15  }
0x83: {  	v15 =	vld.idx.msk [tilespmem:v7+s25+$0x0], $0xffff  }
0x84: {  	v16 =	vld.idx.msk [tilespmem:v1+s25+$0x0], $0xffff  }
0x85: {  	v13 =	vadd.f32 v14, v12;
	v14 =	vadd.f32 v22, v17;
	v17 =	vld.idx.msk [tilespmem:v2+s25+$0x0], $0xffff  }
0x86: {  	v12 =	vadd.f32 v23, v10;
	v10 =	vadd.f32 v25, v18;
	v18 =	vld.idx.msk [tilespmem:v3+s25+$0x0], $0xffff  }
0x87: {  	v11 =	vadd.f32 v24, v11;
	v6 =	vshrl.u32 v19, $0x10;
	v19 =	vld.idx.msk [tilespmem:v4+s25+$0x0], $0xffff  }
0x88: {  	s13 =	simm.s32 $0x187C0;
	s12 =	simm.s32 $0x0;
	[tilespmem:v8+s25+$0x0] =	vst.idx.msk vm1, v5;
	v5 =	vshrl.u32 v9, $0x10;
	v8 =	vadd.f32 v26, v20;
	v9 =	vadd.f32 v27, v21  }
.LBB2_10:
0x89: {  	v20 =	vld [tilespmem:s13+$0x30];
	s12 =	sadd.s32 $0x8, s12  }
0x8a: {  	vm2 =	vgt.f32 v13, v15;
	v21 =	vld [tilespmem:s13+$0xFFFFFFD0];
	p3 =	slt.u32 s12, $0x70  }
0x8b: {  	vm3 =	vgt.f32 v14, v16;
	v15 =	vld [tilespmem:s13+$0xFFFFFFE0]  }
0x8c: {  	vm4 =	vgt.f32 v12, v17;
	v16 =	vld [tilespmem:s13+$0xFFFFFFF0]  }
0x8d: {  	vm5 =	vgt.f32 v11, v18;
	v17 =	vld [tilespmem:s13+$0x0]  }
0x8e: {  	vm1 =	vgt.f32 v10, v19;
	v18 =	vld [tilespmem:s13+$0x10];
	v22 =	vand.u32 $0xFFFF, v20  }
0x8f: {  	v19 =	vshrl.u32 v21, $0x10;
	v21 =	vand.u32 $0xFFFF, v21;
	v23 =	vld [tilespmem:s13+$0x20]  }
0x90: {  	v20 =	vshrl.u32 v20, $0x10;
	v24 =	vld [tilespmem:s13+$0xFFFFFFC0];
	v25 =	vshrl.u32 v15, $0x10;
	v15 =	vand.u32 $0xFFFF, v15;
	[tilespmem:v7+s25+$0x0] =	vst.idx.msk vm2, v13  }
0x91: {  	v7 =	vshrl.u32 v16, $0x10;
	v13 =	vand.u32 $0xFFFF, v16;
	[tilespmem:v1+s25+$0x0] =	vst.idx.msk vm3, v14;
	v14 =	vld.idx.msk [tilespmem:v5+s25+$0x0], $0xffff;
	v1 =	vmov v19  }
0x92: {  	s14 =	simm.s32 $0x0;
	v16 =	vshrl.u32 v17, $0x10;
	v17 =	vand.u32 $0xFFFF, v17;
	[tilespmem:v2+s25+$0x0] =	vst.idx.msk vm4, v12;
	v12 =	vld.idx.msk [tilespmem:v6+s25+$0x0], $0xffff;
	v2 =	vmov v25  }
0x93: {  	s3 =	sadd.s32 $0x80, s3;
	v19 =	vshrl.u32 v18, $0x10;
	v18 =	vand.u32 $0xFFFF, v18;
	v22 =	vld.idx.msk [tilespmem:v22+s14+$0x0], $0xffff;
	[tilespmem:v3+s25+$0x0] =	vst.idx.msk vm5, v11;
	v3 =	vmov v7  }
0x94: {  	v11 =	vshrl.u32 v23, $0x10;
	v23 =	vand.u32 $0xFFFF, v23;
	v25 =	vld [tilespmem:s3+$0x30];
	[tilespmem:v4+s25+$0x0] =	vst.idx.msk vm1, v10;
	v4 =	vmov v16  }
0x95: {  	v7 =	vshrl.u32 v24, $0x10;
	v10 =	vand.u32 $0xFFFF, v24;
	v16 =	vld.idx.msk [tilespmem:v20+s25+$0x0], $0xffff  }
0x96: {  	v21 =	vld.idx.msk [tilespmem:v21+s14+$0x0], $0xffff  }
0x97: {  	vm1 =	vgt.f32 v8, v14;
	v24 =	vld.idx.msk [tilespmem:v15+s14+$0x0], $0xffff  }
0x98: {  	vm2 =	vgt.f32 v9, v12;
	v26 =	vld.idx.msk [tilespmem:v13+s14+$0x0], $0xffff  }
0x99: {  	v27 =	vld.idx.msk [tilespmem:v17+s14+$0x0], $0xffff;
	v12 =	vadd.f32 v25, v22  }
0x9a: {  	v10 =	vld.idx.msk [tilespmem:v10+s14+$0x0], $0xffff  }
0x9b: {  	v22 =	vld.idx.msk [tilespmem:v18+s14+$0x0], $0xffff;
	vm3 =	vgt.f32 v12, v16  }
0x9c: {  	v23 =	vld.idx.msk [tilespmem:v23+s14+$0x0], $0xffff  }
0x9d: {  	v13 =	vld [tilespmem:s3+$0xFFFFFFC0];
	[tilespmem:v5+s25+$0x0] =	vst.idx.msk vm1, v8;
	v5 =	vmov v19  }
0x9e: {  	v8 =	vld [tilespmem:s3+$0xFFFFFFD0];
	[tilespmem:v6+s25+$0x0] =	vst.idx.msk vm2, v9;
	v6 =	vmov v11  }
0x9f: {  	v9 =	vld [tilespmem:s3+$0xFFFFFFE0]  }
0xa0: {  	v11 =	vld [tilespmem:s3+$0xFFFFFFF0]  }
0xa1: {  	v18 =	vld [tilespmem:s3+$0x0];
	[tilespmem:v20+s25+$0x0] =	vst.idx.msk vm3, v12  }
0xa2: {  	v13 =	vadd.f32 v13, v10;
	v19 =	vld [tilespmem:s3+$0x10]  }
0xa3: {  	v14 =	vadd.f32 v8, v21;
	v20 =	vld [tilespmem:s3+$0x20]  }
.Ltmp9:
0xa4: {  	v15 =	vld.idx.msk [tilespmem:v7+s25+$0x0], $0xffff;
	v12 =	vadd.f32 v9, v24;
	(pc) =	sbr.rel @p3 .LBB2_10-.Ltmp9, $4  }
0xa5: {  	v16 =	vld.idx.msk [tilespmem:v1+s25+$0x0], $0xffff;
	v11 =	vadd.f32 v11, v26  }
0xa6: {  	v17 =	vld.idx.msk [tilespmem:v2+s25+$0x0], $0xffff;
	v10 =	vadd.f32 v18, v27  }
0xa7: {  	v18 =	vld.idx.msk [tilespmem:v3+s25+$0x0], $0xffff;
	v8 =	vadd.f32 v19, v22  }
0xa8: {  	s13 =	sadd.s32 $0x80, s13;
	v19 =	vld.idx.msk [tilespmem:v4+s25+$0x0], $0xffff;
	v9 =	vadd.f32 v20, v23  }
0xa9: {  	_ =	sdelay $0x3  }
0xaa: {  	vm1 =	vgt.f32 v13, v15;
	v62 =	vld.idx.msk [tilespmem:v5+s25+$0x0], $0xffff  }
0xab: {  	v63 =	vld.idx.msk [tilespmem:v6+s25+$0x0], $0xffff;
	vm2 =	vgt.f32 v14, v16  }
0xac: {  	vm3 =	vgt.f32 v12, v17  }
0xad: {  	vm4 =	vgt.f32 v11, v18  }
0xae: {  	vm5 =	vgt.f32 v10, v19  }
0xaf: {  	vm6 =	vgt.f32 v8, v62  }
0xb0: {  	[tilespmem:v7+s25+$0x0] =	vst.idx.msk vm1, v13;
	vm1 =	vgt.f32 v9, v63  }
0xb1: {  	[tilespmem:v1+s25+$0x0] =	vst.idx.msk vm2, v14  }
0xb2: {  	[tilespmem:v2+s25+$0x0] =	vst.idx.msk vm3, v12  }
0xb3: {  	[tilespmem:v3+s25+$0x0] =	vst.idx.msk vm4, v11  }
0xb4: {  	[tilespmem:v4+s25+$0x0] =	vst.idx.msk vm5, v10  }
0xb5: {  	[tilespmem:v5+s25+$0x0] =	vst.idx.msk vm6, v8  }
0xb6: {  	[tilespmem:v6+s25+$0x0] =	vst.idx.msk vm1, v9  }
.LBB2_12:
0xb7: {  	s3 =	sshra.s32 s14, $0x2  }
0xb8: {  	v1 =	vld [tilespmem:s3+$0x18E80];
	_ =	sdelay $0x4  }
0xb9: {  	v2 =	vand.u32 $0xFFFF, v1;
	_ =	sdelay $0x1  }
0xba: {  	v1 =	vshrl.u32 v1, $0x10;
	_ =	sdelay $0x1  }
0xbb: {  	v3 =	vld [tilespmem:s3+$0x19E80]  }
0xbc: {  	v2 =	vld.idx.msk [tilespmem:v2+s1+$0x0], $0xffff;
	_ =	sdelay $0x1  }
0xbd: {  	v4 =	vld.idx.msk [tilespmem:v1+s25+$0x0], $0xffff;
	_ =	sdelay $0x2  }
0xbe: {  	v2 =	vadd.f32 v3, v2;
	_ =	sdelay $0x1  }
0xbf: {  	vm1 =	vgt.f32 v2, v4  }
0xc0: {  	p1 =	sne.s32 s14, $0x100  }
.Ltmp10:
0xc1: {  	_ = 	snop;
	(pc) =	sbr.rel @p1 .LBB2_12-.Ltmp10, $2  }
0xc2: {  	_ =	sdelay $0x2  }
0xc3: {  	s14 =	sadd.s32 $0x40, s14;
	[tilespmem:v1+s25+$0x0] =	vst.idx.msk vm1, v2  }
0xc4: {  	s12 =	simm.s32 $0x19740  }
0xc5: {  	v1 =	vld [tilespmem:s12+$0x30]  }
0xc6: {  	v3 =	vld [tilespmem:s12+$0x20]  }
0xc7: {  	v2 =	vld [tilespmem:s12+$0x10]  }
0xc8: {  	v4 =	vld [tilespmem:s12+$0x0]  }
0xc9: {  	v12 =	vld [tilespmem:s12+$0xFFFFFFF0]  }
0xca: {  	s3 =	simm.s32 $0x18740;
	v9 =	vld [tilespmem:s12+$0xFFFFFFE0]  }
0xcb: {  	v10 =	vld [tilespmem:s3+$0x10]  }
0xcc: {  	v11 =	vld [tilespmem:s3+$0x0]  }
0xcd: {  	v13 =	vld [tilespmem:s3+$0xFFFFFFF0]  }
0xce: {  	v8 =	vld [tilespmem:s3+$0xFFFFFFE0]  }
0xcf: {  	v6 =	vld [tilespmem:s3+$0xFFFFFFC0]  }
0xd0: {  	v7 =	vld [tilespmem:s3+$0xFFFFFFD0];
	v5 =	vshrl.u32 v10, $0x10  }
0xd1: {  	v15 =	vld [tilespmem:s12+$0xFFFFFFC0];
	v14 =	vshrl.u32 v11, $0x10  }
0xd2: {  	v16 =	vld [tilespmem:s12+$0xFFFFFFD0];
	v17 =	vshrl.u32 v13, $0x10  }
0xd3: {  	v19 =	vld [tilespmem:s3+$0x30];
	v18 =	vshrl.u32 v8, $0x10  }
0xd4: {  	v21 =	vld [tilespmem:s3+$0x20];
	v20 =	vshrl.u32 v6, $0x10  }
0xd5: {  	v22 =	vshrl.u32 v7, $0x10;
	v5 =	vld.idx.msk [tilespmem:v5+s25+$0x0], $0xffff  }
0xd6: {  	v23 =	vand.u32 $0xFFFF, v6;
	v6 =	vld.idx.msk [tilespmem:v14+s25+$0x0], $0xffff  }
0xd7: {  	v13 =	vand.u32 $0xFFFF, v13;
	v14 =	vand.u32 $0xFFFF, v7;
	v7 =	vld.idx.msk [tilespmem:v17+s25+$0x0], $0xffff  }
0xd8: {  	v17 =	vand.u32 $0xFFFF, v8;
	v8 =	vld.idx.msk [tilespmem:v18+s25+$0x0], $0xffff  }
0xd9: {  	v18 =	vld.idx.msk [tilespmem:v20+s25+$0x0], $0xffff  }
0xda: {  	s22 =	simm.s32 $0x0;
	v10 =	vand.u32 $0xFFFF, v10;
	v61 =	vld.idx.msk [tilespmem:v22+s25+$0x0], $0xffff  }
0xdb: {  	v11 =	vand.u32 $0xFFFF, v11;
	v62 =	vld.idx.msk [tilespmem:v23+s22+$0x0], $0xffff  }
0xdc: {  	v25 =	vand.u32 $0xFFFF, v19;
	v26 =	vld.idx.msk [tilespmem:v13+s22+$0x0], $0xffff  }
0xdd: {  	v24 =	vand.u32 $0xFFFF, v21;
	v63 =	vld.idx.msk [tilespmem:v14+s22+$0x0], $0xffff  }
0xde: {  	v21 =	vshrl.u32 v21, $0x10;
	v17 =	vld.idx.msk [tilespmem:v17+s22+$0x0], $0xffff  }
0xdf: {  	v19 =	vshrl.u32 v19, $0x10;
	v13 =	vld.idx.msk [tilespmem:v10+s22+$0x0], $0xffff  }
0xe0: {  	v14 =	vld.idx.msk [tilespmem:v11+s22+$0x0], $0xffff  }
0xe1: {  	v10 =	vld.idx.msk [tilespmem:v25+s22+$0x0], $0xffff  }
0xe2: {  	v11 =	vld.idx.msk [tilespmem:v24+s22+$0x0], $0xffff;
	v22 =	vadd.f32 v15, v62;
	v16 =	vadd.f32 v16, v63  }
0xe3: {  	vm1 =	vmmov vm0;
	v15 =	vadd.f32 v9, v17;
	v9 =	vld.idx.msk [tilespmem:v21+s25+$0x0], $0xffff  }
0xe4: {  	s13 =	simm.s32 $0x197C0;
	s12 =	simm.s32 $0x0;
	vm2 =	vgt.f32 v22, v18;
	vm3 =	vgt.f32 v16, v61;
	v16 =	vadd.f32 v12, v26;
	v12 =	vld.idx.msk [tilespmem:v19+s25+$0x0], $0xffff  }
.LBB2_14:
0xe5: {  	v17 =	vld [tilespmem:s13+$0x30];
	vm2 =	vmor vm2, vm3;
	vm3 =	vgt.f32 v15, v8;
	v4 =	vadd.f32 v4, v14  }
0xe6: {  	v8 =	vld [tilespmem:s13+$0x20];
	vm2 =	vmor vm2, vm3;
	vm3 =	vgt.f32 v16, v7;
	v7 =	vadd.f32 v2, v13  }
0xe7: {  	v3 =	vadd.f32 v3, v11;
	v2 =	vld [tilespmem:s13+$0x10];
	vm2 =	vmor vm2, vm3;
	vm3 =	vgt.f32 v4, v6  }
0xe8: {  	v4 =	vld [tilespmem:s13+$0x0];
	vm2 =	vmor vm2, vm3;
	vm3 =	vgt.f32 v7, v5;
	v5 =	vadd.f32 v1, v10  }
0xe9: {  	v16 =	vld [tilespmem:s13+$0xFFFFFFF0];
	vm2 =	vmor vm2, vm3;
	vm3 =	vgt.f32 v3, v9  }
0xea: {  	s3 =	sadd.s32 $0x80, s3;
	v9 =	vld [tilespmem:s13+$0xFFFFFFE0];
	vm2 =	vmor vm2, vm3;
	vm3 =	vgt.f32 v5, v12;
	v1 =	vmov v17  }
0xeb: {  	v10 =	vld [tilespmem:s3+$0x10];
	vm2 =	vmor vm2, vm3;
	v3 =	vmov v8  }
0xec: {  	v11 =	vld [tilespmem:s3+$0x0];
	vm1 =	vmor vm1, vm2  }
0xed: {  	v12 =	vld [tilespmem:s3+$0xFFFFFFF0]  }
0xee: {  	v8 =	vld [tilespmem:s3+$0xFFFFFFE0]  }
0xef: {  	v6 =	vld [tilespmem:s3+$0xFFFFFFC0]  }
0xf0: {  	v7 =	vld [tilespmem:s3+$0xFFFFFFD0];
	v5 =	vshrl.u32 v10, $0x10  }
0xf1: {  	v15 =	vld [tilespmem:s13+$0xFFFFFFC0];
	v13 =	vshrl.u32 v11, $0x10  }
0xf2: {  	s12 =	sadd.s32 $0x8, s12;
	v17 =	vld [tilespmem:s13+$0xFFFFFFD0];
	v14 =	vshrl.u32 v12, $0x10  }
0xf3: {  	p3 =	slt.u32 s12, $0x70;
	v18 =	vshrl.u32 v8, $0x10;
	v19 =	vld [tilespmem:s3+$0x30]  }
0xf4: {  	v20 =	vshrl.u32 v6, $0x10;
	v21 =	vld [tilespmem:s3+$0x20]  }
0xf5: {  	v22 =	vshrl.u32 v7, $0x10;
	v5 =	vld.idx.msk [tilespmem:v5+s25+$0x0], $0xffff  }
0xf6: {  	v23 =	vand.u32 $0xFFFF, v6;
	v6 =	vld.idx.msk [tilespmem:v13+s25+$0x0], $0xffff  }
0xf7: {  	v13 =	vand.u32 $0xFFFF, v7;
	v7 =	vld.idx.msk [tilespmem:v14+s25+$0x0], $0xffff  }
0xf8: {  	v14 =	vand.u32 $0xFFFF, v8;
	v8 =	vld.idx.msk [tilespmem:v18+s25+$0x0], $0xffff  }
0xf9: {  	v12 =	vand.u32 $0xFFFF, v12;
	v18 =	vld.idx.msk [tilespmem:v20+s25+$0x0], $0xffff  }
0xfa: {  	v11 =	vand.u32 $0xFFFF, v11;
	v20 =	vld.idx.msk [tilespmem:v22+s25+$0x0], $0xffff  }
0xfb: {  	v10 =	vand.u32 $0xFFFF, v10;
	v22 =	vld.idx.msk [tilespmem:v23+s22+$0x0], $0xffff  }
0xfc: {  	v24 =	vand.u32 $0xFFFF, v21;
	v23 =	vld.idx.msk [tilespmem:v13+s22+$0x0], $0xffff  }
0xfd: {  	v26 =	vand.u32 $0xFFFF, v19;
	v25 =	vld.idx.msk [tilespmem:v14+s22+$0x0], $0xffff  }
0xfe: {  	v21 =	vshrl.u32 v21, $0x10;
	v12 =	vld.idx.msk [tilespmem:v12+s22+$0x0], $0xffff  }
0xff: {  	v19 =	vshrl.u32 v19, $0x10;
	v14 =	vld.idx.msk [tilespmem:v11+s22+$0x0], $0xffff  }
.Ltmp11:
0x100: {  	v13 =	vld.idx.msk [tilespmem:v10+s22+$0x0], $0xffff;
	(pc) =	sbr.rel @p3 .LBB2_14-.Ltmp11, $4  }
0x101: {  	v11 =	vld.idx.msk [tilespmem:v24+s22+$0x0], $0xffff  }
0x102: {  	v22 =	vadd.f32 v15, v22;
	v17 =	vadd.f32 v17, v23;
	v10 =	vld.idx.msk [tilespmem:v26+s22+$0x0], $0xffff  }
0x103: {  	v15 =	vadd.f32 v9, v25;
	v9 =	vld.idx.msk [tilespmem:v21+s25+$0x0], $0xffff  }
0x104: {  	s13 =	sadd.s32 $0x80, s13;
	vm2 =	vgt.f32 v22, v18;
	vm3 =	vgt.f32 v17, v20;
	v16 =	vadd.f32 v16, v12;
	v12 =	vld.idx.msk [tilespmem:v19+s25+$0x0], $0xffff  }
0x105: {  	vm2 =	vmor vm2, vm3;
	vm3 =	vgt.f32 v15, v8;
	v4 =	vadd.f32 v4, v14  }
0x106: {  	v2 =	vadd.f32 v2, v13;
	vm2 =	vmor vm2, vm3;
	vm3 =	vgt.f32 v16, v7  }
0x107: {  	v3 =	vadd.f32 v3, v11;
	vm2 =	vmor vm2, vm3;
	vm3 =	vgt.f32 v4, v6  }
0x108: {  	v1 =	vadd.f32 v1, v10;
	vm2 =	vmor vm2, vm3;
	vm3 =	vgt.f32 v2, v5  }
0x109: {  	vm2 =	vmor vm2, vm3;
	vm3 =	vgt.f32 v3, v9  }
0x10a: {  	vm2 =	vmor vm2, vm3;
	vm3 =	vgt.f32 v1, v12  }
0x10b: {  	vm2 =	vmor vm2, vm3  }
0x10c: {  	vm1 =	vmor vm1, vm2  }
.LBB2_16:
0x10d: {  	s3 =	sshra.s32 s22, $0x2  }
0x10e: {  	v1 =	vld [tilespmem:s3+$0x18E80];
	_ =	sdelay $0x4  }
0x10f: {  	v2 =	vand.u32 $0xFFFF, v1;
	_ =	sdelay $0x1  }
0x110: {  	v1 =	vshrl.u32 v1, $0x10;
	_ =	sdelay $0x1  }
0x111: {  	v3 =	vld [tilespmem:s3+$0x19E80]  }
0x112: {  	v2 =	vld.idx.msk [tilespmem:v2+s1+$0x0], $0xffff;
	_ =	sdelay $0x1  }
0x113: {  	v1 =	vld.idx.msk [tilespmem:v1+s25+$0x0], $0xffff  }
0x114: {  	p1 =	sne.s32 s22, $0x100  }
.Ltmp12:
0x115: {  	_ = 	snop;
	(pc) =	sbr.rel @p1 .LBB2_16-.Ltmp12, $3  }
0x116: {  	v2 =	vadd.f32 v3, v2;
	_ =	sdelay $0x1  }
0x117: {  	vm2 =	vgt.f32 v2, v1  }
0x118: {  	s22 =	sadd.s32 $0x40, s22;
	vm1 =	vmor vm1, vm2  }
0x119: {  	v1 =	vsel vm1, $0x3F800000, v0  }
0x11a: {  	(xrf0) =	vmax.scan.msk.f32 $0xffff, v1;
	_ =	sdelay $0x5  }
0x11b: {  	v1, _, _ =	vpop (xrf0)  }
0x11c: {  	(v2sf) =	vpush v1, $0xF;
	_ =	sdelay $0xe  }
0x11d: {  	s3 =	spop (v2sf)  }
0x11e: {  	p1 =	sgt.f32 s3, $0.0e+00  }
.Ltmp13:
0x11f: {  	_ = 	snop;
	(pc) =	sbr.rel @!p1 .LBB2_25-.Ltmp13, $2  }
0x120: {  	_ =	sdelay $0x2  }
0x121: {  	s22 =	simm.s32 $0x0;
	s3 =	simm.s32 $0x0  }
.LBB2_18:
0x122: {  	s12 =	sshll.u32 s3, $0x4  }
0x123: {  	v1 =	vld [tilespmem:s12+$0x18700]  }
0x124: {  	v2 =	vld [tilespmem:s12+$0x18710]  }
0x125: {  	v4 =	vld [tilespmem:s12+$0x18720]  }
0x126: {  	v6 =	vld [tilespmem:s12+$0x19700]  }
0x127: {  	v7 =	vld [tilespmem:s12+$0x18730]  }
0x128: {  	v10 =	vld [tilespmem:s12+$0x19710]  }
0x129: {  	v13 =	vld [tilespmem:s12+$0x18740]  }
0x12a: {  	v14 =	vld [tilespmem:s12+$0x19720]  }
0x12b: {  	v15 =	vld [tilespmem:s12+$0x18750]  }
0x12c: {  	v18 =	vld [tilespmem:s12+$0x18760]  }
0x12d: {  	v19 =	vld [tilespmem:s12+$0x19730]  }
0x12e: {  	v21 =	vld [tilespmem:s12+$0x18770];
	v3 =	vand.u32 $0xFFFF, v1  }
0x12f: {  	v23 =	vld [tilespmem:s12+$0x19740];
	v1 =	vshrl.u32 v1, $0x10  }
0x130: {  	v27 =	vld [tilespmem:s12+$0x19750];
	v5 =	vand.u32 $0xFFFF, v2  }
0x131: {  	v55 =	vld [tilespmem:s12+$0x19760];
	v2 =	vshrl.u32 v2, $0x10  }
0x132: {  	v58 =	vld [tilespmem:s12+$0x19770];
	v9 =	vand.u32 $0xFFFF, v4  }
0x133: {  	v4 =	vshrl.u32 v4, $0x10;
	v3 =	vld.idx.msk [tilespmem:v3+s22+$0x0], $0xffff  }
0x134: {  	v12 =	vand.u32 $0xFFFF, v7;
	v8 =	vld.idx.msk [tilespmem:v1+s25+$0x0], $0xffff  }
0x135: {  	v7 =	vshrl.u32 v7, $0x10;
	v5 =	vld.idx.msk [tilespmem:v5+s22+$0x0], $0xffff  }
0x136: {  	v17 =	vand.u32 $0xFFFF, v13;
	v11 =	vld.idx.msk [tilespmem:v2+s25+$0x0], $0xffff  }
0x137: {  	v13 =	vshrl.u32 v13, $0x10;
	v9 =	vld.idx.msk [tilespmem:v9+s22+$0x0], $0xffff  }
0x138: {  	v20 =	vand.u32 $0xFFFF, v15;
	v16 =	vld.idx.msk [tilespmem:v4+s25+$0x0], $0xffff  }
0x139: {  	v15 =	vshrl.u32 v15, $0x10;
	v12 =	vld.idx.msk [tilespmem:v12+s22+$0x0], $0xffff  }
0x13a: {  	v24 =	vand.u32 $0xFFFF, v18;
	v22 =	vld.idx.msk [tilespmem:v7+s25+$0x0], $0xffff  }
0x13b: {  	v26 =	vand.u32 $0xFFFF, v21;
	v17 =	vld.idx.msk [tilespmem:v17+s22+$0x0], $0xffff  }
0x13c: {  	v18 =	vshrl.u32 v18, $0x10;
	v25 =	vld.idx.msk [tilespmem:v13+s25+$0x0], $0xffff  }
0x13d: {  	v21 =	vshrl.u32 v21, $0x10;
	v20 =	vld.idx.msk [tilespmem:v20+s22+$0x0], $0xffff  }
0x13e: {  	v28 =	vld.idx.msk [tilespmem:v15+s25+$0x0], $0xffff;
	v3 =	vadd.f32 v6, v3  }
0x13f: {  	v24 =	vld.idx.msk [tilespmem:v24+s22+$0x0], $0xffff;
	v5 =	vadd.f32 v10, v5  }
0x140: {  	v56 =	vld.idx.msk [tilespmem:v26+s22+$0x0], $0xffff;
	v57 =	vadd.f32 v14, v9;
	vm1 =	vgt.f32 v3, v8  }
0x141: {  	v60 =	vld.idx.msk [tilespmem:v18+s25+$0x0], $0xffff;
	v59 =	vadd.f32 v19, v12;
	vm2 =	vgt.f32 v5, v11  }
0x142: {  	v62 =	vld.idx.msk [tilespmem:v21+s25+$0x0], $0xffff;
	v61 =	vadd.f32 v23, v17;
	vm3 =	vgt.f32 v57, v16  }
0x143: {  	v63 =	vadd.f32 v27, v20;
	vm4 =	vgt.f32 v59, v22  }
0x144: {  	v6 =	vadd.f32 v55, v24;
	vm5 =	vgt.f32 v61, v25  }
0x145: {  	v9 =	vadd.f32 v58, v56;
	vm6 =	vgt.f32 v63, v28  }
0x146: {  	[tilespmem:v1+s25+$0x0] =	vst.idx.msk vm1, v3;
	vm1 =	vgt.f32 v6, v60  }
0x147: {  	[tilespmem:v2+s25+$0x0] =	vst.idx.msk vm2, v5;
	vm2 =	vgt.f32 v9, v62  }
0x148: {  	p1 =	slt.u32 s3, $0x70;
	[tilespmem:v4+s25+$0x0] =	vst.idx.msk vm3, v57  }
.Ltmp14:
0x149: {  	[tilespmem:v7+s25+$0x0] =	vst.idx.msk vm4, v59;
	(pc) =	sbr.rel @p1 .LBB2_18-.Ltmp14, $4  }
0x14a: {  	[tilespmem:v13+s25+$0x0] =	vst.idx.msk vm5, v61  }
0x14b: {  	[tilespmem:v15+s25+$0x0] =	vst.idx.msk vm6, v63  }
0x14c: {  	s14 =	sadd.s32 $0x8, s3;
	[tilespmem:v18+s25+$0x0] =	vst.idx.msk vm1, v6  }
0x14d: {  	s3 =	smov.u32 s14;
	s12 =	simm.s32 $0x0;
	[tilespmem:v21+s25+$0x0] =	vst.idx.msk vm2, v9  }
.LBB2_19:
0x14e: {  	s3 =	sshra.s32 s12, $0x2  }
0x14f: {  	v1 =	vld [tilespmem:s3+$0x18E80];
	_ =	sdelay $0x4  }
0x150: {  	v2 =	vand.u32 $0xFFFF, v1;
	_ =	sdelay $0x1  }
0x151: {  	v1 =	vshrl.u32 v1, $0x10;
	_ =	sdelay $0x1  }
0x152: {  	v3 =	vld [tilespmem:s3+$0x19E80]  }
0x153: {  	v2 =	vld.idx.msk [tilespmem:v2+s1+$0x0], $0xffff;
	_ =	sdelay $0x1  }
0x154: {  	v4 =	vld.idx.msk [tilespmem:v1+s25+$0x0], $0xffff;
	_ =	sdelay $0x2  }
0x155: {  	v2 =	vadd.f32 v3, v2;
	_ =	sdelay $0x1  }
0x156: {  	vm1 =	vgt.f32 v2, v4  }
0x157: {  	p1 =	sne.s32 s12, $0x100  }
.Ltmp15:
0x158: {  	_ = 	snop;
	(pc) =	sbr.rel @p1 .LBB2_19-.Ltmp15, $2  }
0x159: {  	_ =	sdelay $0x2  }
0x15a: {  	s12 =	sadd.s32 $0x40, s12;
	[tilespmem:v1+s25+$0x0] =	vst.idx.msk vm1, v2  }
0x15b: {  	s3 =	simm.s32 $0x19740  }
0x15c: {  	v1 =	vld [tilespmem:s3+$0x30]  }
0x15d: {  	v3 =	vld [tilespmem:s3+$0x20]  }
0x15e: {  	v2 =	vld [tilespmem:s3+$0x10]  }
0x15f: {  	v4 =	vld [tilespmem:s3+$0x0]  }
0x160: {  	v12 =	vld [tilespmem:s3+$0xFFFFFFF0]  }
0x161: {  	s12 =	simm.s32 $0x18740;
	v9 =	vld [tilespmem:s3+$0xFFFFFFE0]  }
0x162: {  	v10 =	vld [tilespmem:s12+$0x10]  }
0x163: {  	v11 =	vld [tilespmem:s12+$0x0]  }
0x164: {  	v13 =	vld [tilespmem:s12+$0xFFFFFFF0]  }
0x165: {  	v8 =	vld [tilespmem:s12+$0xFFFFFFE0]  }
0x166: {  	v6 =	vld [tilespmem:s12+$0xFFFFFFC0]  }
0x167: {  	v7 =	vld [tilespmem:s12+$0xFFFFFFD0];
	v5 =	vshrl.u32 v10, $0x10  }
0x168: {  	v15 =	vld [tilespmem:s3+$0xFFFFFFC0];
	v14 =	vshrl.u32 v11, $0x10  }
0x169: {  	v16 =	vld [tilespmem:s3+$0xFFFFFFD0];
	v17 =	vshrl.u32 v13, $0x10  }
0x16a: {  	v19 =	vld [tilespmem:s12+$0x30];
	v18 =	vshrl.u32 v8, $0x10  }
0x16b: {  	v21 =	vld [tilespmem:s12+$0x20];
	v20 =	vshrl.u32 v6, $0x10  }
0x16c: {  	v22 =	vshrl.u32 v7, $0x10;
	v5 =	vld.idx.msk [tilespmem:v5+s25+$0x0], $0xffff  }
0x16d: {  	v23 =	vand.u32 $0xFFFF, v6;
	v6 =	vld.idx.msk [tilespmem:v14+s25+$0x0], $0xffff  }
0x16e: {  	v13 =	vand.u32 $0xFFFF, v13;
	v14 =	vand.u32 $0xFFFF, v7;
	v7 =	vld.idx.msk [tilespmem:v17+s25+$0x0], $0xffff  }
0x16f: {  	v17 =	vand.u32 $0xFFFF, v8;
	v8 =	vld.idx.msk [tilespmem:v18+s25+$0x0], $0xffff  }
0x170: {  	v18 =	vld.idx.msk [tilespmem:v20+s25+$0x0], $0xffff  }
0x171: {  	s3 =	simm.s32 $0x0;
	v10 =	vand.u32 $0xFFFF, v10;
	v61 =	vld.idx.msk [tilespmem:v22+s25+$0x0], $0xffff  }
0x172: {  	v11 =	vand.u32 $0xFFFF, v11;
	v62 =	vld.idx.msk [tilespmem:v23+s3+$0x0], $0xffff  }
0x173: {  	v25 =	vand.u32 $0xFFFF, v19;
	v26 =	vld.idx.msk [tilespmem:v13+s3+$0x0], $0xffff  }
0x174: {  	v24 =	vand.u32 $0xFFFF, v21;
	v63 =	vld.idx.msk [tilespmem:v14+s3+$0x0], $0xffff  }
0x175: {  	v21 =	vshrl.u32 v21, $0x10;
	v17 =	vld.idx.msk [tilespmem:v17+s3+$0x0], $0xffff  }
0x176: {  	v19 =	vshrl.u32 v19, $0x10;
	v13 =	vld.idx.msk [tilespmem:v10+s3+$0x0], $0xffff  }
0x177: {  	v14 =	vld.idx.msk [tilespmem:v11+s3+$0x0], $0xffff  }
0x178: {  	v10 =	vld.idx.msk [tilespmem:v25+s3+$0x0], $0xffff  }
0x179: {  	v11 =	vld.idx.msk [tilespmem:v24+s3+$0x0], $0xffff;
	v22 =	vadd.f32 v15, v62;
	v16 =	vadd.f32 v16, v63  }
0x17a: {  	vm1 =	vmmov vm0;
	v15 =	vadd.f32 v9, v17;
	v9 =	vld.idx.msk [tilespmem:v21+s25+$0x0], $0xffff  }
0x17b: {  	s13 =	simm.s32 $0x0;
	s14 =	simm.s32 $0x197C0;
	vm2 =	vgt.f32 v22, v18;
	vm3 =	vgt.f32 v16, v61;
	v16 =	vadd.f32 v12, v26;
	v12 =	vld.idx.msk [tilespmem:v19+s25+$0x0], $0xffff  }
.LBB2_21:
0x17c: {  	v17 =	vld [tilespmem:s14+$0x30];
	vm2 =	vmor vm2, vm3;
	vm3 =	vgt.f32 v15, v8;
	v4 =	vadd.f32 v4, v14  }
0x17d: {  	v8 =	vld [tilespmem:s14+$0x20];
	vm2 =	vmor vm2, vm3;
	vm3 =	vgt.f32 v16, v7;
	v7 =	vadd.f32 v2, v13  }
0x17e: {  	v3 =	vadd.f32 v3, v11;
	v2 =	vld [tilespmem:s14+$0x10];
	vm2 =	vmor vm2, vm3;
	vm3 =	vgt.f32 v4, v6  }
0x17f: {  	v4 =	vld [tilespmem:s14+$0x0];
	vm2 =	vmor vm2, vm3;
	vm3 =	vgt.f32 v7, v5;
	v5 =	vadd.f32 v1, v10  }
0x180: {  	v16 =	vld [tilespmem:s14+$0xFFFFFFF0];
	vm2 =	vmor vm2, vm3;
	vm3 =	vgt.f32 v3, v9  }
0x181: {  	s12 =	sadd.s32 $0x80, s12;
	v9 =	vld [tilespmem:s14+$0xFFFFFFE0];
	vm2 =	vmor vm2, vm3;
	vm3 =	vgt.f32 v5, v12;
	v1 =	vmov v17  }
0x182: {  	v10 =	vld [tilespmem:s12+$0x10];
	vm2 =	vmor vm2, vm3;
	v3 =	vmov v8  }
0x183: {  	v11 =	vld [tilespmem:s12+$0x0];
	vm1 =	vmor vm1, vm2  }
0x184: {  	v12 =	vld [tilespmem:s12+$0xFFFFFFF0]  }
0x185: {  	v8 =	vld [tilespmem:s12+$0xFFFFFFE0]  }
0x186: {  	v6 =	vld [tilespmem:s12+$0xFFFFFFC0]  }
0x187: {  	v7 =	vld [tilespmem:s12+$0xFFFFFFD0];
	v5 =	vshrl.u32 v10, $0x10  }
0x188: {  	v15 =	vld [tilespmem:s14+$0xFFFFFFC0];
	v13 =	vshrl.u32 v11, $0x10  }
0x189: {  	s13 =	sadd.s32 $0x8, s13;
	v17 =	vld [tilespmem:s14+$0xFFFFFFD0];
	v14 =	vshrl.u32 v12, $0x10  }
0x18a: {  	p3 =	slt.u32 s13, $0x70;
	v18 =	vshrl.u32 v8, $0x10;
	v19 =	vld [tilespmem:s12+$0x30]  }
0x18b: {  	v20 =	vshrl.u32 v6, $0x10;
	v21 =	vld [tilespmem:s12+$0x20]  }
0x18c: {  	v22 =	vshrl.u32 v7, $0x10;
	v5 =	vld.idx.msk [tilespmem:v5+s25+$0x0], $0xffff  }
0x18d: {  	v23 =	vand.u32 $0xFFFF, v6;
	v6 =	vld.idx.msk [tilespmem:v13+s25+$0x0], $0xffff  }
0x18e: {  	v13 =	vand.u32 $0xFFFF, v7;
	v7 =	vld.idx.msk [tilespmem:v14+s25+$0x0], $0xffff  }
0x18f: {  	v14 =	vand.u32 $0xFFFF, v8;
	v8 =	vld.idx.msk [tilespmem:v18+s25+$0x0], $0xffff  }
0x190: {  	v12 =	vand.u32 $0xFFFF, v12;
	v18 =	vld.idx.msk [tilespmem:v20+s25+$0x0], $0xffff  }
0x191: {  	v11 =	vand.u32 $0xFFFF, v11;
	v20 =	vld.idx.msk [tilespmem:v22+s25+$0x0], $0xffff  }
0x192: {  	v10 =	vand.u32 $0xFFFF, v10;
	v22 =	vld.idx.msk [tilespmem:v23+s3+$0x0], $0xffff  }
0x193: {  	v24 =	vand.u32 $0xFFFF, v21;
	v23 =	vld.idx.msk [tilespmem:v13+s3+$0x0], $0xffff  }
0x194: {  	v26 =	vand.u32 $0xFFFF, v19;
	v25 =	vld.idx.msk [tilespmem:v14+s3+$0x0], $0xffff  }
0x195: {  	v21 =	vshrl.u32 v21, $0x10;
	v12 =	vld.idx.msk [tilespmem:v12+s3+$0x0], $0xffff  }
0x196: {  	v19 =	vshrl.u32 v19, $0x10;
	v14 =	vld.idx.msk [tilespmem:v11+s3+$0x0], $0xffff  }
.Ltmp16:
0x197: {  	v13 =	vld.idx.msk [tilespmem:v10+s3+$0x0], $0xffff;
	(pc) =	sbr.rel @p3 .LBB2_21-.Ltmp16, $4  }
0x198: {  	v11 =	vld.idx.msk [tilespmem:v24+s3+$0x0], $0xffff  }
0x199: {  	v22 =	vadd.f32 v15, v22;
	v17 =	vadd.f32 v17, v23;
	v10 =	vld.idx.msk [tilespmem:v26+s3+$0x0], $0xffff  }
0x19a: {  	v15 =	vadd.f32 v9, v25;
	v9 =	vld.idx.msk [tilespmem:v21+s25+$0x0], $0xffff  }
0x19b: {  	s14 =	sadd.s32 $0x80, s14;
	vm2 =	vgt.f32 v22, v18;
	vm3 =	vgt.f32 v17, v20;
	v16 =	vadd.f32 v16, v12;
	v12 =	vld.idx.msk [tilespmem:v19+s25+$0x0], $0xffff  }
0x19c: {  	vm2 =	vmor vm2, vm3;
	vm3 =	vgt.f32 v15, v8;
	v4 =	vadd.f32 v4, v14  }
0x19d: {  	v2 =	vadd.f32 v2, v13;
	vm2 =	vmor vm2, vm3;
	vm3 =	vgt.f32 v16, v7  }
0x19e: {  	v3 =	vadd.f32 v3, v11;
	vm2 =	vmor vm2, vm3;
	vm3 =	vgt.f32 v4, v6  }
0x19f: {  	v1 =	vadd.f32 v1, v10;
	vm2 =	vmor vm2, vm3;
	vm3 =	vgt.f32 v2, v5  }
0x1a0: {  	vm2 =	vmor vm2, vm3;
	vm3 =	vgt.f32 v3, v9  }
0x1a1: {  	vm2 =	vmor vm2, vm3;
	vm3 =	vgt.f32 v1, v12  }
0x1a2: {  	vm2 =	vmor vm2, vm3  }
0x1a3: {  	vm1 =	vmor vm1, vm2  }
.LBB2_23:
0x1a4: {  	s12 =	sshra.s32 s3, $0x2  }
0x1a5: {  	v1 =	vld [tilespmem:s12+$0x18E80];
	_ =	sdelay $0x4  }
0x1a6: {  	v2 =	vand.u32 $0xFFFF, v1;
	_ =	sdelay $0x1  }
0x1a7: {  	v1 =	vshrl.u32 v1, $0x10;
	_ =	sdelay $0x1  }
0x1a8: {  	v3 =	vld [tilespmem:s12+$0x19E80]  }
0x1a9: {  	v2 =	vld.idx.msk [tilespmem:v2+s1+$0x0], $0xffff;
	_ =	sdelay $0x1  }
0x1aa: {  	v1 =	vld.idx.msk [tilespmem:v1+s25+$0x0], $0xffff  }
0x1ab: {  	p1 =	sne.s32 s3, $0x100  }
.Ltmp17:
0x1ac: {  	_ = 	snop;
	(pc) =	sbr.rel @p1 .LBB2_23-.Ltmp17, $3  }
0x1ad: {  	v2 =	vadd.f32 v3, v2;
	_ =	sdelay $0x1  }
0x1ae: {  	vm2 =	vgt.f32 v2, v1  }
0x1af: {  	s3 =	sadd.s32 $0x40, s3;
	vm1 =	vmor vm1, vm2  }
0x1b0: {  	v1 =	vsel vm1, $0x3F800000, v0  }
0x1b1: {  	(xrf0) =	vmax.scan.msk.f32 $0xffff, v1;
	_ =	sdelay $0x5  }
0x1b2: {  	v1, _, _ =	vpop (xrf0)  }
0x1b3: {  	(v2sf) =	vpush v1, $0xF;
	_ =	sdelay $0xe  }
0x1b4: {  	s3 =	spop (v2sf)  }
0x1b5: {  	p1 =	sgt.f32 s3, $0.0e+00  }
.Ltmp18:
0x1b6: {  	_ = 	snop;
	(pc) =	sbr.rel @p1 .LBB2_18-.Ltmp18, $2  }
0x1b7: {  	_ =	sdelay $0x2  }
0x1b8: {  	s3 =	simm.s32 $0x0  }
.LBB2_25:
0x1b9: {  	p3 =	seq.s32 s4, $0x31  }
0x1ba: {  	s3 =	sadd.s32 @!p3 s5, s18  }
0x1bb: {  	p1 =	sne.s32 @!p3 s11, $0x0;
	s12 =	simm.s32 @!p3 $0x0;
	s3 =	sshrl.u32 @!p3 s3, $0x3  }
0x1bc: {  	s13 =	simm.s32 @!p3 $0x18700;
	p1 =	por p1, p3;
	s5 =	sadd.s32 @!p3 s6, s3  }
0x1bd: {  	[tilespmem:s13], [sflag:$0x1] =	stream.linear.gather @!p3 [hbm4b:s5+s12], $0x7D0, $0x38;
	[tilespmem:$0x1A700] =	vst v63  }
0x1be: {  	s5 =	sadd.s32 @!p1 s7, s3;
	s12 =	simm.s32 @!p1 $0x0;
	s13 =	simm.s32 @!p1 $0x19700  }
0x1bf: {  	[tilespmem:s13], [sflag:$0x1] =	stream.linear.gather @!p1 [hbm4b:s5+s12], $0x7D0, $0x38;
	[tilespmem:$0x1A700] =	vst v63  }
0x1c0: {  	p1 =	por !p5, p3  }
0x1c1: {  	s5 =	sadd.s32 @!p1 s8, s3;
	s12 =	simm.s32 @!p1 $0x0;
	s13 =	simm.s32 @!p1 $0x19700  }
0x1c2: {  	[tilespmem:s13], [sflag:$0x1] =	stream.linear.gather @!p1 [hbm4b:s5+s12], $0x7D0, $0x38;
	[tilespmem:$0x1A700] =	vst v63  }
0x1c3: {  	p1 =	por !p6, p3  }
0x1c4: {  	s5 =	sadd.s32 @!p1 s9, s3;
	s12 =	simm.s32 @!p1 $0x0;
	s13 =	simm.s32 @!p1 $0x19700  }
0x1c5: {  	[tilespmem:s13], [sflag:$0x1] =	stream.linear.gather @!p1 [hbm4b:s5+s12], $0x7D0, $0x38;
	[tilespmem:$0x1A700] =	vst v63  }
0x1c6: {  	p1 =	por !p4, p3  }
0x1c7: {  	s3 =	sadd.s32 @!p1 s10, s3;
	s5 =	simm.s32 @!p1 $0x0;
	s12 =	simm.s32 @!p1 $0x19700  }
0x1c8: {  	[tilespmem:s12], [sflag:$0x1] =	stream.linear.gather @!p1 [hbm4b:s3+s5], $0x7D0, $0x38;
	[tilespmem:$0x1A700] =	vst v63  }
0x1c9: {  	_ =	swait.ge [sflag:s26], $0x7D0  }
0x1ca: {  	[sflag:s26] =	ssyncset.done $0x0  }
0x1cb: {  	[sflag:s26] =	ssyncadd.s32 $0xFFFFF830  }
0x1cc: {  	_ =	swait.ge [sflag:s26], $0x7D0  }
0x1cd: {  	[sflag:s26] =	ssyncset.done $0x0  }
0x1ce: {  	s22 =	simm.s32 $0x18F40;
	[sflag:s26] =	ssyncadd.s32 $0xFFFFF830  }
0x1cf: {  	v1 =	vld [tilespmem:s22+$0x30]  }
0x1d0: {  	v2 =	vld [tilespmem:s22+$0xFFFFFFD0]  }
0x1d1: {  	v3 =	vld [tilespmem:s22+$0xFFFFFFE0]  }
0x1d2: {  	v4 =	vld [tilespmem:s22+$0xFFFFFFF0]  }
0x1d3: {  	v6 =	vld [tilespmem:s22+$0x0]  }
0x1d4: {  	v7 =	vld [tilespmem:s22+$0xFFFFFFC0]  }
0x1d5: {  	v9 =	vld [tilespmem:s22+$0x10]  }
0x1d6: {  	s3 =	simm.s32 $0x19F40;
	v19 =	vld [tilespmem:s22+$0x20]  }
0x1d7: {  	v13 =	vld [tilespmem:s3+$0x30]  }
0x1d8: {  	v22 =	vld [tilespmem:s3+$0xFFFFFFD0]  }
0x1d9: {  	v23 =	vld [tilespmem:s3+$0xFFFFFFE0];
	v5 =	vand.u32 $0xFFFF, v1  }
0x1da: {  	v24 =	vld [tilespmem:s3+$0xFFFFFFF0];
	v8 =	vshrl.u32 v1, $0x10;
	v1 =	vand.u32 $0xFFFF, v2  }
0x1db: {  	v25 =	vld [tilespmem:s3+$0x0]  }
0x1dc: {  	v26 =	vld [tilespmem:s3+$0x10];
	v10 =	vand.u32 $0xFFFF, v3  }
0x1dd: {  	s5 =	simm.s32 $0x0;
	v27 =	vld [tilespmem:s3+$0x20];
	v12 =	vand.u32 $0xFFFF, v6  }
0x1de: {  	v14 =	vand.u32 $0xFFFF, v7;
	v5 =	vld.idx.msk [tilespmem:v5+s5+$0x0], $0xffff  }
0x1df: {  	v17 =	vld.idx.msk [tilespmem:v1+s5+$0x0], $0xffff;
	v1 =	vand.u32 $0xFFFF, v19  }
0x1e0: {  	v15 =	vld.idx.msk [tilespmem:v8+s25+$0x0], $0xffff  }
0x1e1: {  	v11 =	vand.u32 $0xFFFF, v4;
	v10 =	vld.idx.msk [tilespmem:v10+s5+$0x0], $0xffff  }
0x1e2: {  	v16 =	vand.u32 $0xFFFF, v9;
	v18 =	vld.idx.msk [tilespmem:v12+s5+$0x0], $0xffff  }
0x1e3: {  	v7 =	vshrl.u32 v7, $0x10;
	v12 =	vld.idx.msk [tilespmem:v14+s5+$0x0], $0xffff  }
0x1e4: {  	v21 =	vld.idx.msk [tilespmem:v1+s5+$0x0], $0xffff;
	v1 =	vshrl.u32 v2, $0x10  }
0x1e5: {  	v14 =	vld [tilespmem:s3+$0xFFFFFFC0];
	v5 =	vadd.f32 v13, v5;
	v2 =	vshrl.u32 v3, $0x10  }
0x1e6: {  	v11 =	vld.idx.msk [tilespmem:v11+s5+$0x0], $0xffff;
	v3 =	vshrl.u32 v4, $0x10  }
0x1e7: {  	v20 =	vld.idx.msk [tilespmem:v16+s5+$0x0], $0xffff;
	v4 =	vshrl.u32 v6, $0x10;
	vm1 =	vgt.f32 v5, v15  }
0x1e8: {  	v15 =	vld.idx.msk [tilespmem:v7+s25+$0x0], $0xffff  }
0x1e9: {  	v16 =	vld.idx.msk [tilespmem:v1+s25+$0x0], $0xffff  }
0x1ea: {  	v13 =	vadd.f32 v14, v12;
	v14 =	vadd.f32 v22, v17;
	v17 =	vld.idx.msk [tilespmem:v2+s25+$0x0], $0xffff  }
0x1eb: {  	v12 =	vadd.f32 v23, v10;
	v10 =	vadd.f32 v25, v18;
	v18 =	vld.idx.msk [tilespmem:v3+s25+$0x0], $0xffff  }
0x1ec: {  	v11 =	vadd.f32 v24, v11;
	v6 =	vshrl.u32 v19, $0x10;
	v19 =	vld.idx.msk [tilespmem:v4+s25+$0x0], $0xffff  }
0x1ed: {  	s13 =	simm.s32 $0x18FC0;
	s12 =	simm.s32 $0x0;
	[tilespmem:v8+s25+$0x0] =	vst.idx.msk vm1, v5;
	v5 =	vshrl.u32 v9, $0x10;
	v8 =	vadd.f32 v26, v20;
	v9 =	vadd.f32 v27, v21  }
.LBB2_26:
0x1ee: {  	v20 =	vld [tilespmem:s13+$0x30];
	s12 =	sadd.s32 $0x8, s12  }
0x1ef: {  	vm2 =	vgt.f32 v13, v15;
	v21 =	vld [tilespmem:s13+$0xFFFFFFD0];
	p3 =	slt.u32 s12, $0x70  }
0x1f0: {  	vm3 =	vgt.f32 v14, v16;
	v15 =	vld [tilespmem:s13+$0xFFFFFFE0]  }
0x1f1: {  	vm4 =	vgt.f32 v12, v17;
	v16 =	vld [tilespmem:s13+$0xFFFFFFF0]  }
0x1f2: {  	vm5 =	vgt.f32 v11, v18;
	v17 =	vld [tilespmem:s13+$0x0]  }
0x1f3: {  	vm1 =	vgt.f32 v10, v19;
	v18 =	vld [tilespmem:s13+$0x10];
	v22 =	vand.u32 $0xFFFF, v20  }
0x1f4: {  	v19 =	vshrl.u32 v21, $0x10;
	v21 =	vand.u32 $0xFFFF, v21;
	v23 =	vld [tilespmem:s13+$0x20]  }
0x1f5: {  	v20 =	vshrl.u32 v20, $0x10;
	v24 =	vld [tilespmem:s13+$0xFFFFFFC0];
	v25 =	vshrl.u32 v15, $0x10;
	v15 =	vand.u32 $0xFFFF, v15;
	[tilespmem:v7+s25+$0x0] =	vst.idx.msk vm2, v13  }
0x1f6: {  	v7 =	vshrl.u32 v16, $0x10;
	v13 =	vand.u32 $0xFFFF, v16;
	[tilespmem:v1+s25+$0x0] =	vst.idx.msk vm3, v14;
	v14 =	vld.idx.msk [tilespmem:v5+s25+$0x0], $0xffff;
	v1 =	vmov v19  }
0x1f7: {  	v16 =	vshrl.u32 v17, $0x10;
	v17 =	vand.u32 $0xFFFF, v17;
	[tilespmem:v2+s25+$0x0] =	vst.idx.msk vm4, v12;
	v12 =	vld.idx.msk [tilespmem:v6+s25+$0x0], $0xffff;
	v2 =	vmov v25  }
0x1f8: {  	s3 =	sadd.s32 $0x80, s3;
	v19 =	vshrl.u32 v18, $0x10;
	v18 =	vand.u32 $0xFFFF, v18;
	v22 =	vld.idx.msk [tilespmem:v22+s5+$0x0], $0xffff;
	[tilespmem:v3+s25+$0x0] =	vst.idx.msk vm5, v11;
	v3 =	vmov v7  }
0x1f9: {  	v11 =	vshrl.u32 v23, $0x10;
	v23 =	vand.u32 $0xFFFF, v23;
	v25 =	vld [tilespmem:s3+$0x30];
	[tilespmem:v4+s25+$0x0] =	vst.idx.msk vm1, v10;
	v4 =	vmov v16  }
0x1fa: {  	v7 =	vshrl.u32 v24, $0x10;
	v10 =	vand.u32 $0xFFFF, v24;
	v16 =	vld.idx.msk [tilespmem:v20+s25+$0x0], $0xffff  }
0x1fb: {  	v21 =	vld.idx.msk [tilespmem:v21+s5+$0x0], $0xffff  }
0x1fc: {  	vm1 =	vgt.f32 v8, v14;
	v24 =	vld.idx.msk [tilespmem:v15+s5+$0x0], $0xffff  }
0x1fd: {  	vm2 =	vgt.f32 v9, v12;
	v26 =	vld.idx.msk [tilespmem:v13+s5+$0x0], $0xffff  }
0x1fe: {  	v27 =	vld.idx.msk [tilespmem:v17+s5+$0x0], $0xffff;
	v12 =	vadd.f32 v25, v22  }
0x1ff: {  	v10 =	vld.idx.msk [tilespmem:v10+s5+$0x0], $0xffff  }
0x200: {  	v22 =	vld.idx.msk [tilespmem:v18+s5+$0x0], $0xffff;
	vm3 =	vgt.f32 v12, v16  }
0x201: {  	v23 =	vld.idx.msk [tilespmem:v23+s5+$0x0], $0xffff  }
0x202: {  	v13 =	vld [tilespmem:s3+$0xFFFFFFC0];
	[tilespmem:v5+s25+$0x0] =	vst.idx.msk vm1, v8;
	v5 =	vmov v19  }
0x203: {  	v8 =	vld [tilespmem:s3+$0xFFFFFFD0];
	[tilespmem:v6+s25+$0x0] =	vst.idx.msk vm2, v9;
	v6 =	vmov v11  }
0x204: {  	v9 =	vld [tilespmem:s3+$0xFFFFFFE0]  }
0x205: {  	v11 =	vld [tilespmem:s3+$0xFFFFFFF0]  }
0x206: {  	v18 =	vld [tilespmem:s3+$0x0];
	[tilespmem:v20+s25+$0x0] =	vst.idx.msk vm3, v12  }
0x207: {  	v13 =	vadd.f32 v13, v10;
	v19 =	vld [tilespmem:s3+$0x10]  }
0x208: {  	v14 =	vadd.f32 v8, v21;
	v20 =	vld [tilespmem:s3+$0x20]  }
.Ltmp19:
0x209: {  	v15 =	vld.idx.msk [tilespmem:v7+s25+$0x0], $0xffff;
	v12 =	vadd.f32 v9, v24;
	(pc) =	sbr.rel @p3 .LBB2_26-.Ltmp19, $4  }
0x20a: {  	v16 =	vld.idx.msk [tilespmem:v1+s25+$0x0], $0xffff;
	v11 =	vadd.f32 v11, v26  }
0x20b: {  	v17 =	vld.idx.msk [tilespmem:v2+s25+$0x0], $0xffff;
	v10 =	vadd.f32 v18, v27  }
0x20c: {  	v18 =	vld.idx.msk [tilespmem:v3+s25+$0x0], $0xffff;
	v8 =	vadd.f32 v19, v22  }
0x20d: {  	s13 =	sadd.s32 $0x80, s13;
	v19 =	vld.idx.msk [tilespmem:v4+s25+$0x0], $0xffff;
	v9 =	vadd.f32 v20, v23  }
0x20e: {  	_ =	sdelay $0x3  }
0x20f: {  	vm1 =	vgt.f32 v13, v15;
	v62 =	vld.idx.msk [tilespmem:v5+s25+$0x0], $0xffff  }
0x210: {  	v63 =	vld.idx.msk [tilespmem:v6+s25+$0x0], $0xffff;
	vm2 =	vgt.f32 v14, v16  }
0x211: {  	vm3 =	vgt.f32 v12, v17  }
0x212: {  	vm4 =	vgt.f32 v11, v18  }
0x213: {  	vm5 =	vgt.f32 v10, v19  }
0x214: {  	vm6 =	vgt.f32 v8, v62  }
0x215: {  	[tilespmem:v7+s25+$0x0] =	vst.idx.msk vm1, v13;
	vm1 =	vgt.f32 v9, v63  }
0x216: {  	[tilespmem:v1+s25+$0x0] =	vst.idx.msk vm2, v14  }
0x217: {  	[tilespmem:v2+s25+$0x0] =	vst.idx.msk vm3, v12  }
0x218: {  	[tilespmem:v3+s25+$0x0] =	vst.idx.msk vm4, v11  }
0x219: {  	[tilespmem:v4+s25+$0x0] =	vst.idx.msk vm5, v10  }
0x21a: {  	[tilespmem:v5+s25+$0x0] =	vst.idx.msk vm6, v8  }
0x21b: {  	[tilespmem:v6+s25+$0x0] =	vst.idx.msk vm1, v9  }
.LBB2_28:
0x21c: {  	s3 =	sshra.s32 s5, $0x2  }
0x21d: {  	v1 =	vld [tilespmem:s3+$0x19680];
	_ =	sdelay $0x4  }
0x21e: {  	v2 =	vand.u32 $0xFFFF, v1;
	_ =	sdelay $0x1  }
0x21f: {  	v1 =	vshrl.u32 v1, $0x10;
	_ =	sdelay $0x1  }
0x220: {  	v3 =	vld [tilespmem:s3+$0x1A680]  }
0x221: {  	v2 =	vld.idx.msk [tilespmem:v2+s1+$0x0], $0xffff;
	_ =	sdelay $0x1  }
0x222: {  	v4 =	vld.idx.msk [tilespmem:v1+s25+$0x0], $0xffff;
	_ =	sdelay $0x2  }
0x223: {  	v2 =	vadd.f32 v3, v2;
	_ =	sdelay $0x1  }
0x224: {  	vm1 =	vgt.f32 v2, v4  }
0x225: {  	p1 =	sne.s32 s5, $0x100  }
.Ltmp20:
0x226: {  	_ = 	snop;
	(pc) =	sbr.rel @p1 .LBB2_28-.Ltmp20, $2  }
0x227: {  	_ =	sdelay $0x2  }
0x228: {  	s5 =	sadd.s32 $0x40, s5;
	[tilespmem:v1+s25+$0x0] =	vst.idx.msk vm1, v2  }
0x229: {  	s3 =	simm.s32 $0x19F40  }
0x22a: {  	v1 =	vld [tilespmem:s3+$0x30]  }
0x22b: {  	v3 =	vld [tilespmem:s3+$0x20]  }
0x22c: {  	v2 =	vld [tilespmem:s3+$0x10]  }
0x22d: {  	v4 =	vld [tilespmem:s3+$0x0]  }
0x22e: {  	v12 =	vld [tilespmem:s3+$0xFFFFFFF0]  }
0x22f: {  	s5 =	simm.s32 $0x18F40;
	v9 =	vld [tilespmem:s3+$0xFFFFFFE0]  }
0x230: {  	v10 =	vld [tilespmem:s5+$0x10]  }
0x231: {  	v11 =	vld [tilespmem:s5+$0x0]  }
0x232: {  	v13 =	vld [tilespmem:s5+$0xFFFFFFF0]  }
0x233: {  	v8 =	vld [tilespmem:s5+$0xFFFFFFE0]  }
0x234: {  	v6 =	vld [tilespmem:s5+$0xFFFFFFC0]  }
0x235: {  	v7 =	vld [tilespmem:s5+$0xFFFFFFD0];
	v5 =	vshrl.u32 v10, $0x10  }
0x236: {  	v15 =	vld [tilespmem:s3+$0xFFFFFFC0];
	v14 =	vshrl.u32 v11, $0x10  }
0x237: {  	v16 =	vld [tilespmem:s3+$0xFFFFFFD0];
	v17 =	vshrl.u32 v13, $0x10  }
0x238: {  	v19 =	vld [tilespmem:s5+$0x30];
	v18 =	vshrl.u32 v8, $0x10  }
0x239: {  	v21 =	vld [tilespmem:s5+$0x20];
	v20 =	vshrl.u32 v6, $0x10  }
0x23a: {  	v22 =	vshrl.u32 v7, $0x10;
	v5 =	vld.idx.msk [tilespmem:v5+s25+$0x0], $0xffff  }
0x23b: {  	v23 =	vand.u32 $0xFFFF, v6;
	v6 =	vld.idx.msk [tilespmem:v14+s25+$0x0], $0xffff  }
0x23c: {  	v13 =	vand.u32 $0xFFFF, v13;
	v14 =	vand.u32 $0xFFFF, v7;
	v7 =	vld.idx.msk [tilespmem:v17+s25+$0x0], $0xffff  }
0x23d: {  	v17 =	vand.u32 $0xFFFF, v8;
	v8 =	vld.idx.msk [tilespmem:v18+s25+$0x0], $0xffff  }
0x23e: {  	v18 =	vld.idx.msk [tilespmem:v20+s25+$0x0], $0xffff  }
0x23f: {  	s3 =	simm.s32 $0x0;
	v10 =	vand.u32 $0xFFFF, v10;
	v61 =	vld.idx.msk [tilespmem:v22+s25+$0x0], $0xffff  }
0x240: {  	v11 =	vand.u32 $0xFFFF, v11;
	v62 =	vld.idx.msk [tilespmem:v23+s3+$0x0], $0xffff  }
0x241: {  	v25 =	vand.u32 $0xFFFF, v19;
	v26 =	vld.idx.msk [tilespmem:v13+s3+$0x0], $0xffff  }
0x242: {  	v24 =	vand.u32 $0xFFFF, v21;
	v63 =	vld.idx.msk [tilespmem:v14+s3+$0x0], $0xffff  }
0x243: {  	v21 =	vshrl.u32 v21, $0x10;
	v17 =	vld.idx.msk [tilespmem:v17+s3+$0x0], $0xffff  }
0x244: {  	v19 =	vshrl.u32 v19, $0x10;
	v13 =	vld.idx.msk [tilespmem:v10+s3+$0x0], $0xffff  }
0x245: {  	v14 =	vld.idx.msk [tilespmem:v11+s3+$0x0], $0xffff  }
0x246: {  	v10 =	vld.idx.msk [tilespmem:v25+s3+$0x0], $0xffff  }
0x247: {  	v11 =	vld.idx.msk [tilespmem:v24+s3+$0x0], $0xffff;
	v22 =	vadd.f32 v15, v62;
	v16 =	vadd.f32 v16, v63  }
0x248: {  	vm1 =	vmmov vm0;
	v15 =	vadd.f32 v9, v17;
	v9 =	vld.idx.msk [tilespmem:v21+s25+$0x0], $0xffff  }
0x249: {  	s12 =	simm.s32 $0x0;
	s13 =	simm.s32 $0x19FC0;
	vm2 =	vgt.f32 v22, v18;
	vm3 =	vgt.f32 v16, v61;
	v16 =	vadd.f32 v12, v26;
	v12 =	vld.idx.msk [tilespmem:v19+s25+$0x0], $0xffff  }
.LBB2_30:
0x24a: {  	v17 =	vld [tilespmem:s13+$0x30];
	vm2 =	vmor vm2, vm3;
	vm3 =	vgt.f32 v15, v8;
	v4 =	vadd.f32 v4, v14  }
0x24b: {  	v8 =	vld [tilespmem:s13+$0x20];
	vm2 =	vmor vm2, vm3;
	vm3 =	vgt.f32 v16, v7;
	v7 =	vadd.f32 v2, v13  }
0x24c: {  	v3 =	vadd.f32 v3, v11;
	v2 =	vld [tilespmem:s13+$0x10];
	vm2 =	vmor vm2, vm3;
	vm3 =	vgt.f32 v4, v6  }
0x24d: {  	v4 =	vld [tilespmem:s13+$0x0];
	vm2 =	vmor vm2, vm3;
	vm3 =	vgt.f32 v7, v5;
	v5 =	vadd.f32 v1, v10  }
0x24e: {  	v16 =	vld [tilespmem:s13+$0xFFFFFFF0];
	vm2 =	vmor vm2, vm3;
	vm3 =	vgt.f32 v3, v9  }
0x24f: {  	s5 =	sadd.s32 $0x80, s5;
	v9 =	vld [tilespmem:s13+$0xFFFFFFE0];
	vm2 =	vmor vm2, vm3;
	vm3 =	vgt.f32 v5, v12;
	v1 =	vmov v17  }
0x250: {  	v10 =	vld [tilespmem:s5+$0x10];
	vm2 =	vmor vm2, vm3;
	v3 =	vmov v8  }
0x251: {  	v11 =	vld [tilespmem:s5+$0x0];
	vm1 =	vmor vm1, vm2  }
0x252: {  	v12 =	vld [tilespmem:s5+$0xFFFFFFF0]  }
0x253: {  	v8 =	vld [tilespmem:s5+$0xFFFFFFE0]  }
0x254: {  	v6 =	vld [tilespmem:s5+$0xFFFFFFC0]  }
0x255: {  	v7 =	vld [tilespmem:s5+$0xFFFFFFD0];
	v5 =	vshrl.u32 v10, $0x10  }
0x256: {  	v15 =	vld [tilespmem:s13+$0xFFFFFFC0];
	v13 =	vshrl.u32 v11, $0x10  }
0x257: {  	s12 =	sadd.s32 $0x8, s12;
	v17 =	vld [tilespmem:s13+$0xFFFFFFD0];
	v14 =	vshrl.u32 v12, $0x10  }
0x258: {  	p3 =	slt.u32 s12, $0x70;
	v18 =	vshrl.u32 v8, $0x10;
	v19 =	vld [tilespmem:s5+$0x30]  }
0x259: {  	v20 =	vshrl.u32 v6, $0x10;
	v21 =	vld [tilespmem:s5+$0x20]  }
0x25a: {  	v22 =	vshrl.u32 v7, $0x10;
	v5 =	vld.idx.msk [tilespmem:v5+s25+$0x0], $0xffff  }
0x25b: {  	v23 =	vand.u32 $0xFFFF, v6;
	v6 =	vld.idx.msk [tilespmem:v13+s25+$0x0], $0xffff  }
0x25c: {  	v13 =	vand.u32 $0xFFFF, v7;
	v7 =	vld.idx.msk [tilespmem:v14+s25+$0x0], $0xffff  }
0x25d: {  	v14 =	vand.u32 $0xFFFF, v8;
	v8 =	vld.idx.msk [tilespmem:v18+s25+$0x0], $0xffff  }
0x25e: {  	v12 =	vand.u32 $0xFFFF, v12;
	v18 =	vld.idx.msk [tilespmem:v20+s25+$0x0], $0xffff  }
0x25f: {  	v11 =	vand.u32 $0xFFFF, v11;
	v20 =	vld.idx.msk [tilespmem:v22+s25+$0x0], $0xffff  }
0x260: {  	v10 =	vand.u32 $0xFFFF, v10;
	v22 =	vld.idx.msk [tilespmem:v23+s3+$0x0], $0xffff  }
0x261: {  	v24 =	vand.u32 $0xFFFF, v21;
	v23 =	vld.idx.msk [tilespmem:v13+s3+$0x0], $0xffff  }
0x262: {  	v26 =	vand.u32 $0xFFFF, v19;
	v25 =	vld.idx.msk [tilespmem:v14+s3+$0x0], $0xffff  }
0x263: {  	v21 =	vshrl.u32 v21, $0x10;
	v12 =	vld.idx.msk [tilespmem:v12+s3+$0x0], $0xffff  }
0x264: {  	v19 =	vshrl.u32 v19, $0x10;
	v14 =	vld.idx.msk [tilespmem:v11+s3+$0x0], $0xffff  }
.Ltmp21:
0x265: {  	v13 =	vld.idx.msk [tilespmem:v10+s3+$0x0], $0xffff;
	(pc) =	sbr.rel @p3 .LBB2_30-.Ltmp21, $4  }
0x266: {  	v11 =	vld.idx.msk [tilespmem:v24+s3+$0x0], $0xffff  }
0x267: {  	v22 =	vadd.f32 v15, v22;
	v17 =	vadd.f32 v17, v23;
	v10 =	vld.idx.msk [tilespmem:v26+s3+$0x0], $0xffff  }
0x268: {  	v15 =	vadd.f32 v9, v25;
	v9 =	vld.idx.msk [tilespmem:v21+s25+$0x0], $0xffff  }
0x269: {  	s13 =	sadd.s32 $0x80, s13;
	vm2 =	vgt.f32 v22, v18;
	vm3 =	vgt.f32 v17, v20;
	v16 =	vadd.f32 v16, v12;
	v12 =	vld.idx.msk [tilespmem:v19+s25+$0x0], $0xffff  }
0x26a: {  	vm2 =	vmor vm2, vm3;
	vm3 =	vgt.f32 v15, v8;
	v4 =	vadd.f32 v4, v14  }
0x26b: {  	v2 =	vadd.f32 v2, v13;
	vm2 =	vmor vm2, vm3;
	vm3 =	vgt.f32 v16, v7  }
0x26c: {  	v3 =	vadd.f32 v3, v11;
	vm2 =	vmor vm2, vm3;
	vm3 =	vgt.f32 v4, v6  }
0x26d: {  	v1 =	vadd.f32 v1, v10;
	vm2 =	vmor vm2, vm3;
	vm3 =	vgt.f32 v2, v5  }
0x26e: {  	vm2 =	vmor vm2, vm3;
	vm3 =	vgt.f32 v3, v9  }
0x26f: {  	vm2 =	vmor vm2, vm3;
	vm3 =	vgt.f32 v1, v12  }
0x270: {  	vm2 =	vmor vm2, vm3  }
0x271: {  	vm1 =	vmor vm1, vm2  }
.LBB2_32:
0x272: {  	s5 =	sshra.s32 s3, $0x2  }
0x273: {  	v1 =	vld [tilespmem:s5+$0x19680];
	_ =	sdelay $0x4  }
0x274: {  	v2 =	vand.u32 $0xFFFF, v1;
	_ =	sdelay $0x1  }
0x275: {  	v1 =	vshrl.u32 v1, $0x10;
	_ =	sdelay $0x1  }
0x276: {  	v3 =	vld [tilespmem:s5+$0x1A680]  }
0x277: {  	v2 =	vld.idx.msk [tilespmem:v2+s1+$0x0], $0xffff;
	_ =	sdelay $0x1  }
0x278: {  	v1 =	vld.idx.msk [tilespmem:v1+s25+$0x0], $0xffff  }
0x279: {  	p1 =	sne.s32 s3, $0x100  }
.Ltmp22:
0x27a: {  	_ = 	snop;
	(pc) =	sbr.rel @p1 .LBB2_32-.Ltmp22, $3  }
0x27b: {  	v2 =	vadd.f32 v3, v2;
	_ =	sdelay $0x1  }
0x27c: {  	vm2 =	vgt.f32 v2, v1  }
0x27d: {  	s3 =	sadd.s32 $0x40, s3;
	vm1 =	vmor vm1, vm2  }
0x27e: {  	v1 =	vsel vm1, $0x3F800000, v0  }
0x27f: {  	(xrf0) =	vmax.scan.msk.f32 $0xffff, v1;
	_ =	sdelay $0x5  }
0x280: {  	v1, _, _ =	vpop (xrf0)  }
0x281: {  	(v2sf) =	vpush v1, $0xF;
	_ =	sdelay $0xe  }
0x282: {  	s3 =	spop (v2sf)  }
0x283: {  	p1 =	sgt.f32 s3, $0.0e+00  }
.Ltmp23:
0x284: {  	_ = 	snop;
	(pc) =	sbr.rel @!p1 .LBB2_41-.Ltmp23, $2  }
0x285: {  	_ =	sdelay $0x2  }
0x286: {  	s5 =	simm.s32 $0x0;
	s3 =	simm.s32 $0x0  }
.LBB2_34:
0x287: {  	s12 =	sshll.u32 s3, $0x4  }
0x288: {  	v1 =	vld [tilespmem:s12+$0x18F00]  }
0x289: {  	v2 =	vld [tilespmem:s12+$0x18F10]  }
0x28a: {  	v4 =	vld [tilespmem:s12+$0x18F20]  }
0x28b: {  	v6 =	vld [tilespmem:s12+$0x19F00]  }
0x28c: {  	v7 =	vld [tilespmem:s12+$0x18F30]  }
0x28d: {  	v10 =	vld [tilespmem:s12+$0x19F10]  }
0x28e: {  	v13 =	vld [tilespmem:s12+$0x18F40]  }
0x28f: {  	v14 =	vld [tilespmem:s12+$0x19F20]  }
0x290: {  	v15 =	vld [tilespmem:s12+$0x18F50]  }
0x291: {  	v18 =	vld [tilespmem:s12+$0x18F60]  }
0x292: {  	v19 =	vld [tilespmem:s12+$0x19F30]  }
0x293: {  	v21 =	vld [tilespmem:s12+$0x18F70];
	v3 =	vand.u32 $0xFFFF, v1  }
0x294: {  	v23 =	vld [tilespmem:s12+$0x19F40];
	v1 =	vshrl.u32 v1, $0x10  }
0x295: {  	v27 =	vld [tilespmem:s12+$0x19F50];
	v5 =	vand.u32 $0xFFFF, v2  }
0x296: {  	v55 =	vld [tilespmem:s12+$0x19F60];
	v2 =	vshrl.u32 v2, $0x10  }
0x297: {  	v58 =	vld [tilespmem:s12+$0x19F70];
	v9 =	vand.u32 $0xFFFF, v4  }
0x298: {  	v4 =	vshrl.u32 v4, $0x10;
	v3 =	vld.idx.msk [tilespmem:v3+s5+$0x0], $0xffff  }
0x299: {  	v12 =	vand.u32 $0xFFFF, v7;
	v8 =	vld.idx.msk [tilespmem:v1+s25+$0x0], $0xffff  }
0x29a: {  	v7 =	vshrl.u32 v7, $0x10;
	v5 =	vld.idx.msk [tilespmem:v5+s5+$0x0], $0xffff  }
0x29b: {  	v17 =	vand.u32 $0xFFFF, v13;
	v11 =	vld.idx.msk [tilespmem:v2+s25+$0x0], $0xffff  }
0x29c: {  	v13 =	vshrl.u32 v13, $0x10;
	v9 =	vld.idx.msk [tilespmem:v9+s5+$0x0], $0xffff  }
0x29d: {  	v20 =	vand.u32 $0xFFFF, v15;
	v16 =	vld.idx.msk [tilespmem:v4+s25+$0x0], $0xffff  }
0x29e: {  	v15 =	vshrl.u32 v15, $0x10;
	v12 =	vld.idx.msk [tilespmem:v12+s5+$0x0], $0xffff  }
0x29f: {  	v24 =	vand.u32 $0xFFFF, v18;
	v22 =	vld.idx.msk [tilespmem:v7+s25+$0x0], $0xffff  }
0x2a0: {  	v26 =	vand.u32 $0xFFFF, v21;
	v17 =	vld.idx.msk [tilespmem:v17+s5+$0x0], $0xffff  }
0x2a1: {  	v18 =	vshrl.u32 v18, $0x10;
	v25 =	vld.idx.msk [tilespmem:v13+s25+$0x0], $0xffff  }
0x2a2: {  	v21 =	vshrl.u32 v21, $0x10;
	v20 =	vld.idx.msk [tilespmem:v20+s5+$0x0], $0xffff  }
0x2a3: {  	v28 =	vld.idx.msk [tilespmem:v15+s25+$0x0], $0xffff;
	v3 =	vadd.f32 v6, v3  }
0x2a4: {  	v24 =	vld.idx.msk [tilespmem:v24+s5+$0x0], $0xffff;
	v5 =	vadd.f32 v10, v5  }
0x2a5: {  	v56 =	vld.idx.msk [tilespmem:v26+s5+$0x0], $0xffff;
	v57 =	vadd.f32 v14, v9;
	vm1 =	vgt.f32 v3, v8  }
0x2a6: {  	v60 =	vld.idx.msk [tilespmem:v18+s25+$0x0], $0xffff;
	v59 =	vadd.f32 v19, v12;
	vm2 =	vgt.f32 v5, v11  }
0x2a7: {  	v62 =	vld.idx.msk [tilespmem:v21+s25+$0x0], $0xffff;
	v61 =	vadd.f32 v23, v17;
	vm3 =	vgt.f32 v57, v16  }
0x2a8: {  	v63 =	vadd.f32 v27, v20;
	vm4 =	vgt.f32 v59, v22  }
0x2a9: {  	v6 =	vadd.f32 v55, v24;
	vm5 =	vgt.f32 v61, v25  }
0x2aa: {  	v9 =	vadd.f32 v58, v56;
	vm6 =	vgt.f32 v63, v28  }
0x2ab: {  	[tilespmem:v1+s25+$0x0] =	vst.idx.msk vm1, v3;
	vm1 =	vgt.f32 v6, v60  }
0x2ac: {  	[tilespmem:v2+s25+$0x0] =	vst.idx.msk vm2, v5;
	vm2 =	vgt.f32 v9, v62  }
0x2ad: {  	p1 =	slt.u32 s3, $0x70;
	[tilespmem:v4+s25+$0x0] =	vst.idx.msk vm3, v57  }
.Ltmp24:
0x2ae: {  	[tilespmem:v7+s25+$0x0] =	vst.idx.msk vm4, v59;
	(pc) =	sbr.rel @p1 .LBB2_34-.Ltmp24, $4  }
0x2af: {  	[tilespmem:v13+s25+$0x0] =	vst.idx.msk vm5, v61  }
0x2b0: {  	[tilespmem:v15+s25+$0x0] =	vst.idx.msk vm6, v63  }
0x2b1: {  	s22 =	sadd.s32 $0x8, s3;
	[tilespmem:v18+s25+$0x0] =	vst.idx.msk vm1, v6  }
0x2b2: {  	s3 =	smov.u32 s22;
	s12 =	simm.s32 $0x0;
	[tilespmem:v21+s25+$0x0] =	vst.idx.msk vm2, v9  }
.LBB2_35:
0x2b3: {  	s3 =	sshra.s32 s12, $0x2  }
0x2b4: {  	v1 =	vld [tilespmem:s3+$0x19680];
	_ =	sdelay $0x4  }
0x2b5: {  	v2 =	vand.u32 $0xFFFF, v1;
	_ =	sdelay $0x1  }
0x2b6: {  	v1 =	vshrl.u32 v1, $0x10;
	_ =	sdelay $0x1  }
0x2b7: {  	v3 =	vld [tilespmem:s3+$0x1A680]  }
0x2b8: {  	v2 =	vld.idx.msk [tilespmem:v2+s1+$0x0], $0xffff;
	_ =	sdelay $0x1  }
0x2b9: {  	v4 =	vld.idx.msk [tilespmem:v1+s25+$0x0], $0xffff;
	_ =	sdelay $0x2  }
0x2ba: {  	v2 =	vadd.f32 v3, v2;
	_ =	sdelay $0x1  }
0x2bb: {  	vm1 =	vgt.f32 v2, v4  }
0x2bc: {  	p1 =	sne.s32 s12, $0x100  }
.Ltmp25:
0x2bd: {  	_ = 	snop;
	(pc) =	sbr.rel @p1 .LBB2_35-.Ltmp25, $2  }
0x2be: {  	_ =	sdelay $0x2  }
0x2bf: {  	s12 =	sadd.s32 $0x40, s12;
	[tilespmem:v1+s25+$0x0] =	vst.idx.msk vm1, v2  }
0x2c0: {  	s3 =	simm.s32 $0x19F40  }
0x2c1: {  	v1 =	vld [tilespmem:s3+$0x30]  }
0x2c2: {  	v3 =	vld [tilespmem:s3+$0x20]  }
0x2c3: {  	v2 =	vld [tilespmem:s3+$0x10]  }
0x2c4: {  	v4 =	vld [tilespmem:s3+$0x0]  }
0x2c5: {  	v12 =	vld [tilespmem:s3+$0xFFFFFFF0]  }
0x2c6: {  	s12 =	simm.s32 $0x18F40;
	v9 =	vld [tilespmem:s3+$0xFFFFFFE0]  }
0x2c7: {  	v10 =	vld [tilespmem:s12+$0x10]  }
0x2c8: {  	v11 =	vld [tilespmem:s12+$0x0]  }
0x2c9: {  	v13 =	vld [tilespmem:s12+$0xFFFFFFF0]  }
0x2ca: {  	v8 =	vld [tilespmem:s12+$0xFFFFFFE0]  }
0x2cb: {  	v6 =	vld [tilespmem:s12+$0xFFFFFFC0]  }
0x2cc: {  	v7 =	vld [tilespmem:s12+$0xFFFFFFD0];
	v5 =	vshrl.u32 v10, $0x10  }
0x2cd: {  	v15 =	vld [tilespmem:s3+$0xFFFFFFC0];
	v14 =	vshrl.u32 v11, $0x10  }
0x2ce: {  	v16 =	vld [tilespmem:s3+$0xFFFFFFD0];
	v17 =	vshrl.u32 v13, $0x10  }
0x2cf: {  	v19 =	vld [tilespmem:s12+$0x30];
	v18 =	vshrl.u32 v8, $0x10  }
0x2d0: {  	v21 =	vld [tilespmem:s12+$0x20];
	v20 =	vshrl.u32 v6, $0x10  }
0x2d1: {  	v22 =	vshrl.u32 v7, $0x10;
	v5 =	vld.idx.msk [tilespmem:v5+s25+$0x0], $0xffff  }
0x2d2: {  	v23 =	vand.u32 $0xFFFF, v6;
	v6 =	vld.idx.msk [tilespmem:v14+s25+$0x0], $0xffff  }
0x2d3: {  	v13 =	vand.u32 $0xFFFF, v13;
	v14 =	vand.u32 $0xFFFF, v7;
	v7 =	vld.idx.msk [tilespmem:v17+s25+$0x0], $0xffff  }
0x2d4: {  	v17 =	vand.u32 $0xFFFF, v8;
	v8 =	vld.idx.msk [tilespmem:v18+s25+$0x0], $0xffff  }
0x2d5: {  	v18 =	vld.idx.msk [tilespmem:v20+s25+$0x0], $0xffff  }
0x2d6: {  	s3 =	simm.s32 $0x0;
	v10 =	vand.u32 $0xFFFF, v10;
	v61 =	vld.idx.msk [tilespmem:v22+s25+$0x0], $0xffff  }
0x2d7: {  	v11 =	vand.u32 $0xFFFF, v11;
	v62 =	vld.idx.msk [tilespmem:v23+s3+$0x0], $0xffff  }
0x2d8: {  	v25 =	vand.u32 $0xFFFF, v19;
	v26 =	vld.idx.msk [tilespmem:v13+s3+$0x0], $0xffff  }
0x2d9: {  	v24 =	vand.u32 $0xFFFF, v21;
	v63 =	vld.idx.msk [tilespmem:v14+s3+$0x0], $0xffff  }
0x2da: {  	v21 =	vshrl.u32 v21, $0x10;
	v17 =	vld.idx.msk [tilespmem:v17+s3+$0x0], $0xffff  }
0x2db: {  	v19 =	vshrl.u32 v19, $0x10;
	v13 =	vld.idx.msk [tilespmem:v10+s3+$0x0], $0xffff  }
0x2dc: {  	v14 =	vld.idx.msk [tilespmem:v11+s3+$0x0], $0xffff  }
0x2dd: {  	v10 =	vld.idx.msk [tilespmem:v25+s3+$0x0], $0xffff  }
0x2de: {  	v11 =	vld.idx.msk [tilespmem:v24+s3+$0x0], $0xffff;
	v22 =	vadd.f32 v15, v62;
	v16 =	vadd.f32 v16, v63  }
0x2df: {  	vm1 =	vmmov vm0;
	v15 =	vadd.f32 v9, v17;
	v9 =	vld.idx.msk [tilespmem:v21+s25+$0x0], $0xffff  }
0x2e0: {  	s13 =	simm.s32 $0x0;
	s14 =	simm.s32 $0x19FC0;
	vm2 =	vgt.f32 v22, v18;
	vm3 =	vgt.f32 v16, v61;
	v16 =	vadd.f32 v12, v26;
	v12 =	vld.idx.msk [tilespmem:v19+s25+$0x0], $0xffff  }
.LBB2_37:
0x2e1: {  	v17 =	vld [tilespmem:s14+$0x30];
	vm2 =	vmor vm2, vm3;
	vm3 =	vgt.f32 v15, v8;
	v4 =	vadd.f32 v4, v14  }
0x2e2: {  	v8 =	vld [tilespmem:s14+$0x20];
	vm2 =	vmor vm2, vm3;
	vm3 =	vgt.f32 v16, v7;
	v7 =	vadd.f32 v2, v13  }
0x2e3: {  	v3 =	vadd.f32 v3, v11;
	v2 =	vld [tilespmem:s14+$0x10];
	vm2 =	vmor vm2, vm3;
	vm3 =	vgt.f32 v4, v6  }
0x2e4: {  	v4 =	vld [tilespmem:s14+$0x0];
	vm2 =	vmor vm2, vm3;
	vm3 =	vgt.f32 v7, v5;
	v5 =	vadd.f32 v1, v10  }
0x2e5: {  	v16 =	vld [tilespmem:s14+$0xFFFFFFF0];
	vm2 =	vmor vm2, vm3;
	vm3 =	vgt.f32 v3, v9  }
0x2e6: {  	s12 =	sadd.s32 $0x80, s12;
	v9 =	vld [tilespmem:s14+$0xFFFFFFE0];
	vm2 =	vmor vm2, vm3;
	vm3 =	vgt.f32 v5, v12;
	v1 =	vmov v17  }
0x2e7: {  	v10 =	vld [tilespmem:s12+$0x10];
	vm2 =	vmor vm2, vm3;
	v3 =	vmov v8  }
0x2e8: {  	v11 =	vld [tilespmem:s12+$0x0];
	vm1 =	vmor vm1, vm2  }
0x2e9: {  	v12 =	vld [tilespmem:s12+$0xFFFFFFF0]  }
0x2ea: {  	v8 =	vld [tilespmem:s12+$0xFFFFFFE0]  }
0x2eb: {  	v6 =	vld [tilespmem:s12+$0xFFFFFFC0]  }
0x2ec: {  	v7 =	vld [tilespmem:s12+$0xFFFFFFD0];
	v5 =	vshrl.u32 v10, $0x10  }
0x2ed: {  	v15 =	vld [tilespmem:s14+$0xFFFFFFC0];
	v13 =	vshrl.u32 v11, $0x10  }
0x2ee: {  	s13 =	sadd.s32 $0x8, s13;
	v17 =	vld [tilespmem:s14+$0xFFFFFFD0];
	v14 =	vshrl.u32 v12, $0x10  }
0x2ef: {  	p3 =	slt.u32 s13, $0x70;
	v18 =	vshrl.u32 v8, $0x10;
	v19 =	vld [tilespmem:s12+$0x30]  }
0x2f0: {  	v20 =	vshrl.u32 v6, $0x10;
	v21 =	vld [tilespmem:s12+$0x20]  }
0x2f1: {  	v22 =	vshrl.u32 v7, $0x10;
	v5 =	vld.idx.msk [tilespmem:v5+s25+$0x0], $0xffff  }
0x2f2: {  	v23 =	vand.u32 $0xFFFF, v6;
	v6 =	vld.idx.msk [tilespmem:v13+s25+$0x0], $0xffff  }
0x2f3: {  	v13 =	vand.u32 $0xFFFF, v7;
	v7 =	vld.idx.msk [tilespmem:v14+s25+$0x0], $0xffff  }
0x2f4: {  	v14 =	vand.u32 $0xFFFF, v8;
	v8 =	vld.idx.msk [tilespmem:v18+s25+$0x0], $0xffff  }
0x2f5: {  	v12 =	vand.u32 $0xFFFF, v12;
	v18 =	vld.idx.msk [tilespmem:v20+s25+$0x0], $0xffff  }
0x2f6: {  	v11 =	vand.u32 $0xFFFF, v11;
	v20 =	vld.idx.msk [tilespmem:v22+s25+$0x0], $0xffff  }
0x2f7: {  	v10 =	vand.u32 $0xFFFF, v10;
	v22 =	vld.idx.msk [tilespmem:v23+s3+$0x0], $0xffff  }
0x2f8: {  	v24 =	vand.u32 $0xFFFF, v21;
	v23 =	vld.idx.msk [tilespmem:v13+s3+$0x0], $0xffff  }
0x2f9: {  	v26 =	vand.u32 $0xFFFF, v19;
	v25 =	vld.idx.msk [tilespmem:v14+s3+$0x0], $0xffff  }
0x2fa: {  	v21 =	vshrl.u32 v21, $0x10;
	v12 =	vld.idx.msk [tilespmem:v12+s3+$0x0], $0xffff  }
0x2fb: {  	v19 =	vshrl.u32 v19, $0x10;
	v14 =	vld.idx.msk [tilespmem:v11+s3+$0x0], $0xffff  }
.Ltmp26:
0x2fc: {  	v13 =	vld.idx.msk [tilespmem:v10+s3+$0x0], $0xffff;
	(pc) =	sbr.rel @p3 .LBB2_37-.Ltmp26, $4  }
0x2fd: {  	v11 =	vld.idx.msk [tilespmem:v24+s3+$0x0], $0xffff  }
0x2fe: {  	v22 =	vadd.f32 v15, v22;
	v17 =	vadd.f32 v17, v23;
	v10 =	vld.idx.msk [tilespmem:v26+s3+$0x0], $0xffff  }
0x2ff: {  	v15 =	vadd.f32 v9, v25;
	v9 =	vld.idx.msk [tilespmem:v21+s25+$0x0], $0xffff  }
0x300: {  	s14 =	sadd.s32 $0x80, s14;
	vm2 =	vgt.f32 v22, v18;
	vm3 =	vgt.f32 v17, v20;
	v16 =	vadd.f32 v16, v12;
	v12 =	vld.idx.msk [tilespmem:v19+s25+$0x0], $0xffff  }
0x301: {  	vm2 =	vmor vm2, vm3;
	vm3 =	vgt.f32 v15, v8;
	v4 =	vadd.f32 v4, v14  }
0x302: {  	v2 =	vadd.f32 v2, v13;
	vm2 =	vmor vm2, vm3;
	vm3 =	vgt.f32 v16, v7  }
0x303: {  	v3 =	vadd.f32 v3, v11;
	vm2 =	vmor vm2, vm3;
	vm3 =	vgt.f32 v4, v6  }
0x304: {  	v1 =	vadd.f32 v1, v10;
	vm2 =	vmor vm2, vm3;
	vm3 =	vgt.f32 v2, v5  }
0x305: {  	vm2 =	vmor vm2, vm3;
	vm3 =	vgt.f32 v3, v9  }
0x306: {  	vm2 =	vmor vm2, vm3;
	vm3 =	vgt.f32 v1, v12  }
0x307: {  	vm2 =	vmor vm2, vm3  }
0x308: {  	vm1 =	vmor vm1, vm2  }
.LBB2_39:
0x309: {  	s12 =	sshra.s32 s3, $0x2  }
0x30a: {  	v1 =	vld [tilespmem:s12+$0x19680];
	_ =	sdelay $0x4  }
0x30b: {  	v2 =	vand.u32 $0xFFFF, v1;
	_ =	sdelay $0x1  }
0x30c: {  	v1 =	vshrl.u32 v1, $0x10;
	_ =	sdelay $0x1  }
0x30d: {  	v3 =	vld [tilespmem:s12+$0x1A680]  }
0x30e: {  	v2 =	vld.idx.msk [tilespmem:v2+s1+$0x0], $0xffff;
	_ =	sdelay $0x1  }
0x30f: {  	v1 =	vld.idx.msk [tilespmem:v1+s25+$0x0], $0xffff  }
0x310: {  	p1 =	sne.s32 s3, $0x100  }
.Ltmp27:
0x311: {  	_ = 	snop;
	(pc) =	sbr.rel @p1 .LBB2_39-.Ltmp27, $3  }
0x312: {  	v2 =	vadd.f32 v3, v2;
	_ =	sdelay $0x1  }
0x313: {  	vm2 =	vgt.f32 v2, v1  }
0x314: {  	s3 =	sadd.s32 $0x40, s3;
	vm1 =	vmor vm1, vm2  }
0x315: {  	v1 =	vsel vm1, $0x3F800000, v0  }
0x316: {  	(xrf0) =	vmax.scan.msk.f32 $0xffff, v1;
	_ =	sdelay $0x5  }
0x317: {  	v1, _, _ =	vpop (xrf0)  }
0x318: {  	(v2sf) =	vpush v1, $0xF;
	_ =	sdelay $0xe  }
0x319: {  	s3 =	spop (v2sf)  }
0x31a: {  	p1 =	sgt.f32 s3, $0.0e+00  }
.Ltmp28:
0x31b: {  	_ = 	snop;
	(pc) =	sbr.rel @p1 .LBB2_34-.Ltmp28, $4  }
.Ltmp29:
0x31c: {  	_ = 	snop;
	(pc) =	sbr.rel @!p1 .LBB2_41-.Ltmp29, $4  }
0x31d: {  	_ = 	snop  }
0x31e: {  	_ = 	snop  }
0x31f: {  	s3 =	simm.s32 $0x0  }
0x320: {  	_ = 	snop  }
.LBB2_43:
0x321: {  	_ =	sfence.sel $0x180000  }
0x322: {  	[bflag:$0x0] =	sbarrier.arrive $0xFFFF  }
0x323: {  	_ =	strace $0x9000004A  }
0x324: {  	s0 =	stileid.u32;
	[bflag:$0x2] =	sbarrier.arrive $0xFFFF  }
0x325: {  	p0 =	sne.s32 s0, $0x0;
	s0 =	rddreg [dreg:$0x2]  }
0x326: {  	s0 =	sadd.s32 @!p0 $0x100000, s0  }
0x327: {  	[sflag:s0] =	ssyncadd.tile.s32 @!p0 $0x1;
	_ =	shalt  }
.Lfunc_end2:
_tile_overlayer_lowered:
.L_overlay_start_2:
0x328: {  	(tag) =	ssettag $0x2  }
0x329: {  	s0 =	rddreg [dreg:$0x0];
	s2 =	stileid.u32  }
0x32a: {  	s1 =	rddreg [dreg:$0x1];
	p0 =	sne.s32 s2, $0x0  }
0x32b: {  	s3 =	rddreg [dreg:$0x2];
	[bflag:$0x3] =	sbarrier.arrive $0xFFFF;
	s2 =	simm.s32 @!p0 $0x1C03  }
0x32c: {  	[timem:s3], [sflag:s2] =	dma.local @!p0 [hbm:s0], s1  }
0x32d: {  	s0 =	simm.s32 @!p0 $0x3  }
0x32e: {  	_ =	swait.ge @!p0 [sflag:s0], s1  }
0x32f: {  	s1 =	ssub.s32 @!p0 $0x0, s1;
	[sflag:s0] =	ssyncset.done @!p0 $0x0  }
0x330: {  	[sflag:s0] =	ssyncadd.s32 @!p0 s1  }
0x331: {  	[bflag:$0x3] =	sbarrier.arrive $0xFFFF  }
0x332: {  	_ =	shalt  }

// kernel: kernel.16.cloned.1.call-start
scs
__scs_entry_jumppad:
0x0: {  	(pc) =	sbr.rel $0x88, $3  }
0x1: {  	(tag) =	ssettag $0x0;
	lr =	simm.s32 $0x1  }
0x2: {  	[smem:$0x3F98] =	sst lr;
	_ =	strace $0xD0000000  }
0x3: {  	_ = 	snop  }
0x4: {  	_ = 	snop  }
0x5: {  	_ = 	snop  }
0x6: {  	_ = 	snop  }
0x7: {  	_ = 	snop  }
__scs_overlays_trampoline_lowered:
0x8: {  	[smem:$0x3FA7] =	sst s0  }
0x9: {  	[smem:$0x3FA8] =	sst s1  }
0xa: {  	[smem:$0x3FA9] =	sst s2  }
0xb: {  	[smem:$0x3FAA] =	sst s3  }
0xc: {  	[smem:$0x3FAB] =	sst s4  }
0xd: {  	[smem:$0x3FAC] =	sst s5  }
0xe: {  	[smem:$0x3FAD] =	sst s6  }
0xf: {  	[smem:$0x3FAE] =	sst s7  }
0x10: {  	[smem:$0x3FAF] =	sst s8  }
0x11: {  	[smem:$0x3FB0] =	sst s9;
	s0 =	simm.s32 @!p0 $0x0  }
0x12: {  	s1 =	sld [smem:$0x3F96];
	s0 =	simm.s32 @p0 $0x1  }
0x13: {  	[smem:$0x3FB1] =	sst s0;
	s0 =	simm.s32 @!p1 $0x0  }
0x14: {  	s2 =	sld [smem:$0x3F95];
	s0 =	simm.s32 @p1 $0x1  }
0x15: {  	[smem:$0x3FB2] =	sst s0;
	s0 =	simm.s32 @!p2 $0x0  }
0x16: {  	s3 =	sld [smem:$0x3FDB];
	s0 =	simm.s32 @p2 $0x1  }
0x17: {  	s4 =	simm.s32 $0x1BF5;
	[smem:$0x3FB4] =	sst s0  }
0x18: {  	s0 =	sld [smem:$0x3F97];
	_ =	swait.ge [sflag:s4], $0x0  }
0x19: {  	s7 =	sld [smem:$0x3F98]  }
0x1a: {  	s8 =	sadd.s32 $0xFFFFE003, lr  }
0x1b: {  	s9 =	sadd.s32 $0xFFFFFEF7, lr;
	s5 =	simm.s32 $0xFFFFFFFF;
	p2 =	slt.u32 s8, $0xFFFFF086  }
0x1c: {  	p1 =	slt.u32 s9, $0xF7A;
	s5 =	simm.s32 @!p2 $0x0  }
0x1d: {  	s5 =	simm.s32 @p1 $0x1;
	p0 =	seq.s32 s7, s2  }
0x1e: {  	s7 =	smul.u32 @!p0 $0xF7A, s2;
	p2 =	seq.s32 @!p0 s5, $0x0  }
0x1f: {  	s9 =	smul.u32 $0xF7A, s1;
	s8 =	simm.s32 @!p0 $0x1BF5;
	p2 =	por !p2, p0  }
0x20: {  	[sflag:s8] =	ssyncset.s32 @!p0 $0xFFFFF086;
	s6 =	sadd.s32 @!p0 s3, s7;
	s7 =	simm.s32 @!p0 $0x108  }
0x21: {  	s3 =	sadd.s32 s3, s9;
	s6 =	sadd.s32 @!p0 $0x88, s6;
	s7 =	simm.s32 @p2 $0x1082  }
0x22: {  	[simem:s7], [sflag:s8] =	dma.local @!p0 [hbm:s6], $0xF7A  }
0x23: {  	s9 =	sor.u32 $0xD0000000, s2;
	s6 =	simm.s32 $0x108;
	_ =	swait.ge @!p0 [sflag:s8], $0x0  }
0x24: {  	s3 =	sadd.s32 $0x88, s3;
	s6 =	simm.s32 @!p1 $0x1082;
	[sflag:s4] =	ssyncset.s32 $0xFFFFF086  }
0x25: {  	[simem:s6], [sflag:s4] =	dma.local [hbm:s3], $0xF7A  }
0x26: {  	[smem:$0x3F98] =	sst s1;
	(tag) =	ssettag s2;
	_ =	strace s9  }
0x27: {  	s1 =	sld [smem:$0x3FA8]  }
0x28: {  	s2 =	sld [smem:$0x3FA9]  }
0x29: {  	s4 =	sld [smem:$0x3FAB]  }
0x2a: {  	p0 =	seq.s32 s5, $0x0;
	s5 =	sld [smem:$0x3FAC]  }
0x2b: {  	s6 =	sld [smem:$0x3FAD]  }
0x2c: {  	s7 =	sld [smem:$0x3FAE]  }
0x2d: {  	s3 =	simm.s32 $0x108;
	s8 =	sld [smem:$0x3FAF]  }
0x2e: {  	s3 =	simm.s32 @!p0 $0x1082;
	s9 =	sld [smem:$0x3FB0]  }
0x2f: {  	lr =	sadd.s32 s0, s3;
	s0 =	sld [smem:$0x3FA7]  }
0x30: {  	s3 =	sld [smem:$0x3FAA]  }
0x31: {  	[smem:$0x3FB3] =	sst s10  }
0x32: {  	s10 =	sld [smem:$0x3FB1];
	_ =	sdelay $0x3  }
0x33: {  	p0 =	seq.s32 s10, $0x1;
	s10 =	sld [smem:$0x3FB3];
	_ =	sdelay $0x3  }
0x34: {  	[smem:$0x3FB3] =	sst s10  }
0x35: {  	s10 =	sld [smem:$0x3FB2];
	_ =	sdelay $0x3  }
0x36: {  	p1 =	seq.s32 s10, $0x1;
	s10 =	sld [smem:$0x3FB3];
	_ =	sdelay $0x3  }
0x37: {  	[smem:$0x3FB3] =	sst s10  }
0x38: {  	s10 =	sld [smem:$0x3FB4]  }
0x39: {  	_ = 	snop;
	(pc) =	sbr.ind lr, $3  }
0x3a: {  	_ = 	snop  }
0x3b: {  	_ = 	snop  }
0x3c: {  	p2 =	seq.s32 s10, $0x1;
	s10 =	sld [smem:$0x3FB3]  }
0x3d: {  	_ =	shalt  }
0x3e: {  	_ =	shalt  }
0x3f: {  	_ =	shalt  }
0x40: {  	_ =	shalt  }
0x41: {  	_ =	shalt  }
0x42: {  	_ =	shalt  }
0x43: {  	_ =	shalt  }
0x44: {  	_ =	shalt  }
0x45: {  	_ =	shalt  }
0x46: {  	_ =	shalt  }
0x47: {  	_ =	shalt  }
0x48: {  	_ =	shalt  }
0x49: {  	_ =	shalt  }
0x4a: {  	_ =	shalt  }
0x4b: {  	_ =	shalt  }
0x4c: {  	_ =	shalt  }
0x4d: {  	_ =	shalt  }
0x4e: {  	_ =	shalt  }
0x4f: {  	_ =	shalt  }
0x50: {  	_ =	shalt  }
0x51: {  	_ =	shalt  }
0x52: {  	_ =	shalt  }
0x53: {  	_ =	shalt  }
0x54: {  	_ =	shalt  }
0x55: {  	_ =	shalt  }
0x56: {  	_ =	shalt  }
0x57: {  	_ =	shalt  }
0x58: {  	_ =	shalt  }
0x59: {  	_ =	shalt  }
0x5a: {  	_ =	shalt  }
0x5b: {  	_ =	shalt  }
0x5c: {  	_ =	shalt  }
0x5d: {  	_ =	shalt  }
0x5e: {  	_ =	shalt  }
0x5f: {  	_ =	shalt  }
0x60: {  	_ =	shalt  }
0x61: {  	_ =	shalt  }
0x62: {  	_ =	shalt  }
0x63: {  	_ =	shalt  }
0x64: {  	_ =	shalt  }
0x65: {  	_ =	shalt  }
0x66: {  	_ =	shalt  }
0x67: {  	_ =	shalt  }
0x68: {  	_ =	shalt  }
0x69: {  	_ =	shalt  }
0x6a: {  	_ =	shalt  }
0x6b: {  	_ =	shalt  }
0x6c: {  	_ =	shalt  }
0x6d: {  	_ =	shalt  }
0x6e: {  	_ =	shalt  }
0x6f: {  	_ =	shalt  }
0x70: {  	_ =	shalt  }
0x71: {  	_ =	shalt  }
0x72: {  	_ =	shalt  }
0x73: {  	_ =	shalt  }
0x74: {  	_ =	shalt  }
0x75: {  	_ =	shalt  }
0x76: {  	_ =	shalt  }
0x77: {  	_ =	shalt  }
0x78: {  	_ =	shalt  }
0x79: {  	_ =	shalt  }
0x7a: {  	_ =	shalt  }
0x7b: {  	_ =	shalt  }
0x7c: {  	_ =	shalt  }
0x7d: {  	_ =	shalt  }
0x7e: {  	_ =	shalt  }
0x7f: {  	_ =	shalt  }
0x80: {  	_ =	shalt  }
0x81: {  	_ =	shalt  }
0x82: {  	_ =	shalt  }
0x83: {  	_ =	shalt  }
0x84: {  	_ =	shalt  }
0x85: {  	_ =	shalt  }
0x86: {  	_ =	shalt  }
0x87: {  	_ =	shalt  }
.Lfunc_end0:
.L_simem_size_0:
called_computation.2_lowered:
.L_overlay_start_0:
0x88: {  	s2 =	sld [smem:$0x3FD9]  }
0x89: {  	s3 =	sld [smem:$0x3FFE];
	_ =	sdelay $0x1  }
0x8a: {  	s1 =	srdreg.scid  }
0x8b: {  	s0 =	sand.u32 $0x1, s1  }
0x8c: {  	s17 =	sshll.u32 s0, $0xA;
	s2 =	sadd.s32 s3, s2  }
0x8d: {  	s2 =	sadd.s32 s2, s17  }
0x8e: {  	[smem:$0x3FBF] =	sst s2  }
0x8f: {  	_ = 	snop  }
0x90: {  	s2 =	sld [smem:$0x3FD0];
	(tm) =	ssettm $0x1  }
0x91: {  	s18 =	sld [smem:$0x3FFB];
	_ =	sdelay $0x3  }
0x92: {  	_ =	strace s18  }
0x93: {  	s3 =	sld [smem:$0x3FFC];
	_ =	sdelay $0x3  }
0x94: {  	_ =	strace s3  }
0x95: {  	s3 =	sld [smem:$0x3FFD];
	_ =	sdelay $0x3  }
0x96: {  	_ =	strace s3  }
0x97: {  	_ =	strace $0x8FFFFFFF  }
0x98: {  	s19 =	sld [smem:$0x3FDB];
	_ =	sdelay $0x1  }
0x99: {  	s4 =	simm.s32 $_scs_section_size  }
0x9a: {  	s5 =	simm.s32 $_size__tile_overlayer_lowered;
	s6 =	simm.s32 $_tile_overlayer_lowered  }
0x9b: {  	s22 =	simm.s32 $0x1BFF;
	s21 =	sshll.u32 s6, $0x1;
	s3 =	sadd.s32 s4, s19  }
0x9c: {  	s7 =	simm.s32 $0x0;
	s20 =	sshll.u32 s5, $0x1;
	s5 =	sadd.s32 s21, s3  }
0x9d: {  	[timem:s7], [sflag:s22] =	dma.local [hbm:s5], s20  }
0x9e: {  	_ =	swait.ge [sflag:s22], s20  }
0x9f: {  	s4 =	ssub.s32 $0x0, s20;
	[sflag:s22] =	ssyncset.done $0x0  }
0xa0: {  	[sflag:s22] =	ssyncadd.s32 s4;
	_ =	sdelay $0x1  }
0xa1: {  	s23 =	simm.s32 $0x1B8B  }
0xa2: {  	_ =	swait.ge [sflag:s23], $0x1  }
0xa3: {  	[sflag:s23] =	ssyncset.done $0x0  }
0xa4: {  	s25 =	simm.s32 $0x1B8E;
	s24 =	sld [smem:$0x3FFE];
	[sflag:s23] =	ssyncadd.s32 $0xFFFFFFFF  }
0xa5: {  	s26 =	simm.s32 $execute0_lowered;
	[smem:$0x3FD2] =	sst s25  }
0xa6: {  	s5 =	sshll.u32 s26, $0x1;
	_ =	strace $0x8000004C;
	[dreg:$0x1] =	wrdreg $0xFFFFFFFF  }
0xa7: {  	s28 =	simm.s32 $_size_execute0_lowered;
	s3 =	sadd.s32 s3, s5;
	[dreg:$0x0] =	wrdreg $0x0  }
0xa8: {  	s5 =	sshll.u32 s28, $0x1;
	[dreg:$0x2] =	wrdreg s3  }
0xa9: {  	[dreg:$0x3] =	wrdreg s5  }
0xaa: {  	[dreg:$0x4] =	wrdreg $0xC0  }
0xab: {  	_ =	task [dreg:s7], $0x5FFFF  }
0xac: {  	[dreg:$0x1] =	wrdreg $0xFFFFFFFF  }
0xad: {  	[dreg:$0x0] =	wrdreg $0x60  }
0xae: {  	[dreg:$0x2] =	wrdreg s2  }
0xaf: {  	[dreg:$0x3] =	wrdreg s24  }
0xb0: {  	[dreg:$0x4] =	wrdreg $0x9  }
0xb1: {  	_ =	task.clear_ibuf [dreg:s7], $0x5FFFF;
	_ =	strace $0x9000004C  }
0xb2: {  	s29 =	simm.s32 $0x9;
	_ =	strace $0x8000004E  }
0xb3: {  	_ =	swait.ge [sflag:s29], $0x1  }
0xb4: {  	[sflag:s29] =	ssyncadd.s32 $0xFFFFFFFF  }
0xb5: {  	_ =	strace $0x9000004E  }
0xb6: {  	_ =	sfence  }
0xb7: {  	s30 =	sld [smem:$0x0];
	_ =	sdelay $0x2  }
0xb8: {  	s31 =	sshll.u32 s1, $0xD;
	s1 =	sshrl.u32 s1, $0x2  }
0xb9: {  	s3 =	sand.u32 $0x4000, s31;
	s1 =	sadd.s32 s1, s30  }
0xba: {  	s0 =	sor.u32 s3, s0;
	s1 =	sshll.u32 s1, $0x11  }
0xbb: {  	s0 =	sor.u32 s1, s0  }
0xbc: {  	s0 =	sadd.s32 $0x8F2B, s0  }
0xbd: {  	[sflag:s0] =	ssyncadd.remote.s32 $0x1  }
0xbe: {  	_ =	sfence.sel $0xFFFF  }
0xbf: {  	[dreg:$0x0] =	wrdreg $0xFFFFFFFF;
	(pc) =	sbr.abs _section_cstart, $3  }
0xc0: {  	[dreg:$0x1] =	wrdreg $0xFFFFFFFF  }
0xc1: {  	_ =	task.clear_ibuf [dreg:s7], $0x2FFFF;
	_ =	strace $0x9FFFFFFF  }
0xc2: {  	(tm) =	ssettm $0x7FFFFFFF  }
0xc3: {  	_ =	shalt  }
tec
execute0_lowered:
.L_overlay_start_1:
0x0: {  	(tag) =	ssettag $0x1  }
0x1: {  	s0 =	rddreg [dreg:$0x0]  }
0x2: {  	s2 =	rddreg [dreg:$0x1];
	s1 =	simm.s32 $0x0  }
0x3: {  	s24 =	srdreg.scid;
	s11 =	stileid.u32;
	s21 =	simm.s32 $0x3  }
0x4: {  	s23 =	simm.s32 $0x18F00;
	s28 =	simm.s32 $0x0;
	[smem:$0x7FF] =	sst s1  }
0x5: {  	s12 =	sadd.s32 $0x65200, s2;
	s3 =	sadd.s32 $0x66C00, s2;
	s4 =	sadd.s32 $0x68600, s2  }
0x6: {  	s25 =	sshll.u32 s11, $0x1;
	s6 =	sadd.s32 $0x9AE00, s2;
	s7 =	sadd.s32 $0x3600, s2  }
0x7: {  	s8 =	sadd.s32 $0x34400, s2;
	s9 =	sadd.s32 $0xCBC00, s2;
	s10 =	sadd.s32 $0x6A000, s2  }
0x8: {  	s11 =	sshrl.u32 s11, $0x2;
	_ =	strace $0x8000004D;
	[dreg:$0x4] =	wrdreg s3  }
0x9: {  	[dreg:$0x5] =	wrdreg s4;
	s3 =	sand.u32 $0x1, s24;
	p0 =	seq.s32 s11, $0x0  }
0xa: {  	p1 =	sgt.s32 s11, $0x1;
	p2 =	sne.s32 s11, $0x0;
	s24 =	simm.s32 $0x1  }
0xb: {  	s4 =	sor.u32 s3, s25;
	s3 =	ssub.s32 $0x2, s3;
	s12 =	smov.u32 @p0 s0  }
0xc: {  	s25 =	simm.s32 $0xC380;
	s5 =	smul.u32 $0x186A, s4;
	s4 =	sand.u32 $0x7, s4  }
0xd: {  	s26 =	sshrl.u32 s3, $0x1;
	[dreg:$0x3] =	wrdreg s12;
	s4 =	smul.u32 $0x30D40, s4  }
0xe: {  	s3 =	ssub.s32 s3, s26;
	s26 =	simm.s32 $0x2;
	s2 =	sadd.s32 s5, s2  }
0xf: {  	s20 =	smax.u32 s3, $0x1;
	s29 =	sshrl.u32 s4, $0x3;
	s19 =	sadd.s32 $0xFCA00, s2  }
0x10: {  	s2 =	simm.s32 @!p1 $0x0;
	s13 =	sadd.s32 s6, s29;
	s30 =	sadd.s32 s7, s29  }
.Ltmp0:
0x11: {  	s31 =	sadd.s32 s8, s29;
	[dreg:$0x6] =	wrdreg s13;
	(pc) =	sbr.rel .LBB2_1-.Ltmp0, $4  }
0x12: {  	s2 =	simm.s32 @p1 $0x1;
	p1 =	seq.s32 s11, $0x3;
	[dreg:$0x7] =	wrdreg s30  }
0x13: {  	s17 =	sadd.s32 $0x7D0, s4;
	[dreg:$0x8] =	wrdreg s31;
	s0 =	simm.s32 @!p1 $0x0  }
0x14: {  	s18 =	sadd.s32 $0xFA0, s4;
	[smem:$0x7FC] =	sst s2;
	s0 =	simm.s32 @p1 $0x1  }
0x15: {  	v0 =	vimm.f32 $0.0e+00;
	vm0 =	vmxor vm0, vm0;
	s15 =	sadd.s32 s9, s29;
	s16 =	sadd.s32 s10, s29;
	[smem:$0x7FD] =	sst s0  }
.LBB2_42:
0x16: {  	s28 =	sadd.s32 $0x1, s28  }
0x17: {  	p1 =	sne.s32 s28, s20  }
.Ltmp1:
0x18: {  	_ = 	snop;
	(pc) =	sbr.rel @!p1 .LBB2_43-.Ltmp1, $4  }
0x19: {  	[hbm4b:s19+s1] =	stream.linear.scatter [tilespmem:s25], [sflag:$0x3], $0xC350, $0x38;
	[tilespmem:$0x1A700] =	vst v63  }
0x1a: {  	_ =	swait.ge [sflag:s21], $0xC350  }
0x1b: {  	[sflag:s21] =	ssyncset.done $0x0  }
0x1c: {  	[sflag:s21] =	ssyncadd.s32 $0xFFFF3CB0  }
.LBB2_1:
0x1d: {  	s0 =	sld [smem:$0x7FC];
	_ =	sdelay $0x2  }
0x1e: {  	p1 =	seq.s32 s0, $0x1  }
.Ltmp2:
0x1f: {  	_ = 	snop;
	(pc) =	sbr.rel @p1 .LBB2_3-.Ltmp2, $1  }
0x20: {  	_ =	sdelay $0x3  }
.Ltmp3:
0x21: {  	(pc) =	sbr.rel .LBB2_6-.Ltmp3, $4  }
0x22: {  	_ = 	snop  }
0x23: {  	p3 =	por @!p0 $0x1, $0x1;
	p1 =	por @!p0 $0x0, $0x0;
	p4 =	por $0x0, $0x0  }
0x24: {  	p5 =	por $0x0, $0x0;
	p6 =	por $0x0, $0x0;
	s0 =	rddreg [dreg:$0x3]  }
0x25: {  	p4 =	por @!p0 p1, p1;
	p5 =	por @!p0 p3, p3;
	p6 =	por @!p0 p1, p1  }
.LBB2_3:
0x26: {  	s0 =	sld [smem:$0x7FD];
	_ =	sdelay $0x2  }
0x27: {  	p1 =	seq.s32 s0, $0x1  }
.Ltmp4:
0x28: {  	_ = 	snop;
	(pc) =	sbr.rel @!p1 .LBB2_4-.Ltmp4, $1  }
0x29: {  	_ =	sdelay $0x3  }
.Ltmp5:
0x2a: {  	(pc) =	sbr.rel .LBB2_6-.Ltmp5, $3  }
0x2b: {  	_ =	sdelay $0x1  }
0x2c: {  	p5 =	por $0x0, $0x0  }
0x2d: {  	p4 =	por $0x1, $0x1;
	s0 =	rddreg [dreg:$0x5];
	p6 =	por $0x0, $0x0  }
.LBB2_4:
0x2e: {  	p6 =	por $0x1, $0x1  }
0x2f: {  	p4 =	por $0x0, $0x0;
	s0 =	rddreg [dreg:$0x4];
	p5 =	por $0x0, $0x0  }
.LBB2_6:
0x30: {  	[tilespmem:s1], [sflag:$0x3] =	stream.linear.gather [hbm4b:s0+s1], $0xC380, $0x38;
	[tilespmem:$0x1A700] =	vst v63  }
0x31: {  	_ =	swait.ge [sflag:s21], $0xC380  }
0x32: {  	[sflag:s21] =	ssyncset.done $0x0  }
0x33: {  	s0 =	simm.s32 $0xC3C0;
	[sflag:s21] =	ssyncadd.s32 $0xFFFF3C80  }
0x34: {  	[tilespmem:s0+$0xFFFFFFC0] =	vst v0  }
0x35: {  	[tilespmem:s0+$0x30] =	vst v0  }
0x36: {  	[tilespmem:s0+$0x20] =	vst v0  }
0x37: {  	[tilespmem:s0+$0x10] =	vst v0  }
0x38: {  	[tilespmem:s0+$0x0] =	vst v0  }
0x39: {  	[tilespmem:s0+$0xFFFFFFF0] =	vst v0  }
0x3a: {  	s2 =	simm.s32 $0x0;
	[tilespmem:s0+$0xFFFFFFE0] =	vst v0  }
.LBB2_7:
0x3b: {  	s2 =	sadd.s32 $0x8, s2;
	[tilespmem:s0+$0xFFFFFFD0] =	vst v0;
	s0 =	sadd.s32 $0x80, s0  }
0x3c: {  	[tilespmem:s0+$0xFFFFFFC0] =	vst v0;
	p1 =	slt.u32 s2, $0xC28  }
0x3d: {  	[tilespmem:s0+$0x30] =	vst v0  }
.Ltmp6:
0x3e: {  	[tilespmem:s0+$0x20] =	vst v0;
	(pc) =	sbr.rel @p1 .LBB2_7-.Ltmp6, $4  }
0x3f: {  	[tilespmem:s0+$0x10] =	vst v0  }
0x40: {  	[tilespmem:s0+$0x0] =	vst v0  }
0x41: {  	[tilespmem:s0+$0xFFFFFFF0] =	vst v0  }
0x42: {  	[tilespmem:s0+$0xFFFFFFE0] =	vst v0  }
0x43: {  	[tilespmem:s0+$0xFFFFFFD0] =	vst v0  }
0x44: {  	[tilespmem:$0x18680] =	vst v0  }
0x45: {  	[tilespmem:$0x18690] =	vst v0  }
0x46: {  	[tilespmem:$0x186A0] =	vst v0  }
0x47: {  	[tilespmem:$0x186B0] =	vst v0  }
0x48: {  	s22 =	rddreg [dreg:$0x6];
	s2 =	simm.s32 $0x18700;
	[tilespmem:$0x186C0] =	vst v0  }
0x49: {  	[tilespmem:s2], [sflag:$0x1] =	stream.linear.gather [hbm4b:s22+s1], $0x7D0, $0x38;
	[tilespmem:$0x1A700] =	vst v63  }
0x4a: {  	s29 =	simm.s32 @!p2 $0x0;
	s0 =	simm.s32 @!p2 $0x19700;
	s2 =	rddreg [dreg:$0x7]  }
0x4b: {  	[tilespmem:s0], [sflag:$0x1] =	stream.linear.gather @!p2 [hbm4b:s2+s29], $0x7D0, $0x38;
	[tilespmem:$0x1A700] =	vst v63  }
0x4c: {  	s30 =	simm.s32 @p5 $0x0;
	s0 =	simm.s32 @p5 $0x19700;
	s2 =	rddreg [dreg:$0x8]  }
0x4d: {  	[tilespmem:s0], [sflag:$0x1] =	stream.linear.gather @p5 [hbm4b:s2+s30], $0x7D0, $0x38;
	[tilespmem:$0x1A700] =	vst v63  }
.Ltmp7:
0x4e: {  	s31 =	simm.s32 @p6 $0x0;
	s0 =	simm.s32 @p6 $0x19700;
	(pc) =	sbr.rel .LBB2_9-.Ltmp7, $4  }
0x4f: {  	[tilespmem:s0], [sflag:$0x1] =	stream.linear.gather @p6 [hbm4b:s15+s31], $0x7D0, $0x38;
	[tilespmem:$0x1A700] =	vst v63  }
0x50: {  	s2 =	simm.s32 @p4 $0x19700;
	s0 =	simm.s32 @p4 $0x0  }
0x51: {  	[tilespmem:s2], [sflag:$0x1] =	stream.linear.gather @p4 [hbm4b:s16+s0], $0x7D0, $0x38;
	[tilespmem:$0x1A700] =	vst v63  }
0x52: {  	s4 =	simm.s32 $0x0;
	s2 =	simm.s32 $0x0  }
.LBB2_41:
0x53: {  	s4 =	sadd.s32 $0x1, s4  }
0x54: {  	p1 =	sne.s32 s4, $0x32  }
.Ltmp8:
0x55: {  	_ = 	snop;
	(pc) =	sbr.rel @!p1 .LBB2_42-.Ltmp8, $1  }
0x56: {  	_ =	sdelay $0x3  }
.LBB2_9:
0x57: {  	s5 =	smul.u32 $0xFA0, s4;
	_ =	sdelay $0x1  }
0x58: {  	s3 =	sadd.s32 s5, s17  }
0x59: {  	s3 =	sshrl.u32 s3, $0x3  }
0x5a: {  	s12 =	sadd.s32 s6, s3  }
0x5b: {  	[tilespmem:s23], [sflag:$0x2] =	stream.linear.gather [hbm4b:s12+s1], $0x7D0, $0x38;
	[tilespmem:$0x1A700] =	vst v63  }
0x5c: {  	s13 =	simm.s32 @!p2 $0x19F00;
	s12 =	sadd.s32 @!p2 s7, s3  }
0x5d: {  	[tilespmem:s13], [sflag:$0x2] =	stream.linear.gather @!p2 [hbm4b:s12+s29], $0x7D0, $0x38;
	[tilespmem:$0x1A700] =	vst v63  }
0x5e: {  	s12 =	sadd.s32 @p5 s8, s3;
	s13 =	simm.s32 @p5 $0x19F00  }
0x5f: {  	[tilespmem:s13], [sflag:$0x2] =	stream.linear.gather @p5 [hbm4b:s12+s30], $0x7D0, $0x38;
	[tilespmem:$0x1A700] =	vst v63  }
0x60: {  	s12 =	sadd.s32 @p6 s9, s3;
	s13 =	simm.s32 @p6 $0x19F00  }
0x61: {  	[tilespmem:s13], [sflag:$0x2] =	stream.linear.gather @p6 [hbm4b:s12+s31], $0x7D0, $0x38;
	[tilespmem:$0x1A700] =	vst v63  }
0x62: {  	s3 =	sadd.s32 @p4 s10, s3;
	s12 =	simm.s32 @p4 $0x19F00  }
0x63: {  	[tilespmem:s12], [sflag:$0x2] =	stream.linear.gather @p4 [hbm4b:s3+s0], $0x7D0, $0x38;
	[tilespmem:$0x1A700] =	vst v63  }
0x64: {  	_ =	swait.ge [sflag:s24], $0x7D0  }
0x65: {  	[sflag:s24] =	ssyncset.done $0x0  }
0x66: {  	[sflag:s24] =	ssyncadd.s32 $0xFFFFF830  }
0x67: {  	_ =	swait.ge [sflag:s24], $0x7D0  }
0x68: {  	[sflag:s24] =	ssyncset.done $0x0  }
0x69: {  	s22 =	simm.s32 $0x18740;
	[sflag:s24] =	ssyncadd.s32 $0xFFFFF830  }
0x6a: {  	v1 =	vld [tilespmem:s22+$0x30]  }
0x6b: {  	v2 =	vld [tilespmem:s22+$0xFFFFFFD0]  }
0x6c: {  	v3 =	vld [tilespmem:s22+$0xFFFFFFE0]  }
0x6d: {  	v4 =	vld [tilespmem:s22+$0xFFFFFFF0]  }
0x6e: {  	v6 =	vld [tilespmem:s22+$0x0]  }
0x6f: {  	v7 =	vld [tilespmem:s22+$0xFFFFFFC0]  }
0x70: {  	v9 =	vld [tilespmem:s22+$0x10]  }
0x71: {  	s3 =	simm.s32 $0x19740;
	v19 =	vld [tilespmem:s22+$0x20]  }
0x72: {  	v13 =	vld [tilespmem:s3+$0x30]  }
0x73: {  	v22 =	vld [tilespmem:s3+$0xFFFFFFD0]  }
0x74: {  	v23 =	vld [tilespmem:s3+$0xFFFFFFE0];
	v5 =	vand.u32 $0xFFFF, v1  }
0x75: {  	v24 =	vld [tilespmem:s3+$0xFFFFFFF0];
	v8 =	vshrl.u32 v1, $0x10;
	v1 =	vand.u32 $0xFFFF, v2  }
0x76: {  	v25 =	vld [tilespmem:s3+$0x0]  }
0x77: {  	v26 =	vld [tilespmem:s3+$0x10];
	v10 =	vand.u32 $0xFFFF, v3  }
0x78: {  	v27 =	vld [tilespmem:s3+$0x20];
	v12 =	vand.u32 $0xFFFF, v6  }
0x79: {  	v14 =	vand.u32 $0xFFFF, v7;
	v5 =	vld.idx.msk [tilespmem:v5+s2+$0x0], $0xffff  }
0x7a: {  	v17 =	vld.idx.msk [tilespmem:v1+s2+$0x0], $0xffff;
	v1 =	vand.u32 $0xFFFF, v19  }
0x7b: {  	v15 =	vld.idx.msk [tilespmem:v8+s25+$0x0], $0xffff  }
0x7c: {  	v11 =	vand.u32 $0xFFFF, v4;
	v10 =	vld.idx.msk [tilespmem:v10+s2+$0x0], $0xffff  }
0x7d: {  	v16 =	vand.u32 $0xFFFF, v9;
	v18 =	vld.idx.msk [tilespmem:v12+s2+$0x0], $0xffff  }
0x7e: {  	v7 =	vshrl.u32 v7, $0x10;
	v12 =	vld.idx.msk [tilespmem:v14+s2+$0x0], $0xffff  }
0x7f: {  	v21 =	vld.idx.msk [tilespmem:v1+s2+$0x0], $0xffff;
	v1 =	vshrl.u32 v2, $0x10  }
0x80: {  	v14 =	vld [tilespmem:s3+$0xFFFFFFC0];
	v5 =	vadd.f32 v13, v5;
	v2 =	vshrl.u32 v3, $0x10  }
0x81: {  	v11 =	vld.idx.msk [tilespmem:v11+s2+$0x0], $0xffff;
	v3 =	vshrl.u32 v4, $0x10  }
0x82: {  	v20 =	vld.idx.msk [tilespmem:v16+s2+$0x0], $0xffff;
	v4 =	vshrl.u32 v6, $0x10;
	vm1 =	vgt.f32 v5, v15  }
0x83: {  	v15 =	vld.idx.msk [tilespmem:v7+s25+$0x0], $0xffff  }
0x84: {  	v16 =	vld.idx.msk [tilespmem:v1+s25+$0x0], $0xffff  }
0x85: {  	v13 =	vadd.f32 v14, v12;
	v14 =	vadd.f32 v22, v17;
	v17 =	vld.idx.msk [tilespmem:v2+s25+$0x0], $0xffff  }
0x86: {  	v12 =	vadd.f32 v23, v10;
	v10 =	vadd.f32 v25, v18;
	v18 =	vld.idx.msk [tilespmem:v3+s25+$0x0], $0xffff  }
0x87: {  	v11 =	vadd.f32 v24, v11;
	v6 =	vshrl.u32 v19, $0x10;
	v19 =	vld.idx.msk [tilespmem:v4+s25+$0x0], $0xffff  }
0x88: {  	s13 =	simm.s32 $0x187C0;
	s12 =	simm.s32 $0x0;
	[tilespmem:v8+s25+$0x0] =	vst.idx.msk vm1, v5;
	v5 =	vshrl.u32 v9, $0x10;
	v8 =	vadd.f32 v26, v20;
	v9 =	vadd.f32 v27, v21  }
.LBB2_10:
0x89: {  	v20 =	vld [tilespmem:s13+$0x30];
	s12 =	sadd.s32 $0x8, s12  }
0x8a: {  	vm2 =	vgt.f32 v13, v15;
	v21 =	vld [tilespmem:s13+$0xFFFFFFD0];
	p3 =	slt.u32 s12, $0x70  }
0x8b: {  	vm3 =	vgt.f32 v14, v16;
	v15 =	vld [tilespmem:s13+$0xFFFFFFE0]  }
0x8c: {  	vm4 =	vgt.f32 v12, v17;
	v16 =	vld [tilespmem:s13+$0xFFFFFFF0]  }
0x8d: {  	vm5 =	vgt.f32 v11, v18;
	v17 =	vld [tilespmem:s13+$0x0]  }
0x8e: {  	vm1 =	vgt.f32 v10, v19;
	v18 =	vld [tilespmem:s13+$0x10];
	v22 =	vand.u32 $0xFFFF, v20  }
0x8f: {  	v19 =	vshrl.u32 v21, $0x10;
	v21 =	vand.u32 $0xFFFF, v21;
	v23 =	vld [tilespmem:s13+$0x20]  }
0x90: {  	v20 =	vshrl.u32 v20, $0x10;
	v24 =	vld [tilespmem:s13+$0xFFFFFFC0];
	v25 =	vshrl.u32 v15, $0x10;
	v15 =	vand.u32 $0xFFFF, v15;
	[tilespmem:v7+s25+$0x0] =	vst.idx.msk vm2, v13  }
0x91: {  	v7 =	vshrl.u32 v16, $0x10;
	v13 =	vand.u32 $0xFFFF, v16;
	[tilespmem:v1+s25+$0x0] =	vst.idx.msk vm3, v14;
	v14 =	vld.idx.msk [tilespmem:v5+s25+$0x0], $0xffff;
	v1 =	vmov v19  }
0x92: {  	s14 =	simm.s32 $0x0;
	v16 =	vshrl.u32 v17, $0x10;
	v17 =	vand.u32 $0xFFFF, v17;
	[tilespmem:v2+s25+$0x0] =	vst.idx.msk vm4, v12;
	v12 =	vld.idx.msk [tilespmem:v6+s25+$0x0], $0xffff;
	v2 =	vmov v25  }
0x93: {  	s3 =	sadd.s32 $0x80, s3;
	v19 =	vshrl.u32 v18, $0x10;
	v18 =	vand.u32 $0xFFFF, v18;
	v22 =	vld.idx.msk [tilespmem:v22+s14+$0x0], $0xffff;
	[tilespmem:v3+s25+$0x0] =	vst.idx.msk vm5, v11;
	v3 =	vmov v7  }
0x94: {  	v11 =	vshrl.u32 v23, $0x10;
	v23 =	vand.u32 $0xFFFF, v23;
	v25 =	vld [tilespmem:s3+$0x30];
	[tilespmem:v4+s25+$0x0] =	vst.idx.msk vm1, v10;
	v4 =	vmov v16  }
0x95: {  	v7 =	vshrl.u32 v24, $0x10;
	v10 =	vand.u32 $0xFFFF, v24;
	v16 =	vld.idx.msk [tilespmem:v20+s25+$0x0], $0xffff  }
0x96: {  	v21 =	vld.idx.msk [tilespmem:v21+s14+$0x0], $0xffff  }
0x97: {  	vm1 =	vgt.f32 v8, v14;
	v24 =	vld.idx.msk [tilespmem:v15+s14+$0x0], $0xffff  }
0x98: {  	vm2 =	vgt.f32 v9, v12;
	v26 =	vld.idx.msk [tilespmem:v13+s14+$0x0], $0xffff  }
0x99: {  	v27 =	vld.idx.msk [tilespmem:v17+s14+$0x0], $0xffff;
	v12 =	vadd.f32 v25, v22  }
0x9a: {  	v10 =	vld.idx.msk [tilespmem:v10+s14+$0x0], $0xffff  }
0x9b: {  	v22 =	vld.idx.msk [tilespmem:v18+s14+$0x0], $0xffff;
	vm3 =	vgt.f32 v12, v16  }
0x9c: {  	v23 =	vld.idx.msk [tilespmem:v23+s14+$0x0], $0xffff  }
0x9d: {  	v13 =	vld [tilespmem:s3+$0xFFFFFFC0];
	[tilespmem:v5+s25+$0x0] =	vst.idx.msk vm1, v8;
	v5 =	vmov v19  }
0x9e: {  	v8 =	vld [tilespmem:s3+$0xFFFFFFD0];
	[tilespmem:v6+s25+$0x0] =	vst.idx.msk vm2, v9;
	v6 =	vmov v11  }
0x9f: {  	v9 =	vld [tilespmem:s3+$0xFFFFFFE0]  }
0xa0: {  	v11 =	vld [tilespmem:s3+$0xFFFFFFF0]  }
0xa1: {  	v18 =	vld [tilespmem:s3+$0x0];
	[tilespmem:v20+s25+$0x0] =	vst.idx.msk vm3, v12  }
0xa2: {  	v13 =	vadd.f32 v13, v10;
	v19 =	vld [tilespmem:s3+$0x10]  }
0xa3: {  	v14 =	vadd.f32 v8, v21;
	v20 =	vld [tilespmem:s3+$0x20]  }
.Ltmp9:
0xa4: {  	v15 =	vld.idx.msk [tilespmem:v7+s25+$0x0], $0xffff;
	v12 =	vadd.f32 v9, v24;
	(pc) =	sbr.rel @p3 .LBB2_10-.Ltmp9, $4  }
0xa5: {  	v16 =	vld.idx.msk [tilespmem:v1+s25+$0x0], $0xffff;
	v11 =	vadd.f32 v11, v26  }
0xa6: {  	v17 =	vld.idx.msk [tilespmem:v2+s25+$0x0], $0xffff;
	v10 =	vadd.f32 v18, v27  }
0xa7: {  	v18 =	vld.idx.msk [tilespmem:v3+s25+$0x0], $0xffff;
	v8 =	vadd.f32 v19, v22  }
0xa8: {  	s13 =	sadd.s32 $0x80, s13;
	v19 =	vld.idx.msk [tilespmem:v4+s25+$0x0], $0xffff;
	v9 =	vadd.f32 v20, v23  }
0xa9: {  	_ =	sdelay $0x3  }
0xaa: {  	vm1 =	vgt.f32 v13, v15;
	v62 =	vld.idx.msk [tilespmem:v5+s25+$0x0], $0xffff  }
0xab: {  	v63 =	vld.idx.msk [tilespmem:v6+s25+$0x0], $0xffff;
	vm2 =	vgt.f32 v14, v16  }
0xac: {  	vm3 =	vgt.f32 v12, v17  }
0xad: {  	vm4 =	vgt.f32 v11, v18  }
0xae: {  	vm5 =	vgt.f32 v10, v19  }
0xaf: {  	vm6 =	vgt.f32 v8, v62  }
0xb0: {  	[tilespmem:v7+s25+$0x0] =	vst.idx.msk vm1, v13;
	vm1 =	vgt.f32 v9, v63  }
0xb1: {  	[tilespmem:v1+s25+$0x0] =	vst.idx.msk vm2, v14  }
0xb2: {  	[tilespmem:v2+s25+$0x0] =	vst.idx.msk vm3, v12  }
0xb3: {  	[tilespmem:v3+s25+$0x0] =	vst.idx.msk vm4, v11  }
0xb4: {  	[tilespmem:v4+s25+$0x0] =	vst.idx.msk vm5, v10  }
0xb5: {  	[tilespmem:v5+s25+$0x0] =	vst.idx.msk vm6, v8  }
0xb6: {  	[tilespmem:v6+s25+$0x0] =	vst.idx.msk vm1, v9  }
.LBB2_12:
0xb7: {  	s3 =	sshra.s32 s14, $0x2  }
0xb8: {  	v1 =	vld [tilespmem:s3+$0x18E80];
	_ =	sdelay $0x4  }
0xb9: {  	v2 =	vand.u32 $0xFFFF, v1;
	_ =	sdelay $0x1  }
0xba: {  	v1 =	vshrl.u32 v1, $0x10;
	_ =	sdelay $0x1  }
0xbb: {  	v3 =	vld [tilespmem:s3+$0x19E80]  }
0xbc: {  	v2 =	vld.idx.msk [tilespmem:v2+s1+$0x0], $0xffff;
	_ =	sdelay $0x1  }
0xbd: {  	v4 =	vld.idx.msk [tilespmem:v1+s25+$0x0], $0xffff;
	_ =	sdelay $0x2  }
0xbe: {  	v2 =	vadd.f32 v3, v2;
	_ =	sdelay $0x1  }
0xbf: {  	vm1 =	vgt.f32 v2, v4  }
0xc0: {  	p1 =	sne.s32 s14, $0x100  }
.Ltmp10:
0xc1: {  	_ = 	snop;
	(pc) =	sbr.rel @p1 .LBB2_12-.Ltmp10, $2  }
0xc2: {  	_ =	sdelay $0x2  }
0xc3: {  	s14 =	sadd.s32 $0x40, s14;
	[tilespmem:v1+s25+$0x0] =	vst.idx.msk vm1, v2  }
0xc4: {  	s12 =	simm.s32 $0x19740  }
0xc5: {  	v1 =	vld [tilespmem:s12+$0x30]  }
0xc6: {  	v3 =	vld [tilespmem:s12+$0x20]  }
0xc7: {  	v2 =	vld [tilespmem:s12+$0x10]  }
0xc8: {  	v4 =	vld [tilespmem:s12+$0x0]  }
0xc9: {  	v12 =	vld [tilespmem:s12+$0xFFFFFFF0]  }
0xca: {  	s3 =	simm.s32 $0x18740;
	v9 =	vld [tilespmem:s12+$0xFFFFFFE0]  }
0xcb: {  	v10 =	vld [tilespmem:s3+$0x10]  }
0xcc: {  	v11 =	vld [tilespmem:s3+$0x0]  }
0xcd: {  	v13 =	vld [tilespmem:s3+$0xFFFFFFF0]  }
0xce: {  	v8 =	vld [tilespmem:s3+$0xFFFFFFE0]  }
0xcf: {  	v6 =	vld [tilespmem:s3+$0xFFFFFFC0]  }
0xd0: {  	v7 =	vld [tilespmem:s3+$0xFFFFFFD0];
	v5 =	vshrl.u32 v10, $0x10  }
0xd1: {  	v15 =	vld [tilespmem:s12+$0xFFFFFFC0];
	v14 =	vshrl.u32 v11, $0x10  }
0xd2: {  	v16 =	vld [tilespmem:s12+$0xFFFFFFD0];
	v17 =	vshrl.u32 v13, $0x10  }
0xd3: {  	v19 =	vld [tilespmem:s3+$0x30];
	v18 =	vshrl.u32 v8, $0x10  }
0xd4: {  	v21 =	vld [tilespmem:s3+$0x20];
	v20 =	vshrl.u32 v6, $0x10  }
0xd5: {  	v22 =	vshrl.u32 v7, $0x10;
	v5 =	vld.idx.msk [tilespmem:v5+s25+$0x0], $0xffff  }
0xd6: {  	v23 =	vand.u32 $0xFFFF, v6;
	v6 =	vld.idx.msk [tilespmem:v14+s25+$0x0], $0xffff  }
0xd7: {  	v13 =	vand.u32 $0xFFFF, v13;
	v14 =	vand.u32 $0xFFFF, v7;
	v7 =	vld.idx.msk [tilespmem:v17+s25+$0x0], $0xffff  }
0xd8: {  	v17 =	vand.u32 $0xFFFF, v8;
	v8 =	vld.idx.msk [tilespmem:v18+s25+$0x0], $0xffff  }
0xd9: {  	v18 =	vld.idx.msk [tilespmem:v20+s25+$0x0], $0xffff  }
0xda: {  	s22 =	simm.s32 $0x0;
	v10 =	vand.u32 $0xFFFF, v10;
	v61 =	vld.idx.msk [tilespmem:v22+s25+$0x0], $0xffff  }
0xdb: {  	v11 =	vand.u32 $0xFFFF, v11;
	v62 =	vld.idx.msk [tilespmem:v23+s22+$0x0], $0xffff  }
0xdc: {  	v25 =	vand.u32 $0xFFFF, v19;
	v26 =	vld.idx.msk [tilespmem:v13+s22+$0x0], $0xffff  }
0xdd: {  	v24 =	vand.u32 $0xFFFF, v21;
	v63 =	vld.idx.msk [tilespmem:v14+s22+$0x0], $0xffff  }
0xde: {  	v21 =	vshrl.u32 v21, $0x10;
	v17 =	vld.idx.msk [tilespmem:v17+s22+$0x0], $0xffff  }
0xdf: {  	v19 =	vshrl.u32 v19, $0x10;
	v13 =	vld.idx.msk [tilespmem:v10+s22+$0x0], $0xffff  }
0xe0: {  	v14 =	vld.idx.msk [tilespmem:v11+s22+$0x0], $0xffff  }
0xe1: {  	v10 =	vld.idx.msk [tilespmem:v25+s22+$0x0], $0xffff  }
0xe2: {  	v11 =	vld.idx.msk [tilespmem:v24+s22+$0x0], $0xffff;
	v22 =	vadd.f32 v15, v62;
	v16 =	vadd.f32 v16, v63  }
0xe3: {  	vm1 =	vmmov vm0;
	v15 =	vadd.f32 v9, v17;
	v9 =	vld.idx.msk [tilespmem:v21+s25+$0x0], $0xffff  }
0xe4: {  	s13 =	simm.s32 $0x197C0;
	s12 =	simm.s32 $0x0;
	vm2 =	vgt.f32 v22, v18;
	vm3 =	vgt.f32 v16, v61;
	v16 =	vadd.f32 v12, v26;
	v12 =	vld.idx.msk [tilespmem:v19+s25+$0x0], $0xffff  }
.LBB2_14:
0xe5: {  	v17 =	vld [tilespmem:s13+$0x30];
	vm2 =	vmor vm2, vm3;
	vm3 =	vgt.f32 v15, v8;
	v4 =	vadd.f32 v4, v14  }
0xe6: {  	v8 =	vld [tilespmem:s13+$0x20];
	vm2 =	vmor vm2, vm3;
	vm3 =	vgt.f32 v16, v7;
	v7 =	vadd.f32 v2, v13  }
0xe7: {  	v3 =	vadd.f32 v3, v11;
	v2 =	vld [tilespmem:s13+$0x10];
	vm2 =	vmor vm2, vm3;
	vm3 =	vgt.f32 v4, v6  }
0xe8: {  	v4 =	vld [tilespmem:s13+$0x0];
	vm2 =	vmor vm2, vm3;
	vm3 =	vgt.f32 v7, v5;
	v5 =	vadd.f32 v1, v10  }
0xe9: {  	v16 =	vld [tilespmem:s13+$0xFFFFFFF0];
	vm2 =	vmor vm2, vm3;
	vm3 =	vgt.f32 v3, v9  }
0xea: {  	s3 =	sadd.s32 $0x80, s3;
	v9 =	vld [tilespmem:s13+$0xFFFFFFE0];
	vm2 =	vmor vm2, vm3;
	vm3 =	vgt.f32 v5, v12;
	v1 =	vmov v17  }
0xeb: {  	v10 =	vld [tilespmem:s3+$0x10];
	vm2 =	vmor vm2, vm3;
	v3 =	vmov v8  }
0xec: {  	v11 =	vld [tilespmem:s3+$0x0];
	vm1 =	vmor vm1, vm2  }
0xed: {  	v12 =	vld [tilespmem:s3+$0xFFFFFFF0]  }
0xee: {  	v8 =	vld [tilespmem:s3+$0xFFFFFFE0]  }
0xef: {  	v6 =	vld [tilespmem:s3+$0xFFFFFFC0]  }
0xf0: {  	v7 =	vld [tilespmem:s3+$0xFFFFFFD0];
	v5 =	vshrl.u32 v10, $0x10  }
0xf1: {  	v15 =	vld [tilespmem:s13+$0xFFFFFFC0];
	v13 =	vshrl.u32 v11, $0x10  }
0xf2: {  	s12 =	sadd.s32 $0x8, s12;
	v17 =	vld [tilespmem:s13+$0xFFFFFFD0];
	v14 =	vshrl.u32 v12, $0x10  }
0xf3: {  	p3 =	slt.u32 s12, $0x70;
	v18 =	vshrl.u32 v8, $0x10;
	v19 =	vld [tilespmem:s3+$0x30]  }
0xf4: {  	v20 =	vshrl.u32 v6, $0x10;
	v21 =	vld [tilespmem:s3+$0x20]  }
0xf5: {  	v22 =	vshrl.u32 v7, $0x10;
	v5 =	vld.idx.msk [tilespmem:v5+s25+$0x0], $0xffff  }
0xf6: {  	v23 =	vand.u32 $0xFFFF, v6;
	v6 =	vld.idx.msk [tilespmem:v13+s25+$0x0], $0xffff  }
0xf7: {  	v13 =	vand.u32 $0xFFFF, v7;
	v7 =	vld.idx.msk [tilespmem:v14+s25+$0x0], $0xffff  }
0xf8: {  	v14 =	vand.u32 $0xFFFF, v8;
	v8 =	vld.idx.msk [tilespmem:v18+s25+$0x0], $0xffff  }
0xf9: {  	v12 =	vand.u32 $0xFFFF, v12;
	v18 =	vld.idx.msk [tilespmem:v20+s25+$0x0], $0xffff  }
0xfa: {  	v11 =	vand.u32 $0xFFFF, v11;
	v20 =	vld.idx.msk [tilespmem:v22+s25+$0x0], $0xffff  }
0xfb: {  	v10 =	vand.u32 $0xFFFF, v10;
	v22 =	vld.idx.msk [tilespmem:v23+s22+$0x0], $0xffff  }
0xfc: {  	v24 =	vand.u32 $0xFFFF, v21;
	v23 =	vld.idx.msk [tilespmem:v13+s22+$0x0], $0xffff  }
0xfd: {  	v26 =	vand.u32 $0xFFFF, v19;
	v25 =	vld.idx.msk [tilespmem:v14+s22+$0x0], $0xffff  }
0xfe: {  	v21 =	vshrl.u32 v21, $0x10;
	v12 =	vld.idx.msk [tilespmem:v12+s22+$0x0], $0xffff  }
0xff: {  	v19 =	vshrl.u32 v19, $0x10;
	v14 =	vld.idx.msk [tilespmem:v11+s22+$0x0], $0xffff  }
.Ltmp11:
0x100: {  	v13 =	vld.idx.msk [tilespmem:v10+s22+$0x0], $0xffff;
	(pc) =	sbr.rel @p3 .LBB2_14-.Ltmp11, $4  }
0x101: {  	v11 =	vld.idx.msk [tilespmem:v24+s22+$0x0], $0xffff  }
0x102: {  	v22 =	vadd.f32 v15, v22;
	v17 =	vadd.f32 v17, v23;
	v10 =	vld.idx.msk [tilespmem:v26+s22+$0x0], $0xffff  }
0x103: {  	v15 =	vadd.f32 v9, v25;
	v9 =	vld.idx.msk [tilespmem:v21+s25+$0x0], $0xffff  }
0x104: {  	s13 =	sadd.s32 $0x80, s13;
	vm2 =	vgt.f32 v22, v18;
	vm3 =	vgt.f32 v17, v20;
	v16 =	vadd.f32 v16, v12;
	v12 =	vld.idx.msk [tilespmem:v19+s25+$0x0], $0xffff  }
0x105: {  	vm2 =	vmor vm2, vm3;
	vm3 =	vgt.f32 v15, v8;
	v4 =	vadd.f32 v4, v14  }
0x106: {  	v2 =	vadd.f32 v2, v13;
	vm2 =	vmor vm2, vm3;
	vm3 =	vgt.f32 v16, v7  }
0x107: {  	v3 =	vadd.f32 v3, v11;
	vm2 =	vmor vm2, vm3;
	vm3 =	vgt.f32 v4, v6  }
0x108: {  	v1 =	vadd.f32 v1, v10;
	vm2 =	vmor vm2, vm3;
	vm3 =	vgt.f32 v2, v5  }
0x109: {  	vm2 =	vmor vm2, vm3;
	vm3 =	vgt.f32 v3, v9  }
0x10a: {  	vm2 =	vmor vm2, vm3;
	vm3 =	vgt.f32 v1, v12  }
0x10b: {  	vm2 =	vmor vm2, vm3  }
0x10c: {  	vm1 =	vmor vm1, vm2  }
.LBB2_16:
0x10d: {  	s3 =	sshra.s32 s22, $0x2  }
0x10e: {  	v1 =	vld [tilespmem:s3+$0x18E80];
	_ =	sdelay $0x4  }
0x10f: {  	v2 =	vand.u32 $0xFFFF, v1;
	_ =	sdelay $0x1  }
0x110: {  	v1 =	vshrl.u32 v1, $0x10;
	_ =	sdelay $0x1  }
0x111: {  	v3 =	vld [tilespmem:s3+$0x19E80]  }
0x112: {  	v2 =	vld.idx.msk [tilespmem:v2+s1+$0x0], $0xffff;
	_ =	sdelay $0x1  }
0x113: {  	v1 =	vld.idx.msk [tilespmem:v1+s25+$0x0], $0xffff  }
0x114: {  	p1 =	sne.s32 s22, $0x100  }
.Ltmp12:
0x115: {  	_ = 	snop;
	(pc) =	sbr.rel @p1 .LBB2_16-.Ltmp12, $3  }
0x116: {  	v2 =	vadd.f32 v3, v2;
	_ =	sdelay $0x1  }
0x117: {  	vm2 =	vgt.f32 v2, v1  }
0x118: {  	s22 =	sadd.s32 $0x40, s22;
	vm1 =	vmor vm1, vm2  }
0x119: {  	v1 =	vsel vm1, $0x3F800000, v0  }
0x11a: {  	(xrf0) =	vmax.scan.msk.f32 $0xffff, v1;
	_ =	sdelay $0x5  }
0x11b: {  	v1, _, _ =	vpop (xrf0)  }
0x11c: {  	(v2sf) =	vpush v1, $0xF;
	_ =	sdelay $0xe  }
0x11d: {  	s3 =	spop (v2sf)  }
0x11e: {  	p1 =	sgt.f32 s3, $0.0e+00  }
.Ltmp13:
0x11f: {  	_ = 	snop;
	(pc) =	sbr.rel @!p1 .LBB2_25-.Ltmp13, $2  }
0x120: {  	_ =	sdelay $0x2  }
0x121: {  	s22 =	simm.s32 $0x0;
	s3 =	simm.s32 $0x0  }
.LBB2_18:
0x122: {  	s12 =	sshll.u32 s3, $0x4  }
0x123: {  	v1 =	vld [tilespmem:s12+$0x18700]  }
0x124: {  	v2 =	vld [tilespmem:s12+$0x18710]  }
0x125: {  	v4 =	vld [tilespmem:s12+$0x18720]  }
0x126: {  	v6 =	vld [tilespmem:s12+$0x19700]  }
0x127: {  	v7 =	vld [tilespmem:s12+$0x18730]  }
0x128: {  	v10 =	vld [tilespmem:s12+$0x19710]  }
0x129: {  	v13 =	vld [tilespmem:s12+$0x18740]  }
0x12a: {  	v14 =	vld [tilespmem:s12+$0x19720]  }
0x12b: {  	v15 =	vld [tilespmem:s12+$0x18750]  }
0x12c: {  	v18 =	vld [tilespmem:s12+$0x18760]  }
0x12d: {  	v19 =	vld [tilespmem:s12+$0x19730]  }
0x12e: {  	v21 =	vld [tilespmem:s12+$0x18770];
	v3 =	vand.u32 $0xFFFF, v1  }
0x12f: {  	v23 =	vld [tilespmem:s12+$0x19740];
	v1 =	vshrl.u32 v1, $0x10  }
0x130: {  	v27 =	vld [tilespmem:s12+$0x19750];
	v5 =	vand.u32 $0xFFFF, v2  }
0x131: {  	v55 =	vld [tilespmem:s12+$0x19760];
	v2 =	vshrl.u32 v2, $0x10  }
0x132: {  	v58 =	vld [tilespmem:s12+$0x19770];
	v9 =	vand.u32 $0xFFFF, v4  }
0x133: {  	v4 =	vshrl.u32 v4, $0x10;
	v3 =	vld.idx.msk [tilespmem:v3+s22+$0x0], $0xffff  }
0x134: {  	v12 =	vand.u32 $0xFFFF, v7;
	v8 =	vld.idx.msk [tilespmem:v1+s25+$0x0], $0xffff  }
0x135: {  	v7 =	vshrl.u32 v7, $0x10;
	v5 =	vld.idx.msk [tilespmem:v5+s22+$0x0], $0xffff  }
0x136: {  	v17 =	vand.u32 $0xFFFF, v13;
	v11 =	vld.idx.msk [tilespmem:v2+s25+$0x0], $0xffff  }
0x137: {  	v13 =	vshrl.u32 v13, $0x10;
	v9 =	vld.idx.msk [tilespmem:v9+s22+$0x0], $0xffff  }
0x138: {  	v20 =	vand.u32 $0xFFFF, v15;
	v16 =	vld.idx.msk [tilespmem:v4+s25+$0x0], $0xffff  }
0x139: {  	v15 =	vshrl.u32 v15, $0x10;
	v12 =	vld.idx.msk [tilespmem:v12+s22+$0x0], $0xffff  }
0x13a: {  	v24 =	vand.u32 $0xFFFF, v18;
	v22 =	vld.idx.msk [tilespmem:v7+s25+$0x0], $0xffff  }
0x13b: {  	v26 =	vand.u32 $0xFFFF, v21;
	v17 =	vld.idx.msk [tilespmem:v17+s22+$0x0], $0xffff  }
0x13c: {  	v18 =	vshrl.u32 v18, $0x10;
	v25 =	vld.idx.msk [tilespmem:v13+s25+$0x0], $0xffff  }
0x13d: {  	v21 =	vshrl.u32 v21, $0x10;
	v20 =	vld.idx.msk [tilespmem:v20+s22+$0x0], $0xffff  }
0x13e: {  	v28 =	vld.idx.msk [tilespmem:v15+s25+$0x0], $0xffff;
	v3 =	vadd.f32 v6, v3  }
0x13f: {  	v24 =	vld.idx.msk [tilespmem:v24+s22+$0x0], $0xffff;
	v5 =	vadd.f32 v10, v5  }
0x140: {  	v56 =	vld.idx.msk [tilespmem:v26+s22+$0x0], $0xffff;
	v57 =	vadd.f32 v14, v9;
	vm1 =	vgt.f32 v3, v8  }
0x141: {  	v60 =	vld.idx.msk [tilespmem:v18+s25+$0x0], $0xffff;
	v59 =	vadd.f32 v19, v12;
	vm2 =	vgt.f32 v5, v11  }
0x142: {  	v62 =	vld.idx.msk [tilespmem:v21+s25+$0x0], $0xffff;
	v61 =	vadd.f32 v23, v17;
	vm3 =	vgt.f32 v57, v16  }
0x143: {  	v63 =	vadd.f32 v27, v20;
	vm4 =	vgt.f32 v59, v22  }
0x144: {  	v6 =	vadd.f32 v55, v24;
	vm5 =	vgt.f32 v61, v25  }
0x145: {  	v9 =	vadd.f32 v58, v56;
	vm6 =	vgt.f32 v63, v28  }
0x146: {  	[tilespmem:v1+s25+$0x0] =	vst.idx.msk vm1, v3;
	vm1 =	vgt.f32 v6, v60  }
0x147: {  	[tilespmem:v2+s25+$0x0] =	vst.idx.msk vm2, v5;
	vm2 =	vgt.f32 v9, v62  }
0x148: {  	p1 =	slt.u32 s3, $0x70;
	[tilespmem:v4+s25+$0x0] =	vst.idx.msk vm3, v57  }
.Ltmp14:
0x149: {  	[tilespmem:v7+s25+$0x0] =	vst.idx.msk vm4, v59;
	(pc) =	sbr.rel @p1 .LBB2_18-.Ltmp14, $4  }
0x14a: {  	[tilespmem:v13+s25+$0x0] =	vst.idx.msk vm5, v61  }
0x14b: {  	[tilespmem:v15+s25+$0x0] =	vst.idx.msk vm6, v63  }
0x14c: {  	s14 =	sadd.s32 $0x8, s3;
	[tilespmem:v18+s25+$0x0] =	vst.idx.msk vm1, v6  }
0x14d: {  	s3 =	smov.u32 s14;
	s12 =	simm.s32 $0x0;
	[tilespmem:v21+s25+$0x0] =	vst.idx.msk vm2, v9  }
.LBB2_19:
0x14e: {  	s3 =	sshra.s32 s12, $0x2  }
0x14f: {  	v1 =	vld [tilespmem:s3+$0x18E80];
	_ =	sdelay $0x4  }
0x150: {  	v2 =	vand.u32 $0xFFFF, v1;
	_ =	sdelay $0x1  }
0x151: {  	v1 =	vshrl.u32 v1, $0x10;
	_ =	sdelay $0x1  }
0x152: {  	v3 =	vld [tilespmem:s3+$0x19E80]  }
0x153: {  	v2 =	vld.idx.msk [tilespmem:v2+s1+$0x0], $0xffff;
	_ =	sdelay $0x1  }
0x154: {  	v4 =	vld.idx.msk [tilespmem:v1+s25+$0x0], $0xffff;
	_ =	sdelay $0x2  }
0x155: {  	v2 =	vadd.f32 v3, v2;
	_ =	sdelay $0x1  }
0x156: {  	vm1 =	vgt.f32 v2, v4  }
0x157: {  	p1 =	sne.s32 s12, $0x100  }
.Ltmp15:
0x158: {  	_ = 	snop;
	(pc) =	sbr.rel @p1 .LBB2_19-.Ltmp15, $2  }
0x159: {  	_ =	sdelay $0x2  }
0x15a: {  	s12 =	sadd.s32 $0x40, s12;
	[tilespmem:v1+s25+$0x0] =	vst.idx.msk vm1, v2  }
0x15b: {  	s3 =	simm.s32 $0x19740  }
0x15c: {  	v1 =	vld [tilespmem:s3+$0x30]  }
0x15d: {  	v3 =	vld [tilespmem:s3+$0x20]  }
0x15e: {  	v2 =	vld [tilespmem:s3+$0x10]  }
0x15f: {  	v4 =	vld [tilespmem:s3+$0x0]  }
0x160: {  	v12 =	vld [tilespmem:s3+$0xFFFFFFF0]  }
0x161: {  	s12 =	simm.s32 $0x18740;
	v9 =	vld [tilespmem:s3+$0xFFFFFFE0]  }
0x162: {  	v10 =	vld [tilespmem:s12+$0x10]  }
0x163: {  	v11 =	vld [tilespmem:s12+$0x0]  }
0x164: {  	v13 =	vld [tilespmem:s12+$0xFFFFFFF0]  }
0x165: {  	v8 =	vld [tilespmem:s12+$0xFFFFFFE0]  }
0x166: {  	v6 =	vld [tilespmem:s12+$0xFFFFFFC0]  }
0x167: {  	v7 =	vld [tilespmem:s12+$0xFFFFFFD0];
	v5 =	vshrl.u32 v10, $0x10  }
0x168: {  	v15 =	vld [tilespmem:s3+$0xFFFFFFC0];
	v14 =	vshrl.u32 v11, $0x10  }
0x169: {  	v16 =	vld [tilespmem:s3+$0xFFFFFFD0];
	v17 =	vshrl.u32 v13, $0x10  }
0x16a: {  	v19 =	vld [tilespmem:s12+$0x30];
	v18 =	vshrl.u32 v8, $0x10  }
0x16b: {  	v21 =	vld [tilespmem:s12+$0x20];
	v20 =	vshrl.u32 v6, $0x10  }
0x16c: {  	v22 =	vshrl.u32 v7, $0x10;
	v5 =	vld.idx.msk [tilespmem:v5+s25+$0x0], $0xffff  }
0x16d: {  	v23 =	vand.u32 $0xFFFF, v6;
	v6 =	vld.idx.msk [tilespmem:v14+s25+$0x0], $0xffff  }
0x16e: {  	v13 =	vand.u32 $0xFFFF, v13;
	v14 =	vand.u32 $0xFFFF, v7;
	v7 =	vld.idx.msk [tilespmem:v17+s25+$0x0], $0xffff  }
0x16f: {  	v17 =	vand.u32 $0xFFFF, v8;
	v8 =	vld.idx.msk [tilespmem:v18+s25+$0x0], $0xffff  }
0x170: {  	v18 =	vld.idx.msk [tilespmem:v20+s25+$0x0], $0xffff  }
0x171: {  	s3 =	simm.s32 $0x0;
	v10 =	vand.u32 $0xFFFF, v10;
	v61 =	vld.idx.msk [tilespmem:v22+s25+$0x0], $0xffff  }
0x172: {  	v11 =	vand.u32 $0xFFFF, v11;
	v62 =	vld.idx.msk [tilespmem:v23+s3+$0x0], $0xffff  }
0x173: {  	v25 =	vand.u32 $0xFFFF, v19;
	v26 =	vld.idx.msk [tilespmem:v13+s3+$0x0], $0xffff  }
0x174: {  	v24 =	vand.u32 $0xFFFF, v21;
	v63 =	vld.idx.msk [tilespmem:v14+s3+$0x0], $0xffff  }
0x175: {  	v21 =	vshrl.u32 v21, $0x10;
	v17 =	vld.idx.msk [tilespmem:v17+s3+$0x0], $0xffff  }
0x176: {  	v19 =	vshrl.u32 v19, $0x10;
	v13 =	vld.idx.msk [tilespmem:v10+s3+$0x0], $0xffff  }
0x177: {  	v14 =	vld.idx.msk [tilespmem:v11+s3+$0x0], $0xffff  }
0x178: {  	v10 =	vld.idx.msk [tilespmem:v25+s3+$0x0], $0xffff  }
0x179: {  	v11 =	vld.idx.msk [tilespmem:v24+s3+$0x0], $0xffff;
	v22 =	vadd.f32 v15, v62;
	v16 =	vadd.f32 v16, v63  }
0x17a: {  	vm1 =	vmmov vm0;
	v15 =	vadd.f32 v9, v17;
	v9 =	vld.idx.msk [tilespmem:v21+s25+$0x0], $0xffff  }
0x17b: {  	s13 =	simm.s32 $0x0;
	s14 =	simm.s32 $0x197C0;
	vm2 =	vgt.f32 v22, v18;
	vm3 =	vgt.f32 v16, v61;
	v16 =	vadd.f32 v12, v26;
	v12 =	vld.idx.msk [tilespmem:v19+s25+$0x0], $0xffff  }
.LBB2_21:
0x17c: {  	v17 =	vld [tilespmem:s14+$0x30];
	vm2 =	vmor vm2, vm3;
	vm3 =	vgt.f32 v15, v8;
	v4 =	vadd.f32 v4, v14  }
0x17d: {  	v8 =	vld [tilespmem:s14+$0x20];
	vm2 =	vmor vm2, vm3;
	vm3 =	vgt.f32 v16, v7;
	v7 =	vadd.f32 v2, v13  }
0x17e: {  	v3 =	vadd.f32 v3, v11;
	v2 =	vld [tilespmem:s14+$0x10];
	vm2 =	vmor vm2, vm3;
	vm3 =	vgt.f32 v4, v6  }
0x17f: {  	v4 =	vld [tilespmem:s14+$0x0];
	vm2 =	vmor vm2, vm3;
	vm3 =	vgt.f32 v7, v5;
	v5 =	vadd.f32 v1, v10  }
0x180: {  	v16 =	vld [tilespmem:s14+$0xFFFFFFF0];
	vm2 =	vmor vm2, vm3;
	vm3 =	vgt.f32 v3, v9  }
0x181: {  	s12 =	sadd.s32 $0x80, s12;
	v9 =	vld [tilespmem:s14+$0xFFFFFFE0];
	vm2 =	vmor vm2, vm3;
	vm3 =	vgt.f32 v5, v12;
	v1 =	vmov v17  }
0x182: {  	v10 =	vld [tilespmem:s12+$0x10];
	vm2 =	vmor vm2, vm3;
	v3 =	vmov v8  }
0x183: {  	v11 =	vld [tilespmem:s12+$0x0];
	vm1 =	vmor vm1, vm2  }
0x184: {  	v12 =	vld [tilespmem:s12+$0xFFFFFFF0]  }
0x185: {  	v8 =	vld [tilespmem:s12+$0xFFFFFFE0]  }
0x186: {  	v6 =	vld [tilespmem:s12+$0xFFFFFFC0]  }
0x187: {  	v7 =	vld [tilespmem:s12+$0xFFFFFFD0];
	v5 =	vshrl.u32 v10, $0x10  }
0x188: {  	v15 =	vld [tilespmem:s14+$0xFFFFFFC0];
	v13 =	vshrl.u32 v11, $0x10  }
0x189: {  	s13 =	sadd.s32 $0x8, s13;
	v17 =	vld [tilespmem:s14+$0xFFFFFFD0];
	v14 =	vshrl.u32 v12, $0x10  }
0x18a: {  	p3 =	slt.u32 s13, $0x70;
	v18 =	vshrl.u32 v8, $0x10;
	v19 =	vld [tilespmem:s12+$0x30]  }
0x18b: {  	v20 =	vshrl.u32 v6, $0x10;
	v21 =	vld [tilespmem:s12+$0x20]  }
0x18c: {  	v22 =	vshrl.u32 v7, $0x10;
	v5 =	vld.idx.msk [tilespmem:v5+s25+$0x0], $0xffff  }
0x18d: {  	v23 =	vand.u32 $0xFFFF, v6;
	v6 =	vld.idx.msk [tilespmem:v13+s25+$0x0], $0xffff  }
0x18e: {  	v13 =	vand.u32 $0xFFFF, v7;
	v7 =	vld.idx.msk [tilespmem:v14+s25+$0x0], $0xffff  }
0x18f: {  	v14 =	vand.u32 $0xFFFF, v8;
	v8 =	vld.idx.msk [tilespmem:v18+s25+$0x0], $0xffff  }
0x190: {  	v12 =	vand.u32 $0xFFFF, v12;
	v18 =	vld.idx.msk [tilespmem:v20+s25+$0x0], $0xffff  }
0x191: {  	v11 =	vand.u32 $0xFFFF, v11;
	v20 =	vld.idx.msk [tilespmem:v22+s25+$0x0], $0xffff  }
0x192: {  	v10 =	vand.u32 $0xFFFF, v10;
	v22 =	vld.idx.msk [tilespmem:v23+s3+$0x0], $0xffff  }
0x193: {  	v24 =	vand.u32 $0xFFFF, v21;
	v23 =	vld.idx.msk [tilespmem:v13+s3+$0x0], $0xffff  }
0x194: {  	v26 =	vand.u32 $0xFFFF, v19;
	v25 =	vld.idx.msk [tilespmem:v14+s3+$0x0], $0xffff  }
0x195: {  	v21 =	vshrl.u32 v21, $0x10;
	v12 =	vld.idx.msk [tilespmem:v12+s3+$0x0], $0xffff  }
0x196: {  	v19 =	vshrl.u32 v19, $0x10;
	v14 =	vld.idx.msk [tilespmem:v11+s3+$0x0], $0xffff  }
.Ltmp16:
0x197: {  	v13 =	vld.idx.msk [tilespmem:v10+s3+$0x0], $0xffff;
	(pc) =	sbr.rel @p3 .LBB2_21-.Ltmp16, $4  }
0x198: {  	v11 =	vld.idx.msk [tilespmem:v24+s3+$0x0], $0xffff  }
0x199: {  	v22 =	vadd.f32 v15, v22;
	v17 =	vadd.f32 v17, v23;
	v10 =	vld.idx.msk [tilespmem:v26+s3+$0x0], $0xffff  }
0x19a: {  	v15 =	vadd.f32 v9, v25;
	v9 =	vld.idx.msk [tilespmem:v21+s25+$0x0], $0xffff  }
0x19b: {  	s14 =	sadd.s32 $0x80, s14;
	vm2 =	vgt.f32 v22, v18;
	vm3 =	vgt.f32 v17, v20;
	v16 =	vadd.f32 v16, v12;
	v12 =	vld.idx.msk [tilespmem:v19+s25+$0x0], $0xffff  }
0x19c: {  	vm2 =	vmor vm2, vm3;
	vm3 =	vgt.f32 v15, v8;
	v4 =	vadd.f32 v4, v14  }
0x19d: {  	v2 =	vadd.f32 v2, v13;
	vm2 =	vmor vm2, vm3;
	vm3 =	vgt.f32 v16, v7  }
0x19e: {  	v3 =	vadd.f32 v3, v11;
	vm2 =	vmor vm2, vm3;
	vm3 =	vgt.f32 v4, v6  }
0x19f: {  	v1 =	vadd.f32 v1, v10;
	vm2 =	vmor vm2, vm3;
	vm3 =	vgt.f32 v2, v5  }
0x1a0: {  	vm2 =	vmor vm2, vm3;
	vm3 =	vgt.f32 v3, v9  }
0x1a1: {  	vm2 =	vmor vm2, vm3;
	vm3 =	vgt.f32 v1, v12  }
0x1a2: {  	vm2 =	vmor vm2, vm3  }
0x1a3: {  	vm1 =	vmor vm1, vm2  }
.LBB2_23:
0x1a4: {  	s12 =	sshra.s32 s3, $0x2  }
0x1a5: {  	v1 =	vld [tilespmem:s12+$0x18E80];
	_ =	sdelay $0x4  }
0x1a6: {  	v2 =	vand.u32 $0xFFFF, v1;
	_ =	sdelay $0x1  }
0x1a7: {  	v1 =	vshrl.u32 v1, $0x10;
	_ =	sdelay $0x1  }
0x1a8: {  	v3 =	vld [tilespmem:s12+$0x19E80]  }
0x1a9: {  	v2 =	vld.idx.msk [tilespmem:v2+s1+$0x0], $0xffff;
	_ =	sdelay $0x1  }
0x1aa: {  	v1 =	vld.idx.msk [tilespmem:v1+s25+$0x0], $0xffff  }
0x1ab: {  	p1 =	sne.s32 s3, $0x100  }
.Ltmp17:
0x1ac: {  	_ = 	snop;
	(pc) =	sbr.rel @p1 .LBB2_23-.Ltmp17, $3  }
0x1ad: {  	v2 =	vadd.f32 v3, v2;
	_ =	sdelay $0x1  }
0x1ae: {  	vm2 =	vgt.f32 v2, v1  }
0x1af: {  	s3 =	sadd.s32 $0x40, s3;
	vm1 =	vmor vm1, vm2  }
0x1b0: {  	v1 =	vsel vm1, $0x3F800000, v0  }
0x1b1: {  	(xrf0) =	vmax.scan.msk.f32 $0xffff, v1;
	_ =	sdelay $0x5  }
0x1b2: {  	v1, _, _ =	vpop (xrf0)  }
0x1b3: {  	(v2sf) =	vpush v1, $0xF;
	_ =	sdelay $0xe  }
0x1b4: {  	s3 =	spop (v2sf)  }
0x1b5: {  	p1 =	sgt.f32 s3, $0.0e+00  }
.Ltmp18:
0x1b6: {  	_ = 	snop;
	(pc) =	sbr.rel @p1 .LBB2_18-.Ltmp18, $2  }
0x1b7: {  	_ =	sdelay $0x2  }
0x1b8: {  	s3 =	simm.s32 $0x0  }
.LBB2_25:
0x1b9: {  	p3 =	seq.s32 s4, $0x31  }
0x1ba: {  	s3 =	sadd.s32 @!p3 s5, s18  }
0x1bb: {  	p1 =	sne.s32 @!p3 s11, $0x0;
	s12 =	simm.s32 @!p3 $0x0;
	s3 =	sshrl.u32 @!p3 s3, $0x3  }
0x1bc: {  	s13 =	simm.s32 @!p3 $0x18700;
	p1 =	por p1, p3;
	s5 =	sadd.s32 @!p3 s6, s3  }
0x1bd: {  	[tilespmem:s13], [sflag:$0x1] =	stream.linear.gather @!p3 [hbm4b:s5+s12], $0x7D0, $0x38;
	[tilespmem:$0x1A700] =	vst v63  }
0x1be: {  	s5 =	sadd.s32 @!p1 s7, s3;
	s12 =	simm.s32 @!p1 $0x0;
	s13 =	simm.s32 @!p1 $0x19700  }
0x1bf: {  	[tilespmem:s13], [sflag:$0x1] =	stream.linear.gather @!p1 [hbm4b:s5+s12], $0x7D0, $0x38;
	[tilespmem:$0x1A700] =	vst v63  }
0x1c0: {  	p1 =	por !p5, p3  }
0x1c1: {  	s5 =	sadd.s32 @!p1 s8, s3;
	s12 =	simm.s32 @!p1 $0x0;
	s13 =	simm.s32 @!p1 $0x19700  }
0x1c2: {  	[tilespmem:s13], [sflag:$0x1] =	stream.linear.gather @!p1 [hbm4b:s5+s12], $0x7D0, $0x38;
	[tilespmem:$0x1A700] =	vst v63  }
0x1c3: {  	p1 =	por !p6, p3  }
0x1c4: {  	s5 =	sadd.s32 @!p1 s9, s3;
	s12 =	simm.s32 @!p1 $0x0;
	s13 =	simm.s32 @!p1 $0x19700  }
0x1c5: {  	[tilespmem:s13], [sflag:$0x1] =	stream.linear.gather @!p1 [hbm4b:s5+s12], $0x7D0, $0x38;
	[tilespmem:$0x1A700] =	vst v63  }
0x1c6: {  	p1 =	por !p4, p3  }
0x1c7: {  	s3 =	sadd.s32 @!p1 s10, s3;
	s5 =	simm.s32 @!p1 $0x0;
	s12 =	simm.s32 @!p1 $0x19700  }
0x1c8: {  	[tilespmem:s12], [sflag:$0x1] =	stream.linear.gather @!p1 [hbm4b:s3+s5], $0x7D0, $0x38;
	[tilespmem:$0x1A700] =	vst v63  }
0x1c9: {  	_ =	swait.ge [sflag:s26], $0x7D0  }
0x1ca: {  	[sflag:s26] =	ssyncset.done $0x0  }
0x1cb: {  	[sflag:s26] =	ssyncadd.s32 $0xFFFFF830  }
0x1cc: {  	_ =	swait.ge [sflag:s26], $0x7D0  }
0x1cd: {  	[sflag:s26] =	ssyncset.done $0x0  }
0x1ce: {  	s22 =	simm.s32 $0x18F40;
	[sflag:s26] =	ssyncadd.s32 $0xFFFFF830  }
0x1cf: {  	v1 =	vld [tilespmem:s22+$0x30]  }
0x1d0: {  	v2 =	vld [tilespmem:s22+$0xFFFFFFD0]  }
0x1d1: {  	v3 =	vld [tilespmem:s22+$0xFFFFFFE0]  }
0x1d2: {  	v4 =	vld [tilespmem:s22+$0xFFFFFFF0]  }
0x1d3: {  	v6 =	vld [tilespmem:s22+$0x0]  }
0x1d4: {  	v7 =	vld [tilespmem:s22+$0xFFFFFFC0]  }
0x1d5: {  	v9 =	vld [tilespmem:s22+$0x10]  }
0x1d6: {  	s3 =	simm.s32 $0x19F40;
	v19 =	vld [tilespmem:s22+$0x20]  }
0x1d7: {  	v13 =	vld [tilespmem:s3+$0x30]  }
0x1d8: {  	v22 =	vld [tilespmem:s3+$0xFFFFFFD0]  }
0x1d9: {  	v23 =	vld [tilespmem:s3+$0xFFFFFFE0];
	v5 =	vand.u32 $0xFFFF, v1  }
0x1da: {  	v24 =	vld [tilespmem:s3+$0xFFFFFFF0];
	v8 =	vshrl.u32 v1, $0x10;
	v1 =	vand.u32 $0xFFFF, v2  }
0x1db: {  	v25 =	vld [tilespmem:s3+$0x0]  }
0x1dc: {  	v26 =	vld [tilespmem:s3+$0x10];
	v10 =	vand.u32 $0xFFFF, v3  }
0x1dd: {  	s5 =	simm.s32 $0x0;
	v27 =	vld [tilespmem:s3+$0x20];
	v12 =	vand.u32 $0xFFFF, v6  }
0x1de: {  	v14 =	vand.u32 $0xFFFF, v7;
	v5 =	vld.idx.msk [tilespmem:v5+s5+$0x0], $0xffff  }
0x1df: {  	v17 =	vld.idx.msk [tilespmem:v1+s5+$0x0], $0xffff;
	v1 =	vand.u32 $0xFFFF, v19  }
0x1e0: {  	v15 =	vld.idx.msk [tilespmem:v8+s25+$0x0], $0xffff  }
0x1e1: {  	v11 =	vand.u32 $0xFFFF, v4;
	v10 =	vld.idx.msk [tilespmem:v10+s5+$0x0], $0xffff  }
0x1e2: {  	v16 =	vand.u32 $0xFFFF, v9;
	v18 =	vld.idx.msk [tilespmem:v12+s5+$0x0], $0xffff  }
0x1e3: {  	v7 =	vshrl.u32 v7, $0x10;
	v12 =	vld.idx.msk [tilespmem:v14+s5+$0x0], $0xffff  }
0x1e4: {  	v21 =	vld.idx.msk [tilespmem:v1+s5+$0x0], $0xffff;
	v1 =	vshrl.u32 v2, $0x10  }
0x1e5: {  	v14 =	vld [tilespmem:s3+$0xFFFFFFC0];
	v5 =	vadd.f32 v13, v5;
	v2 =	vshrl.u32 v3, $0x10  }
0x1e6: {  	v11 =	vld.idx.msk [tilespmem:v11+s5+$0x0], $0xffff;
	v3 =	vshrl.u32 v4, $0x10  }
0x1e7: {  	v20 =	vld.idx.msk [tilespmem:v16+s5+$0x0], $0xffff;
	v4 =	vshrl.u32 v6, $0x10;
	vm1 =	vgt.f32 v5, v15  }
0x1e8: {  	v15 =	vld.idx.msk [tilespmem:v7+s25+$0x0], $0xffff  }
0x1e9: {  	v16 =	vld.idx.msk [tilespmem:v1+s25+$0x0], $0xffff  }
0x1ea: {  	v13 =	vadd.f32 v14, v12;
	v14 =	vadd.f32 v22, v17;
	v17 =	vld.idx.msk [tilespmem:v2+s25+$0x0], $0xffff  }
0x1eb: {  	v12 =	vadd.f32 v23, v10;
	v10 =	vadd.f32 v25, v18;
	v18 =	vld.idx.msk [tilespmem:v3+s25+$0x0], $0xffff  }
0x1ec: {  	v11 =	vadd.f32 v24, v11;
	v6 =	vshrl.u32 v19, $0x10;
	v19 =	vld.idx.msk [tilespmem:v4+s25+$0x0], $0xffff  }
0x1ed: {  	s13 =	simm.s32 $0x18FC0;
	s12 =	simm.s32 $0x0;
	[tilespmem:v8+s25+$0x0] =	vst.idx.msk vm1, v5;
	v5 =	vshrl.u32 v9, $0x10;
	v8 =	vadd.f32 v26, v20;
	v9 =	vadd.f32 v27, v21  }
.LBB2_26:
0x1ee: {  	v20 =	vld [tilespmem:s13+$0x30];
	s12 =	sadd.s32 $0x8, s12  }
0x1ef: {  	vm2 =	vgt.f32 v13, v15;
	v21 =	vld [tilespmem:s13+$0xFFFFFFD0];
	p3 =	slt.u32 s12, $0x70  }
0x1f0: {  	vm3 =	vgt.f32 v14, v16;
	v15 =	vld [tilespmem:s13+$0xFFFFFFE0]  }
0x1f1: {  	vm4 =	vgt.f32 v12, v17;
	v16 =	vld [tilespmem:s13+$0xFFFFFFF0]  }
0x1f2: {  	vm5 =	vgt.f32 v11, v18;
	v17 =	vld [tilespmem:s13+$0x0]  }
0x1f3: {  	vm1 =	vgt.f32 v10, v19;
	v18 =	vld [tilespmem:s13+$0x10];
	v22 =	vand.u32 $0xFFFF, v20  }
0x1f4: {  	v19 =	vshrl.u32 v21, $0x10;
	v21 =	vand.u32 $0xFFFF, v21;
	v23 =	vld [tilespmem:s13+$0x20]  }
0x1f5: {  	v20 =	vshrl.u32 v20, $0x10;
	v24 =	vld [tilespmem:s13+$0xFFFFFFC0];
	v25 =	vshrl.u32 v15, $0x10;
	v15 =	vand.u32 $0xFFFF, v15;
	[tilespmem:v7+s25+$0x0] =	vst.idx.msk vm2, v13  }
0x1f6: {  	v7 =	vshrl.u32 v16, $0x10;
	v13 =	vand.u32 $0xFFFF, v16;
	[tilespmem:v1+s25+$0x0] =	vst.idx.msk vm3, v14;
	v14 =	vld.idx.msk [tilespmem:v5+s25+$0x0], $0xffff;
	v1 =	vmov v19  }
0x1f7: {  	v16 =	vshrl.u32 v17, $0x10;
	v17 =	vand.u32 $0xFFFF, v17;
	[tilespmem:v2+s25+$0x0] =	vst.idx.msk vm4, v12;
	v12 =	vld.idx.msk [tilespmem:v6+s25+$0x0], $0xffff;
	v2 =	vmov v25  }
0x1f8: {  	s3 =	sadd.s32 $0x80, s3;
	v19 =	vshrl.u32 v18, $0x10;
	v18 =	vand.u32 $0xFFFF, v18;
	v22 =	vld.idx.msk [tilespmem:v22+s5+$0x0], $0xffff;
	[tilespmem:v3+s25+$0x0] =	vst.idx.msk vm5, v11;
	v3 =	vmov v7  }
0x1f9: {  	v11 =	vshrl.u32 v23, $0x10;
	v23 =	vand.u32 $0xFFFF, v23;
	v25 =	vld [tilespmem:s3+$0x30];
	[tilespmem:v4+s25+$0x0] =	vst.idx.msk vm1, v10;
	v4 =	vmov v16  }
0x1fa: {  	v7 =	vshrl.u32 v24, $0x10;
	v10 =	vand.u32 $0xFFFF, v24;
	v16 =	vld.idx.msk [tilespmem:v20+s25+$0x0], $0xffff  }
0x1fb: {  	v21 =	vld.idx.msk [tilespmem:v21+s5+$0x0], $0xffff  }
0x1fc: {  	vm1 =	vgt.f32 v8, v14;
	v24 =	vld.idx.msk [tilespmem:v15+s5+$0x0], $0xffff  }
0x1fd: {  	vm2 =	vgt.f32 v9, v12;
	v26 =	vld.idx.msk [tilespmem:v13+s5+$0x0], $0xffff  }
0x1fe: {  	v27 =	vld.idx.msk [tilespmem:v17+s5+$0x0], $0xffff;
	v12 =	vadd.f32 v25, v22  }
0x1ff: {  	v10 =	vld.idx.msk [tilespmem:v10+s5+$0x0], $0xffff  }
0x200: {  	v22 =	vld.idx.msk [tilespmem:v18+s5+$0x0], $0xffff;
	vm3 =	vgt.f32 v12, v16  }
0x201: {  	v23 =	vld.idx.msk [tilespmem:v23+s5+$0x0], $0xffff  }
0x202: {  	v13 =	vld [tilespmem:s3+$0xFFFFFFC0];
	[tilespmem:v5+s25+$0x0] =	vst.idx.msk vm1, v8;
	v5 =	vmov v19  }
0x203: {  	v8 =	vld [tilespmem:s3+$0xFFFFFFD0];
	[tilespmem:v6+s25+$0x0] =	vst.idx.msk vm2, v9;
	v6 =	vmov v11  }
0x204: {  	v9 =	vld [tilespmem:s3+$0xFFFFFFE0]  }
0x205: {  	v11 =	vld [tilespmem:s3+$0xFFFFFFF0]  }
0x206: {  	v18 =	vld [tilespmem:s3+$0x0];
	[tilespmem:v20+s25+$0x0] =	vst.idx.msk vm3, v12  }
0x207: {  	v13 =	vadd.f32 v13, v10;
	v19 =	vld [tilespmem:s3+$0x10]  }
0x208: {  	v14 =	vadd.f32 v8, v21;
	v20 =	vld [tilespmem:s3+$0x20]  }
.Ltmp19:
0x209: {  	v15 =	vld.idx.msk [tilespmem:v7+s25+$0x0], $0xffff;
	v12 =	vadd.f32 v9, v24;
	(pc) =	sbr.rel @p3 .LBB2_26-.Ltmp19, $4  }
0x20a: {  	v16 =	vld.idx.msk [tilespmem:v1+s25+$0x0], $0xffff;
	v11 =	vadd.f32 v11, v26  }
0x20b: {  	v17 =	vld.idx.msk [tilespmem:v2+s25+$0x0], $0xffff;
	v10 =	vadd.f32 v18, v27  }
0x20c: {  	v18 =	vld.idx.msk [tilespmem:v3+s25+$0x0], $0xffff;
	v8 =	vadd.f32 v19, v22  }
0x20d: {  	s13 =	sadd.s32 $0x80, s13;
	v19 =	vld.idx.msk [tilespmem:v4+s25+$0x0], $0xffff;
	v9 =	vadd.f32 v20, v23  }
0x20e: {  	_ =	sdelay $0x3  }
0x20f: {  	vm1 =	vgt.f32 v13, v15;
	v62 =	vld.idx.msk [tilespmem:v5+s25+$0x0], $0xffff  }
0x210: {  	v63 =	vld.idx.msk [tilespmem:v6+s25+$0x0], $0xffff;
	vm2 =	vgt.f32 v14, v16  }
0x211: {  	vm3 =	vgt.f32 v12, v17  }
0x212: {  	vm4 =	vgt.f32 v11, v18  }
0x213: {  	vm5 =	vgt.f32 v10, v19  }
0x214: {  	vm6 =	vgt.f32 v8, v62  }
0x215: {  	[tilespmem:v7+s25+$0x0] =	vst.idx.msk vm1, v13;
	vm1 =	vgt.f32 v9, v63  }
0x216: {  	[tilespmem:v1+s25+$0x0] =	vst.idx.msk vm2, v14  }
0x217: {  	[tilespmem:v2+s25+$0x0] =	vst.idx.msk vm3, v12  }
0x218: {  	[tilespmem:v3+s25+$0x0] =	vst.idx.msk vm4, v11  }
0x219: {  	[tilespmem:v4+s25+$0x0] =	vst.idx.msk vm5, v10  }
0x21a: {  	[tilespmem:v5+s25+$0x0] =	vst.idx.msk vm6, v8  }
0x21b: {  	[tilespmem:v6+s25+$0x0] =	vst.idx.msk vm1, v9  }
.LBB2_28:
0x21c: {  	s3 =	sshra.s32 s5, $0x2  }
0x21d: {  	v1 =	vld [tilespmem:s3+$0x19680];
	_ =	sdelay $0x4  }
0x21e: {  	v2 =	vand.u32 $0xFFFF, v1;
	_ =	sdelay $0x1  }
0x21f: {  	v1 =	vshrl.u32 v1, $0x10;
	_ =	sdelay $0x1  }
0x220: {  	v3 =	vld [tilespmem:s3+$0x1A680]  }
0x221: {  	v2 =	vld.idx.msk [tilespmem:v2+s1+$0x0], $0xffff;
	_ =	sdelay $0x1  }
0x222: {  	v4 =	vld.idx.msk [tilespmem:v1+s25+$0x0], $0xffff;
	_ =	sdelay $0x2  }
0x223: {  	v2 =	vadd.f32 v3, v2;
	_ =	sdelay $0x1  }
0x224: {  	vm1 =	vgt.f32 v2, v4  }
0x225: {  	p1 =	sne.s32 s5, $0x100  }
.Ltmp20:
0x226: {  	_ = 	snop;
	(pc) =	sbr.rel @p1 .LBB2_28-.Ltmp20, $2  }
0x227: {  	_ =	sdelay $0x2  }
0x228: {  	s5 =	sadd.s32 $0x40, s5;
	[tilespmem:v1+s25+$0x0] =	vst.idx.msk vm1, v2  }
0x229: {  	s3 =	simm.s32 $0x19F40  }
0x22a: {  	v1 =	vld [tilespmem:s3+$0x30]  }
0x22b: {  	v3 =	vld [tilespmem:s3+$0x20]  }
0x22c: {  	v2 =	vld [tilespmem:s3+$0x10]  }
0x22d: {  	v4 =	vld [tilespmem:s3+$0x0]  }
0x22e: {  	v12 =	vld [tilespmem:s3+$0xFFFFFFF0]  }
0x22f: {  	s5 =	simm.s32 $0x18F40;
	v9 =	vld [tilespmem:s3+$0xFFFFFFE0]  }
0x230: {  	v10 =	vld [tilespmem:s5+$0x10]  }
0x231: {  	v11 =	vld [tilespmem:s5+$0x0]  }
0x232: {  	v13 =	vld [tilespmem:s5+$0xFFFFFFF0]  }
0x233: {  	v8 =	vld [tilespmem:s5+$0xFFFFFFE0]  }
0x234: {  	v6 =	vld [tilespmem:s5+$0xFFFFFFC0]  }
0x235: {  	v7 =	vld [tilespmem:s5+$0xFFFFFFD0];
	v5 =	vshrl.u32 v10, $0x10  }
0x236: {  	v15 =	vld [tilespmem:s3+$0xFFFFFFC0];
	v14 =	vshrl.u32 v11, $0x10  }
0x237: {  	v16 =	vld [tilespmem:s3+$0xFFFFFFD0];
	v17 =	vshrl.u32 v13, $0x10  }
0x238: {  	v19 =	vld [tilespmem:s5+$0x30];
	v18 =	vshrl.u32 v8, $0x10  }
0x239: {  	v21 =	vld [tilespmem:s5+$0x20];
	v20 =	vshrl.u32 v6, $0x10  }
0x23a: {  	v22 =	vshrl.u32 v7, $0x10;
	v5 =	vld.idx.msk [tilespmem:v5+s25+$0x0], $0xffff  }
0x23b: {  	v23 =	vand.u32 $0xFFFF, v6;
	v6 =	vld.idx.msk [tilespmem:v14+s25+$0x0], $0xffff  }
0x23c: {  	v13 =	vand.u32 $0xFFFF, v13;
	v14 =	vand.u32 $0xFFFF, v7;
	v7 =	vld.idx.msk [tilespmem:v17+s25+$0x0], $0xffff  }
0x23d: {  	v17 =	vand.u32 $0xFFFF, v8;
	v8 =	vld.idx.msk [tilespmem:v18+s25+$0x0], $0xffff  }
0x23e: {  	v18 =	vld.idx.msk [tilespmem:v20+s25+$0x0], $0xffff  }
0x23f: {  	s3 =	simm.s32 $0x0;
	v10 =	vand.u32 $0xFFFF, v10;
	v61 =	vld.idx.msk [tilespmem:v22+s25+$0x0], $0xffff  }
0x240: {  	v11 =	vand.u32 $0xFFFF, v11;
	v62 =	vld.idx.msk [tilespmem:v23+s3+$0x0], $0xffff  }
0x241: {  	v25 =	vand.u32 $0xFFFF, v19;
	v26 =	vld.idx.msk [tilespmem:v13+s3+$0x0], $0xffff  }
0x242: {  	v24 =	vand.u32 $0xFFFF, v21;
	v63 =	vld.idx.msk [tilespmem:v14+s3+$0x0], $0xffff  }
0x243: {  	v21 =	vshrl.u32 v21, $0x10;
	v17 =	vld.idx.msk [tilespmem:v17+s3+$0x0], $0xffff  }
0x244: {  	v19 =	vshrl.u32 v19, $0x10;
	v13 =	vld.idx.msk [tilespmem:v10+s3+$0x0], $0xffff  }
0x245: {  	v14 =	vld.idx.msk [tilespmem:v11+s3+$0x0], $0xffff  }
0x246: {  	v10 =	vld.idx.msk [tilespmem:v25+s3+$0x0], $0xffff  }
0x247: {  	v11 =	vld.idx.msk [tilespmem:v24+s3+$0x0], $0xffff;
	v22 =	vadd.f32 v15, v62;
	v16 =	vadd.f32 v16, v63  }
0x248: {  	vm1 =	vmmov vm0;
	v15 =	vadd.f32 v9, v17;
	v9 =	vld.idx.msk [tilespmem:v21+s25+$0x0], $0xffff  }
0x249: {  	s12 =	simm.s32 $0x0;
	s13 =	simm.s32 $0x19FC0;
	vm2 =	vgt.f32 v22, v18;
	vm3 =	vgt.f32 v16, v61;
	v16 =	vadd.f32 v12, v26;
	v12 =	vld.idx.msk [tilespmem:v19+s25+$0x0], $0xffff  }
.LBB2_30:
0x24a: {  	v17 =	vld [tilespmem:s13+$0x30];
	vm2 =	vmor vm2, vm3;
	vm3 =	vgt.f32 v15, v8;
	v4 =	vadd.f32 v4, v14  }
0x24b: {  	v8 =	vld [tilespmem:s13+$0x20];
	vm2 =	vmor vm2, vm3;
	vm3 =	vgt.f32 v16, v7;
	v7 =	vadd.f32 v2, v13  }
0x24c: {  	v3 =	vadd.f32 v3, v11;
	v2 =	vld [tilespmem:s13+$0x10];
	vm2 =	vmor vm2, vm3;
	vm3 =	vgt.f32 v4, v6  }
0x24d: {  	v4 =	vld [tilespmem:s13+$0x0];
	vm2 =	vmor vm2, vm3;
	vm3 =	vgt.f32 v7, v5;
	v5 =	vadd.f32 v1, v10  }
0x24e: {  	v16 =	vld [tilespmem:s13+$0xFFFFFFF0];
	vm2 =	vmor vm2, vm3;
	vm3 =	vgt.f32 v3, v9  }
0x24f: {  	s5 =	sadd.s32 $0x80, s5;
	v9 =	vld [tilespmem:s13+$0xFFFFFFE0];
	vm2 =	vmor vm2, vm3;
	vm3 =	vgt.f32 v5, v12;
	v1 =	vmov v17  }
0x250: {  	v10 =	vld [tilespmem:s5+$0x10];
	vm2 =	vmor vm2, vm3;
	v3 =	vmov v8  }
0x251: {  	v11 =	vld [tilespmem:s5+$0x0];
	vm1 =	vmor vm1, vm2  }
0x252: {  	v12 =	vld [tilespmem:s5+$0xFFFFFFF0]  }
0x253: {  	v8 =	vld [tilespmem:s5+$0xFFFFFFE0]  }
0x254: {  	v6 =	vld [tilespmem:s5+$0xFFFFFFC0]  }
0x255: {  	v7 =	vld [tilespmem:s5+$0xFFFFFFD0];
	v5 =	vshrl.u32 v10, $0x10  }
0x256: {  	v15 =	vld [tilespmem:s13+$0xFFFFFFC0];
	v13 =	vshrl.u32 v11, $0x10  }
0x257: {  	s12 =	sadd.s32 $0x8, s12;
	v17 =	vld [tilespmem:s13+$0xFFFFFFD0];
	v14 =	vshrl.u32 v12, $0x10  }
0x258: {  	p3 =	slt.u32 s12, $0x70;
	v18 =	vshrl.u32 v8, $0x10;
	v19 =	vld [tilespmem:s5+$0x30]  }
0x259: {  	v20 =	vshrl.u32 v6, $0x10;
	v21 =	vld [tilespmem:s5+$0x20]  }
0x25a: {  	v22 =	vshrl.u32 v7, $0x10;
	v5 =	vld.idx.msk [tilespmem:v5+s25+$0x0], $0xffff  }
0x25b: {  	v23 =	vand.u32 $0xFFFF, v6;
	v6 =	vld.idx.msk [tilespmem:v13+s25+$0x0], $0xffff  }
0x25c: {  	v13 =	vand.u32 $0xFFFF, v7;
	v7 =	vld.idx.msk [tilespmem:v14+s25+$0x0], $0xffff  }
0x25d: {  	v14 =	vand.u32 $0xFFFF, v8;
	v8 =	vld.idx.msk [tilespmem:v18+s25+$0x0], $0xffff  }
0x25e: {  	v12 =	vand.u32 $0xFFFF, v12;
	v18 =	vld.idx.msk [tilespmem:v20+s25+$0x0], $0xffff  }
0x25f: {  	v11 =	vand.u32 $0xFFFF, v11;
	v20 =	vld.idx.msk [tilespmem:v22+s25+$0x0], $0xffff  }
0x260: {  	v10 =	vand.u32 $0xFFFF, v10;
	v22 =	vld.idx.msk [tilespmem:v23+s3+$0x0], $0xffff  }
0x261: {  	v24 =	vand.u32 $0xFFFF, v21;
	v23 =	vld.idx.msk [tilespmem:v13+s3+$0x0], $0xffff  }
0x262: {  	v26 =	vand.u32 $0xFFFF, v19;
	v25 =	vld.idx.msk [tilespmem:v14+s3+$0x0], $0xffff  }
0x263: {  	v21 =	vshrl.u32 v21, $0x10;
	v12 =	vld.idx.msk [tilespmem:v12+s3+$0x0], $0xffff  }
0x264: {  	v19 =	vshrl.u32 v19, $0x10;
	v14 =	vld.idx.msk [tilespmem:v11+s3+$0x0], $0xffff  }
.Ltmp21:
0x265: {  	v13 =	vld.idx.msk [tilespmem:v10+s3+$0x0], $0xffff;
	(pc) =	sbr.rel @p3 .LBB2_30-.Ltmp21, $4  }
0x266: {  	v11 =	vld.idx.msk [tilespmem:v24+s3+$0x0], $0xffff  }
0x267: {  	v22 =	vadd.f32 v15, v22;
	v17 =	vadd.f32 v17, v23;
	v10 =	vld.idx.msk [tilespmem:v26+s3+$0x0], $0xffff  }
0x268: {  	v15 =	vadd.f32 v9, v25;
	v9 =	vld.idx.msk [tilespmem:v21+s25+$0x0], $0xffff  }
0x269: {  	s13 =	sadd.s32 $0x80, s13;
	vm2 =	vgt.f32 v22, v18;
	vm3 =	vgt.f32 v17, v20;
	v16 =	vadd.f32 v16, v12;
	v12 =	vld.idx.msk [tilespmem:v19+s25+$0x0], $0xffff  }
0x26a: {  	vm2 =	vmor vm2, vm3;
	vm3 =	vgt.f32 v15, v8;
	v4 =	vadd.f32 v4, v14  }
0x26b: {  	v2 =	vadd.f32 v2, v13;
	vm2 =	vmor vm2, vm3;
	vm3 =	vgt.f32 v16, v7  }
0x26c: {  	v3 =	vadd.f32 v3, v11;
	vm2 =	vmor vm2, vm3;
	vm3 =	vgt.f32 v4, v6  }
0x26d: {  	v1 =	vadd.f32 v1, v10;
	vm2 =	vmor vm2, vm3;
	vm3 =	vgt.f32 v2, v5  }
0x26e: {  	vm2 =	vmor vm2, vm3;
	vm3 =	vgt.f32 v3, v9  }
0x26f: {  	vm2 =	vmor vm2, vm3;
	vm3 =	vgt.f32 v1, v12  }
0x270: {  	vm2 =	vmor vm2, vm3  }
0x271: {  	vm1 =	vmor vm1, vm2  }
.LBB2_32:
0x272: {  	s5 =	sshra.s32 s3, $0x2  }
0x273: {  	v1 =	vld [tilespmem:s5+$0x19680];
	_ =	sdelay $0x4  }
0x274: {  	v2 =	vand.u32 $0xFFFF, v1;
	_ =	sdelay $0x1  }
0x275: {  	v1 =	vshrl.u32 v1, $0x10;
	_ =	sdelay $0x1  }
0x276: {  	v3 =	vld [tilespmem:s5+$0x1A680]  }
0x277: {  	v2 =	vld.idx.msk [tilespmem:v2+s1+$0x0], $0xffff;
	_ =	sdelay $0x1  }
0x278: {  	v1 =	vld.idx.msk [tilespmem:v1+s25+$0x0], $0xffff  }
0x279: {  	p1 =	sne.s32 s3, $0x100  }
.Ltmp22:
0x27a: {  	_ = 	snop;
	(pc) =	sbr.rel @p1 .LBB2_32-.Ltmp22, $3  }
0x27b: {  	v2 =	vadd.f32 v3, v2;
	_ =	sdelay $0x1  }
0x27c: {  	vm2 =	vgt.f32 v2, v1  }
0x27d: {  	s3 =	sadd.s32 $0x40, s3;
	vm1 =	vmor vm1, vm2  }
0x27e: {  	v1 =	vsel vm1, $0x3F800000, v0  }
0x27f: {  	(xrf0) =	vmax.scan.msk.f32 $0xffff, v1;
	_ =	sdelay $0x5  }
0x280: {  	v1, _, _ =	vpop (xrf0)  }
0x281: {  	(v2sf) =	vpush v1, $0xF;
	_ =	sdelay $0xe  }
0x282: {  	s3 =	spop (v2sf)  }
0x283: {  	p1 =	sgt.f32 s3, $0.0e+00  }
.Ltmp23:
0x284: {  	_ = 	snop;
	(pc) =	sbr.rel @!p1 .LBB2_41-.Ltmp23, $2  }
0x285: {  	_ =	sdelay $0x2  }
0x286: {  	s5 =	simm.s32 $0x0;
	s3 =	simm.s32 $0x0  }
.LBB2_34:
0x287: {  	s12 =	sshll.u32 s3, $0x4  }
0x288: {  	v1 =	vld [tilespmem:s12+$0x18F00]  }
0x289: {  	v2 =	vld [tilespmem:s12+$0x18F10]  }
0x28a: {  	v4 =	vld [tilespmem:s12+$0x18F20]  }
0x28b: {  	v6 =	vld [tilespmem:s12+$0x19F00]  }
0x28c: {  	v7 =	vld [tilespmem:s12+$0x18F30]  }
0x28d: {  	v10 =	vld [tilespmem:s12+$0x19F10]  }
0x28e: {  	v13 =	vld [tilespmem:s12+$0x18F40]  }
0x28f: {  	v14 =	vld [tilespmem:s12+$0x19F20]  }
0x290: {  	v15 =	vld [tilespmem:s12+$0x18F50]  }
0x291: {  	v18 =	vld [tilespmem:s12+$0x18F60]  }
0x292: {  	v19 =	vld [tilespmem:s12+$0x19F30]  }
0x293: {  	v21 =	vld [tilespmem:s12+$0x18F70];
	v3 =	vand.u32 $0xFFFF, v1  }
0x294: {  	v23 =	vld [tilespmem:s12+$0x19F40];
	v1 =	vshrl.u32 v1, $0x10  }
0x295: {  	v27 =	vld [tilespmem:s12+$0x19F50];
	v5 =	vand.u32 $0xFFFF, v2  }
0x296: {  	v55 =	vld [tilespmem:s12+$0x19F60];
	v2 =	vshrl.u32 v2, $0x10  }
0x297: {  	v58 =	vld [tilespmem:s12+$0x19F70];
	v9 =	vand.u32 $0xFFFF, v4  }
0x298: {  	v4 =	vshrl.u32 v4, $0x10;
	v3 =	vld.idx.msk [tilespmem:v3+s5+$0x0], $0xffff  }
0x299: {  	v12 =	vand.u32 $0xFFFF, v7;
	v8 =	vld.idx.msk [tilespmem:v1+s25+$0x0], $0xffff  }
0x29a: {  	v7 =	vshrl.u32 v7, $0x10;
	v5 =	vld.idx.msk [tilespmem:v5+s5+$0x0], $0xffff  }
0x29b: {  	v17 =	vand.u32 $0xFFFF, v13;
	v11 =	vld.idx.msk [tilespmem:v2+s25+$0x0], $0xffff  }
0x29c: {  	v13 =	vshrl.u32 v13, $0x10;
	v9 =	vld.idx.msk [tilespmem:v9+s5+$0x0], $0xffff  }
0x29d: {  	v20 =	vand.u32 $0xFFFF, v15;
	v16 =	vld.idx.msk [tilespmem:v4+s25+$0x0], $0xffff  }
0x29e: {  	v15 =	vshrl.u32 v15, $0x10;
	v12 =	vld.idx.msk [tilespmem:v12+s5+$0x0], $0xffff  }
0x29f: {  	v24 =	vand.u32 $0xFFFF, v18;
	v22 =	vld.idx.msk [tilespmem:v7+s25+$0x0], $0xffff  }
0x2a0: {  	v26 =	vand.u32 $0xFFFF, v21;
	v17 =	vld.idx.msk [tilespmem:v17+s5+$0x0], $0xffff  }
0x2a1: {  	v18 =	vshrl.u32 v18, $0x10;
	v25 =	vld.idx.msk [tilespmem:v13+s25+$0x0], $0xffff  }
0x2a2: {  	v21 =	vshrl.u32 v21, $0x10;
	v20 =	vld.idx.msk [tilespmem:v20+s5+$0x0], $0xffff  }
0x2a3: {  	v28 =	vld.idx.msk [tilespmem:v15+s25+$0x0], $0xffff;
	v3 =	vadd.f32 v6, v3  }
0x2a4: {  	v24 =	vld.idx.msk [tilespmem:v24+s5+$0x0], $0xffff;
	v5 =	vadd.f32 v10, v5  }
0x2a5: {  	v56 =	vld.idx.msk [tilespmem:v26+s5+$0x0], $0xffff;
	v57 =	vadd.f32 v14, v9;
	vm1 =	vgt.f32 v3, v8  }
0x2a6: {  	v60 =	vld.idx.msk [tilespmem:v18+s25+$0x0], $0xffff;
	v59 =	vadd.f32 v19, v12;
	vm2 =	vgt.f32 v5, v11  }
0x2a7: {  	v62 =	vld.idx.msk [tilespmem:v21+s25+$0x0], $0xffff;
	v61 =	vadd.f32 v23, v17;
	vm3 =	vgt.f32 v57, v16  }
0x2a8: {  	v63 =	vadd.f32 v27, v20;
	vm4 =	vgt.f32 v59, v22  }
0x2a9: {  	v6 =	vadd.f32 v55, v24;
	vm5 =	vgt.f32 v61, v25  }
0x2aa: {  	v9 =	vadd.f32 v58, v56;
	vm6 =	vgt.f32 v63, v28  }
0x2ab: {  	[tilespmem:v1+s25+$0x0] =	vst.idx.msk vm1, v3;
	vm1 =	vgt.f32 v6, v60  }
0x2ac: {  	[tilespmem:v2+s25+$0x0] =	vst.idx.msk vm2, v5;
	vm2 =	vgt.f32 v9, v62  }
0x2ad: {  	p1 =	slt.u32 s3, $0x70;
	[tilespmem:v4+s25+$0x0] =	vst.idx.msk vm3, v57  }
.Ltmp24:
0x2ae: {  	[tilespmem:v7+s25+$0x0] =	vst.idx.msk vm4, v59;
	(pc) =	sbr.rel @p1 .LBB2_34-.Ltmp24, $4  }
0x2af: {  	[tilespmem:v13+s25+$0x0] =	vst.idx.msk vm5, v61  }
0x2b0: {  	[tilespmem:v15+s25+$0x0] =	vst.idx.msk vm6, v63  }
0x2b1: {  	s22 =	sadd.s32 $0x8, s3;
	[tilespmem:v18+s25+$0x0] =	vst.idx.msk vm1, v6  }
0x2b2: {  	s3 =	smov.u32 s22;
	s12 =	simm.s32 $0x0;
	[tilespmem:v21+s25+$0x0] =	vst.idx.msk vm2, v9  }
.LBB2_35:
0x2b3: {  	s3 =	sshra.s32 s12, $0x2  }
0x2b4: {  	v1 =	vld [tilespmem:s3+$0x19680];
	_ =	sdelay $0x4  }
0x2b5: {  	v2 =	vand.u32 $0xFFFF, v1;
	_ =	sdelay $0x1  }
0x2b6: {  	v1 =	vshrl.u32 v1, $0x10;
	_ =	sdelay $0x1  }
0x2b7: {  	v3 =	vld [tilespmem:s3+$0x1A680]  }
0x2b8: {  	v2 =	vld.idx.msk [tilespmem:v2+s1+$0x0], $0xffff;
	_ =	sdelay $0x1  }
0x2b9: {  	v4 =	vld.idx.msk [tilespmem:v1+s25+$0x0], $0xffff;
	_ =	sdelay $0x2  }
0x2ba: {  	v2 =	vadd.f32 v3, v2;
	_ =	sdelay $0x1  }
0x2bb: {  	vm1 =	vgt.f32 v2, v4  }
0x2bc: {  	p1 =	sne.s32 s12, $0x100  }
.Ltmp25:
0x2bd: {  	_ = 	snop;
	(pc) =	sbr.rel @p1 .LBB2_35-.Ltmp25, $2  }
0x2be: {  	_ =	sdelay $0x2  }
0x2bf: {  	s12 =	sadd.s32 $0x40, s12;
	[tilespmem:v1+s25+$0x0] =	vst.idx.msk vm1, v2  }
0x2c0: {  	s3 =	simm.s32 $0x19F40  }
0x2c1: {  	v1 =	vld [tilespmem:s3+$0x30]  }
0x2c2: {  	v3 =	vld [tilespmem:s3+$0x20]  }
0x2c3: {  	v2 =	vld [tilespmem:s3+$0x10]  }
0x2c4: {  	v4 =	vld [tilespmem:s3+$0x0]  }
0x2c5: {  	v12 =	vld [tilespmem:s3+$0xFFFFFFF0]  }
0x2c6: {  	s12 =	simm.s32 $0x18F40;
	v9 =	vld [tilespmem:s3+$0xFFFFFFE0]  }
0x2c7: {  	v10 =	vld [tilespmem:s12+$0x10]  }
0x2c8: {  	v11 =	vld [tilespmem:s12+$0x0]  }
0x2c9: {  	v13 =	vld [tilespmem:s12+$0xFFFFFFF0]  }
0x2ca: {  	v8 =	vld [tilespmem:s12+$0xFFFFFFE0]  }
0x2cb: {  	v6 =	vld [tilespmem:s12+$0xFFFFFFC0]  }
0x2cc: {  	v7 =	vld [tilespmem:s12+$0xFFFFFFD0];
	v5 =	vshrl.u32 v10, $0x10  }
0x2cd: {  	v15 =	vld [tilespmem:s3+$0xFFFFFFC0];
	v14 =	vshrl.u32 v11, $0x10  }
0x2ce: {  	v16 =	vld [tilespmem:s3+$0xFFFFFFD0];
	v17 =	vshrl.u32 v13, $0x10  }
0x2cf: {  	v19 =	vld [tilespmem:s12+$0x30];
	v18 =	vshrl.u32 v8, $0x10  }
0x2d0: {  	v21 =	vld [tilespmem:s12+$0x20];
	v20 =	vshrl.u32 v6, $0x10  }
0x2d1: {  	v22 =	vshrl.u32 v7, $0x10;
	v5 =	vld.idx.msk [tilespmem:v5+s25+$0x0], $0xffff  }
0x2d2: {  	v23 =	vand.u32 $0xFFFF, v6;
	v6 =	vld.idx.msk [tilespmem:v14+s25+$0x0], $0xffff  }
0x2d3: {  	v13 =	vand.u32 $0xFFFF, v13;
	v14 =	vand.u32 $0xFFFF, v7;
	v7 =	vld.idx.msk [tilespmem:v17+s25+$0x0], $0xffff  }
0x2d4: {  	v17 =	vand.u32 $0xFFFF, v8;
	v8 =	vld.idx.msk [tilespmem:v18+s25+$0x0], $0xffff  }
0x2d5: {  	v18 =	vld.idx.msk [tilespmem:v20+s25+$0x0], $0xffff  }
0x2d6: {  	s3 =	simm.s32 $0x0;
	v10 =	vand.u32 $0xFFFF, v10;
	v61 =	vld.idx.msk [tilespmem:v22+s25+$0x0], $0xffff  }
0x2d7: {  	v11 =	vand.u32 $0xFFFF, v11;
	v62 =	vld.idx.msk [tilespmem:v23+s3+$0x0], $0xffff  }
0x2d8: {  	v25 =	vand.u32 $0xFFFF, v19;
	v26 =	vld.idx.msk [tilespmem:v13+s3+$0x0], $0xffff  }
0x2d9: {  	v24 =	vand.u32 $0xFFFF, v21;
	v63 =	vld.idx.msk [tilespmem:v14+s3+$0x0], $0xffff  }
0x2da: {  	v21 =	vshrl.u32 v21, $0x10;
	v17 =	vld.idx.msk [tilespmem:v17+s3+$0x0], $0xffff  }
0x2db: {  	v19 =	vshrl.u32 v19, $0x10;
	v13 =	vld.idx.msk [tilespmem:v10+s3+$0x0], $0xffff  }
0x2dc: {  	v14 =	vld.idx.msk [tilespmem:v11+s3+$0x0], $0xffff  }
0x2dd: {  	v10 =	vld.idx.msk [tilespmem:v25+s3+$0x0], $0xffff  }
0x2de: {  	v11 =	vld.idx.msk [tilespmem:v24+s3+$0x0], $0xffff;
	v22 =	vadd.f32 v15, v62;
	v16 =	vadd.f32 v16, v63  }
0x2df: {  	vm1 =	vmmov vm0;
	v15 =	vadd.f32 v9, v17;
	v9 =	vld.idx.msk [tilespmem:v21+s25+$0x0], $0xffff  }
0x2e0: {  	s13 =	simm.s32 $0x0;
	s14 =	simm.s32 $0x19FC0;
	vm2 =	vgt.f32 v22, v18;
	vm3 =	vgt.f32 v16, v61;
	v16 =	vadd.f32 v12, v26;
	v12 =	vld.idx.msk [tilespmem:v19+s25+$0x0], $0xffff  }
.LBB2_37:
0x2e1: {  	v17 =	vld [tilespmem:s14+$0x30];
	vm2 =	vmor vm2, vm3;
	vm3 =	vgt.f32 v15, v8;
	v4 =	vadd.f32 v4, v14  }
0x2e2: {  	v8 =	vld [tilespmem:s14+$0x20];
	vm2 =	vmor vm2, vm3;
	vm3 =	vgt.f32 v16, v7;
	v7 =	vadd.f32 v2, v13  }
0x2e3: {  	v3 =	vadd.f32 v3, v11;
	v2 =	vld [tilespmem:s14+$0x10];
	vm2 =	vmor vm2, vm3;
	vm3 =	vgt.f32 v4, v6  }
0x2e4: {  	v4 =	vld [tilespmem:s14+$0x0];
	vm2 =	vmor vm2, vm3;
	vm3 =	vgt.f32 v7, v5;
	v5 =	vadd.f32 v1, v10  }
0x2e5: {  	v16 =	vld [tilespmem:s14+$0xFFFFFFF0];
	vm2 =	vmor vm2, vm3;
	vm3 =	vgt.f32 v3, v9  }
0x2e6: {  	s12 =	sadd.s32 $0x80, s12;
	v9 =	vld [tilespmem:s14+$0xFFFFFFE0];
	vm2 =	vmor vm2, vm3;
	vm3 =	vgt.f32 v5, v12;
	v1 =	vmov v17  }
0x2e7: {  	v10 =	vld [tilespmem:s12+$0x10];
	vm2 =	vmor vm2, vm3;
	v3 =	vmov v8  }
0x2e8: {  	v11 =	vld [tilespmem:s12+$0x0];
	vm1 =	vmor vm1, vm2  }
0x2e9: {  	v12 =	vld [tilespmem:s12+$0xFFFFFFF0]  }
0x2ea: {  	v8 =	vld [tilespmem:s12+$0xFFFFFFE0]  }
0x2eb: {  	v6 =	vld [tilespmem:s12+$0xFFFFFFC0]  }
0x2ec: {  	v7 =	vld [tilespmem:s12+$0xFFFFFFD0];
	v5 =	vshrl.u32 v10, $0x10  }
0x2ed: {  	v15 =	vld [tilespmem:s14+$0xFFFFFFC0];
	v13 =	vshrl.u32 v11, $0x10  }
0x2ee: {  	s13 =	sadd.s32 $0x8, s13;
	v17 =	vld [tilespmem:s14+$0xFFFFFFD0];
	v14 =	vshrl.u32 v12, $0x10  }
0x2ef: {  	p3 =	slt.u32 s13, $0x70;
	v18 =	vshrl.u32 v8, $0x10;
	v19 =	vld [tilespmem:s12+$0x30]  }
0x2f0: {  	v20 =	vshrl.u32 v6, $0x10;
	v21 =	vld [tilespmem:s12+$0x20]  }
0x2f1: {  	v22 =	vshrl.u32 v7, $0x10;
	v5 =	vld.idx.msk [tilespmem:v5+s25+$0x0], $0xffff  }
0x2f2: {  	v23 =	vand.u32 $0xFFFF, v6;
	v6 =	vld.idx.msk [tilespmem:v13+s25+$0x0], $0xffff  }
0x2f3: {  	v13 =	vand.u32 $0xFFFF, v7;
	v7 =	vld.idx.msk [tilespmem:v14+s25+$0x0], $0xffff  }
0x2f4: {  	v14 =	vand.u32 $0xFFFF, v8;
	v8 =	vld.idx.msk [tilespmem:v18+s25+$0x0], $0xffff  }
0x2f5: {  	v12 =	vand.u32 $0xFFFF, v12;
	v18 =	vld.idx.msk [tilespmem:v20+s25+$0x0], $0xffff  }
0x2f6: {  	v11 =	vand.u32 $0xFFFF, v11;
	v20 =	vld.idx.msk [tilespmem:v22+s25+$0x0], $0xffff  }
0x2f7: {  	v10 =	vand.u32 $0xFFFF, v10;
	v22 =	vld.idx.msk [tilespmem:v23+s3+$0x0], $0xffff  }
0x2f8: {  	v24 =	vand.u32 $0xFFFF, v21;
	v23 =	vld.idx.msk [tilespmem:v13+s3+$0x0], $0xffff  }
0x2f9: {  	v26 =	vand.u32 $0xFFFF, v19;
	v25 =	vld.idx.msk [tilespmem:v14+s3+$0x0], $0xffff  }
0x2fa: {  	v21 =	vshrl.u32 v21, $0x10;
	v12 =	vld.idx.msk [tilespmem:v12+s3+$0x0], $0xffff  }
0x2fb: {  	v19 =	vshrl.u32 v19, $0x10;
	v14 =	vld.idx.msk [tilespmem:v11+s3+$0x0], $0xffff  }
.Ltmp26:
0x2fc: {  	v13 =	vld.idx.msk [tilespmem:v10+s3+$0x0], $0xffff;
	(pc) =	sbr.rel @p3 .LBB2_37-.Ltmp26, $4  }
0x2fd: {  	v11 =	vld.idx.msk [tilespmem:v24+s3+$0x0], $0xffff  }
0x2fe: {  	v22 =	vadd.f32 v15, v22;
	v17 =	vadd.f32 v17, v23;
	v10 =	vld.idx.msk [tilespmem:v26+s3+$0x0], $0xffff  }
0x2ff: {  	v15 =	vadd.f32 v9, v25;
	v9 =	vld.idx.msk [tilespmem:v21+s25+$0x0], $0xffff  }
0x300: {  	s14 =	sadd.s32 $0x80, s14;
	vm2 =	vgt.f32 v22, v18;
	vm3 =	vgt.f32 v17, v20;
	v16 =	vadd.f32 v16, v12;
	v12 =	vld.idx.msk [tilespmem:v19+s25+$0x0], $0xffff  }
0x301: {  	vm2 =	vmor vm2, vm3;
	vm3 =	vgt.f32 v15, v8;
	v4 =	vadd.f32 v4, v14  }
0x302: {  	v2 =	vadd.f32 v2, v13;
	vm2 =	vmor vm2, vm3;
	vm3 =	vgt.f32 v16, v7  }
0x303: {  	v3 =	vadd.f32 v3, v11;
	vm2 =	vmor vm2, vm3;
	vm3 =	vgt.f32 v4, v6  }
0x304: {  	v1 =	vadd.f32 v1, v10;
	vm2 =	vmor vm2, vm3;
	vm3 =	vgt.f32 v2, v5  }
0x305: {  	vm2 =	vmor vm2, vm3;
	vm3 =	vgt.f32 v3, v9  }
0x306: {  	vm2 =	vmor vm2, vm3;
	vm3 =	vgt.f32 v1, v12  }
0x307: {  	vm2 =	vmor vm2, vm3  }
0x308: {  	vm1 =	vmor vm1, vm2  }
.LBB2_39:
0x309: {  	s12 =	sshra.s32 s3, $0x2  }
0x30a: {  	v1 =	vld [tilespmem:s12+$0x19680];
	_ =	sdelay $0x4  }
0x30b: {  	v2 =	vand.u32 $0xFFFF, v1;
	_ =	sdelay $0x1  }
0x30c: {  	v1 =	vshrl.u32 v1, $0x10;
	_ =	sdelay $0x1  }
0x30d: {  	v3 =	vld [tilespmem:s12+$0x1A680]  }
0x30e: {  	v2 =	vld.idx.msk [tilespmem:v2+s1+$0x0], $0xffff;
	_ =	sdelay $0x1  }
0x30f: {  	v1 =	vld.idx.msk [tilespmem:v1+s25+$0x0], $0xffff  }
0x310: {  	p1 =	sne.s32 s3, $0x100  }
.Ltmp27:
0x311: {  	_ = 	snop;
	(pc) =	sbr.rel @p1 .LBB2_39-.Ltmp27, $3  }
0x312: {  	v2 =	vadd.f32 v3, v2;
	_ =	sdelay $0x1  }
0x313: {  	vm2 =	vgt.f32 v2, v1  }
0x314: {  	s3 =	sadd.s32 $0x40, s3;
	vm1 =	vmor vm1, vm2  }
0x315: {  	v1 =	vsel vm1, $0x3F800000, v0  }
0x316: {  	(xrf0) =	vmax.scan.msk.f32 $0xffff, v1;
	_ =	sdelay $0x5  }
0x317: {  	v1, _, _ =	vpop (xrf0)  }
0x318: {  	(v2sf) =	vpush v1, $0xF;
	_ =	sdelay $0xe  }
0x319: {  	s3 =	spop (v2sf)  }
0x31a: {  	p1 =	sgt.f32 s3, $0.0e+00  }
.Ltmp28:
0x31b: {  	_ = 	snop;
	(pc) =	sbr.rel @p1 .LBB2_34-.Ltmp28, $4  }
.Ltmp29:
0x31c: {  	_ = 	snop;
	(pc) =	sbr.rel @!p1 .LBB2_41-.Ltmp29, $4  }
0x31d: {  	_ = 	snop  }
0x31e: {  	_ = 	snop  }
0x31f: {  	s3 =	simm.s32 $0x0  }
0x320: {  	_ = 	snop  }
.LBB2_43:
0x321: {  	_ =	sfence.sel $0x180000  }
0x322: {  	[bflag:$0x0] =	sbarrier.arrive $0xFFFF  }
0x323: {  	_ =	strace $0x9000004D  }
0x324: {  	s0 =	stileid.u32;
	[bflag:$0x2] =	sbarrier.arrive $0xFFFF  }
0x325: {  	p0 =	sne.s32 s0, $0x0;
	s0 =	rddreg [dreg:$0x2]  }
0x326: {  	s0 =	sadd.s32 @!p0 $0x100000, s0  }
0x327: {  	[sflag:s0] =	ssyncadd.tile.s32 @!p0 $0x1;
	_ =	shalt  }
.Lfunc_end2:
_tile_overlayer_lowered:
.L_overlay_start_2:
0x328: {  	(tag) =	ssettag $0x2  }
0x329: {  	s0 =	rddreg [dreg:$0x0];
	s2 =	stileid.u32  }
0x32a: {  	s1 =	rddreg [dreg:$0x1];
	p0 =	sne.s32 s2, $0x0  }
0x32b: {  	s3 =	rddreg [dreg:$0x2];
	[bflag:$0x3] =	sbarrier.arrive $0xFFFF;
	s2 =	simm.s32 @!p0 $0x1C03  }
0x32c: {  	[timem:s3], [sflag:s2] =	dma.local @!p0 [hbm:s0], s1  }
0x32d: {  	s0 =	simm.s32 @!p0 $0x3  }
0x32e: {  	_ =	swait.ge @!p0 [sflag:s0], s1  }
0x32f: {  	s1 =	ssub.s32 @!p0 $0x0, s1;
	[sflag:s0] =	ssyncset.done @!p0 $0x0  }
0x330: {  	[sflag:s0] =	ssyncadd.s32 @!p0 s1  }
0x331: {  	[bflag:$0x3] =	sbarrier.arrive $0xFFFF  }
0x332: {  	_ =	shalt  }

</sc_bundles>
